<compile_context>
chip_gen: v7x
topology: tpu7x:2x2x1
jax: 0.10.2.dev20260603
libtpu: 0.0.44.dev20260713+nightly
codegen_flags: <defaults>
</compile_context>

<pallas_src>
import functools

import jax
import jax.numpy as jnp
from jax import lax
from jax.experimental import pallas as pl
from jax.experimental.pallas import tpu as pltpu
from jax.experimental.pallas import tpu_sc as plsc

N = 10000
E = 160000
NG = 64
CH = 128
RB = 1000
NB = N // RB
NSC = 16
SUB_STRIDE = 624
SUB_LEN = 640
EDGES_PER_SUB = E // NSC
EB = 80
NBLK = EDGES_PER_SUB // EB
SB = 25
NSB = NBLK // SB
SPAIR = (SB - 1) // 2
DEG_EB = 40
EDGES_PER_WORKER = E // 32
DEG_NBLK = EDGES_PER_WORKER // DEG_EB

_F32 = jnp.float32
_PREC = lax.Precision.DEFAULT

_sc_mesh = dict(core_axis_name="c", subcore_axis_name="s",
                num_cores=2, num_subcores=NSC)


_SC_CACHE = {}


def _get_deg_sc():
    if "deg" in _SC_CACHE:
        return _SC_CACHE["deg"]

    @functools.partial(
        pl.kernel,
        out_type=jax.ShapeDtypeStruct((2, N, CH), _F32),
        mesh=plsc.VectorSubcoreMesh(**_sc_mesh),
        scratch_types=[
            pltpu.VMEM((DEG_NBLK, DEG_EB), jnp.int32),
            pltpu.VMEM((DEG_EB, CH), _F32),
            pltpu.VMEM_SHARED((N, CH), _F32),
            pltpu.SemaphoreType.DMA,
            pltpu.SemaphoreType.DMA,
        ],
    )
    def _deg_sc(dst3_hbm, zeros_hbm, ones_hbm, out_hbm,
                didx, ones_v, deg_sh, sem0, sem1):
        c = lax.axis_index("c")
        s = lax.axis_index("s")
        rs = pl.ds(s * SUB_STRIDE, SUB_LEN)
        pltpu.sync_copy(zeros_hbm.at[rs], deg_sh.at[rs])
        pltpu.sync_copy(ones_hbm, ones_v)
        pltpu.sync_copy(dst3_hbm.at[c * NSC + s], didx)
        plsc.subcore_barrier()

        def scatter(i, sem):
            pltpu.async_copy(ones_v, deg_sh.at[didx.at[i]], sem, add=True)

        def wait_scatter(sem):
            pltpu.make_async_copy(
                ones_v, deg_sh.at[pl.ds(0, DEG_EB)], sem).wait()

        scatter(0, sem0)
        scatter(1, sem1)

        def body(k, carry):
            wait_scatter(sem0)
            scatter(2 * k, sem0)
            wait_scatter(sem1)
            scatter(2 * k + 1, sem1)
            return carry

        lax.fori_loop(1, (DEG_NBLK - 1) // 2, body, 0)
        wait_scatter(sem0)
        scatter(DEG_NBLK - 1, sem0)
        wait_scatter(sem0)
        wait_scatter(sem1)
        plsc.subcore_barrier()
        pltpu.sync_copy(deg_sh.at[rs], out_hbm.at[c, rs])

    _SC_CACHE["deg"] = _deg_sc
    return _deg_sc


def _get_agg(nchunk):
    key = ("agg", nchunk)
    if key in _SC_CACHE:
        return _SC_CACHE[key]
    outs = [jax.ShapeDtypeStruct((N, CH), _F32) for _ in range(nchunk)]
    scratch = [
        pltpu.VMEM((SB, EB), jnp.int32),
        pltpu.VMEM((SB, EB), jnp.int32),
        pltpu.VMEM((EB, CH), _F32),
        pltpu.VMEM((EB, CH), _F32),
        pltpu.VMEM_SHARED((N, CH), _F32),
        pltpu.SemaphoreType.DMA,
        pltpu.SemaphoreType.DMA,
        pltpu.SemaphoreType.DMA,
        pltpu.SemaphoreType.DMA,
    ]

    @functools.partial(
        pl.kernel,
        out_type=outs,
        mesh=plsc.VectorSubcoreMesh(**_sc_mesh),
        scratch_types=scratch,
    )
    def agg(src4_hbm, dst4_hbm, *rest):
        ps = rest[:nchunk]
        os_ = rest[nchunk:2 * nchunk]
        sidx, didx, rowsA, rowsB, acc, gsA, gsB, ssA, ssB = rest[2 * nchunk:]
        c = lax.axis_index("c")
        s = lax.axis_index("s")
        rs = pl.ds(s * SUB_STRIDE, SUB_LEN)
        for j in range(nchunk):
            p, o = ps[j], os_[j]

            @pl.when(c == (j % 2))
            def _process(p=p, o=o):
                pltpu.sync_copy(p.at[rs], acc.at[rs])
                plsc.subcore_barrier()

                def gather(i, buf, sem):
                    pltpu.async_copy(p.at[sidx.at[i]], buf, sem)

                def wait_gather(buf, sem):
                    pltpu.make_async_copy(p.at[pl.ds(0, EB)], buf, sem).wait()

                def scatter(i, buf, sem):
                    pltpu.async_copy(buf, acc.at[didx.at[i]], sem, add=True)

                def wait_scatter(buf, sem):
                    pltpu.make_async_copy(
                        buf, acc.at[pl.ds(0, EB)], sem).wait()

                def sb_body(sb, carry):
                    pltpu.sync_copy(src4_hbm.at[s, sb], sidx)
                    pltpu.sync_copy(dst4_hbm.at[s, sb], didx)
                    gather(0, rowsA, gsA)

                    def body(k, carry2):
                        i = 2 * k
                        wait_gather(rowsA, gsA)

                        @pl.when(k > 0)
                        def _():
                            wait_scatter(rowsB, ssB)

                        gather(i + 1, rowsB, gsB)
                        scatter(i, rowsA, ssA)
                        wait_gather(rowsB, gsB)
                        wait_scatter(rowsA, ssA)
                        gather(i + 2, rowsA, gsA)
                        scatter(i + 1, rowsB, ssB)
                        return carry2

                    lax.fori_loop(0, SPAIR, body, 0)
                    wait_gather(rowsA, gsA)
                    scatter(SB - 1, rowsA, ssA)
                    wait_scatter(rowsB, ssB)
                    wait_scatter(rowsA, ssA)
                    return carry

                lax.fori_loop(0, NSB, sb_body, 0)
                plsc.subcore_barrier()
                pltpu.sync_copy(acc.at[rs], o.at[rs])
                plsc.subcore_barrier()

    _SC_CACHE[key] = agg
    return agg


def _dinv(degp):
    def body(d_ref, o_ref):
        deg = 1.0 + d_ref[0, :, 0:1] + d_ref[1, :, 0:1]
        o_ref[...] = lax.rsqrt(deg)

    return pl.pallas_call(
        body,
        grid=(NB,),
        in_specs=[pl.BlockSpec((2, RB, CH), lambda i: (0, i, 0))],
        out_specs=pl.BlockSpec((RB, 1), lambda i: (i, 0)),
        out_shape=jax.ShapeDtypeStruct((N, 1), _F32),
    )(degp)


def _tree_colsum(z):
    parts = [jnp.sum(z[k * 125:(k + 1) * 125, :], 0, keepdims=True)
             for k in range(8)]
    return (((parts[0] + parts[1]) + (parts[2] + parts[3]))
            + ((parts[4] + parts[5]) + (parts[6] + parts[7])))


def _block_stats(z, i, mstack, qstack):
    mb = _tree_colsum(z) / RB
    dz = z - mb
    qb = _tree_colsum(dz * dz)
    mstack[pl.ds(i, 1), :] = mb
    qstack[pl.ds(i, 1), :] = qb


def _final_stats(mstack, qstack, m_ref, v_ref):
    mb = mstack[...]
    m = jnp.sum(mb, 0, keepdims=True) / NB
    dm = mb - m
    v = (jnp.sum(qstack[...], 0, keepdims=True)
         + RB * jnp.sum(dm * dm, 0, keepdims=True)) / N
    m_ref[...] = m
    v_ref[...] = v


def _mm0(x, W, b):
    K, H = W.shape

    def body(x_ref, w_ref, b_ref, z_ref, m_ref, v_ref, mstack, qstack):
        i = pl.program_id(0)
        z = lax.dot_general(x_ref[...], w_ref[...], (((1,), (0,)), ((), ())),
                            precision=_PREC, preferred_element_type=_F32)
        z = z + b_ref[...]
        z_ref[...] = z
        _block_stats(z, i, mstack, qstack)

        @pl.when(i == NB - 1)
        def _():
            _final_stats(mstack, qstack, m_ref, v_ref)

    return pl.pallas_call(
        body,
        grid=(NB,),
        in_specs=[pl.BlockSpec((RB, K), lambda i: (i, 0)),
                  pl.BlockSpec((K, H), lambda i: (0, 0)),
                  pl.BlockSpec((1, H), lambda i: (0, 0))],
        out_specs=[pl.BlockSpec((RB, H), lambda i: (i, 0)),
                   pl.BlockSpec((1, H), lambda i: (0, 0)),
                   pl.BlockSpec((1, H), lambda i: (0, 0))],
        out_shape=[jax.ShapeDtypeStruct((N, H), _F32),
                   jax.ShapeDtypeStruct((1, H), _F32),
                   jax.ShapeDtypeStruct((1, H), _F32)],
        scratch_shapes=[pltpu.VMEM((NB, H), _F32), pltpu.VMEM((NB, H), _F32)],
    )(x, W, b)


def _bn_mm(z, ssum, ssq, gamma, beta, W, dinv_col):
    Hin, Hout = W.shape
    nchunk = Hout // CH

    def body(z_ref, s_ref, q_ref, g_ref, be_ref, w_ref, dinv_ref, *outs):
        m = s_ref[...]
        v = q_ref[...]
        y = (z_ref[...] - m) * lax.rsqrt(v + 1e-5) * g_ref[...] + be_ref[...]
        h = jnp.maximum(y, 0.0)
        t = lax.dot_general(h, w_ref[...], (((1,), (0,)), ((), ())),
                            precision=_PREC, preferred_element_type=_F32)
        p = t * dinv_ref[...]
        for c in range(nchunk):
            outs[c][...] = p[:, c * CH:(c + 1) * CH]

    return pl.pallas_call(
        body,
        grid=(NB,),
        in_specs=[pl.BlockSpec((RB, Hin), lambda i: (i, 0)),
                  pl.BlockSpec((1, Hin), lambda i: (0, 0)),
                  pl.BlockSpec((1, Hin), lambda i: (0, 0)),
                  pl.BlockSpec((1, Hin), lambda i: (0, 0)),
                  pl.BlockSpec((1, Hin), lambda i: (0, 0)),
                  pl.BlockSpec((Hin, Hout), lambda i: (0, 0)),
                  pl.BlockSpec((RB, 1), lambda i: (i, 0))],
        out_specs=[pl.BlockSpec((RB, CH), lambda i: (i, 0))] * nchunk,
        out_shape=[jax.ShapeDtypeStruct((N, CH), _F32)] * nchunk,
    )(z, ssum, ssq, gamma, beta, W, dinv_col)


def _post(a_list, dinv_col, b):
    nchunk = len(a_list)
    H = nchunk * CH

    def body(*refs):
        a_refs = refs[:nchunk]
        dinv_ref, b_ref = refs[nchunk:nchunk + 2]
        z_ref, m_ref, v_ref, mstack, qstack = refs[nchunk + 2:]
        i = pl.program_id(0)
        dinv = dinv_ref[...]
        z = jnp.concatenate([a_refs[c][...] * dinv for c in range(nchunk)],
                            axis=1) + b_ref[...]
        z_ref[...] = z
        _block_stats(z, i, mstack, qstack)

        @pl.when(i == NB - 1)
        def _():
            _final_stats(mstack, qstack, m_ref, v_ref)

    return pl.pallas_call(
        body,
        grid=(NB,),
        in_specs=[pl.BlockSpec((RB, CH), lambda i: (i, 0))
                  for _ in range(nchunk)] +
                 [pl.BlockSpec((RB, 1), lambda i: (i, 0)),
                  pl.BlockSpec((1, H), lambda i: (0, 0))],
        out_specs=[pl.BlockSpec((RB, H), lambda i: (i, 0)),
                   pl.BlockSpec((1, H), lambda i: (0, 0)),
                   pl.BlockSpec((1, H), lambda i: (0, 0))],
        out_shape=[jax.ShapeDtypeStruct((N, H), _F32),
                   jax.ShapeDtypeStruct((1, H), _F32),
                   jax.ShapeDtypeStruct((1, H), _F32)],
        scratch_shapes=[pltpu.VMEM((NB, H), _F32), pltpu.VMEM((NB, H), _F32)],
    )(*a_list, dinv_col, b)


def _pool(z3, s3, q3, g3, be3, batch_col, P1W, P1b, P2W, P2b, P3W, P3b):
    H = z3.shape[1]

    def body(z_ref, s_ref, q_ref, g_ref, be_ref, b_ref,
             p1w, p1b, p2w, p2b, p3w, p3b, out_ref, ssum, smax, scnt):
        i = pl.program_id(0)

        @pl.when(i == 0)
        def _():
            ssum[...] = jnp.zeros_like(ssum)
            scnt[...] = jnp.zeros_like(scnt)
            smax[...] = jnp.full_like(smax, -jnp.inf)

        m = s_ref[...]
        v = q_ref[...]
        h = jnp.maximum(
            (z_ref[...] - m) * lax.rsqrt(v + 1e-5) * g_ref[...] + be_ref[...],
            0.0)
        btc = b_ref[...]
        g_lo = jnp.min(btc)
        g_hi = jnp.max(btc)

        def mbody(g, carry):
            mask = btc == g
            cur = jnp.max(jnp.where(mask, h, -jnp.inf), axis=0, keepdims=True)
            smax[pl.ds(g, 1), :] = jnp.maximum(smax[pl.ds(g, 1), :], cur)
            ssum[pl.ds(g, 1), :] += jnp.sum(
                jnp.where(mask, h, 0.0), axis=0, keepdims=True)
            scnt[pl.ds(g, 1), :] += jnp.sum(mask.astype(_F32))
            return carry

        lax.fori_loop(g_lo, g_hi + 1, mbody, 0)

        @pl.when(i == NB - 1)
        def _():
            s = ssum[...]
            cnt = jnp.maximum(scnt[...], 1.0)
            mean = s / cnt
            pooled = jnp.concatenate([mean, smax[...], s], axis=1)
            h1 = jnp.maximum(
                lax.dot_general(pooled, p1w[...], (((1,), (0,)), ((), ())),
                                precision=_PREC, preferred_element_type=_F32)
                + p1b[...], 0.0)
            h2 = jnp.maximum(
                lax.dot_general(h1, p2w[...], (((1,), (0,)), ((), ())),
                                precision=_PREC, preferred_element_type=_F32)
                + p2b[...], 0.0)
            out_ref[...] = lax.dot_general(
                h2, p3w[...], (((1,), (0,)), ((), ())),
                precision=_PREC, preferred_element_type=_F32) + p3b[...]

    return pl.pallas_call(
        body,
        grid=(NB,),
        in_specs=[pl.BlockSpec((RB, H), lambda i: (i, 0)),
                  pl.BlockSpec((1, H), lambda i: (0, 0)),
                  pl.BlockSpec((1, H), lambda i: (0, 0)),
                  pl.BlockSpec((1, H), lambda i: (0, 0)),
                  pl.BlockSpec((1, H), lambda i: (0, 0)),
                  pl.BlockSpec((RB, 1), lambda i: (i, 0)),
                  pl.BlockSpec(P1W.shape, lambda i: (0, 0)),
                  pl.BlockSpec((1, P1W.shape[1]), lambda i: (0, 0)),
                  pl.BlockSpec(P2W.shape, lambda i: (0, 0)),
                  pl.BlockSpec((1, P2W.shape[1]), lambda i: (0, 0)),
                  pl.BlockSpec(P3W.shape, lambda i: (0, 0)),
                  pl.BlockSpec((1, 1), lambda i: (0, 0))],
        out_specs=pl.BlockSpec((NG, 1), lambda i: (0, 0)),
        out_shape=jax.ShapeDtypeStruct((NG, 1), _F32),
        scratch_shapes=[pltpu.VMEM((NG, H), _F32),
                        pltpu.VMEM((NG, H), _F32),
                        pltpu.VMEM((NG, 1), _F32)],
    )(z3, s3, q3, g3, be3, batch_col, P1W, P1b, P2W, P2b, P3W, P3b)


def kernel(x, edge_index, batch, W_in, b_in, g0, be0, W1, b1, g1, be1,
           W2, b2, g2, be2, W3, b3, g3, be3, P1W, P1b, P2W, P2b, P3W, P3b):
    src3 = edge_index[0].reshape(NSC, NSB, SB, EB)
    dst3 = edge_index[1].reshape(NSC, NSB, SB, EB)
    dstd3 = edge_index[1].reshape(32, DEG_NBLK, DEG_EB)
    zerosC = jnp.zeros((N, CH), _F32)
    onesC = jnp.ones((DEG_EB, CH), _F32)
    degp = _get_deg_sc()(dstd3, zerosC, onesC)
    dinv = _dinv(degp)
    agg2 = _get_agg(2)
    agg4 = _get_agg(4)

    z0, s0, q0 = _mm0(x, W_in, b_in.reshape(1, -1))
    p1 = _bn_mm(z0, s0, q0, g0.reshape(1, -1), be0.reshape(1, -1), W1, dinv)
    a1 = agg2(src3, dst3, *p1)
    z1, s1, q1 = _post(a1, dinv, b1.reshape(1, -1))

    p2 = _bn_mm(z1, s1, q1, g1.reshape(1, -1), be1.reshape(1, -1), W2, dinv)
    a2 = agg4(src3, dst3, *p2)
    z2, s2, q2 = _post(a2, dinv, b2.reshape(1, -1))

    p3 = _bn_mm(z2, s2, q2, g2.reshape(1, -1), be2.reshape(1, -1), W3, dinv)
    a3 = agg4(src3, dst3, *p3)
    z3, s3, q3 = _post(a3, dinv, b3.reshape(1, -1))
    out = _pool(z3, s3, q3, g3.reshape(1, -1), be3.reshape(1, -1),
                batch.reshape(N, 1), P1W, P1b.reshape(1, -1),
                P2W, P2b.reshape(1, -1), P3W, P3b.reshape(1, -1))
    return out[:, 0]

# --- scband reference (transcript-rebuilt; emitter-appended) ---
"""Pipeline reference for scband-improved-gnn-3461743640931 (READ-ONLY COPY).

The authoritative reference and input builder live on the scoring server;
editing this copy changes nothing except your own understanding.
"""

import jax, jax.numpy as jnp
import numpy as np

N_NODES = 10000
N_EDGES = 160000
D_IN = 256
H = 256
N_GRAPHS = 64

def _lin(key, fan_in, fan_out):
    return (jax.random.normal(key, (fan_in, fan_out), dtype=jnp.float32) / np.sqrt(fan_in)).astype(jnp.float32)

def setup_inputs(seed: int = 0):
    key = jax.random.key(seed)
    ks = jax.random.split(key, 16)
    inp = {}
    inp["x"] = jax.random.normal(ks[0], (N_NODES, D_IN), dtype=jnp.float32)
    inp["edge_index"] = jax.random.randint(ks[1], (2, N_EDGES), 0, N_NODES, dtype=jnp.int32)
    inp["batch"] = jnp.sort(jax.random.randint(ks[2], (N_NODES,), 0, N_GRAPHS, dtype=jnp.int32))
    inp["W_in"] = _lin(ks[3], D_IN, H); inp["b_in"] = jnp.zeros((H,), jnp.float32)
    inp["g0"] = jnp.ones((H,), jnp.float32); inp["be0"] = jnp.zeros((H,), jnp.float32)
    inp["W1"] = _lin(ks[4], H, H); inp["b1"] = jnp.zeros((H,), jnp.float32)
    inp["g1"] = jnp.ones((H,), jnp.float32); inp["be1"] = jnp.zeros((H,), jnp.float32)
    inp["W2"] = _lin(ks[5], H, 2 * H); inp["b2"] = jnp.zeros((2 * H,), jnp.float32)
    inp["g2"] = jnp.ones((2 * H,), jnp.float32); inp["be2"] = jnp.zeros((2 * H,), jnp.float32)
    inp["W3"] = _lin(ks[6], 2 * H, 2 * H); inp["b3"] = jnp.zeros((2 * H,), jnp.float32)
    inp["g3"] = jnp.ones((2 * H,), jnp.float32); inp["be3"] = jnp.zeros((2 * H,), jnp.float32)
    inp["P1W"] = _lin(ks[7], 6 * H, H); inp["P1b"] = jnp.zeros((H,), jnp.float32)
    inp["P2W"] = _lin(ks[8], H, H // 2); inp["P2b"] = jnp.zeros((H // 2,), jnp.float32)
    inp["P3W"] = _lin(ks[9], H // 2, 1); inp["P3b"] = jnp.zeros((1,), jnp.float32)
    return inp

def _bn(x, gamma, beta):
    m = jnp.mean(x, axis=0)
    v = jnp.var(x, axis=0)
    return (x - m) * jax.lax.rsqrt(v + 1e-5) * gamma + beta

def _gcn(x, src, dst, W, b):
    n = x.shape[0]
    deg = jnp.zeros((n,), jnp.float32).at[dst].add(1.0)
    dinv = jnp.where(deg > 0, jax.lax.rsqrt(jnp.maximum(deg, 1e-12)), 0.0)
    norm = dinv[src] * dinv[dst]
    xw = x @ W
    out = jnp.zeros((n, xw.shape[1]), jnp.float32).at[dst].add(xw[src] * norm[:, None])
    return out + b

def reference(x, edge_index, batch, W_in, b_in, g0, be0, W1, b1, g1, be1, W2, b2, g2, be2, W3, b3, g3, be3, P1W, P1b, P2W, P2b, P3W, P3b):
    n = x.shape[0]
    loops = jnp.arange(n, dtype=edge_index.dtype)
    src = jnp.concatenate([edge_index[0], loops])
    dst = jnp.concatenate([edge_index[1], loops])
    h = jax.nn.relu(_bn(x @ W_in + b_in, g0, be0))
    h = jax.nn.relu(_bn(_gcn(h, src, dst, W1, b1), g1, be1))
    h = jax.nn.relu(_bn(_gcn(h, src, dst, W2, b2), g2, be2))
    h = jax.nn.relu(_bn(_gcn(h, src, dst, W3, b3), g3, be3))
    s = jax.ops.segment_sum(h, batch, num_segments=N_GRAPHS)
    cnt = jax.ops.segment_sum(jnp.ones((n, 1), jnp.float32), batch, num_segments=N_GRAPHS)
    mean = s / jnp.maximum(cnt, 1.0)
    mx = jax.ops.segment_max(h, batch, num_segments=N_GRAPHS)
    pooled = jnp.concatenate([mean, mx, s], axis=1)
    h1 = jax.nn.relu(pooled @ P1W + P1b)
    h2 = jax.nn.relu(h1 @ P2W + P2b)
    out = h2 @ P3W + P3b
    return out.squeeze(-1)

if __name__ == "__main__":
    import jax
    _d = setup_inputs()
    print(jax.jit(kernel)(*tuple(_d.values())))

</pallas_src>

<mosaic_0001>
#map = affine_map<(d0, d1) -> (0, 0, 0, 0)>
#map1 = affine_map<(d0, d1) -> (0, 0)>
module attributes {stable_mosaic.version = 14 : i64} {
  func.func @agg(%arg0: i32, %arg1: i32, %arg2: memref<16x5x25x80xi32, #tpu.memory_space<hbm>>, %arg3: memref<16x5x25x80xi32, #tpu.memory_space<hbm>>, %arg4: memref<10000x128xf32, #tpu.memory_space<hbm>>, %arg5: memref<10000x128xf32, #tpu.memory_space<hbm>>, %arg6: memref<10000x128xf32, #tpu.memory_space<hbm>>, %arg7: memref<10000x128xf32, #tpu.memory_space<hbm>>, %arg8: memref<10000x128xf32, #tpu.memory_space<hbm>>, %arg9: memref<10000x128xf32, #tpu.memory_space<hbm>>, %arg10: memref<10000x128xf32, #tpu.memory_space<hbm>>, %arg11: memref<10000x128xf32, #tpu.memory_space<hbm>>, %arg12: memref<25x80xi32, #tpu.memory_space<vmem>>, %arg13: memref<25x80xi32, #tpu.memory_space<vmem>>, %arg14: memref<80x128xf32, #tpu.memory_space<vmem>>, %arg15: memref<80x128xf32, #tpu.memory_space<vmem>>, %arg16: memref<10000x128xf32, #tpu.memory_space<vmem_shared>>, %arg17: memref<!tpu.dma_semaphore, #tpu.memory_space<semaphore_mem>>, %arg18: memref<!tpu.dma_semaphore, #tpu.memory_space<semaphore_mem>>, %arg19: memref<!tpu.dma_semaphore, #tpu.memory_space<semaphore_mem>>, %arg20: memref<!tpu.dma_semaphore, #tpu.memory_space<semaphore_mem>>) attributes {dimension_semantics = [#tpu.dimension_semantics<core_parallel>, #tpu.dimension_semantics<subcore_parallel>], iteration_bounds = array<i64: 2, 16>, scalar_prefetch = 0 : i64, scratch_operands = 9 : i64, tpu.core_type = #tpu.core_type<sc_vector_subcore>, window_params = [{transform_indices = #map}, {transform_indices = #map}, {transform_indices = #map1}, {transform_indices = #map1}, {transform_indices = #map1}, {transform_indices = #map1}, {transform_indices = #map1}, {transform_indices = #map1}, {transform_indices = #map1}, {transform_indices = #map1}]} {
    %mul3A = arith.constant 624 : i32
    %mul3A_0 = arith.muli %arg1, %mul3A : i32
    %eq3A = arith.constant 0 : i32
    %eq3A_1 = arith.cmpi eq, %arg0, %eq3A : i32
    %convert_element_type3A = arith.extui %eq3A_1 : i1 to i32
    %cond3A = arith.constant 0 : i32
    %cond3A_2 = arith.cmpi ne, %convert_element_type3A, %cond3A : i32
    scf.if %cond3A_2 {
      "tpu.region"() ({
        %run_scoped3A = tpu.sem_alloc : memref<!tpu.dma_semaphore, #tpu.memory_space<semaphore_mem>>
        %dma_start3A = arith.constant 0 : i32
        %dma_start3A_25 = tpu.memref_slice %arg16[%mul3A_0, %dma_start3A] : memref<10000x128xf32, #tpu.memory_space<vmem_shared>> -> memref<640x128xf32, #tpu.memory_space<vmem_shared>>
        %dma_start3A_26 = arith.constant 0 : i32
        %dma_start3A_27 = tpu.memref_slice %arg4[%mul3A_0, %dma_start3A_26] : memref<10000x128xf32, #tpu.memory_space<hbm>> -> memref<640x128xf32, #tpu.memory_space<hbm>>
        tpu.enqueue_dma source(%dma_start3A_27 : memref<640x128xf32, #tpu.memory_space<hbm>>) target(%dma_start3A_25 : memref<640x128xf32, #tpu.memory_space<vmem_shared>>) target_semaphore(%run_scoped3A : memref<!tpu.dma_semaphore, #tpu.memory_space<semaphore_mem>>)
        %dma_wait3A = arith.constant 0 : i32
        %dma_wait3A_28 = tpu.memref_slice %arg16[%mul3A_0, %dma_wait3A] : memref<10000x128xf32, #tpu.memory_space<vmem_shared>> -> memref<640x128xf32, #tpu.memory_space<vmem_shared>>
        %dma_wait3A_29 = arith.constant 0 : i32
        %dma_wait3A_30 = tpu.memref_slice %arg4[%mul3A_0, %dma_wait3A_29] : memref<10000x128xf32, #tpu.memory_space<hbm>> -> memref<640x128xf32, #tpu.memory_space<hbm>>
        tpu.wait_dma2 semaphore(%run_scoped3A : memref<!tpu.dma_semaphore, #tpu.memory_space<semaphore_mem>>) src(%dma_wait3A_30 : memref<640x128xf32, #tpu.memory_space<hbm>>) dst(%dma_wait3A_28 : memref<640x128xf32, #tpu.memory_space<vmem_shared>>)
        tpu.yield
      }) : () -> ()
      %barrier3A = arith.constant 0 : index
      tpu.barrier barrier_id(%barrier3A)
      %scan3A = arith.constant 0 : i32
      %scan3A_18 = arith.constant 0 : i32
      %scan3A_19 = arith.constant 5 : i32
      %scan3A_20 = arith.addi %scan3A_18, %scan3A_19 : i32
      %scan3A_21 = arith.constant 1 : i32
      scf.for %scan3A_25 = %scan3A_18 to %scan3A_20 step %scan3A_21  : i32 {
        "tpu.region"() ({
          %run_scoped3A = tpu.sem_alloc : memref<!tpu.dma_semaphore, #tpu.memory_space<semaphore_mem>>
          %dma_start3A_62 = arith.constant 0 : i32
          %dma_start3A_63 = arith.constant 0 : i32
          %dma_start3A_64 = tpu.memref_slice %arg2[%arg1, %scan3A_25, %dma_start3A_62, %dma_start3A_63] : memref<16x5x25x80xi32, #tpu.memory_space<hbm>> -> memref<1x1x25x80xi32, #tpu.memory_space<hbm>>
          %dma_start3A_65 = tpu.memref_squeeze %dma_start3A_64 : memref<1x1x25x80xi32, #tpu.memory_space<hbm>> -> memref<25x80xi32, #tpu.memory_space<hbm>>
          %dma_start3A_66 = arith.constant 0 : i32
          %dma_start3A_67 = arith.constant 0 : i32
          %dma_start3A_68 = tpu.memref_slice %arg2[%arg1, %scan3A_25, %dma_start3A_66, %dma_start3A_67] : memref<16x5x25x80xi32, #tpu.memory_space<hbm>> -> memref<1x1x25x80xi32, #tpu.memory_space<hbm>>
          %dma_start3A_69 = tpu.memref_squeeze %dma_start3A_68 : memref<1x1x25x80xi32, #tpu.memory_space<hbm>> -> memref<25x80xi32, #tpu.memory_space<hbm>>
          tpu.enqueue_dma source(%dma_start3A_69 : memref<25x80xi32, #tpu.memory_space<hbm>>) target(%arg12 : memref<25x80xi32, #tpu.memory_space<vmem>>) target_semaphore(%run_scoped3A : memref<!tpu.dma_semaphore, #tpu.memory_space<semaphore_mem>>)
          %dma_wait3A_70 = arith.constant 0 : i32
          %dma_wait3A_71 = arith.constant 0 : i32
          %dma_wait3A_72 = tpu.memref_slice %arg2[%arg1, %scan3A_25, %dma_wait3A_70, %dma_wait3A_71] : memref<16x5x25x80xi32, #tpu.memory_space<hbm>> -> memref<1x1x25x80xi32, #tpu.memory_space<hbm>>
          %dma_wait3A_73 = tpu.memref_squeeze %dma_wait3A_72 : memref<1x1x25x80xi32, #tpu.memory_space<hbm>> -> memref<25x80xi32, #tpu.memory_space<hbm>>
          %dma_wait3A_74 = arith.constant 0 : i32
          %dma_wait3A_75 = arith.constant 0 : i32
          %dma_wait3A_76 = tpu.memref_slice %arg2[%arg1, %scan3A_25, %dma_wait3A_74, %dma_wait3A_75] : memref<16x5x25x80xi32, #tpu.memory_space<hbm>> -> memref<1x1x25x80xi32, #tpu.memory_space<hbm>>
          %dma_wait3A_77 = tpu.memref_squeeze %dma_wait3A_76 : memref<1x1x25x80xi32, #tpu.memory_space<hbm>> -> memref<25x80xi32, #tpu.memory_space<hbm>>
          tpu.wait_dma2 semaphore(%run_scoped3A : memref<!tpu.dma_semaphore, #tpu.memory_space<semaphore_mem>>) src(%dma_wait3A_77 : memref<25x80xi32, #tpu.memory_space<hbm>>) dst(%arg12 : memref<25x80xi32, #tpu.memory_space<vmem>>)
          tpu.yield
        }) : () -> ()
        "tpu.region"() ({
          %run_scoped3A = tpu.sem_alloc : memref<!tpu.dma_semaphore, #tpu.memory_space<semaphore_mem>>
          %dma_start3A_62 = arith.constant 0 : i32
          %dma_start3A_63 = arith.constant 0 : i32
          %dma_start3A_64 = tpu.memref_slice %arg3[%arg1, %scan3A_25, %dma_start3A_62, %dma_start3A_63] : memref<16x5x25x80xi32, #tpu.memory_space<hbm>> -> memref<1x1x25x80xi32, #tpu.memory_space<hbm>>
          %dma_start3A_65 = tpu.memref_squeeze %dma_start3A_64 : memref<1x1x25x80xi32, #tpu.memory_space<hbm>> -> memref<25x80xi32, #tpu.memory_space<hbm>>
          %dma_start3A_66 = arith.constant 0 : i32
          %dma_start3A_67 = arith.constant 0 : i32
          %dma_start3A_68 = tpu.memref_slice %arg3[%arg1, %scan3A_25, %dma_start3A_66, %dma_start3A_67] : memref<16x5x25x80xi32, #tpu.memory_space<hbm>> -> memref<1x1x25x80xi32, #tpu.memory_space<hbm>>
          %dma_start3A_69 = tpu.memref_squeeze %dma_start3A_68 : memref<1x1x25x80xi32, #tpu.memory_space<hbm>> -> memref<25x80xi32, #tpu.memory_space<hbm>>
          tpu.enqueue_dma source(%dma_start3A_69 : memref<25x80xi32, #tpu.memory_space<hbm>>) target(%arg13 : memref<25x80xi32, #tpu.memory_space<vmem>>) target_semaphore(%run_scoped3A : memref<!tpu.dma_semaphore, #tpu.memory_space<semaphore_mem>>)
          %dma_wait3A_70 = arith.constant 0 : i32
          %dma_wait3A_71 = arith.constant 0 : i32
          %dma_wait3A_72 = tpu.memref_slice %arg3[%arg1, %scan3A_25, %dma_wait3A_70, %dma_wait3A_71] : memref<16x5x25x80xi32, #tpu.memory_space<hbm>> -> memref<1x1x25x80xi32, #tpu.memory_space<hbm>>
          %dma_wait3A_73 = tpu.memref_squeeze %dma_wait3A_72 : memref<1x1x25x80xi32, #tpu.memory_space<hbm>> -> memref<25x80xi32, #tpu.memory_space<hbm>>
          %dma_wait3A_74 = arith.constant 0 : i32
          %dma_wait3A_75 = arith.constant 0 : i32
          %dma_wait3A_76 = tpu.memref_slice %arg3[%arg1, %scan3A_25, %dma_wait3A_74, %dma_wait3A_75] : memref<16x5x25x80xi32, #tpu.memory_space<hbm>> -> memref<1x1x25x80xi32, #tpu.memory_space<hbm>>
          %dma_wait3A_77 = tpu.memref_squeeze %dma_wait3A_76 : memref<1x1x25x80xi32, #tpu.memory_space<hbm>> -> memref<25x80xi32, #tpu.memory_space<hbm>>
          tpu.wait_dma2 semaphore(%run_scoped3A : memref<!tpu.dma_semaphore, #tpu.memory_space<semaphore_mem>>) src(%dma_wait3A_77 : memref<25x80xi32, #tpu.memory_space<hbm>>) dst(%arg13 : memref<25x80xi32, #tpu.memory_space<vmem>>)
          tpu.yield
        }) : () -> ()
        %dma_start3A = arith.constant 0 : i32
        %dma_start3A_26 = arith.constant 0 : i32
        %dma_start3A_27 = tpu.memref_slice %arg12[%dma_start3A, %dma_start3A_26] : memref<25x80xi32, #tpu.memory_space<vmem>> -> memref<1x80xi32, #tpu.memory_space<vmem>>
        %dma_start3A_28 = tpu.memref_squeeze %dma_start3A_27 : memref<1x80xi32, #tpu.memory_space<vmem>> -> memref<80xi32, #tpu.memory_space<vmem>>
        %dma_start3A_29 = arith.constant 0 : i32
        %dma_start3A_30 = arith.constant 0 : i32
        %dma_start3A_31 = tpu.memref_slice %arg4[%dma_start3A_29, %dma_start3A_30] : memref<10000x128xf32, #tpu.memory_space<hbm>> -> memref<10000x128xf32, #tpu.memory_space<hbm>>
        tpu.enqueue_indirect_dma source(%dma_start3A_31 : memref<10000x128xf32, #tpu.memory_space<hbm>>) target(%arg14 : memref<80x128xf32, #tpu.memory_space<vmem>>) offsets(%dma_start3A_28 : memref<80xi32, #tpu.memory_space<vmem>>) semaphore(%arg17 : memref<!tpu.dma_semaphore, #tpu.memory_space<semaphore_mem>>)
        %scan3A_32 = arith.constant 0 : i32
        %scan3A_33 = arith.constant 0 : i32
        %scan3A_34 = arith.constant 12 : i32
        %scan3A_35 = arith.addi %scan3A_33, %scan3A_34 : i32
        %scan3A_36 = arith.constant 1 : i32
        scf.for %scan3A_62 = %scan3A_33 to %scan3A_35 step %scan3A_36  : i32 {
          %mul3A_63 = arith.constant 2 : i32
          %mul3A_64 = arith.muli %mul3A_63, %scan3A_62 : i32
          %dma_wait3A_65 = arith.constant 0 : i32
          %dma_wait3A_66 = arith.constant 0 : i32
          %dma_wait3A_67 = tpu.memref_slice %arg4[%dma_wait3A_65, %dma_wait3A_66] : memref<10000x128xf32, #tpu.memory_space<hbm>> -> memref<80x128xf32, #tpu.memory_space<hbm>>
          %dma_wait3A_68 = arith.constant 0 : i32
          %dma_wait3A_69 = arith.constant 0 : i32
          %dma_wait3A_70 = tpu.memref_slice %arg4[%dma_wait3A_68, %dma_wait3A_69] : memref<10000x128xf32, #tpu.memory_space<hbm>> -> memref<80x128xf32, #tpu.memory_space<hbm>>
          tpu.wait_dma2 semaphore(%arg17 : memref<!tpu.dma_semaphore, #tpu.memory_space<semaphore_mem>>) src(%dma_wait3A_70 : memref<80x128xf32, #tpu.memory_space<hbm>>) dst(%arg14 : memref<80x128xf32, #tpu.memory_space<vmem>>)
          %gt3A = arith.constant 0 : i32
          %gt3A_71 = arith.cmpi sgt, %scan3A_62, %gt3A : i32
          %convert_element_type3A_72 = arith.extui %gt3A_71 : i1 to i32
          %cond3A_73 = arith.constant 0 : i32
          %cond3A_74 = arith.cmpi ne, %convert_element_type3A_72, %cond3A_73 : i32
          scf.if %cond3A_74 {
            %dma_wait3A_116 = arith.constant 0 : i32
            %dma_wait3A_117 = arith.constant 0 : i32
            %dma_wait3A_118 = tpu.memref_slice %arg16[%dma_wait3A_116, %dma_wait3A_117] : memref<10000x128xf32, #tpu.memory_space<vmem_shared>> -> memref<80x128xf32, #tpu.memory_space<vmem_shared>>
            %dma_wait3A_119 = arith.constant 0 : i32
            %dma_wait3A_120 = arith.constant 0 : i32
            %dma_wait3A_121 = tpu.memref_slice %arg16[%dma_wait3A_119, %dma_wait3A_120] : memref<10000x128xf32, #tpu.memory_space<vmem_shared>> -> memref<80x128xf32, #tpu.memory_space<vmem_shared>>
            tpu.wait_dma2 semaphore(%arg20 : memref<!tpu.dma_semaphore, #tpu.memory_space<semaphore_mem>>) src(%arg15 : memref<80x128xf32, #tpu.memory_space<vmem>>) dst(%dma_wait3A_121 : memref<80x128xf32, #tpu.memory_space<vmem_shared>>)
          } else {
          }
          %add3A = arith.constant 1 : i32
          %add3A_75 = arith.addi %mul3A_64, %add3A : i32
          %dma_start3A_76 = arith.constant 0 : i32
          %dma_start3A_77 = tpu.memref_slice %arg12[%add3A_75, %dma_start3A_76] : memref<25x80xi32, #tpu.memory_space<vmem>> -> memref<1x80xi32, #tpu.memory_space<vmem>>
          %dma_start3A_78 = tpu.memref_squeeze %dma_start3A_77 : memref<1x80xi32, #tpu.memory_space<vmem>> -> memref<80xi32, #tpu.memory_space<vmem>>
          %dma_start3A_79 = arith.constant 0 : i32
          %dma_start3A_80 = arith.constant 0 : i32
          %dma_start3A_81 = tpu.memref_slice %arg4[%dma_start3A_79, %dma_start3A_80] : memref<10000x128xf32, #tpu.memory_space<hbm>> -> memref<10000x128xf32, #tpu.memory_space<hbm>>
          tpu.enqueue_indirect_dma source(%dma_start3A_81 : memref<10000x128xf32, #tpu.memory_space<hbm>>) target(%arg15 : memref<80x128xf32, #tpu.memory_space<vmem>>) offsets(%dma_start3A_78 : memref<80xi32, #tpu.memory_space<vmem>>) semaphore(%arg18 : memref<!tpu.dma_semaphore, #tpu.memory_space<semaphore_mem>>)
          %dma_start3A_82 = arith.constant 0 : i32
          %dma_start3A_83 = tpu.memref_slice %arg13[%mul3A_64, %dma_start3A_82] : memref<25x80xi32, #tpu.memory_space<vmem>> -> memref<1x80xi32, #tpu.memory_space<vmem>>
          %dma_start3A_84 = tpu.memref_squeeze %dma_start3A_83 : memref<1x80xi32, #tpu.memory_space<vmem>> -> memref<80xi32, #tpu.memory_space<vmem>>
          %dma_start3A_85 = arith.constant 0 : i32
          %dma_start3A_86 = arith.constant 0 : i32
          %dma_start3A_87 = tpu.memref_slice %arg16[%dma_start3A_85, %dma_start3A_86] : memref<10000x128xf32, #tpu.memory_space<vmem_shared>> -> memref<10000x128xf32, #tpu.memory_space<vmem_shared>>
          tpu.enqueue_indirect_dma source(%arg14 : memref<80x128xf32, #tpu.memory_space<vmem>>) target(%dma_start3A_87 : memref<10000x128xf32, #tpu.memory_space<vmem_shared>>) offsets(%dma_start3A_84 : memref<80xi32, #tpu.memory_space<vmem>>) semaphore(%arg19 : memref<!tpu.dma_semaphore, #tpu.memory_space<semaphore_mem>>) {add = true}
          %dma_wait3A_88 = arith.constant 0 : i32
          %dma_wait3A_89 = arith.constant 0 : i32
          %dma_wait3A_90 = tpu.memref_slice %arg4[%dma_wait3A_88, %dma_wait3A_89] : memref<10000x128xf32, #tpu.memory_space<hbm>> -> memref<80x128xf32, #tpu.memory_space<hbm>>
          %dma_wait3A_91 = arith.constant 0 : i32
          %dma_wait3A_92 = arith.constant 0 : i32
          %dma_wait3A_93 = tpu.memref_slice %arg4[%dma_wait3A_91, %dma_wait3A_92] : memref<10000x128xf32, #tpu.memory_space<hbm>> -> memref<80x128xf32, #tpu.memory_space<hbm>>
          tpu.wait_dma2 semaphore(%arg18 : memref<!tpu.dma_semaphore, #tpu.memory_space<semaphore_mem>>) src(%dma_wait3A_93 : memref<80x128xf32, #tpu.memory_space<hbm>>) dst(%arg15 : memref<80x128xf32, #tpu.memory_space<vmem>>)
          %dma_wait3A_94 = arith.constant 0 : i32
          %dma_wait3A_95 = arith.constant 0 : i32
          %dma_wait3A_96 = tpu.memref_slice %arg16[%dma_wait3A_94, %dma_wait3A_95] : memref<10000x128xf32, #tpu.memory_space<vmem_shared>> -> memref<80x128xf32, #tpu.memory_space<vmem_shared>>
          %dma_wait3A_97 = arith.constant 0 : i32
          %dma_wait3A_98 = arith.constant 0 : i32
          %dma_wait3A_99 = tpu.memref_slice %arg16[%dma_wait3A_97, %dma_wait3A_98] : memref<10000x128xf32, #tpu.memory_space<vmem_shared>> -> memref<80x128xf32, #tpu.memory_space<vmem_shared>>
          tpu.wait_dma2 semaphore(%arg19 : memref<!tpu.dma_semaphore, #tpu.memory_space<semaphore_mem>>) src(%arg14 : memref<80x128xf32, #tpu.memory_space<vmem>>) dst(%dma_wait3A_99 : memref<80x128xf32, #tpu.memory_space<vmem_shared>>)
          %add3A_100 = arith.constant 2 : i32
          %add3A_101 = arith.addi %mul3A_64, %add3A_100 : i32
          %dma_start3A_102 = arith.constant 0 : i32
          %dma_start3A_103 = tpu.memref_slice %arg12[%add3A_101, %dma_start3A_102] : memref<25x80xi32, #tpu.memory_space<vmem>> -> memref<1x80xi32, #tpu.memory_space<vmem>>
          %dma_start3A_104 = tpu.memref_squeeze %dma_start3A_103 : memref<1x80xi32, #tpu.memory_space<vmem>> -> memref<80xi32, #tpu.memory_space<vmem>>
          %dma_start3A_105 = arith.constant 0 : i32
          %dma_start3A_106 = arith.constant 0 : i32
          %dma_start3A_107 = tpu.memref_slice %arg4[%dma_start3A_105, %dma_start3A_106] : memref<10000x128xf32, #tpu.memory_space<hbm>> -> memref<10000x128xf32, #tpu.memory_space<hbm>>
          tpu.enqueue_indirect_dma source(%dma_start3A_107 : memref<10000x128xf32, #tpu.memory_space<hbm>>) target(%arg14 : memref<80x128xf32, #tpu.memory_space<vmem>>) offsets(%dma_start3A_104 : memref<80xi32, #tpu.memory_space<vmem>>) semaphore(%arg17 : memref<!tpu.dma_semaphore, #tpu.memory_space<semaphore_mem>>)
          %add3A_108 = arith.constant 1 : i32
          %add3A_109 = arith.addi %mul3A_64, %add3A_108 : i32
          %dma_start3A_110 = arith.constant 0 : i32
          %dma_start3A_111 = tpu.memref_slice %arg13[%add3A_109, %dma_start3A_110] : memref<25x80xi32, #tpu.memory_space<vmem>> -> memref<1x80xi32, #tpu.memory_space<vmem>>
          %dma_start3A_112 = tpu.memref_squeeze %dma_start3A_111 : memref<1x80xi32, #tpu.memory_space<vmem>> -> memref<80xi32, #tpu.memory_space<vmem>>
          %dma_start3A_113 = arith.constant 0 : i32
          %dma_start3A_114 = arith.constant 0 : i32
          %dma_start3A_115 = tpu.memref_slice %arg16[%dma_start3A_113, %dma_start3A_114] : memref<10000x128xf32, #tpu.memory_space<vmem_shared>> -> memref<10000x128xf32, #tpu.memory_space<vmem_shared>>
          tpu.enqueue_indirect_dma source(%arg15 : memref<80x128xf32, #tpu.memory_space<vmem>>) target(%dma_start3A_115 : memref<10000x128xf32, #tpu.memory_space<vmem_shared>>) offsets(%dma_start3A_112 : memref<80xi32, #tpu.memory_space<vmem>>) semaphore(%arg20 : memref<!tpu.dma_semaphore, #tpu.memory_space<semaphore_mem>>) {add = true}
        }
        %scan3A_37 = arith.constant 12 : i32
        %dma_wait3A = arith.constant 0 : i32
        %dma_wait3A_38 = arith.constant 0 : i32
        %dma_wait3A_39 = tpu.memref_slice %arg4[%dma_wait3A, %dma_wait3A_38] : memref<10000x128xf32, #tpu.memory_space<hbm>> -> memref<80x128xf32, #tpu.memory_space<hbm>>
        %dma_wait3A_40 = arith.constant 0 : i32
        %dma_wait3A_41 = arith.constant 0 : i32
        %dma_wait3A_42 = tpu.memref_slice %arg4[%dma_wait3A_40, %dma_wait3A_41] : memref<10000x128xf32, #tpu.memory_space<hbm>> -> memref<80x128xf32, #tpu.memory_space<hbm>>
        tpu.wait_dma2 semaphore(%arg17 : memref<!tpu.dma_semaphore, #tpu.memory_space<semaphore_mem>>) src(%dma_wait3A_42 : memref<80x128xf32, #tpu.memory_space<hbm>>) dst(%arg14 : memref<80x128xf32, #tpu.memory_space<vmem>>)
        %dma_start3A_43 = arith.constant 24 : i32
        %dma_start3A_44 = arith.constant 0 : i32
        %dma_start3A_45 = tpu.memref_slice %arg13[%dma_start3A_43, %dma_start3A_44] : memref<25x80xi32, #tpu.memory_space<vmem>> -> memref<1x80xi32, #tpu.memory_space<vmem>>
        %dma_start3A_46 = tpu.memref_squeeze %dma_start3A_45 : memref<1x80xi32, #tpu.memory_space<vmem>> -> memref<80xi32, #tpu.memory_space<vmem>>
        %dma_start3A_47 = arith.constant 0 : i32
        %dma_start3A_48 = arith.constant 0 : i32
        %dma_start3A_49 = tpu.memref_slice %arg16[%dma_start3A_47, %dma_start3A_48] : memref<10000x128xf32, #tpu.memory_space<vmem_shared>> -> memref<10000x128xf32, #tpu.memory_space<vmem_shared>>
        tpu.enqueue_indirect_dma source(%arg14 : memref<80x128xf32, #tpu.memory_space<vmem>>) target(%dma_start3A_49 : memref<10000x128xf32, #tpu.memory_space<vmem_shared>>) offsets(%dma_start3A_46 : memref<80xi32, #tpu.memory_space<vmem>>) semaphore(%arg19 : memref<!tpu.dma_semaphore, #tpu.memory_space<semaphore_mem>>) {add = true}
        %dma_wait3A_50 = arith.constant 0 : i32
        %dma_wait3A_51 = arith.constant 0 : i32
        %dma_wait3A_52 = tpu.memref_slice %arg16[%dma_wait3A_50, %dma_wait3A_51] : memref<10000x128xf32, #tpu.memory_space<vmem_shared>> -> memref<80x128xf32, #tpu.memory_space<vmem_shared>>
        %dma_wait3A_53 = arith.constant 0 : i32
        %dma_wait3A_54 = arith.constant 0 : i32
        %dma_wait3A_55 = tpu.memref_slice %arg16[%dma_wait3A_53, %dma_wait3A_54] : memref<10000x128xf32, #tpu.memory_space<vmem_shared>> -> memref<80x128xf32, #tpu.memory_space<vmem_shared>>
        tpu.wait_dma2 semaphore(%arg20 : memref<!tpu.dma_semaphore, #tpu.memory_space<semaphore_mem>>) src(%arg15 : memref<80x128xf32, #tpu.memory_space<vmem>>) dst(%dma_wait3A_55 : memref<80x128xf32, #tpu.memory_space<vmem_shared>>)
        %dma_wait3A_56 = arith.constant 0 : i32
        %dma_wait3A_57 = arith.constant 0 : i32
        %dma_wait3A_58 = tpu.memref_slice %arg16[%dma_wait3A_56, %dma_wait3A_57] : memref<10000x128xf32, #tpu.memory_space<vmem_shared>> -> memref<80x128xf32, #tpu.memory_space<vmem_shared>>
        %dma_wait3A_59 = arith.constant 0 : i32
        %dma_wait3A_60 = arith.constant 0 : i32
        %dma_wait3A_61 = tpu.memref_slice %arg16[%dma_wait3A_59, %dma_wait3A_60] : memref<10000x128xf32, #tpu.memory_space<vmem_shared>> -> memref<80x128xf32, #tpu.memory_space<vmem_shared>>
        tpu.wait_dma2 semaphore(%arg19 : memref<!tpu.dma_semaphore, #tpu.memory_space<semaphore_mem>>) src(%arg14 : memref<80x128xf32, #tpu.memory_space<vmem>>) dst(%dma_wait3A_61 : memref<80x128xf32, #tpu.memory_space<vmem_shared>>)
      }
      %scan3A_22 = arith.constant 5 : i32
      %barrier3A_23 = arith.constant 0 : index
      tpu.barrier barrier_id(%barrier3A_23)
      "tpu.region"() ({
        %run_scoped3A = tpu.sem_alloc : memref<!tpu.dma_semaphore, #tpu.memory_space<semaphore_mem>>
        %dma_start3A = arith.constant 0 : i32
        %dma_start3A_25 = tpu.memref_slice %arg8[%mul3A_0, %dma_start3A] : memref<10000x128xf32, #tpu.memory_space<hbm>> -> memref<640x128xf32, #tpu.memory_space<hbm>>
        %dma_start3A_26 = arith.constant 0 : i32
        %dma_start3A_27 = tpu.memref_slice %arg16[%mul3A_0, %dma_start3A_26] : memref<10000x128xf32, #tpu.memory_space<vmem_shared>> -> memref<640x128xf32, #tpu.memory_space<vmem_shared>>
        tpu.enqueue_dma source(%dma_start3A_27 : memref<640x128xf32, #tpu.memory_space<vmem_shared>>) target(%dma_start3A_25 : memref<640x128xf32, #tpu.memory_space<hbm>>) target_semaphore(%run_scoped3A : memref<!tpu.dma_semaphore, #tpu.memory_space<semaphore_mem>>)
        %dma_wait3A = arith.constant 0 : i32
        %dma_wait3A_28 = tpu.memref_slice %arg8[%mul3A_0, %dma_wait3A] : memref<10000x128xf32, #tpu.memory_space<hbm>> -> memref<640x128xf32, #tpu.memory_space<hbm>>
        %dma_wait3A_29 = arith.constant 0 : i32
        %dma_wait3A_30 = tpu.memref_slice %arg16[%mul3A_0, %dma_wait3A_29] : memref<10000x128xf32, #tpu.memory_space<vmem_shared>> -> memref<640x128xf32, #tpu.memory_space<vmem_shared>>
        tpu.wait_dma2 semaphore(%run_scoped3A : memref<!tpu.dma_semaphore, #tpu.memory_space<semaphore_mem>>) src(%dma_wait3A_30 : memref<640x128xf32, #tpu.memory_space<vmem_shared>>) dst(%dma_wait3A_28 : memref<640x128xf32, #tpu.memory_space<hbm>>)
        tpu.yield
      }) : () -> ()
      %barrier3A_24 = arith.constant 0 : index
      tpu.barrier barrier_id(%barrier3A_24)
    } else {
    }
    %eq3A_3 = arith.constant 1 : i32
    %eq3A_4 = arith.cmpi eq, %arg0, %eq3A_3 : i32
    %convert_element_type3A_5 = arith.extui %eq3A_4 : i1 to i32
    %cond3A_6 = arith.constant 0 : i32
    %cond3A_7 = arith.cmpi ne, %convert_element_type3A_5, %cond3A_6 : i32
    scf.if %cond3A_7 {
      "tpu.region"() ({
        %run_scoped3A = tpu.sem_alloc : memref<!tpu.dma_semaphore, #tpu.memory_space<semaphore_mem>>
        %dma_start3A = arith.constant 0 : i32
        %dma_start3A_25 = tpu.memref_slice %arg16[%mul3A_0, %dma_start3A] : memref<10000x128xf32, #tpu.memory_space<vmem_shared>> -> memref<640x128xf32, #tpu.memory_space<vmem_shared>>
        %dma_start3A_26 = arith.constant 0 : i32
        %dma_start3A_27 = tpu.memref_slice %arg5[%mul3A_0, %dma_start3A_26] : memref<10000x128xf32, #tpu.memory_space<hbm>> -> memref<640x128xf32, #tpu.memory_space<hbm>>
        tpu.enqueue_dma source(%dma_start3A_27 : memref<640x128xf32, #tpu.memory_space<hbm>>) target(%dma_start3A_25 : memref<640x128xf32, #tpu.memory_space<vmem_shared>>) target_semaphore(%run_scoped3A : memref<!tpu.dma_semaphore, #tpu.memory_space<semaphore_mem>>)
        %dma_wait3A = arith.constant 0 : i32
        %dma_wait3A_28 = tpu.memref_slice %arg16[%mul3A_0, %dma_wait3A] : memref<10000x128xf32, #tpu.memory_space<vmem_shared>> -> memref<640x128xf32, #tpu.memory_space<vmem_shared>>
        %dma_wait3A_29 = arith.constant 0 : i32
        %dma_wait3A_30 = tpu.memref_slice %arg5[%mul3A_0, %dma_wait3A_29] : memref<10000x128xf32, #tpu.memory_space<hbm>> -> memref<640x128xf32, #tpu.memory_space<hbm>>
        tpu.wait_dma2 semaphore(%run_scoped3A : memref<!tpu.dma_semaphore, #tpu.memory_space<semaphore_mem>>) src(%dma_wait3A_30 : memref<640x128xf32, #tpu.memory_space<hbm>>) dst(%dma_wait3A_28 : memref<640x128xf32, #tpu.memory_space<vmem_shared>>)
        tpu.yield
      }) : () -> ()
      %barrier3A = arith.constant 0 : index
      tpu.barrier barrier_id(%barrier3A)
      %scan3A = arith.constant 0 : i32
      %scan3A_18 = arith.constant 0 : i32
      %scan3A_19 = arith.constant 5 : i32
      %scan3A_20 = arith.addi %scan3A_18, %scan3A_19 : i32
      %scan3A_21 = arith.constant 1 : i32
      scf.for %scan3A_25 = %scan3A_18 to %scan3A_20 step %scan3A_21  : i32 {
        "tpu.region"() ({
          %run_scoped3A = tpu.sem_alloc : memref<!tpu.dma_semaphore, #tpu.memory_space<semaphore_mem>>
          %dma_start3A_62 = arith.constant 0 : i32
          %dma_start3A_63 = arith.constant 0 : i32
          %dma_start3A_64 = tpu.memref_slice %arg2[%arg1, %scan3A_25, %dma_start3A_62, %dma_start3A_63] : memref<16x5x25x80xi32, #tpu.memory_space<hbm>> -> memref<1x1x25x80xi32, #tpu.memory_space<hbm>>
          %dma_start3A_65 = tpu.memref_squeeze %dma_start3A_64 : memref<1x1x25x80xi32, #tpu.memory_space<hbm>> -> memref<25x80xi32, #tpu.memory_space<hbm>>
          %dma_start3A_66 = arith.constant 0 : i32
          %dma_start3A_67 = arith.constant 0 : i32
          %dma_start3A_68 = tpu.memref_slice %arg2[%arg1, %scan3A_25, %dma_start3A_66, %dma_start3A_67] : memref<16x5x25x80xi32, #tpu.memory_space<hbm>> -> memref<1x1x25x80xi32, #tpu.memory_space<hbm>>
          %dma_start3A_69 = tpu.memref_squeeze %dma_start3A_68 : memref<1x1x25x80xi32, #tpu.memory_space<hbm>> -> memref<25x80xi32, #tpu.memory_space<hbm>>
          tpu.enqueue_dma source(%dma_start3A_69 : memref<25x80xi32, #tpu.memory_space<hbm>>) target(%arg12 : memref<25x80xi32, #tpu.memory_space<vmem>>) target_semaphore(%run_scoped3A : memref<!tpu.dma_semaphore, #tpu.memory_space<semaphore_mem>>)
          %dma_wait3A_70 = arith.constant 0 : i32
          %dma_wait3A_71 = arith.constant 0 : i32
          %dma_wait3A_72 = tpu.memref_slice %arg2[%arg1, %scan3A_25, %dma_wait3A_70, %dma_wait3A_71] : memref<16x5x25x80xi32, #tpu.memory_space<hbm>> -> memref<1x1x25x80xi32, #tpu.memory_space<hbm>>
          %dma_wait3A_73 = tpu.memref_squeeze %dma_wait3A_72 : memref<1x1x25x80xi32, #tpu.memory_space<hbm>> -> memref<25x80xi32, #tpu.memory_space<hbm>>
          %dma_wait3A_74 = arith.constant 0 : i32
          %dma_wait3A_75 = arith.constant 0 : i32
          %dma_wait3A_76 = tpu.memref_slice %arg2[%arg1, %scan3A_25, %dma_wait3A_74, %dma_wait3A_75] : memref<16x5x25x80xi32, #tpu.memory_space<hbm>> -> memref<1x1x25x80xi32, #tpu.memory_space<hbm>>
          %dma_wait3A_77 = tpu.memref_squeeze %dma_wait3A_76 : memref<1x1x25x80xi32, #tpu.memory_space<hbm>> -> memref<25x80xi32, #tpu.memory_space<hbm>>
          tpu.wait_dma2 semaphore(%run_scoped3A : memref<!tpu.dma_semaphore, #tpu.memory_space<semaphore_mem>>) src(%dma_wait3A_77 : memref<25x80xi32, #tpu.memory_space<hbm>>) dst(%arg12 : memref<25x80xi32, #tpu.memory_space<vmem>>)
          tpu.yield
        }) : () -> ()
        "tpu.region"() ({
          %run_scoped3A = tpu.sem_alloc : memref<!tpu.dma_semaphore, #tpu.memory_space<semaphore_mem>>
          %dma_start3A_62 = arith.constant 0 : i32
          %dma_start3A_63 = arith.constant 0 : i32
          %dma_start3A_64 = tpu.memref_slice %arg3[%arg1, %scan3A_25, %dma_start3A_62, %dma_start3A_63] : memref<16x5x25x80xi32, #tpu.memory_space<hbm>> -> memref<1x1x25x80xi32, #tpu.memory_space<hbm>>
          %dma_start3A_65 = tpu.memref_squeeze %dma_start3A_64 : memref<1x1x25x80xi32, #tpu.memory_space<hbm>> -> memref<25x80xi32, #tpu.memory_space<hbm>>
          %dma_start3A_66 = arith.constant 0 : i32
          %dma_start3A_67 = arith.constant 0 : i32
          %dma_start3A_68 = tpu.memref_slice %arg3[%arg1, %scan3A_25, %dma_start3A_66, %dma_start3A_67] : memref<16x5x25x80xi32, #tpu.memory_space<hbm>> -> memref<1x1x25x80xi32, #tpu.memory_space<hbm>>
          %dma_start3A_69 = tpu.memref_squeeze %dma_start3A_68 : memref<1x1x25x80xi32, #tpu.memory_space<hbm>> -> memref<25x80xi32, #tpu.memory_space<hbm>>
          tpu.enqueue_dma source(%dma_start3A_69 : memref<25x80xi32, #tpu.memory_space<hbm>>) target(%arg13 : memref<25x80xi32, #tpu.memory_space<vmem>>) target_semaphore(%run_scoped3A : memref<!tpu.dma_semaphore, #tpu.memory_space<semaphore_mem>>)
          %dma_wait3A_70 = arith.constant 0 : i32
          %dma_wait3A_71 = arith.constant 0 : i32
          %dma_wait3A_72 = tpu.memref_slice %arg3[%arg1, %scan3A_25, %dma_wait3A_70, %dma_wait3A_71] : memref<16x5x25x80xi32, #tpu.memory_space<hbm>> -> memref<1x1x25x80xi32, #tpu.memory_space<hbm>>
          %dma_wait3A_73 = tpu.memref_squeeze %dma_wait3A_72 : memref<1x1x25x80xi32, #tpu.memory_space<hbm>> -> memref<25x80xi32, #tpu.memory_space<hbm>>
          %dma_wait3A_74 = arith.constant 0 : i32
          %dma_wait3A_75 = arith.constant 0 : i32
          %dma_wait3A_76 = tpu.memref_slice %arg3[%arg1, %scan3A_25, %dma_wait3A_74, %dma_wait3A_75] : memref<16x5x25x80xi32, #tpu.memory_space<hbm>> -> memref<1x1x25x80xi32, #tpu.memory_space<hbm>>
          %dma_wait3A_77 = tpu.memref_squeeze %dma_wait3A_76 : memref<1x1x25x80xi32, #tpu.memory_space<hbm>> -> memref<25x80xi32, #tpu.memory_space<hbm>>
          tpu.wait_dma2 semaphore(%run_scoped3A : memref<!tpu.dma_semaphore, #tpu.memory_space<semaphore_mem>>) src(%dma_wait3A_77 : memref<25x80xi32, #tpu.memory_space<hbm>>) dst(%arg13 : memref<25x80xi32, #tpu.memory_space<vmem>>)
          tpu.yield
        }) : () -> ()
        %dma_start3A = arith.constant 0 : i32
        %dma_start3A_26 = arith.constant 0 : i32
        %dma_start3A_27 = tpu.memref_slice %arg12[%dma_start3A, %dma_start3A_26] : memref<25x80xi32, #tpu.memory_space<vmem>> -> memref<1x80xi32, #tpu.memory_space<vmem>>
        %dma_start3A_28 = tpu.memref_squeeze %dma_start3A_27 : memref<1x80xi32, #tpu.memory_space<vmem>> -> memref<80xi32, #tpu.memory_space<vmem>>
        %dma_start3A_29 = arith.constant 0 : i32
        %dma_start3A_30 = arith.constant 0 : i32
        %dma_start3A_31 = tpu.memref_slice %arg5[%dma_start3A_29, %dma_start3A_30] : memref<10000x128xf32, #tpu.memory_space<hbm>> -> memref<10000x128xf32, #tpu.memory_space<hbm>>
        tpu.enqueue_indirect_dma source(%dma_start3A_31 : memref<10000x128xf32, #tpu.memory_space<hbm>>) target(%arg14 : memref<80x128xf32, #tpu.memory_space<vmem>>) offsets(%dma_start3A_28 : memref<80xi32, #tpu.memory_space<vmem>>) semaphore(%arg17 : memref<!tpu.dma_semaphore, #tpu.memory_space<semaphore_mem>>)
        %scan3A_32 = arith.constant 0 : i32
        %scan3A_33 = arith.constant 0 : i32
        %scan3A_34 = arith.constant 12 : i32
        %scan3A_35 = arith.addi %scan3A_33, %scan3A_34 : i32
        %scan3A_36 = arith.constant 1 : i32
        scf.for %scan3A_62 = %scan3A_33 to %scan3A_35 step %scan3A_36  : i32 {
          %mul3A_63 = arith.constant 2 : i32
          %mul3A_64 = arith.muli %mul3A_63, %scan3A_62 : i32
          %dma_wait3A_65 = arith.constant 0 : i32
          %dma_wait3A_66 = arith.constant 0 : i32
          %dma_wait3A_67 = tpu.memref_slice %arg5[%dma_wait3A_65, %dma_wait3A_66] : memref<10000x128xf32, #tpu.memory_space<hbm>> -> memref<80x128xf32, #tpu.memory_space<hbm>>
          %dma_wait3A_68 = arith.constant 0 : i32
          %dma_wait3A_69 = arith.constant 0 : i32
          %dma_wait3A_70 = tpu.memref_slice %arg5[%dma_wait3A_68, %dma_wait3A_69] : memref<10000x128xf32, #tpu.memory_space<hbm>> -> memref<80x128xf32, #tpu.memory_space<hbm>>
          tpu.wait_dma2 semaphore(%arg17 : memref<!tpu.dma_semaphore, #tpu.memory_space<semaphore_mem>>) src(%dma_wait3A_70 : memref<80x128xf32, #tpu.memory_space<hbm>>) dst(%arg14 : memref<80x128xf32, #tpu.memory_space<vmem>>)
          %gt3A = arith.constant 0 : i32
          %gt3A_71 = arith.cmpi sgt, %scan3A_62, %gt3A : i32
          %convert_element_type3A_72 = arith.extui %gt3A_71 : i1 to i32
          %cond3A_73 = arith.constant 0 : i32
          %cond3A_74 = arith.cmpi ne, %convert_element_type3A_72, %cond3A_73 : i32
          scf.if %cond3A_74 {
            %dma_wait3A_116 = arith.constant 0 : i32
            %dma_wait3A_117 = arith.constant 0 : i32
            %dma_wait3A_118 = tpu.memref_slice %arg16[%dma_wait3A_116, %dma_wait3A_117] : memref<10000x128xf32, #tpu.memory_space<vmem_shared>> -> memref<80x128xf32, #tpu.memory_space<vmem_shared>>
            %dma_wait3A_119 = arith.constant 0 : i32
            %dma_wait3A_120 = arith.constant 0 : i32
            %dma_wait3A_121 = tpu.memref_slice %arg16[%dma_wait3A_119, %dma_wait3A_120] : memref<10000x128xf32, #tpu.memory_space<vmem_shared>> -> memref<80x128xf32, #tpu.memory_space<vmem_shared>>
            tpu.wait_dma2 semaphore(%arg20 : memref<!tpu.dma_semaphore, #tpu.memory_space<semaphore_mem>>) src(%arg15 : memref<80x128xf32, #tpu.memory_space<vmem>>) dst(%dma_wait3A_121 : memref<80x128xf32, #tpu.memory_space<vmem_shared>>)
          } else {
          }
          %add3A = arith.constant 1 : i32
          %add3A_75 = arith.addi %mul3A_64, %add3A : i32
          %dma_start3A_76 = arith.constant 0 : i32
          %dma_start3A_77 = tpu.memref_slice %arg12[%add3A_75, %dma_start3A_76] : memref<25x80xi32, #tpu.memory_space<vmem>> -> memref<1x80xi32, #tpu.memory_space<vmem>>
          %dma_start3A_78 = tpu.memref_squeeze %dma_start3A_77 : memref<1x80xi32, #tpu.memory_space<vmem>> -> memref<80xi32, #tpu.memory_space<vmem>>
          %dma_start3A_79 = arith.constant 0 : i32
          %dma_start3A_80 = arith.constant 0 : i32
          %dma_start3A_81 = tpu.memref_slice %arg5[%dma_start3A_79, %dma_start3A_80] : memref<10000x128xf32, #tpu.memory_space<hbm>> -> memref<10000x128xf32, #tpu.memory_space<hbm>>
          tpu.enqueue_indirect_dma source(%dma_start3A_81 : memref<10000x128xf32, #tpu.memory_space<hbm>>) target(%arg15 : memref<80x128xf32, #tpu.memory_space<vmem>>) offsets(%dma_start3A_78 : memref<80xi32, #tpu.memory_space<vmem>>) semaphore(%arg18 : memref<!tpu.dma_semaphore, #tpu.memory_space<semaphore_mem>>)
          %dma_start3A_82 = arith.constant 0 : i32
          %dma_start3A_83 = tpu.memref_slice %arg13[%mul3A_64, %dma_start3A_82] : memref<25x80xi32, #tpu.memory_space<vmem>> -> memref<1x80xi32, #tpu.memory_space<vmem>>
          %dma_start3A_84 = tpu.memref_squeeze %dma_start3A_83 : memref<1x80xi32, #tpu.memory_space<vmem>> -> memref<80xi32, #tpu.memory_space<vmem>>
          %dma_start3A_85 = arith.constant 0 : i32
          %dma_start3A_86 = arith.constant 0 : i32
          %dma_start3A_87 = tpu.memref_slice %arg16[%dma_start3A_85, %dma_start3A_86] : memref<10000x128xf32, #tpu.memory_space<vmem_shared>> -> memref<10000x128xf32, #tpu.memory_space<vmem_shared>>
          tpu.enqueue_indirect_dma source(%arg14 : memref<80x128xf32, #tpu.memory_space<vmem>>) target(%dma_start3A_87 : memref<10000x128xf32, #tpu.memory_space<vmem_shared>>) offsets(%dma_start3A_84 : memref<80xi32, #tpu.memory_space<vmem>>) semaphore(%arg19 : memref<!tpu.dma_semaphore, #tpu.memory_space<semaphore_mem>>) {add = true}
          %dma_wait3A_88 = arith.constant 0 : i32
          %dma_wait3A_89 = arith.constant 0 : i32
          %dma_wait3A_90 = tpu.memref_slice %arg5[%dma_wait3A_88, %dma_wait3A_89] : memref<10000x128xf32, #tpu.memory_space<hbm>> -> memref<80x128xf32, #tpu.memory_space<hbm>>
          %dma_wait3A_91 = arith.constant 0 : i32
          %dma_wait3A_92 = arith.constant 0 : i32
          %dma_wait3A_93 = tpu.memref_slice %arg5[%dma_wait3A_91, %dma_wait3A_92] : memref<10000x128xf32, #tpu.memory_space<hbm>> -> memref<80x128xf32, #tpu.memory_space<hbm>>
          tpu.wait_dma2 semaphore(%arg18 : memref<!tpu.dma_semaphore, #tpu.memory_space<semaphore_mem>>) src(%dma_wait3A_93 : memref<80x128xf32, #tpu.memory_space<hbm>>) dst(%arg15 : memref<80x128xf32, #tpu.memory_space<vmem>>)
          %dma_wait3A_94 = arith.constant 0 : i32
          %dma_wait3A_95 = arith.constant 0 : i32
          %dma_wait3A_96 = tpu.memref_slice %arg16[%dma_wait3A_94, %dma_wait3A_95] : memref<10000x128xf32, #tpu.memory_space<vmem_shared>> -> memref<80x128xf32, #tpu.memory_space<vmem_shared>>
          %dma_wait3A_97 = arith.constant 0 : i32
          %dma_wait3A_98 = arith.constant 0 : i32
          %dma_wait3A_99 = tpu.memref_slice %arg16[%dma_wait3A_97, %dma_wait3A_98] : memref<10000x128xf32, #tpu.memory_space<vmem_shared>> -> memref<80x128xf32, #tpu.memory_space<vmem_shared>>
          tpu.wait_dma2 semaphore(%arg19 : memref<!tpu.dma_semaphore, #tpu.memory_space<semaphore_mem>>) src(%arg14 : memref<80x128xf32, #tpu.memory_space<vmem>>) dst(%dma_wait3A_99 : memref<80x128xf32, #tpu.memory_space<vmem_shared>>)
          %add3A_100 = arith.constant 2 : i32
          %add3A_101 = arith.addi %mul3A_64, %add3A_100 : i32
          %dma_start3A_102 = arith.constant 0 : i32
          %dma_start3A_103 = tpu.memref_slice %arg12[%add3A_101, %dma_start3A_102] : memref<25x80xi32, #tpu.memory_space<vmem>> -> memref<1x80xi32, #tpu.memory_space<vmem>>
          %dma_start3A_104 = tpu.memref_squeeze %dma_start3A_103 : memref<1x80xi32, #tpu.memory_space<vmem>> -> memref<80xi32, #tpu.memory_space<vmem>>
          %dma_start3A_105 = arith.constant 0 : i32
          %dma_start3A_106 = arith.constant 0 : i32
          %dma_start3A_107 = tpu.memref_slice %arg5[%dma_start3A_105, %dma_start3A_106] : memref<10000x128xf32, #tpu.memory_space<hbm>> -> memref<10000x128xf32, #tpu.memory_space<hbm>>
          tpu.enqueue_indirect_dma source(%dma_start3A_107 : memref<10000x128xf32, #tpu.memory_space<hbm>>) target(%arg14 : memref<80x128xf32, #tpu.memory_space<vmem>>) offsets(%dma_start3A_104 : memref<80xi32, #tpu.memory_space<vmem>>) semaphore(%arg17 : memref<!tpu.dma_semaphore, #tpu.memory_space<semaphore_mem>>)
          %add3A_108 = arith.constant 1 : i32
          %add3A_109 = arith.addi %mul3A_64, %add3A_108 : i32
          %dma_start3A_110 = arith.constant 0 : i32
          %dma_start3A_111 = tpu.memref_slice %arg13[%add3A_109, %dma_start3A_110] : memref<25x80xi32, #tpu.memory_space<vmem>> -> memref<1x80xi32, #tpu.memory_space<vmem>>
          %dma_start3A_112 = tpu.memref_squeeze %dma_start3A_111 : memref<1x80xi32, #tpu.memory_space<vmem>> -> memref<80xi32, #tpu.memory_space<vmem>>
          %dma_start3A_113 = arith.constant 0 : i32
          %dma_start3A_114 = arith.constant 0 : i32
          %dma_start3A_115 = tpu.memref_slice %arg16[%dma_start3A_113, %dma_start3A_114] : memref<10000x128xf32, #tpu.memory_space<vmem_shared>> -> memref<10000x128xf32, #tpu.memory_space<vmem_shared>>
          tpu.enqueue_indirect_dma source(%arg15 : memref<80x128xf32, #tpu.memory_space<vmem>>) target(%dma_start3A_115 : memref<10000x128xf32, #tpu.memory_space<vmem_shared>>) offsets(%dma_start3A_112 : memref<80xi32, #tpu.memory_space<vmem>>) semaphore(%arg20 : memref<!tpu.dma_semaphore, #tpu.memory_space<semaphore_mem>>) {add = true}
        }
        %scan3A_37 = arith.constant 12 : i32
        %dma_wait3A = arith.constant 0 : i32
        %dma_wait3A_38 = arith.constant 0 : i32
        %dma_wait3A_39 = tpu.memref_slice %arg5[%dma_wait3A, %dma_wait3A_38] : memref<10000x128xf32, #tpu.memory_space<hbm>> -> memref<80x128xf32, #tpu.memory_space<hbm>>
        %dma_wait3A_40 = arith.constant 0 : i32
        %dma_wait3A_41 = arith.constant 0 : i32
        %dma_wait3A_42 = tpu.memref_slice %arg5[%dma_wait3A_40, %dma_wait3A_41] : memref<10000x128xf32, #tpu.memory_space<hbm>> -> memref<80x128xf32, #tpu.memory_space<hbm>>
        tpu.wait_dma2 semaphore(%arg17 : memref<!tpu.dma_semaphore, #tpu.memory_space<semaphore_mem>>) src(%dma_wait3A_42 : memref<80x128xf32, #tpu.memory_space<hbm>>) dst(%arg14 : memref<80x128xf32, #tpu.memory_space<vmem>>)
        %dma_start3A_43 = arith.constant 24 : i32
        %dma_start3A_44 = arith.constant 0 : i32
        %dma_start3A_45 = tpu.memref_slice %arg13[%dma_start3A_43, %dma_start3A_44] : memref<25x80xi32, #tpu.memory_space<vmem>> -> memref<1x80xi32, #tpu.memory_space<vmem>>
        %dma_start3A_46 = tpu.memref_squeeze %dma_start3A_45 : memref<1x80xi32, #tpu.memory_space<vmem>> -> memref<80xi32, #tpu.memory_space<vmem>>
        %dma_start3A_47 = arith.constant 0 : i32
        %dma_start3A_48 = arith.constant 0 : i32
        %dma_start3A_49 = tpu.memref_slice %arg16[%dma_start3A_47, %dma_start3A_48] : memref<10000x128xf32, #tpu.memory_space<vmem_shared>> -> memref<10000x128xf32, #tpu.memory_space<vmem_shared>>
        tpu.enqueue_indirect_dma source(%arg14 : memref<80x128xf32, #tpu.memory_space<vmem>>) target(%dma_start3A_49 : memref<10000x128xf32, #tpu.memory_space<vmem_shared>>) offsets(%dma_start3A_46 : memref<80xi32, #tpu.memory_space<vmem>>) semaphore(%arg19 : memref<!tpu.dma_semaphore, #tpu.memory_space<semaphore_mem>>) {add = true}
        %dma_wait3A_50 = arith.constant 0 : i32
        %dma_wait3A_51 = arith.constant 0 : i32
        %dma_wait3A_52 = tpu.memref_slice %arg16[%dma_wait3A_50, %dma_wait3A_51] : memref<10000x128xf32, #tpu.memory_space<vmem_shared>> -> memref<80x128xf32, #tpu.memory_space<vmem_shared>>
        %dma_wait3A_53 = arith.constant 0 : i32
        %dma_wait3A_54 = arith.constant 0 : i32
        %dma_wait3A_55 = tpu.memref_slice %arg16[%dma_wait3A_53, %dma_wait3A_54] : memref<10000x128xf32, #tpu.memory_space<vmem_shared>> -> memref<80x128xf32, #tpu.memory_space<vmem_shared>>
        tpu.wait_dma2 semaphore(%arg20 : memref<!tpu.dma_semaphore, #tpu.memory_space<semaphore_mem>>) src(%arg15 : memref<80x128xf32, #tpu.memory_space<vmem>>) dst(%dma_wait3A_55 : memref<80x128xf32, #tpu.memory_space<vmem_shared>>)
        %dma_wait3A_56 = arith.constant 0 : i32
        %dma_wait3A_57 = arith.constant 0 : i32
        %dma_wait3A_58 = tpu.memref_slice %arg16[%dma_wait3A_56, %dma_wait3A_57] : memref<10000x128xf32, #tpu.memory_space<vmem_shared>> -> memref<80x128xf32, #tpu.memory_space<vmem_shared>>
        %dma_wait3A_59 = arith.constant 0 : i32
        %dma_wait3A_60 = arith.constant 0 : i32
        %dma_wait3A_61 = tpu.memref_slice %arg16[%dma_wait3A_59, %dma_wait3A_60] : memref<10000x128xf32, #tpu.memory_space<vmem_shared>> -> memref<80x128xf32, #tpu.memory_space<vmem_shared>>
        tpu.wait_dma2 semaphore(%arg19 : memref<!tpu.dma_semaphore, #tpu.memory_space<semaphore_mem>>) src(%arg14 : memref<80x128xf32, #tpu.memory_space<vmem>>) dst(%dma_wait3A_61 : memref<80x128xf32, #tpu.memory_space<vmem_shared>>)
      }
      %scan3A_22 = arith.constant 5 : i32
      %barrier3A_23 = arith.constant 0 : index
      tpu.barrier barrier_id(%barrier3A_23)
      "tpu.region"() ({
        %run_scoped3A = tpu.sem_alloc : memref<!tpu.dma_semaphore, #tpu.memory_space<semaphore_mem>>
        %dma_start3A = arith.constant 0 : i32
        %dma_start3A_25 = tpu.memref_slice %arg9[%mul3A_0, %dma_start3A] : memref<10000x128xf32, #tpu.memory_space<hbm>> -> memref<640x128xf32, #tpu.memory_space<hbm>>
        %dma_start3A_26 = arith.constant 0 : i32
        %dma_start3A_27 = tpu.memref_slice %arg16[%mul3A_0, %dma_start3A_26] : memref<10000x128xf32, #tpu.memory_space<vmem_shared>> -> memref<640x128xf32, #tpu.memory_space<vmem_shared>>
        tpu.enqueue_dma source(%dma_start3A_27 : memref<640x128xf32, #tpu.memory_space<vmem_shared>>) target(%dma_start3A_25 : memref<640x128xf32, #tpu.memory_space<hbm>>) target_semaphore(%run_scoped3A : memref<!tpu.dma_semaphore, #tpu.memory_space<semaphore_mem>>)
        %dma_wait3A = arith.constant 0 : i32
        %dma_wait3A_28 = tpu.memref_slice %arg9[%mul3A_0, %dma_wait3A] : memref<10000x128xf32, #tpu.memory_space<hbm>> -> memref<640x128xf32, #tpu.memory_space<hbm>>
        %dma_wait3A_29 = arith.constant 0 : i32
        %dma_wait3A_30 = tpu.memref_slice %arg16[%mul3A_0, %dma_wait3A_29] : memref<10000x128xf32, #tpu.memory_space<vmem_shared>> -> memref<640x128xf32, #tpu.memory_space<vmem_shared>>
        tpu.wait_dma2 semaphore(%run_scoped3A : memref<!tpu.dma_semaphore, #tpu.memory_space<semaphore_mem>>) src(%dma_wait3A_30 : memref<640x128xf32, #tpu.memory_space<vmem_shared>>) dst(%dma_wait3A_28 : memref<640x128xf32, #tpu.memory_space<hbm>>)
        tpu.yield
      }) : () -> ()
      %barrier3A_24 = arith.constant 0 : index
      tpu.barrier barrier_id(%barrier3A_24)
    } else {
    }
    %eq3A_8 = arith.constant 0 : i32
    %eq3A_9 = arith.cmpi eq, %arg0, %eq3A_8 : i32
    %convert_element_type3A_10 = arith.extui %eq3A_9 : i1 to i32
    %cond3A_11 = arith.constant 0 : i32
    %cond3A_12 = arith.cmpi ne, %convert_element_type3A_10, %cond3A_11 : i32
    scf.if %cond3A_12 {
      "tpu.region"() ({
        %run_scoped3A = tpu.sem_alloc : memref<!tpu.dma_semaphore, #tpu.memory_space<semaphore_mem>>
        %dma_start3A = arith.constant 0 : i32
        %dma_start3A_25 = tpu.memref_slice %arg16[%mul3A_0, %dma_start3A] : memref<10000x128xf32, #tpu.memory_space<vmem_shared>> -> memref<640x128xf32, #tpu.memory_space<vmem_shared>>
        %dma_start3A_26 = arith.constant 0 : i32
        %dma_start3A_27 = tpu.memref_slice %arg6[%mul3A_0, %dma_start3A_26] : memref<10000x128xf32, #tpu.memory_space<hbm>> -> memref<640x128xf32, #tpu.memory_space<hbm>>
        tpu.enqueue_dma source(%dma_start3A_27 : memref<640x128xf32, #tpu.memory_space<hbm>>) target(%dma_start3A_25 : memref<640x128xf32, #tpu.memory_space<vmem_shared>>) target_semaphore(%run_scoped3A : memref<!tpu.dma_semaphore, #tpu.memory_space<semaphore_mem>>)
        %dma_wait3A = arith.constant 0 : i32
        %dma_wait3A_28 = tpu.memref_slice %arg16[%mul3A_0, %dma_wait3A] : memref<10000x128xf32, #tpu.memory_space<vmem_shared>> -> memref<640x128xf32, #tpu.memory_space<vmem_shared>>
        %dma_wait3A_29 = arith.constant 0 : i32
        %dma_wait3A_30 = tpu.memref_slice %arg6[%mul3A_0, %dma_wait3A_29] : memref<10000x128xf32, #tpu.memory_space<hbm>> -> memref<640x128xf32, #tpu.memory_space<hbm>>
        tpu.wait_dma2 semaphore(%run_scoped3A : memref<!tpu.dma_semaphore, #tpu.memory_space<semaphore_mem>>) src(%dma_wait3A_30 : memref<640x128xf32, #tpu.memory_space<hbm>>) dst(%dma_wait3A_28 : memref<640x128xf32, #tpu.memory_space<vmem_shared>>)
        tpu.yield
      }) : () -> ()
      %barrier3A = arith.constant 0 : index
      tpu.barrier barrier_id(%barrier3A)
      %scan3A = arith.constant 0 : i32
      %scan3A_18 = arith.constant 0 : i32
      %scan3A_19 = arith.constant 5 : i32
      %scan3A_20 = arith.addi %scan3A_18, %scan3A_19 : i32
      %scan3A_21 = arith.constant 1 : i32
      scf.for %scan3A_25 = %scan3A_18 to %scan3A_20 step %scan3A_21  : i32 {
        "tpu.region"() ({
          %run_scoped3A = tpu.sem_alloc : memref<!tpu.dma_semaphore, #tpu.memory_space<semaphore_mem>>
          %dma_start3A_62 = arith.constant 0 : i32
          %dma_start3A_63 = arith.constant 0 : i32
          %dma_start3A_64 = tpu.memref_slice %arg2[%arg1, %scan3A_25, %dma_start3A_62, %dma_start3A_63] : memref<16x5x25x80xi32, #tpu.memory_space<hbm>> -> memref<1x1x25x80xi32, #tpu.memory_space<hbm>>
          %dma_start3A_65 = tpu.memref_squeeze %dma_start3A_64 : memref<1x1x25x80xi32, #tpu.memory_space<hbm>> -> memref<25x80xi32, #tpu.memory_space<hbm>>
          %dma_start3A_66 = arith.constant 0 : i32
          %dma_start3A_67 = arith.constant 0 : i32
          %dma_start3A_68 = tpu.memref_slice %arg2[%arg1, %scan3A_25, %dma_start3A_66, %dma_start3A_67] : memref<16x5x25x80xi32, #tpu.memory_space<hbm>> -> memref<1x1x25x80xi32, #tpu.memory_space<hbm>>
          %dma_start3A_69 = tpu.memref_squeeze %dma_start3A_68 : memref<1x1x25x80xi32, #tpu.memory_space<hbm>> -> memref<25x80xi32, #tpu.memory_space<hbm>>
          tpu.enqueue_dma source(%dma_start3A_69 : memref<25x80xi32, #tpu.memory_space<hbm>>) target(%arg12 : memref<25x80xi32, #tpu.memory_space<vmem>>) target_semaphore(%run_scoped3A : memref<!tpu.dma_semaphore, #tpu.memory_space<semaphore_mem>>)
          %dma_wait3A_70 = arith.constant 0 : i32
          %dma_wait3A_71 = arith.constant 0 : i32
          %dma_wait3A_72 = tpu.memref_slice %arg2[%arg1, %scan3A_25, %dma_wait3A_70, %dma_wait3A_71] : memref<16x5x25x80xi32, #tpu.memory_space<hbm>> -> memref<1x1x25x80xi32, #tpu.memory_space<hbm>>
          %dma_wait3A_73 = tpu.memref_squeeze %dma_wait3A_72 : memref<1x1x25x80xi32, #tpu.memory_space<hbm>> -> memref<25x80xi32, #tpu.memory_space<hbm>>
          %dma_wait3A_74 = arith.constant 0 : i32
          %dma_wait3A_75 = arith.constant 0 : i32
          %dma_wait3A_76 = tpu.memref_slice %arg2[%arg1, %scan3A_25, %dma_wait3A_74, %dma_wait3A_75] : memref<16x5x25x80xi32, #tpu.memory_space<hbm>> -> memref<1x1x25x80xi32, #tpu.memory_space<hbm>>
          %dma_wait3A_77 = tpu.memref_squeeze %dma_wait3A_76 : memref<1x1x25x80xi32, #tpu.memory_space<hbm>> -> memref<25x80xi32, #tpu.memory_space<hbm>>
          tpu.wait_dma2 semaphore(%run_scoped3A : memref<!tpu.dma_semaphore, #tpu.memory_space<semaphore_mem>>) src(%dma_wait3A_77 : memref<25x80xi32, #tpu.memory_space<hbm>>) dst(%arg12 : memref<25x80xi32, #tpu.memory_space<vmem>>)
          tpu.yield
        }) : () -> ()
        "tpu.region"() ({
          %run_scoped3A = tpu.sem_alloc : memref<!tpu.dma_semaphore, #tpu.memory_space<semaphore_mem>>
          %dma_start3A_62 = arith.constant 0 : i32
          %dma_start3A_63 = arith.constant 0 : i32
          %dma_start3A_64 = tpu.memref_slice %arg3[%arg1, %scan3A_25, %dma_start3A_62, %dma_start3A_63] : memref<16x5x25x80xi32, #tpu.memory_space<hbm>> -> memref<1x1x25x80xi32, #tpu.memory_space<hbm>>
          %dma_start3A_65 = tpu.memref_squeeze %dma_start3A_64 : memref<1x1x25x80xi32, #tpu.memory_space<hbm>> -> memref<25x80xi32, #tpu.memory_space<hbm>>
          %dma_start3A_66 = arith.constant 0 : i32
          %dma_start3A_67 = arith.constant 0 : i32
          %dma_start3A_68 = tpu.memref_slice %arg3[%arg1, %scan3A_25, %dma_start3A_66, %dma_start3A_67] : memref<16x5x25x80xi32, #tpu.memory_space<hbm>> -> memref<1x1x25x80xi32, #tpu.memory_space<hbm>>
          %dma_start3A_69 = tpu.memref_squeeze %dma_start3A_68 : memref<1x1x25x80xi32, #tpu.memory_space<hbm>> -> memref<25x80xi32, #tpu.memory_space<hbm>>
          tpu.enqueue_dma source(%dma_start3A_69 : memref<25x80xi32, #tpu.memory_space<hbm>>) target(%arg13 : memref<25x80xi32, #tpu.memory_space<vmem>>) target_semaphore(%run_scoped3A : memref<!tpu.dma_semaphore, #tpu.memory_space<semaphore_mem>>)
          %dma_wait3A_70 = arith.constant 0 : i32
          %dma_wait3A_71 = arith.constant 0 : i32
          %dma_wait3A_72 = tpu.memref_slice %arg3[%arg1, %scan3A_25, %dma_wait3A_70, %dma_wait3A_71] : memref<16x5x25x80xi32, #tpu.memory_space<hbm>> -> memref<1x1x25x80xi32, #tpu.memory_space<hbm>>
          %dma_wait3A_73 = tpu.memref_squeeze %dma_wait3A_72 : memref<1x1x25x80xi32, #tpu.memory_space<hbm>> -> memref<25x80xi32, #tpu.memory_space<hbm>>
          %dma_wait3A_74 = arith.constant 0 : i32
          %dma_wait3A_75 = arith.constant 0 : i32
          %dma_wait3A_76 = tpu.memref_slice %arg3[%arg1, %scan3A_25, %dma_wait3A_74, %dma_wait3A_75] : memref<16x5x25x80xi32, #tpu.memory_space<hbm>> -> memref<1x1x25x80xi32, #tpu.memory_space<hbm>>
          %dma_wait3A_77 = tpu.memref_squeeze %dma_wait3A_76 : memref<1x1x25x80xi32, #tpu.memory_space<hbm>> -> memref<25x80xi32, #tpu.memory_space<hbm>>
          tpu.wait_dma2 semaphore(%run_scoped3A : memref<!tpu.dma_semaphore, #tpu.memory_space<semaphore_mem>>) src(%dma_wait3A_77 : memref<25x80xi32, #tpu.memory_space<hbm>>) dst(%arg13 : memref<25x80xi32, #tpu.memory_space<vmem>>)
          tpu.yield
        }) : () -> ()
        %dma_start3A = arith.constant 0 : i32
        %dma_start3A_26 = arith.constant 0 : i32
        %dma_start3A_27 = tpu.memref_slice %arg12[%dma_start3A, %dma_start3A_26] : memref<25x80xi32, #tpu.memory_space<vmem>> -> memref<1x80xi32, #tpu.memory_space<vmem>>
        %dma_start3A_28 = tpu.memref_squeeze %dma_start3A_27 : memref<1x80xi32, #tpu.memory_space<vmem>> -> memref<80xi32, #tpu.memory_space<vmem>>
        %dma_start3A_29 = arith.constant 0 : i32
        %dma_start3A_30 = arith.constant 0 : i32
        %dma_start3A_31 = tpu.memref_slice %arg6[%dma_start3A_29, %dma_start3A_30] : memref<10000x128xf32, #tpu.memory_space<hbm>> -> memref<10000x128xf32, #tpu.memory_space<hbm>>
        tpu.enqueue_indirect_dma source(%dma_start3A_31 : memref<10000x128xf32, #tpu.memory_space<hbm>>) target(%arg14 : memref<80x128xf32, #tpu.memory_space<vmem>>) offsets(%dma_start3A_28 : memref<80xi32, #tpu.memory_space<vmem>>) semaphore(%arg17 : memref<!tpu.dma_semaphore, #tpu.memory_space<semaphore_mem>>)
        %scan3A_32 = arith.constant 0 : i32
        %scan3A_33 = arith.constant 0 : i32
        %scan3A_34 = arith.constant 12 : i32
        %scan3A_35 = arith.addi %scan3A_33, %scan3A_34 : i32
        %scan3A_36 = arith.constant 1 : i32
        scf.for %scan3A_62 = %scan3A_33 to %scan3A_35 step %scan3A_36  : i32 {
          %mul3A_63 = arith.constant 2 : i32
          %mul3A_64 = arith.muli %mul3A_63, %scan3A_62 : i32
          %dma_wait3A_65 = arith.constant 0 : i32
          %dma_wait3A_66 = arith.constant 0 : i32
          %dma_wait3A_67 = tpu.memref_slice %arg6[%dma_wait3A_65, %dma_wait3A_66] : memref<10000x128xf32, #tpu.memory_space<hbm>> -> memref<80x128xf32, #tpu.memory_space<hbm>>
          %dma_wait3A_68 = arith.constant 0 : i32
          %dma_wait3A_69 = arith.constant 0 : i32
          %dma_wait3A_70 = tpu.memref_slice %arg6[%dma_wait3A_68, %dma_wait3A_69] : memref<10000x128xf32, #tpu.memory_space<hbm>> -> memref<80x128xf32, #tpu.memory_space<hbm>>
          tpu.wait_dma2 semaphore(%arg17 : memref<!tpu.dma_semaphore, #tpu.memory_space<semaphore_mem>>) src(%dma_wait3A_70 : memref<80x128xf32, #tpu.memory_space<hbm>>) dst(%arg14 : memref<80x128xf32, #tpu.memory_space<vmem>>)
          %gt3A = arith.constant 0 : i32
          %gt3A_71 = arith.cmpi sgt, %scan3A_62, %gt3A : i32
          %convert_element_type3A_72 = arith.extui %gt3A_71 : i1 to i32
          %cond3A_73 = arith.constant 0 : i32
          %cond3A_74 = arith.cmpi ne, %convert_element_type3A_72, %cond3A_73 : i32
          scf.if %cond3A_74 {
            %dma_wait3A_116 = arith.constant 0 : i32
            %dma_wait3A_117 = arith.constant 0 : i32
            %dma_wait3A_118 = tpu.memref_slice %arg16[%dma_wait3A_116, %dma_wait3A_117] : memref<10000x128xf32, #tpu.memory_space<vmem_shared>> -> memref<80x128xf32, #tpu.memory_space<vmem_shared>>
            %dma_wait3A_119 = arith.constant 0 : i32
            %dma_wait3A_120 = arith.constant 0 : i32
            %dma_wait3A_121 = tpu.memref_slice %arg16[%dma_wait3A_119, %dma_wait3A_120] : memref<10000x128xf32, #tpu.memory_space<vmem_shared>> -> memref<80x128xf32, #tpu.memory_space<vmem_shared>>
            tpu.wait_dma2 semaphore(%arg20 : memref<!tpu.dma_semaphore, #tpu.memory_space<semaphore_mem>>) src(%arg15 : memref<80x128xf32, #tpu.memory_space<vmem>>) dst(%dma_wait3A_121 : memref<80x128xf32, #tpu.memory_space<vmem_shared>>)
          } else {
          }
          %add3A = arith.constant 1 : i32
          %add3A_75 = arith.addi %mul3A_64, %add3A : i32
          %dma_start3A_76 = arith.constant 0 : i32
          %dma_start3A_77 = tpu.memref_slice %arg12[%add3A_75, %dma_start3A_76] : memref<25x80xi32, #tpu.memory_space<vmem>> -> memref<1x80xi32, #tpu.memory_space<vmem>>
          %dma_start3A_78 = tpu.memref_squeeze %dma_start3A_77 : memref<1x80xi32, #tpu.memory_space<vmem>> -> memref<80xi32, #tpu.memory_space<vmem>>
          %dma_start3A_79 = arith.constant 0 : i32
          %dma_start3A_80 = arith.constant 0 : i32
          %dma_start3A_81 = tpu.memref_slice %arg6[%dma_start3A_79, %dma_start3A_80] : memref<10000x128xf32, #tpu.memory_space<hbm>> -> memref<10000x128xf32, #tpu.memory_space<hbm>>
          tpu.enqueue_indirect_dma source(%dma_start3A_81 : memref<10000x128xf32, #tpu.memory_space<hbm>>) target(%arg15 : memref<80x128xf32, #tpu.memory_space<vmem>>) offsets(%dma_start3A_78 : memref<80xi32, #tpu.memory_space<vmem>>) semaphore(%arg18 : memref<!tpu.dma_semaphore, #tpu.memory_space<semaphore_mem>>)
          %dma_start3A_82 = arith.constant 0 : i32
          %dma_start3A_83 = tpu.memref_slice %arg13[%mul3A_64, %dma_start3A_82] : memref<25x80xi32, #tpu.memory_space<vmem>> -> memref<1x80xi32, #tpu.memory_space<vmem>>
          %dma_start3A_84 = tpu.memref_squeeze %dma_start3A_83 : memref<1x80xi32, #tpu.memory_space<vmem>> -> memref<80xi32, #tpu.memory_space<vmem>>
          %dma_start3A_85 = arith.constant 0 : i32
          %dma_start3A_86 = arith.constant 0 : i32
          %dma_start3A_87 = tpu.memref_slice %arg16[%dma_start3A_85, %dma_start3A_86] : memref<10000x128xf32, #tpu.memory_space<vmem_shared>> -> memref<10000x128xf32, #tpu.memory_space<vmem_shared>>
          tpu.enqueue_indirect_dma source(%arg14 : memref<80x128xf32, #tpu.memory_space<vmem>>) target(%dma_start3A_87 : memref<10000x128xf32, #tpu.memory_space<vmem_shared>>) offsets(%dma_start3A_84 : memref<80xi32, #tpu.memory_space<vmem>>) semaphore(%arg19 : memref<!tpu.dma_semaphore, #tpu.memory_space<semaphore_mem>>) {add = true}
          %dma_wait3A_88 = arith.constant 0 : i32
          %dma_wait3A_89 = arith.constant 0 : i32
          %dma_wait3A_90 = tpu.memref_slice %arg6[%dma_wait3A_88, %dma_wait3A_89] : memref<10000x128xf32, #tpu.memory_space<hbm>> -> memref<80x128xf32, #tpu.memory_space<hbm>>
          %dma_wait3A_91 = arith.constant 0 : i32
          %dma_wait3A_92 = arith.constant 0 : i32
          %dma_wait3A_93 = tpu.memref_slice %arg6[%dma_wait3A_91, %dma_wait3A_92] : memref<10000x128xf32, #tpu.memory_space<hbm>> -> memref<80x128xf32, #tpu.memory_space<hbm>>
          tpu.wait_dma2 semaphore(%arg18 : memref<!tpu.dma_semaphore, #tpu.memory_space<semaphore_mem>>) src(%dma_wait3A_93 : memref<80x128xf32, #tpu.memory_space<hbm>>) dst(%arg15 : memref<80x128xf32, #tpu.memory_space<vmem>>)
          %dma_wait3A_94 = arith.constant 0 : i32
          %dma_wait3A_95 = arith.constant 0 : i32
          %dma_wait3A_96 = tpu.memref_slice %arg16[%dma_wait3A_94, %dma_wait3A_95] : memref<10000x128xf32, #tpu.memory_space<vmem_shared>> -> memref<80x128xf32, #tpu.memory_space<vmem_shared>>
          %dma_wait3A_97 = arith.constant 0 : i32
          %dma_wait3A_98 = arith.constant 0 : i32
          %dma_wait3A_99 = tpu.memref_slice %arg16[%dma_wait3A_97, %dma_wait3A_98] : memref<10000x128xf32, #tpu.memory_space<vmem_shared>> -> memref<80x128xf32, #tpu.memory_space<vmem_shared>>
          tpu.wait_dma2 semaphore(%arg19 : memref<!tpu.dma_semaphore, #tpu.memory_space<semaphore_mem>>) src(%arg14 : memref<80x128xf32, #tpu.memory_space<vmem>>) dst(%dma_wait3A_99 : memref<80x128xf32, #tpu.memory_space<vmem_shared>>)
          %add3A_100 = arith.constant 2 : i32
          %add3A_101 = arith.addi %mul3A_64, %add3A_100 : i32
          %dma_start3A_102 = arith.constant 0 : i32
          %dma_start3A_103 = tpu.memref_slice %arg12[%add3A_101, %dma_start3A_102] : memref<25x80xi32, #tpu.memory_space<vmem>> -> memref<1x80xi32, #tpu.memory_space<vmem>>
          %dma_start3A_104 = tpu.memref_squeeze %dma_start3A_103 : memref<1x80xi32, #tpu.memory_space<vmem>> -> memref<80xi32, #tpu.memory_space<vmem>>
          %dma_start3A_105 = arith.constant 0 : i32
          %dma_start3A_106 = arith.constant 0 : i32
          %dma_start3A_107 = tpu.memref_slice %arg6[%dma_start3A_105, %dma_start3A_106] : memref<10000x128xf32, #tpu.memory_space<hbm>> -> memref<10000x128xf32, #tpu.memory_space<hbm>>
          tpu.enqueue_indirect_dma source(%dma_start3A_107 : memref<10000x128xf32, #tpu.memory_space<hbm>>) target(%arg14 : memref<80x128xf32, #tpu.memory_space<vmem>>) offsets(%dma_start3A_104 : memref<80xi32, #tpu.memory_space<vmem>>) semaphore(%arg17 : memref<!tpu.dma_semaphore, #tpu.memory_space<semaphore_mem>>)
          %add3A_108 = arith.constant 1 : i32
          %add3A_109 = arith.addi %mul3A_64, %add3A_108 : i32
          %dma_start3A_110 = arith.constant 0 : i32
          %dma_start3A_111 = tpu.memref_slice %arg13[%add3A_109, %dma_start3A_110] : memref<25x80xi32, #tpu.memory_space<vmem>> -> memref<1x80xi32, #tpu.memory_space<vmem>>
          %dma_start3A_112 = tpu.memref_squeeze %dma_start3A_111 : memref<1x80xi32, #tpu.memory_space<vmem>> -> memref<80xi32, #tpu.memory_space<vmem>>
          %dma_start3A_113 = arith.constant 0 : i32
          %dma_start3A_114 = arith.constant 0 : i32
          %dma_start3A_115 = tpu.memref_slice %arg16[%dma_start3A_113, %dma_start3A_114] : memref<10000x128xf32, #tpu.memory_space<vmem_shared>> -> memref<10000x128xf32, #tpu.memory_space<vmem_shared>>
          tpu.enqueue_indirect_dma source(%arg15 : memref<80x128xf32, #tpu.memory_space<vmem>>) target(%dma_start3A_115 : memref<10000x128xf32, #tpu.memory_space<vmem_shared>>) offsets(%dma_start3A_112 : memref<80xi32, #tpu.memory_space<vmem>>) semaphore(%arg20 : memref<!tpu.dma_semaphore, #tpu.memory_space<semaphore_mem>>) {add = true}
        }
        %scan3A_37 = arith.constant 12 : i32
        %dma_wait3A = arith.constant 0 : i32
        %dma_wait3A_38 = arith.constant 0 : i32
        %dma_wait3A_39 = tpu.memref_slice %arg6[%dma_wait3A, %dma_wait3A_38] : memref<10000x128xf32, #tpu.memory_space<hbm>> -> memref<80x128xf32, #tpu.memory_space<hbm>>
        %dma_wait3A_40 = arith.constant 0 : i32
        %dma_wait3A_41 = arith.constant 0 : i32
        %dma_wait3A_42 = tpu.memref_slice %arg6[%dma_wait3A_40, %dma_wait3A_41] : memref<10000x128xf32, #tpu.memory_space<hbm>> -> memref<80x128xf32, #tpu.memory_space<hbm>>
        tpu.wait_dma2 semaphore(%arg17 : memref<!tpu.dma_semaphore, #tpu.memory_space<semaphore_mem>>) src(%dma_wait3A_42 : memref<80x128xf32, #tpu.memory_space<hbm>>) dst(%arg14 : memref<80x128xf32, #tpu.memory_space<vmem>>)
        %dma_start3A_43 = arith.constant 24 : i32
        %dma_start3A_44 = arith.constant 0 : i32
        %dma_start3A_45 = tpu.memref_slice %arg13[%dma_start3A_43, %dma_start3A_44] : memref<25x80xi32, #tpu.memory_space<vmem>> -> memref<1x80xi32, #tpu.memory_space<vmem>>
        %dma_start3A_46 = tpu.memref_squeeze %dma_start3A_45 : memref<1x80xi32, #tpu.memory_space<vmem>> -> memref<80xi32, #tpu.memory_space<vmem>>
        %dma_start3A_47 = arith.constant 0 : i32
        %dma_start3A_48 = arith.constant 0 : i32
        %dma_start3A_49 = tpu.memref_slice %arg16[%dma_start3A_47, %dma_start3A_48] : memref<10000x128xf32, #tpu.memory_space<vmem_shared>> -> memref<10000x128xf32, #tpu.memory_space<vmem_shared>>
        tpu.enqueue_indirect_dma source(%arg14 : memref<80x128xf32, #tpu.memory_space<vmem>>) target(%dma_start3A_49 : memref<10000x128xf32, #tpu.memory_space<vmem_shared>>) offsets(%dma_start3A_46 : memref<80xi32, #tpu.memory_space<vmem>>) semaphore(%arg19 : memref<!tpu.dma_semaphore, #tpu.memory_space<semaphore_mem>>) {add = true}
        %dma_wait3A_50 = arith.constant 0 : i32
        %dma_wait3A_51 = arith.constant 0 : i32
        %dma_wait3A_52 = tpu.memref_slice %arg16[%dma_wait3A_50, %dma_wait3A_51] : memref<10000x128xf32, #tpu.memory_space<vmem_shared>> -> memref<80x128xf32, #tpu.memory_space<vmem_shared>>
        %dma_wait3A_53 = arith.constant 0 : i32
        %dma_wait3A_54 = arith.constant 0 : i32
        %dma_wait3A_55 = tpu.memref_slice %arg16[%dma_wait3A_53, %dma_wait3A_54] : memref<10000x128xf32, #tpu.memory_space<vmem_shared>> -> memref<80x128xf32, #tpu.memory_space<vmem_shared>>
        tpu.wait_dma2 semaphore(%arg20 : memref<!tpu.dma_semaphore, #tpu.memory_space<semaphore_mem>>) src(%arg15 : memref<80x128xf32, #tpu.memory_space<vmem>>) dst(%dma_wait3A_55 : memref<80x128xf32, #tpu.memory_space<vmem_shared>>)
        %dma_wait3A_56 = arith.constant 0 : i32
        %dma_wait3A_57 = arith.constant 0 : i32
        %dma_wait3A_58 = tpu.memref_slice %arg16[%dma_wait3A_56, %dma_wait3A_57] : memref<10000x128xf32, #tpu.memory_space<vmem_shared>> -> memref<80x128xf32, #tpu.memory_space<vmem_shared>>
        %dma_wait3A_59 = arith.constant 0 : i32
        %dma_wait3A_60 = arith.constant 0 : i32
        %dma_wait3A_61 = tpu.memref_slice %arg16[%dma_wait3A_59, %dma_wait3A_60] : memref<10000x128xf32, #tpu.memory_space<vmem_shared>> -> memref<80x128xf32, #tpu.memory_space<vmem_shared>>
        tpu.wait_dma2 semaphore(%arg19 : memref<!tpu.dma_semaphore, #tpu.memory_space<semaphore_mem>>) src(%arg14 : memref<80x128xf32, #tpu.memory_space<vmem>>) dst(%dma_wait3A_61 : memref<80x128xf32, #tpu.memory_space<vmem_shared>>)
      }
      %scan3A_22 = arith.constant 5 : i32
      %barrier3A_23 = arith.constant 0 : index
      tpu.barrier barrier_id(%barrier3A_23)
      "tpu.region"() ({
        %run_scoped3A = tpu.sem_alloc : memref<!tpu.dma_semaphore, #tpu.memory_space<semaphore_mem>>
        %dma_start3A = arith.constant 0 : i32
        %dma_start3A_25 = tpu.memref_slice %arg10[%mul3A_0, %dma_start3A] : memref<10000x128xf32, #tpu.memory_space<hbm>> -> memref<640x128xf32, #tpu.memory_space<hbm>>
        %dma_start3A_26 = arith.constant 0 : i32
        %dma_start3A_27 = tpu.memref_slice %arg16[%mul3A_0, %dma_start3A_26] : memref<10000x128xf32, #tpu.memory_space<vmem_shared>> -> memref<640x128xf32, #tpu.memory_space<vmem_shared>>
        tpu.enqueue_dma source(%dma_start3A_27 : memref<640x128xf32, #tpu.memory_space<vmem_shared>>) target(%dma_start3A_25 : memref<640x128xf32, #tpu.memory_space<hbm>>) target_semaphore(%run_scoped3A : memref<!tpu.dma_semaphore, #tpu.memory_space<semaphore_mem>>)
        %dma_wait3A = arith.constant 0 : i32
        %dma_wait3A_28 = tpu.memref_slice %arg10[%mul3A_0, %dma_wait3A] : memref<10000x128xf32, #tpu.memory_space<hbm>> -> memref<640x128xf32, #tpu.memory_space<hbm>>
        %dma_wait3A_29 = arith.constant 0 : i32
        %dma_wait3A_30 = tpu.memref_slice %arg16[%mul3A_0, %dma_wait3A_29] : memref<10000x128xf32, #tpu.memory_space<vmem_shared>> -> memref<640x128xf32, #tpu.memory_space<vmem_shared>>
        tpu.wait_dma2 semaphore(%run_scoped3A : memref<!tpu.dma_semaphore, #tpu.memory_space<semaphore_mem>>) src(%dma_wait3A_30 : memref<640x128xf32, #tpu.memory_space<vmem_shared>>) dst(%dma_wait3A_28 : memref<640x128xf32, #tpu.memory_space<hbm>>)
        tpu.yield
      }) : () -> ()
      %barrier3A_24 = arith.constant 0 : index
      tpu.barrier barrier_id(%barrier3A_24)
    } else {
    }
    %eq3A_13 = arith.constant 1 : i32
    %eq3A_14 = arith.cmpi eq, %arg0, %eq3A_13 : i32
    %convert_element_type3A_15 = arith.extui %eq3A_14 : i1 to i32
    %cond3A_16 = arith.constant 0 : i32
    %cond3A_17 = arith.cmpi ne, %convert_element_type3A_15, %cond3A_16 : i32
    scf.if %cond3A_17 {
      "tpu.region"() ({
        %run_scoped3A = tpu.sem_alloc : memref<!tpu.dma_semaphore, #tpu.memory_space<semaphore_mem>>
        %dma_start3A = arith.constant 0 : i32
        %dma_start3A_25 = tpu.memref_slice %arg16[%mul3A_0, %dma_start3A] : memref<10000x128xf32, #tpu.memory_space<vmem_shared>> -> memref<640x128xf32, #tpu.memory_space<vmem_shared>>
        %dma_start3A_26 = arith.constant 0 : i32
        %dma_start3A_27 = tpu.memref_slice %arg7[%mul3A_0, %dma_start3A_26] : memref<10000x128xf32, #tpu.memory_space<hbm>> -> memref<640x128xf32, #tpu.memory_space<hbm>>
        tpu.enqueue_dma source(%dma_start3A_27 : memref<640x128xf32, #tpu.memory_space<hbm>>) target(%dma_start3A_25 : memref<640x128xf32, #tpu.memory_space<vmem_shared>>) target_semaphore(%run_scoped3A : memref<!tpu.dma_semaphore, #tpu.memory_space<semaphore_mem>>)
        %dma_wait3A = arith.constant 0 : i32
        %dma_wait3A_28 = tpu.memref_slice %arg16[%mul3A_0, %dma_wait3A] : memref<10000x128xf32, #tpu.memory_space<vmem_shared>> -> memref<640x128xf32, #tpu.memory_space<vmem_shared>>
        %dma_wait3A_29 = arith.constant 0 : i32
        %dma_wait3A_30 = tpu.memref_slice %arg7[%mul3A_0, %dma_wait3A_29] : memref<10000x128xf32, #tpu.memory_space<hbm>> -> memref<640x128xf32, #tpu.memory_space<hbm>>
        tpu.wait_dma2 semaphore(%run_scoped3A : memref<!tpu.dma_semaphore, #tpu.memory_space<semaphore_mem>>) src(%dma_wait3A_30 : memref<640x128xf32, #tpu.memory_space<hbm>>) dst(%dma_wait3A_28 : memref<640x128xf32, #tpu.memory_space<vmem_shared>>)
        tpu.yield
      }) : () -> ()
      %barrier3A = arith.constant 0 : index
      tpu.barrier barrier_id(%barrier3A)
      %scan3A = arith.constant 0 : i32
      %scan3A_18 = arith.constant 0 : i32
      %scan3A_19 = arith.constant 5 : i32
      %scan3A_20 = arith.addi %scan3A_18, %scan3A_19 : i32
      %scan3A_21 = arith.constant 1 : i32
      scf.for %scan3A_25 = %scan3A_18 to %scan3A_20 step %scan3A_21  : i32 {
        "tpu.region"() ({
          %run_scoped3A = tpu.sem_alloc : memref<!tpu.dma_semaphore, #tpu.memory_space<semaphore_mem>>
          %dma_start3A_62 = arith.constant 0 : i32
          %dma_start3A_63 = arith.constant 0 : i32
          %dma_start3A_64 = tpu.memref_slice %arg2[%arg1, %scan3A_25, %dma_start3A_62, %dma_start3A_63] : memref<16x5x25x80xi32, #tpu.memory_space<hbm>> -> memref<1x1x25x80xi32, #tpu.memory_space<hbm>>
          %dma_start3A_65 = tpu.memref_squeeze %dma_start3A_64 : memref<1x1x25x80xi32, #tpu.memory_space<hbm>> -> memref<25x80xi32, #tpu.memory_space<hbm>>
          %dma_start3A_66 = arith.constant 0 : i32
          %dma_start3A_67 = arith.constant 0 : i32
          %dma_start3A_68 = tpu.memref_slice %arg2[%arg1, %scan3A_25, %dma_start3A_66, %dma_start3A_67] : memref<16x5x25x80xi32, #tpu.memory_space<hbm>> -> memref<1x1x25x80xi32, #tpu.memory_space<hbm>>
          %dma_start3A_69 = tpu.memref_squeeze %dma_start3A_68 : memref<1x1x25x80xi32, #tpu.memory_space<hbm>> -> memref<25x80xi32, #tpu.memory_space<hbm>>
          tpu.enqueue_dma source(%dma_start3A_69 : memref<25x80xi32, #tpu.memory_space<hbm>>) target(%arg12 : memref<25x80xi32, #tpu.memory_space<vmem>>) target_semaphore(%run_scoped3A : memref<!tpu.dma_semaphore, #tpu.memory_space<semaphore_mem>>)
          %dma_wait3A_70 = arith.constant 0 : i32
          %dma_wait3A_71 = arith.constant 0 : i32
          %dma_wait3A_72 = tpu.memref_slice %arg2[%arg1, %scan3A_25, %dma_wait3A_70, %dma_wait3A_71] : memref<16x5x25x80xi32, #tpu.memory_space<hbm>> -> memref<1x1x25x80xi32, #tpu.memory_space<hbm>>
          %dma_wait3A_73 = tpu.memref_squeeze %dma_wait3A_72 : memref<1x1x25x80xi32, #tpu.memory_space<hbm>> -> memref<25x80xi32, #tpu.memory_space<hbm>>
          %dma_wait3A_74 = arith.constant 0 : i32
          %dma_wait3A_75 = arith.constant 0 : i32
          %dma_wait3A_76 = tpu.memref_slice %arg2[%arg1, %scan3A_25, %dma_wait3A_74, %dma_wait3A_75] : memref<16x5x25x80xi32, #tpu.memory_space<hbm>> -> memref<1x1x25x80xi32, #tpu.memory_space<hbm>>
          %dma_wait3A_77 = tpu.memref_squeeze %dma_wait3A_76 : memref<1x1x25x80xi32, #tpu.memory_space<hbm>> -> memref<25x80xi32, #tpu.memory_space<hbm>>
          tpu.wait_dma2 semaphore(%run_scoped3A : memref<!tpu.dma_semaphore, #tpu.memory_space<semaphore_mem>>) src(%dma_wait3A_77 : memref<25x80xi32, #tpu.memory_space<hbm>>) dst(%arg12 : memref<25x80xi32, #tpu.memory_space<vmem>>)
          tpu.yield
        }) : () -> ()
        "tpu.region"() ({
          %run_scoped3A = tpu.sem_alloc : memref<!tpu.dma_semaphore, #tpu.memory_space<semaphore_mem>>
          %dma_start3A_62 = arith.constant 0 : i32
          %dma_start3A_63 = arith.constant 0 : i32
          %dma_start3A_64 = tpu.memref_slice %arg3[%arg1, %scan3A_25, %dma_start3A_62, %dma_start3A_63] : memref<16x5x25x80xi32, #tpu.memory_space<hbm>> -> memref<1x1x25x80xi32, #tpu.memory_space<hbm>>
          %dma_start3A_65 = tpu.memref_squeeze %dma_start3A_64 : memref<1x1x25x80xi32, #tpu.memory_space<hbm>> -> memref<25x80xi32, #tpu.memory_space<hbm>>
          %dma_start3A_66 = arith.constant 0 : i32
          %dma_start3A_67 = arith.constant 0 : i32
          %dma_start3A_68 = tpu.memref_slice %arg3[%arg1, %scan3A_25, %dma_start3A_66, %dma_start3A_67] : memref<16x5x25x80xi32, #tpu.memory_space<hbm>> -> memref<1x1x25x80xi32, #tpu.memory_space<hbm>>
          %dma_start3A_69 = tpu.memref_squeeze %dma_start3A_68 : memref<1x1x25x80xi32, #tpu.memory_space<hbm>> -> memref<25x80xi32, #tpu.memory_space<hbm>>
          tpu.enqueue_dma source(%dma_start3A_69 : memref<25x80xi32, #tpu.memory_space<hbm>>) target(%arg13 : memref<25x80xi32, #tpu.memory_space<vmem>>) target_semaphore(%run_scoped3A : memref<!tpu.dma_semaphore, #tpu.memory_space<semaphore_mem>>)
          %dma_wait3A_70 = arith.constant 0 : i32
          %dma_wait3A_71 = arith.constant 0 : i32
          %dma_wait3A_72 = tpu.memref_slice %arg3[%arg1, %scan3A_25, %dma_wait3A_70, %dma_wait3A_71] : memref<16x5x25x80xi32, #tpu.memory_space<hbm>> -> memref<1x1x25x80xi32, #tpu.memory_space<hbm>>
          %dma_wait3A_73 = tpu.memref_squeeze %dma_wait3A_72 : memref<1x1x25x80xi32, #tpu.memory_space<hbm>> -> memref<25x80xi32, #tpu.memory_space<hbm>>
          %dma_wait3A_74 = arith.constant 0 : i32
          %dma_wait3A_75 = arith.constant 0 : i32
          %dma_wait3A_76 = tpu.memref_slice %arg3[%arg1, %scan3A_25, %dma_wait3A_74, %dma_wait3A_75] : memref<16x5x25x80xi32, #tpu.memory_space<hbm>> -> memref<1x1x25x80xi32, #tpu.memory_space<hbm>>
          %dma_wait3A_77 = tpu.memref_squeeze %dma_wait3A_76 : memref<1x1x25x80xi32, #tpu.memory_space<hbm>> -> memref<25x80xi32, #tpu.memory_space<hbm>>
          tpu.wait_dma2 semaphore(%run_scoped3A : memref<!tpu.dma_semaphore, #tpu.memory_space<semaphore_mem>>) src(%dma_wait3A_77 : memref<25x80xi32, #tpu.memory_space<hbm>>) dst(%arg13 : memref<25x80xi32, #tpu.memory_space<vmem>>)
          tpu.yield
        }) : () -> ()
        %dma_start3A = arith.constant 0 : i32
        %dma_start3A_26 = arith.constant 0 : i32
        %dma_start3A_27 = tpu.memref_slice %arg12[%dma_start3A, %dma_start3A_26] : memref<25x80xi32, #tpu.memory_space<vmem>> -> memref<1x80xi32, #tpu.memory_space<vmem>>
        %dma_start3A_28 = tpu.memref_squeeze %dma_start3A_27 : memref<1x80xi32, #tpu.memory_space<vmem>> -> memref<80xi32, #tpu.memory_space<vmem>>
        %dma_start3A_29 = arith.constant 0 : i32
        %dma_start3A_30 = arith.constant 0 : i32
        %dma_start3A_31 = tpu.memref_slice %arg7[%dma_start3A_29, %dma_start3A_30] : memref<10000x128xf32, #tpu.memory_space<hbm>> -> memref<10000x128xf32, #tpu.memory_space<hbm>>
        tpu.enqueue_indirect_dma source(%dma_start3A_31 : memref<10000x128xf32, #tpu.memory_space<hbm>>) target(%arg14 : memref<80x128xf32, #tpu.memory_space<vmem>>) offsets(%dma_start3A_28 : memref<80xi32, #tpu.memory_space<vmem>>) semaphore(%arg17 : memref<!tpu.dma_semaphore, #tpu.memory_space<semaphore_mem>>)
        %scan3A_32 = arith.constant 0 : i32
        %scan3A_33 = arith.constant 0 : i32
        %scan3A_34 = arith.constant 12 : i32
        %scan3A_35 = arith.addi %scan3A_33, %scan3A_34 : i32
        %scan3A_36 = arith.constant 1 : i32
        scf.for %scan3A_62 = %scan3A_33 to %scan3A_35 step %scan3A_36  : i32 {
          %mul3A_63 = arith.constant 2 : i32
          %mul3A_64 = arith.muli %mul3A_63, %scan3A_62 : i32
          %dma_wait3A_65 = arith.constant 0 : i32
          %dma_wait3A_66 = arith.constant 0 : i32
          %dma_wait3A_67 = tpu.memref_slice %arg7[%dma_wait3A_65, %dma_wait3A_66] : memref<10000x128xf32, #tpu.memory_space<hbm>> -> memref<80x128xf32, #tpu.memory_space<hbm>>
          %dma_wait3A_68 = arith.constant 0 : i32
          %dma_wait3A_69 = arith.constant 0 : i32
          %dma_wait3A_70 = tpu.memref_slice %arg7[%dma_wait3A_68, %dma_wait3A_69] : memref<10000x128xf32, #tpu.memory_space<hbm>> -> memref<80x128xf32, #tpu.memory_space<hbm>>
          tpu.wait_dma2 semaphore(%arg17 : memref<!tpu.dma_semaphore, #tpu.memory_space<semaphore_mem>>) src(%dma_wait3A_70 : memref<80x128xf32, #tpu.memory_space<hbm>>) dst(%arg14 : memref<80x128xf32, #tpu.memory_space<vmem>>)
          %gt3A = arith.constant 0 : i32
          %gt3A_71 = arith.cmpi sgt, %scan3A_62, %gt3A : i32
          %convert_element_type3A_72 = arith.extui %gt3A_71 : i1 to i32
          %cond3A_73 = arith.constant 0 : i32
          %cond3A_74 = arith.cmpi ne, %convert_element_type3A_72, %cond3A_73 : i32
          scf.if %cond3A_74 {
            %dma_wait3A_116 = arith.constant 0 : i32
            %dma_wait3A_117 = arith.constant 0 : i32
            %dma_wait3A_118 = tpu.memref_slice %arg16[%dma_wait3A_116, %dma_wait3A_117] : memref<10000x128xf32, #tpu.memory_space<vmem_shared>> -> memref<80x128xf32, #tpu.memory_space<vmem_shared>>
            %dma_wait3A_119 = arith.constant 0 : i32
            %dma_wait3A_120 = arith.constant 0 : i32
            %dma_wait3A_121 = tpu.memref_slice %arg16[%dma_wait3A_119, %dma_wait3A_120] : memref<10000x128xf32, #tpu.memory_space<vmem_shared>> -> memref<80x128xf32, #tpu.memory_space<vmem_shared>>
            tpu.wait_dma2 semaphore(%arg20 : memref<!tpu.dma_semaphore, #tpu.memory_space<semaphore_mem>>) src(%arg15 : memref<80x128xf32, #tpu.memory_space<vmem>>) dst(%dma_wait3A_121 : memref<80x128xf32, #tpu.memory_space<vmem_shared>>)
          } else {
          }
          %add3A = arith.constant 1 : i32
          %add3A_75 = arith.addi %mul3A_64, %add3A : i32
          %dma_start3A_76 = arith.constant 0 : i32
          %dma_start3A_77 = tpu.memref_slice %arg12[%add3A_75, %dma_start3A_76] : memref<25x80xi32, #tpu.memory_space<vmem>> -> memref<1x80xi32, #tpu.memory_space<vmem>>
          %dma_start3A_78 = tpu.memref_squeeze %dma_start3A_77 : memref<1x80xi32, #tpu.memory_space<vmem>> -> memref<80xi32, #tpu.memory_space<vmem>>
          %dma_start3A_79 = arith.constant 0 : i32
          %dma_start3A_80 = arith.constant 0 : i32
          %dma_start3A_81 = tpu.memref_slice %arg7[%dma_start3A_79, %dma_start3A_80] : memref<10000x128xf32, #tpu.memory_space<hbm>> -> memref<10000x128xf32, #tpu.memory_space<hbm>>
          tpu.enqueue_indirect_dma source(%dma_start3A_81 : memref<10000x128xf32, #tpu.memory_space<hbm>>) target(%arg15 : memref<80x128xf32, #tpu.memory_space<vmem>>) offsets(%dma_start3A_78 : memref<80xi32, #tpu.memory_space<vmem>>) semaphore(%arg18 : memref<!tpu.dma_semaphore, #tpu.memory_space<semaphore_mem>>)
          %dma_start3A_82 = arith.constant 0 : i32
          %dma_start3A_83 = tpu.memref_slice %arg13[%mul3A_64, %dma_start3A_82] : memref<25x80xi32, #tpu.memory_space<vmem>> -> memref<1x80xi32, #tpu.memory_space<vmem>>
          %dma_start3A_84 = tpu.memref_squeeze %dma_start3A_83 : memref<1x80xi32, #tpu.memory_space<vmem>> -> memref<80xi32, #tpu.memory_space<vmem>>
          %dma_start3A_85 = arith.constant 0 : i32
          %dma_start3A_86 = arith.constant 0 : i32
          %dma_start3A_87 = tpu.memref_slice %arg16[%dma_start3A_85, %dma_start3A_86] : memref<10000x128xf32, #tpu.memory_space<vmem_shared>> -> memref<10000x128xf32, #tpu.memory_space<vmem_shared>>
          tpu.enqueue_indirect_dma source(%arg14 : memref<80x128xf32, #tpu.memory_space<vmem>>) target(%dma_start3A_87 : memref<10000x128xf32, #tpu.memory_space<vmem_shared>>) offsets(%dma_start3A_84 : memref<80xi32, #tpu.memory_space<vmem>>) semaphore(%arg19 : memref<!tpu.dma_semaphore, #tpu.memory_space<semaphore_mem>>) {add = true}
          %dma_wait3A_88 = arith.constant 0 : i32
          %dma_wait3A_89 = arith.constant 0 : i32
          %dma_wait3A_90 = tpu.memref_slice %arg7[%dma_wait3A_88, %dma_wait3A_89] : memref<10000x128xf32, #tpu.memory_space<hbm>> -> memref<80x128xf32, #tpu.memory_space<hbm>>
          %dma_wait3A_91 = arith.constant 0 : i32
          %dma_wait3A_92 = arith.constant 0 : i32
          %dma_wait3A_93 = tpu.memref_slice %arg7[%dma_wait3A_91, %dma_wait3A_92] : memref<10000x128xf32, #tpu.memory_space<hbm>> -> memref<80x128xf32, #tpu.memory_space<hbm>>
          tpu.wait_dma2 semaphore(%arg18 : memref<!tpu.dma_semaphore, #tpu.memory_space<semaphore_mem>>) src(%dma_wait3A_93 : memref<80x128xf32, #tpu.memory_space<hbm>>) dst(%arg15 : memref<80x128xf32, #tpu.memory_space<vmem>>)
          %dma_wait3A_94 = arith.constant 0 : i32
          %dma_wait3A_95 = arith.constant 0 : i32
          %dma_wait3A_96 = tpu.memref_slice %arg16[%dma_wait3A_94, %dma_wait3A_95] : memref<10000x128xf32, #tpu.memory_space<vmem_shared>> -> memref<80x128xf32, #tpu.memory_space<vmem_shared>>
          %dma_wait3A_97 = arith.constant 0 : i32
          %dma_wait3A_98 = arith.constant 0 : i32
          %dma_wait3A_99 = tpu.memref_slice %arg16[%dma_wait3A_97, %dma_wait3A_98] : memref<10000x128xf32, #tpu.memory_space<vmem_shared>> -> memref<80x128xf32, #tpu.memory_space<vmem_shared>>
          tpu.wait_dma2 semaphore(%arg19 : memref<!tpu.dma_semaphore, #tpu.memory_space<semaphore_mem>>) src(%arg14 : memref<80x128xf32, #tpu.memory_space<vmem>>) dst(%dma_wait3A_99 : memref<80x128xf32, #tpu.memory_space<vmem_shared>>)
          %add3A_100 = arith.constant 2 : i32
          %add3A_101 = arith.addi %mul3A_64, %add3A_100 : i32
          %dma_start3A_102 = arith.constant 0 : i32
          %dma_start3A_103 = tpu.memref_slice %arg12[%add3A_101, %dma_start3A_102] : memref<25x80xi32, #tpu.memory_space<vmem>> -> memref<1x80xi32, #tpu.memory_space<vmem>>
          %dma_start3A_104 = tpu.memref_squeeze %dma_start3A_103 : memref<1x80xi32, #tpu.memory_space<vmem>> -> memref<80xi32, #tpu.memory_space<vmem>>
          %dma_start3A_105 = arith.constant 0 : i32
          %dma_start3A_106 = arith.constant 0 : i32
          %dma_start3A_107 = tpu.memref_slice %arg7[%dma_start3A_105, %dma_start3A_106] : memref<10000x128xf32, #tpu.memory_space<hbm>> -> memref<10000x128xf32, #tpu.memory_space<hbm>>
          tpu.enqueue_indirect_dma source(%dma_start3A_107 : memref<10000x128xf32, #tpu.memory_space<hbm>>) target(%arg14 : memref<80x128xf32, #tpu.memory_space<vmem>>) offsets(%dma_start3A_104 : memref<80xi32, #tpu.memory_space<vmem>>) semaphore(%arg17 : memref<!tpu.dma_semaphore, #tpu.memory_space<semaphore_mem>>)
          %add3A_108 = arith.constant 1 : i32
          %add3A_109 = arith.addi %mul3A_64, %add3A_108 : i32
          %dma_start3A_110 = arith.constant 0 : i32
          %dma_start3A_111 = tpu.memref_slice %arg13[%add3A_109, %dma_start3A_110] : memref<25x80xi32, #tpu.memory_space<vmem>> -> memref<1x80xi32, #tpu.memory_space<vmem>>
          %dma_start3A_112 = tpu.memref_squeeze %dma_start3A_111 : memref<1x80xi32, #tpu.memory_space<vmem>> -> memref<80xi32, #tpu.memory_space<vmem>>
          %dma_start3A_113 = arith.constant 0 : i32
          %dma_start3A_114 = arith.constant 0 : i32
          %dma_start3A_115 = tpu.memref_slice %arg16[%dma_start3A_113, %dma_start3A_114] : memref<10000x128xf32, #tpu.memory_space<vmem_shared>> -> memref<10000x128xf32, #tpu.memory_space<vmem_shared>>
          tpu.enqueue_indirect_dma source(%arg15 : memref<80x128xf32, #tpu.memory_space<vmem>>) target(%dma_start3A_115 : memref<10000x128xf32, #tpu.memory_space<vmem_shared>>) offsets(%dma_start3A_112 : memref<80xi32, #tpu.memory_space<vmem>>) semaphore(%arg20 : memref<!tpu.dma_semaphore, #tpu.memory_space<semaphore_mem>>) {add = true}
        }
        %scan3A_37 = arith.constant 12 : i32
        %dma_wait3A = arith.constant 0 : i32
        %dma_wait3A_38 = arith.constant 0 : i32
        %dma_wait3A_39 = tpu.memref_slice %arg7[%dma_wait3A, %dma_wait3A_38] : memref<10000x128xf32, #tpu.memory_space<hbm>> -> memref<80x128xf32, #tpu.memory_space<hbm>>
        %dma_wait3A_40 = arith.constant 0 : i32
        %dma_wait3A_41 = arith.constant 0 : i32
        %dma_wait3A_42 = tpu.memref_slice %arg7[%dma_wait3A_40, %dma_wait3A_41] : memref<10000x128xf32, #tpu.memory_space<hbm>> -> memref<80x128xf32, #tpu.memory_space<hbm>>
        tpu.wait_dma2 semaphore(%arg17 : memref<!tpu.dma_semaphore, #tpu.memory_space<semaphore_mem>>) src(%dma_wait3A_42 : memref<80x128xf32, #tpu.memory_space<hbm>>) dst(%arg14 : memref<80x128xf32, #tpu.memory_space<vmem>>)
        %dma_start3A_43 = arith.constant 24 : i32
        %dma_start3A_44 = arith.constant 0 : i32
        %dma_start3A_45 = tpu.memref_slice %arg13[%dma_start3A_43, %dma_start3A_44] : memref<25x80xi32, #tpu.memory_space<vmem>> -> memref<1x80xi32, #tpu.memory_space<vmem>>
        %dma_start3A_46 = tpu.memref_squeeze %dma_start3A_45 : memref<1x80xi32, #tpu.memory_space<vmem>> -> memref<80xi32, #tpu.memory_space<vmem>>
        %dma_start3A_47 = arith.constant 0 : i32
        %dma_start3A_48 = arith.constant 0 : i32
        %dma_start3A_49 = tpu.memref_slice %arg16[%dma_start3A_47, %dma_start3A_48] : memref<10000x128xf32, #tpu.memory_space<vmem_shared>> -> memref<10000x128xf32, #tpu.memory_space<vmem_shared>>
        tpu.enqueue_indirect_dma source(%arg14 : memref<80x128xf32, #tpu.memory_space<vmem>>) target(%dma_start3A_49 : memref<10000x128xf32, #tpu.memory_space<vmem_shared>>) offsets(%dma_start3A_46 : memref<80xi32, #tpu.memory_space<vmem>>) semaphore(%arg19 : memref<!tpu.dma_semaphore, #tpu.memory_space<semaphore_mem>>) {add = true}
        %dma_wait3A_50 = arith.constant 0 : i32
        %dma_wait3A_51 = arith.constant 0 : i32
        %dma_wait3A_52 = tpu.memref_slice %arg16[%dma_wait3A_50, %dma_wait3A_51] : memref<10000x128xf32, #tpu.memory_space<vmem_shared>> -> memref<80x128xf32, #tpu.memory_space<vmem_shared>>
        %dma_wait3A_53 = arith.constant 0 : i32
        %dma_wait3A_54 = arith.constant 0 : i32
        %dma_wait3A_55 = tpu.memref_slice %arg16[%dma_wait3A_53, %dma_wait3A_54] : memref<10000x128xf32, #tpu.memory_space<vmem_shared>> -> memref<80x128xf32, #tpu.memory_space<vmem_shared>>
        tpu.wait_dma2 semaphore(%arg20 : memref<!tpu.dma_semaphore, #tpu.memory_space<semaphore_mem>>) src(%arg15 : memref<80x128xf32, #tpu.memory_space<vmem>>) dst(%dma_wait3A_55 : memref<80x128xf32, #tpu.memory_space<vmem_shared>>)
        %dma_wait3A_56 = arith.constant 0 : i32
        %dma_wait3A_57 = arith.constant 0 : i32
        %dma_wait3A_58 = tpu.memref_slice %arg16[%dma_wait3A_56, %dma_wait3A_57] : memref<10000x128xf32, #tpu.memory_space<vmem_shared>> -> memref<80x128xf32, #tpu.memory_space<vmem_shared>>
        %dma_wait3A_59 = arith.constant 0 : i32
        %dma_wait3A_60 = arith.constant 0 : i32
        %dma_wait3A_61 = tpu.memref_slice %arg16[%dma_wait3A_59, %dma_wait3A_60] : memref<10000x128xf32, #tpu.memory_space<vmem_shared>> -> memref<80x128xf32, #tpu.memory_space<vmem_shared>>
        tpu.wait_dma2 semaphore(%arg19 : memref<!tpu.dma_semaphore, #tpu.memory_space<semaphore_mem>>) src(%arg14 : memref<80x128xf32, #tpu.memory_space<vmem>>) dst(%dma_wait3A_61 : memref<80x128xf32, #tpu.memory_space<vmem_shared>>)
      }
      %scan3A_22 = arith.constant 5 : i32
      %barrier3A_23 = arith.constant 0 : index
      tpu.barrier barrier_id(%barrier3A_23)
      "tpu.region"() ({
        %run_scoped3A = tpu.sem_alloc : memref<!tpu.dma_semaphore, #tpu.memory_space<semaphore_mem>>
        %dma_start3A = arith.constant 0 : i32
        %dma_start3A_25 = tpu.memref_slice %arg11[%mul3A_0, %dma_start3A] : memref<10000x128xf32, #tpu.memory_space<hbm>> -> memref<640x128xf32, #tpu.memory_space<hbm>>
        %dma_start3A_26 = arith.constant 0 : i32
        %dma_start3A_27 = tpu.memref_slice %arg16[%mul3A_0, %dma_start3A_26] : memref<10000x128xf32, #tpu.memory_space<vmem_shared>> -> memref<640x128xf32, #tpu.memory_space<vmem_shared>>
        tpu.enqueue_dma source(%dma_start3A_27 : memref<640x128xf32, #tpu.memory_space<vmem_shared>>) target(%dma_start3A_25 : memref<640x128xf32, #tpu.memory_space<hbm>>) target_semaphore(%run_scoped3A : memref<!tpu.dma_semaphore, #tpu.memory_space<semaphore_mem>>)
        %dma_wait3A = arith.constant 0 : i32
        %dma_wait3A_28 = tpu.memref_slice %arg11[%mul3A_0, %dma_wait3A] : memref<10000x128xf32, #tpu.memory_space<hbm>> -> memref<640x128xf32, #tpu.memory_space<hbm>>
        %dma_wait3A_29 = arith.constant 0 : i32
        %dma_wait3A_30 = tpu.memref_slice %arg16[%mul3A_0, %dma_wait3A_29] : memref<10000x128xf32, #tpu.memory_space<vmem_shared>> -> memref<640x128xf32, #tpu.memory_space<vmem_shared>>
        tpu.wait_dma2 semaphore(%run_scoped3A : memref<!tpu.dma_semaphore, #tpu.memory_space<semaphore_mem>>) src(%dma_wait3A_30 : memref<640x128xf32, #tpu.memory_space<vmem_shared>>) dst(%dma_wait3A_28 : memref<640x128xf32, #tpu.memory_space<hbm>>)
        tpu.yield
      }) : () -> ()
      %barrier3A_24 = arith.constant 0 : index
      tpu.barrier barrier_id(%barrier3A_24)
    } else {
    }
    return
  }
}

#map = affine_map<(d0, d1) -> (0, 0, 0)>
#map1 = affine_map<(d0, d1) -> (0, 0)>
module attributes {stable_mosaic.version = 14 : i64} {
  func.func @_deg_sc(%arg0: i32, %arg1: i32, %arg2: memref<32x125x40xi32, #tpu.memory_space<hbm>>, %arg3: memref<10000x128xf32, #tpu.memory_space<hbm>>, %arg4: memref<40x128xf32, #tpu.memory_space<hbm>>, %arg5: memref<2x10000x128xf32, #tpu.memory_space<hbm>>, %arg6: memref<125x40xi32, #tpu.memory_space<vmem>>, %arg7: memref<40x128xf32, #tpu.memory_space<vmem>>, %arg8: memref<10000x128xf32, #tpu.memory_space<vmem_shared>>, %arg9: memref<!tpu.dma_semaphore, #tpu.memory_space<semaphore_mem>>, %arg10: memref<!tpu.dma_semaphore, #tpu.memory_space<semaphore_mem>>) attributes {dimension_semantics = [#tpu.dimension_semantics<core_parallel>, #tpu.dimension_semantics<subcore_parallel>], iteration_bounds = array<i64: 2, 16>, scalar_prefetch = 0 : i64, scratch_operands = 5 : i64, tpu.core_type = #tpu.core_type<sc_vector_subcore>, window_params = [{transform_indices = #map}, {transform_indices = #map1}, {transform_indices = #map1}, {transform_indices = #map}]} {
    %mul3A = arith.constant 624 : i32
    %mul3A_0 = arith.muli %arg1, %mul3A : i32
    "tpu.region"() ({
      %run_scoped3A = tpu.sem_alloc : memref<!tpu.dma_semaphore, #tpu.memory_space<semaphore_mem>>
      %dma_start3A_46 = arith.constant 0 : i32
      %dma_start3A_47 = tpu.memref_slice %arg8[%mul3A_0, %dma_start3A_46] : memref<10000x128xf32, #tpu.memory_space<vmem_shared>> -> memref<640x128xf32, #tpu.memory_space<vmem_shared>>
      %dma_start3A_48 = arith.constant 0 : i32
      %dma_start3A_49 = tpu.memref_slice %arg3[%mul3A_0, %dma_start3A_48] : memref<10000x128xf32, #tpu.memory_space<hbm>> -> memref<640x128xf32, #tpu.memory_space<hbm>>
      tpu.enqueue_dma source(%dma_start3A_49 : memref<640x128xf32, #tpu.memory_space<hbm>>) target(%dma_start3A_47 : memref<640x128xf32, #tpu.memory_space<vmem_shared>>) target_semaphore(%run_scoped3A : memref<!tpu.dma_semaphore, #tpu.memory_space<semaphore_mem>>)
      %dma_wait3A_50 = arith.constant 0 : i32
      %dma_wait3A_51 = tpu.memref_slice %arg8[%mul3A_0, %dma_wait3A_50] : memref<10000x128xf32, #tpu.memory_space<vmem_shared>> -> memref<640x128xf32, #tpu.memory_space<vmem_shared>>
      %dma_wait3A_52 = arith.constant 0 : i32
      %dma_wait3A_53 = tpu.memref_slice %arg3[%mul3A_0, %dma_wait3A_52] : memref<10000x128xf32, #tpu.memory_space<hbm>> -> memref<640x128xf32, #tpu.memory_space<hbm>>
      tpu.wait_dma2 semaphore(%run_scoped3A : memref<!tpu.dma_semaphore, #tpu.memory_space<semaphore_mem>>) src(%dma_wait3A_53 : memref<640x128xf32, #tpu.memory_space<hbm>>) dst(%dma_wait3A_51 : memref<640x128xf32, #tpu.memory_space<vmem_shared>>)
      tpu.yield
    }) : () -> ()
    "tpu.region"() ({
      %run_scoped3A = tpu.sem_alloc : memref<!tpu.dma_semaphore, #tpu.memory_space<semaphore_mem>>
      tpu.enqueue_dma source(%arg4 : memref<40x128xf32, #tpu.memory_space<hbm>>) target(%arg7 : memref<40x128xf32, #tpu.memory_space<vmem>>) target_semaphore(%run_scoped3A : memref<!tpu.dma_semaphore, #tpu.memory_space<semaphore_mem>>)
      tpu.wait_dma2 semaphore(%run_scoped3A : memref<!tpu.dma_semaphore, #tpu.memory_space<semaphore_mem>>) src(%arg4 : memref<40x128xf32, #tpu.memory_space<hbm>>) dst(%arg7 : memref<40x128xf32, #tpu.memory_space<vmem>>)
      tpu.yield
    }) : () -> ()
    %mul3A_1 = arith.constant 16 : i32
    %mul3A_2 = arith.muli %arg0, %mul3A_1 : i32
    %add3A = arith.addi %mul3A_2, %arg1 : i32
    "tpu.region"() ({
      %run_scoped3A = tpu.sem_alloc : memref<!tpu.dma_semaphore, #tpu.memory_space<semaphore_mem>>
      %dma_start3A_46 = arith.constant 0 : i32
      %dma_start3A_47 = arith.constant 0 : i32
      %dma_start3A_48 = tpu.memref_slice %arg2[%add3A, %dma_start3A_46, %dma_start3A_47] : memref<32x125x40xi32, #tpu.memory_space<hbm>> -> memref<1x125x40xi32, #tpu.memory_space<hbm>>
      %dma_start3A_49 = tpu.memref_squeeze %dma_start3A_48 : memref<1x125x40xi32, #tpu.memory_space<hbm>> -> memref<125x40xi32, #tpu.memory_space<hbm>>
      %dma_start3A_50 = arith.constant 0 : i32
      %dma_start3A_51 = arith.constant 0 : i32
      %dma_start3A_52 = tpu.memref_slice %arg2[%add3A, %dma_start3A_50, %dma_start3A_51] : memref<32x125x40xi32, #tpu.memory_space<hbm>> -> memref<1x125x40xi32, #tpu.memory_space<hbm>>
      %dma_start3A_53 = tpu.memref_squeeze %dma_start3A_52 : memref<1x125x40xi32, #tpu.memory_space<hbm>> -> memref<125x40xi32, #tpu.memory_space<hbm>>
      tpu.enqueue_dma source(%dma_start3A_53 : memref<125x40xi32, #tpu.memory_space<hbm>>) target(%arg6 : memref<125x40xi32, #tpu.memory_space<vmem>>) target_semaphore(%run_scoped3A : memref<!tpu.dma_semaphore, #tpu.memory_space<semaphore_mem>>)
      %dma_wait3A_54 = arith.constant 0 : i32
      %dma_wait3A_55 = arith.constant 0 : i32
      %dma_wait3A_56 = tpu.memref_slice %arg2[%add3A, %dma_wait3A_54, %dma_wait3A_55] : memref<32x125x40xi32, #tpu.memory_space<hbm>> -> memref<1x125x40xi32, #tpu.memory_space<hbm>>
      %dma_wait3A_57 = tpu.memref_squeeze %dma_wait3A_56 : memref<1x125x40xi32, #tpu.memory_space<hbm>> -> memref<125x40xi32, #tpu.memory_space<hbm>>
      %dma_wait3A_58 = arith.constant 0 : i32
      %dma_wait3A_59 = arith.constant 0 : i32
      %dma_wait3A_60 = tpu.memref_slice %arg2[%add3A, %dma_wait3A_58, %dma_wait3A_59] : memref<32x125x40xi32, #tpu.memory_space<hbm>> -> memref<1x125x40xi32, #tpu.memory_space<hbm>>
      %dma_wait3A_61 = tpu.memref_squeeze %dma_wait3A_60 : memref<1x125x40xi32, #tpu.memory_space<hbm>> -> memref<125x40xi32, #tpu.memory_space<hbm>>
      tpu.wait_dma2 semaphore(%run_scoped3A : memref<!tpu.dma_semaphore, #tpu.memory_space<semaphore_mem>>) src(%dma_wait3A_61 : memref<125x40xi32, #tpu.memory_space<hbm>>) dst(%arg6 : memref<125x40xi32, #tpu.memory_space<vmem>>)
      tpu.yield
    }) : () -> ()
    %barrier3A = arith.constant 0 : index
    tpu.barrier barrier_id(%barrier3A)
    %dma_start3A = arith.constant 0 : i32
    %dma_start3A_3 = arith.constant 0 : i32
    %dma_start3A_4 = tpu.memref_slice %arg6[%dma_start3A, %dma_start3A_3] : memref<125x40xi32, #tpu.memory_space<vmem>> -> memref<1x40xi32, #tpu.memory_space<vmem>>
    %dma_start3A_5 = tpu.memref_squeeze %dma_start3A_4 : memref<1x40xi32, #tpu.memory_space<vmem>> -> memref<40xi32, #tpu.memory_space<vmem>>
    %dma_start3A_6 = arith.constant 0 : i32
    %dma_start3A_7 = arith.constant 0 : i32
    %dma_start3A_8 = tpu.memref_slice %arg8[%dma_start3A_6, %dma_start3A_7] : memref<10000x128xf32, #tpu.memory_space<vmem_shared>> -> memref<10000x128xf32, #tpu.memory_space<vmem_shared>>
    tpu.enqueue_indirect_dma source(%arg7 : memref<40x128xf32, #tpu.memory_space<vmem>>) target(%dma_start3A_8 : memref<10000x128xf32, #tpu.memory_space<vmem_shared>>) offsets(%dma_start3A_5 : memref<40xi32, #tpu.memory_space<vmem>>) semaphore(%arg9 : memref<!tpu.dma_semaphore, #tpu.memory_space<semaphore_mem>>) {add = true}
    %dma_start3A_9 = arith.constant 1 : i32
    %dma_start3A_10 = arith.constant 0 : i32
    %dma_start3A_11 = tpu.memref_slice %arg6[%dma_start3A_9, %dma_start3A_10] : memref<125x40xi32, #tpu.memory_space<vmem>> -> memref<1x40xi32, #tpu.memory_space<vmem>>
    %dma_start3A_12 = tpu.memref_squeeze %dma_start3A_11 : memref<1x40xi32, #tpu.memory_space<vmem>> -> memref<40xi32, #tpu.memory_space<vmem>>
    %dma_start3A_13 = arith.constant 0 : i32
    %dma_start3A_14 = arith.constant 0 : i32
    %dma_start3A_15 = tpu.memref_slice %arg8[%dma_start3A_13, %dma_start3A_14] : memref<10000x128xf32, #tpu.memory_space<vmem_shared>> -> memref<10000x128xf32, #tpu.memory_space<vmem_shared>>
    tpu.enqueue_indirect_dma source(%arg7 : memref<40x128xf32, #tpu.memory_space<vmem>>) target(%dma_start3A_15 : memref<10000x128xf32, #tpu.memory_space<vmem_shared>>) offsets(%dma_start3A_12 : memref<40xi32, #tpu.memory_space<vmem>>) semaphore(%arg10 : memref<!tpu.dma_semaphore, #tpu.memory_space<semaphore_mem>>) {add = true}
    %scan3A = arith.constant 0 : i32
    %scan3A_16 = arith.constant 1 : i32
    %scan3A_17 = arith.constant 61 : i32
    %scan3A_18 = arith.addi %scan3A_16, %scan3A_17 : i32
    %scan3A_19 = arith.constant 1 : i32
    scf.for %scan3A_46 = %scan3A_16 to %scan3A_18 step %scan3A_19  : i32 {
      %dma_wait3A_47 = arith.constant 0 : i32
      %dma_wait3A_48 = arith.constant 0 : i32
      %dma_wait3A_49 = tpu.memref_slice %arg8[%dma_wait3A_47, %dma_wait3A_48] : memref<10000x128xf32, #tpu.memory_space<vmem_shared>> -> memref<40x128xf32, #tpu.memory_space<vmem_shared>>
      %dma_wait3A_50 = arith.constant 0 : i32
      %dma_wait3A_51 = arith.constant 0 : i32
      %dma_wait3A_52 = tpu.memref_slice %arg8[%dma_wait3A_50, %dma_wait3A_51] : memref<10000x128xf32, #tpu.memory_space<vmem_shared>> -> memref<40x128xf32, #tpu.memory_space<vmem_shared>>
      tpu.wait_dma2 semaphore(%arg9 : memref<!tpu.dma_semaphore, #tpu.memory_space<semaphore_mem>>) src(%arg7 : memref<40x128xf32, #tpu.memory_space<vmem>>) dst(%dma_wait3A_52 : memref<40x128xf32, #tpu.memory_space<vmem_shared>>)
      %mul3A_53 = arith.constant 2 : i32
      %mul3A_54 = arith.muli %mul3A_53, %scan3A_46 : i32
      %dma_start3A_55 = arith.constant 0 : i32
      %dma_start3A_56 = tpu.memref_slice %arg6[%mul3A_54, %dma_start3A_55] : memref<125x40xi32, #tpu.memory_space<vmem>> -> memref<1x40xi32, #tpu.memory_space<vmem>>
      %dma_start3A_57 = tpu.memref_squeeze %dma_start3A_56 : memref<1x40xi32, #tpu.memory_space<vmem>> -> memref<40xi32, #tpu.memory_space<vmem>>
      %dma_start3A_58 = arith.constant 0 : i32
      %dma_start3A_59 = arith.constant 0 : i32
      %dma_start3A_60 = tpu.memref_slice %arg8[%dma_start3A_58, %dma_start3A_59] : memref<10000x128xf32, #tpu.memory_space<vmem_shared>> -> memref<10000x128xf32, #tpu.memory_space<vmem_shared>>
      tpu.enqueue_indirect_dma source(%arg7 : memref<40x128xf32, #tpu.memory_space<vmem>>) target(%dma_start3A_60 : memref<10000x128xf32, #tpu.memory_space<vmem_shared>>) offsets(%dma_start3A_57 : memref<40xi32, #tpu.memory_space<vmem>>) semaphore(%arg9 : memref<!tpu.dma_semaphore, #tpu.memory_space<semaphore_mem>>) {add = true}
      %dma_wait3A_61 = arith.constant 0 : i32
      %dma_wait3A_62 = arith.constant 0 : i32
      %dma_wait3A_63 = tpu.memref_slice %arg8[%dma_wait3A_61, %dma_wait3A_62] : memref<10000x128xf32, #tpu.memory_space<vmem_shared>> -> memref<40x128xf32, #tpu.memory_space<vmem_shared>>
      %dma_wait3A_64 = arith.constant 0 : i32
      %dma_wait3A_65 = arith.constant 0 : i32
      %dma_wait3A_66 = tpu.memref_slice %arg8[%dma_wait3A_64, %dma_wait3A_65] : memref<10000x128xf32, #tpu.memory_space<vmem_shared>> -> memref<40x128xf32, #tpu.memory_space<vmem_shared>>
      tpu.wait_dma2 semaphore(%arg10 : memref<!tpu.dma_semaphore, #tpu.memory_space<semaphore_mem>>) src(%arg7 : memref<40x128xf32, #tpu.memory_space<vmem>>) dst(%dma_wait3A_66 : memref<40x128xf32, #tpu.memory_space<vmem_shared>>)
      %mul3A_67 = arith.constant 2 : i32
      %mul3A_68 = arith.muli %mul3A_67, %scan3A_46 : i32
      %add3A_69 = arith.constant 1 : i32
      %add3A_70 = arith.addi %mul3A_68, %add3A_69 : i32
      %dma_start3A_71 = arith.constant 0 : i32
      %dma_start3A_72 = tpu.memref_slice %arg6[%add3A_70, %dma_start3A_71] : memref<125x40xi32, #tpu.memory_space<vmem>> -> memref<1x40xi32, #tpu.memory_space<vmem>>
      %dma_start3A_73 = tpu.memref_squeeze %dma_start3A_72 : memref<1x40xi32, #tpu.memory_space<vmem>> -> memref<40xi32, #tpu.memory_space<vmem>>
      %dma_start3A_74 = arith.constant 0 : i32
      %dma_start3A_75 = arith.constant 0 : i32
      %dma_start3A_76 = tpu.memref_slice %arg8[%dma_start3A_74, %dma_start3A_75] : memref<10000x128xf32, #tpu.memory_space<vmem_shared>> -> memref<10000x128xf32, #tpu.memory_space<vmem_shared>>
      tpu.enqueue_indirect_dma source(%arg7 : memref<40x128xf32, #tpu.memory_space<vmem>>) target(%dma_start3A_76 : memref<10000x128xf32, #tpu.memory_space<vmem_shared>>) offsets(%dma_start3A_73 : memref<40xi32, #tpu.memory_space<vmem>>) semaphore(%arg10 : memref<!tpu.dma_semaphore, #tpu.memory_space<semaphore_mem>>) {add = true}
    }
    %scan3A_20 = arith.constant 61 : i32
    %dma_wait3A = arith.constant 0 : i32
    %dma_wait3A_21 = arith.constant 0 : i32
    %dma_wait3A_22 = tpu.memref_slice %arg8[%dma_wait3A, %dma_wait3A_21] : memref<10000x128xf32, #tpu.memory_space<vmem_shared>> -> memref<40x128xf32, #tpu.memory_space<vmem_shared>>
    %dma_wait3A_23 = arith.constant 0 : i32
    %dma_wait3A_24 = arith.constant 0 : i32
    %dma_wait3A_25 = tpu.memref_slice %arg8[%dma_wait3A_23, %dma_wait3A_24] : memref<10000x128xf32, #tpu.memory_space<vmem_shared>> -> memref<40x128xf32, #tpu.memory_space<vmem_shared>>
    tpu.wait_dma2 semaphore(%arg9 : memref<!tpu.dma_semaphore, #tpu.memory_space<semaphore_mem>>) src(%arg7 : memref<40x128xf32, #tpu.memory_space<vmem>>) dst(%dma_wait3A_25 : memref<40x128xf32, #tpu.memory_space<vmem_shared>>)
    %dma_start3A_26 = arith.constant 124 : i32
    %dma_start3A_27 = arith.constant 0 : i32
    %dma_start3A_28 = tpu.memref_slice %arg6[%dma_start3A_26, %dma_start3A_27] : memref<125x40xi32, #tpu.memory_space<vmem>> -> memref<1x40xi32, #tpu.memory_space<vmem>>
    %dma_start3A_29 = tpu.memref_squeeze %dma_start3A_28 : memref<1x40xi32, #tpu.memory_space<vmem>> -> memref<40xi32, #tpu.memory_space<vmem>>
    %dma_start3A_30 = arith.constant 0 : i32
    %dma_start3A_31 = arith.constant 0 : i32
    %dma_start3A_32 = tpu.memref_slice %arg8[%dma_start3A_30, %dma_start3A_31] : memref<10000x128xf32, #tpu.memory_space<vmem_shared>> -> memref<10000x128xf32, #tpu.memory_space<vmem_shared>>
    tpu.enqueue_indirect_dma source(%arg7 : memref<40x128xf32, #tpu.memory_space<vmem>>) target(%dma_start3A_32 : memref<10000x128xf32, #tpu.memory_space<vmem_shared>>) offsets(%dma_start3A_29 : memref<40xi32, #tpu.memory_space<vmem>>) semaphore(%arg9 : memref<!tpu.dma_semaphore, #tpu.memory_space<semaphore_mem>>) {add = true}
    %dma_wait3A_33 = arith.constant 0 : i32
    %dma_wait3A_34 = arith.constant 0 : i32
    %dma_wait3A_35 = tpu.memref_slice %arg8[%dma_wait3A_33, %dma_wait3A_34] : memref<10000x128xf32, #tpu.memory_space<vmem_shared>> -> memref<40x128xf32, #tpu.memory_space<vmem_shared>>
    %dma_wait3A_36 = arith.constant 0 : i32
    %dma_wait3A_37 = arith.constant 0 : i32
    %dma_wait3A_38 = tpu.memref_slice %arg8[%dma_wait3A_36, %dma_wait3A_37] : memref<10000x128xf32, #tpu.memory_space<vmem_shared>> -> memref<40x128xf32, #tpu.memory_space<vmem_shared>>
    tpu.wait_dma2 semaphore(%arg9 : memref<!tpu.dma_semaphore, #tpu.memory_space<semaphore_mem>>) src(%arg7 : memref<40x128xf32, #tpu.memory_space<vmem>>) dst(%dma_wait3A_38 : memref<40x128xf32, #tpu.memory_space<vmem_shared>>)
    %dma_wait3A_39 = arith.constant 0 : i32
    %dma_wait3A_40 = arith.constant 0 : i32
    %dma_wait3A_41 = tpu.memref_slice %arg8[%dma_wait3A_39, %dma_wait3A_40] : memref<10000x128xf32, #tpu.memory_space<vmem_shared>> -> memref<40x128xf32, #tpu.memory_space<vmem_shared>>
    %dma_wait3A_42 = arith.constant 0 : i32
    %dma_wait3A_43 = arith.constant 0 : i32
    %dma_wait3A_44 = tpu.memref_slice %arg8[%dma_wait3A_42, %dma_wait3A_43] : memref<10000x128xf32, #tpu.memory_space<vmem_shared>> -> memref<40x128xf32, #tpu.memory_space<vmem_shared>>
    tpu.wait_dma2 semaphore(%arg10 : memref<!tpu.dma_semaphore, #tpu.memory_space<semaphore_mem>>) src(%arg7 : memref<40x128xf32, #tpu.memory_space<vmem>>) dst(%dma_wait3A_44 : memref<40x128xf32, #tpu.memory_space<vmem_shared>>)
    %barrier3A_45 = arith.constant 0 : index
    tpu.barrier barrier_id(%barrier3A_45)
    "tpu.region"() ({
      %run_scoped3A = tpu.sem_alloc : memref<!tpu.dma_semaphore, #tpu.memory_space<semaphore_mem>>
      %dma_start3A_46 = arith.constant 0 : i32
      %dma_start3A_47 = tpu.memref_slice %arg5[%arg0, %mul3A_0, %dma_start3A_46] : memref<2x10000x128xf32, #tpu.memory_space<hbm>> -> memref<1x640x128xf32, #tpu.memory_space<hbm>>
      %dma_start3A_48 = tpu.memref_squeeze %dma_start3A_47 : memref<1x640x128xf32, #tpu.memory_space<hbm>> -> memref<640x128xf32, #tpu.memory_space<hbm>>
      %dma_start3A_49 = arith.constant 0 : i32
      %dma_start3A_50 = tpu.memref_slice %arg8[%mul3A_0, %dma_start3A_49] : memref<10000x128xf32, #tpu.memory_space<vmem_shared>> -> memref<640x128xf32, #tpu.memory_space<vmem_shared>>
      tpu.enqueue_dma source(%dma_start3A_50 : memref<640x128xf32, #tpu.memory_space<vmem_shared>>) target(%dma_start3A_48 : memref<640x128xf32, #tpu.memory_space<hbm>>) target_semaphore(%run_scoped3A : memref<!tpu.dma_semaphore, #tpu.memory_space<semaphore_mem>>)
      %dma_wait3A_51 = arith.constant 0 : i32
      %dma_wait3A_52 = tpu.memref_slice %arg5[%arg0, %mul3A_0, %dma_wait3A_51] : memref<2x10000x128xf32, #tpu.memory_space<hbm>> -> memref<1x640x128xf32, #tpu.memory_space<hbm>>
      %dma_wait3A_53 = tpu.memref_squeeze %dma_wait3A_52 : memref<1x640x128xf32, #tpu.memory_space<hbm>> -> memref<640x128xf32, #tpu.memory_space<hbm>>
      %dma_wait3A_54 = arith.constant 0 : i32
      %dma_wait3A_55 = tpu.memref_slice %arg8[%mul3A_0, %dma_wait3A_54] : memref<10000x128xf32, #tpu.memory_space<vmem_shared>> -> memref<640x128xf32, #tpu.memory_space<vmem_shared>>
      tpu.wait_dma2 semaphore(%run_scoped3A : memref<!tpu.dma_semaphore, #tpu.memory_space<semaphore_mem>>) src(%dma_wait3A_55 : memref<640x128xf32, #tpu.memory_space<vmem_shared>>) dst(%dma_wait3A_53 : memref<640x128xf32, #tpu.memory_space<hbm>>)
      tpu.yield
    }) : () -> ()
    return
  }
}

#map = affine_map<(d0, d1) -> (0, 0, 0, 0)>
#map1 = affine_map<(d0, d1) -> (0, 0)>
module attributes {stable_mosaic.version = 14 : i64} {
  func.func @agg(%arg0: i32, %arg1: i32, %arg2: memref<16x5x25x80xi32, #tpu.memory_space<hbm>>, %arg3: memref<16x5x25x80xi32, #tpu.memory_space<hbm>>, %arg4: memref<10000x128xf32, #tpu.memory_space<hbm>>, %arg5: memref<10000x128xf32, #tpu.memory_space<hbm>>, %arg6: memref<10000x128xf32, #tpu.memory_space<hbm>>, %arg7: memref<10000x128xf32, #tpu.memory_space<hbm>>, %arg8: memref<10000x128xf32, #tpu.memory_space<hbm>>, %arg9: memref<10000x128xf32, #tpu.memory_space<hbm>>, %arg10: memref<10000x128xf32, #tpu.memory_space<hbm>>, %arg11: memref<10000x128xf32, #tpu.memory_space<hbm>>, %arg12: memref<25x80xi32, #tpu.memory_space<vmem>>, %arg13: memref<25x80xi32, #tpu.memory_space<vmem>>, %arg14: memref<80x128xf32, #tpu.memory_space<vmem>>, %arg15: memref<80x128xf32, #tpu.memory_space<vmem>>, %arg16: memref<10000x128xf32, #tpu.memory_space<vmem_shared>>, %arg17: memref<!tpu.dma_semaphore, #tpu.memory_space<semaphore_mem>>, %arg18: memref<!tpu.dma_semaphore, #tpu.memory_space<semaphore_mem>>, %arg19: memref<!tpu.dma_semaphore, #tpu.memory_space<semaphore_mem>>, %arg20: memref<!tpu.dma_semaphore, #tpu.memory_space<semaphore_mem>>) attributes {dimension_semantics = [#tpu.dimension_semantics<core_parallel>, #tpu.dimension_semantics<subcore_parallel>], iteration_bounds = array<i64: 2, 16>, scalar_prefetch = 0 : i64, scratch_operands = 9 : i64, tpu.core_type = #tpu.core_type<sc_vector_subcore>, window_params = [{transform_indices = #map}, {transform_indices = #map}, {transform_indices = #map1}, {transform_indices = #map1}, {transform_indices = #map1}, {transform_indices = #map1}, {transform_indices = #map1}, {transform_indices = #map1}, {transform_indices = #map1}, {transform_indices = #map1}]} {
    %mul3A = arith.constant 624 : i32
    %mul3A_0 = arith.muli %arg1, %mul3A : i32
    %eq3A = arith.constant 0 : i32
    %eq3A_1 = arith.cmpi eq, %arg0, %eq3A : i32
    %convert_element_type3A = arith.extui %eq3A_1 : i1 to i32
    %cond3A = arith.constant 0 : i32
    %cond3A_2 = arith.cmpi ne, %convert_element_type3A, %cond3A : i32
    scf.if %cond3A_2 {
      "tpu.region"() ({
        %run_scoped3A = tpu.sem_alloc : memref<!tpu.dma_semaphore, #tpu.memory_space<semaphore_mem>>
        %dma_start3A = arith.constant 0 : i32
        %dma_start3A_25 = tpu.memref_slice %arg16[%mul3A_0, %dma_start3A] : memref<10000x128xf32, #tpu.memory_space<vmem_shared>> -> memref<640x128xf32, #tpu.memory_space<vmem_shared>>
        %dma_start3A_26 = arith.constant 0 : i32
        %dma_start3A_27 = tpu.memref_slice %arg4[%mul3A_0, %dma_start3A_26] : memref<10000x128xf32, #tpu.memory_space<hbm>> -> memref<640x128xf32, #tpu.memory_space<hbm>>
        tpu.enqueue_dma source(%dma_start3A_27 : memref<640x128xf32, #tpu.memory_space<hbm>>) target(%dma_start3A_25 : memref<640x128xf32, #tpu.memory_space<vmem_shared>>) target_semaphore(%run_scoped3A : memref<!tpu.dma_semaphore, #tpu.memory_space<semaphore_mem>>)
        %dma_wait3A = arith.constant 0 : i32
        %dma_wait3A_28 = tpu.memref_slice %arg16[%mul3A_0, %dma_wait3A] : memref<10000x128xf32, #tpu.memory_space<vmem_shared>> -> memref<640x128xf32, #tpu.memory_space<vmem_shared>>
        %dma_wait3A_29 = arith.constant 0 : i32
        %dma_wait3A_30 = tpu.memref_slice %arg4[%mul3A_0, %dma_wait3A_29] : memref<10000x128xf32, #tpu.memory_space<hbm>> -> memref<640x128xf32, #tpu.memory_space<hbm>>
        tpu.wait_dma2 semaphore(%run_scoped3A : memref<!tpu.dma_semaphore, #tpu.memory_space<semaphore_mem>>) src(%dma_wait3A_30 : memref<640x128xf32, #tpu.memory_space<hbm>>) dst(%dma_wait3A_28 : memref<640x128xf32, #tpu.memory_space<vmem_shared>>)
        tpu.yield
      }) : () -> ()
      %barrier3A = arith.constant 0 : index
      tpu.barrier barrier_id(%barrier3A)
      %scan3A = arith.constant 0 : i32
      %scan3A_18 = arith.constant 0 : i32
      %scan3A_19 = arith.constant 5 : i32
      %scan3A_20 = arith.addi %scan3A_18, %scan3A_19 : i32
      %scan3A_21 = arith.constant 1 : i32
      scf.for %scan3A_25 = %scan3A_18 to %scan3A_20 step %scan3A_21  : i32 {
        "tpu.region"() ({
          %run_scoped3A = tpu.sem_alloc : memref<!tpu.dma_semaphore, #tpu.memory_space<semaphore_mem>>
          %dma_start3A_62 = arith.constant 0 : i32
          %dma_start3A_63 = arith.constant 0 : i32
          %dma_start3A_64 = tpu.memref_slice %arg2[%arg1, %scan3A_25, %dma_start3A_62, %dma_start3A_63] : memref<16x5x25x80xi32, #tpu.memory_space<hbm>> -> memref<1x1x25x80xi32, #tpu.memory_space<hbm>>
          %dma_start3A_65 = tpu.memref_squeeze %dma_start3A_64 : memref<1x1x25x80xi32, #tpu.memory_space<hbm>> -> memref<25x80xi32, #tpu.memory_space<hbm>>
          %dma_start3A_66 = arith.constant 0 : i32
          %dma_start3A_67 = arith.constant 0 : i32
          %dma_start3A_68 = tpu.memref_slice %arg2[%arg1, %scan3A_25, %dma_start3A_66, %dma_start3A_67] : memref<16x5x25x80xi32, #tpu.memory_space<hbm>> -> memref<1x1x25x80xi32, #tpu.memory_space<hbm>>
          %dma_start3A_69 = tpu.memref_squeeze %dma_start3A_68 : memref<1x1x25x80xi32, #tpu.memory_space<hbm>> -> memref<25x80xi32, #tpu.memory_space<hbm>>
          tpu.enqueue_dma source(%dma_start3A_69 : memref<25x80xi32, #tpu.memory_space<hbm>>) target(%arg12 : memref<25x80xi32, #tpu.memory_space<vmem>>) target_semaphore(%run_scoped3A : memref<!tpu.dma_semaphore, #tpu.memory_space<semaphore_mem>>)
          %dma_wait3A_70 = arith.constant 0 : i32
          %dma_wait3A_71 = arith.constant 0 : i32
          %dma_wait3A_72 = tpu.memref_slice %arg2[%arg1, %scan3A_25, %dma_wait3A_70, %dma_wait3A_71] : memref<16x5x25x80xi32, #tpu.memory_space<hbm>> -> memref<1x1x25x80xi32, #tpu.memory_space<hbm>>
          %dma_wait3A_73 = tpu.memref_squeeze %dma_wait3A_72 : memref<1x1x25x80xi32, #tpu.memory_space<hbm>> -> memref<25x80xi32, #tpu.memory_space<hbm>>
          %dma_wait3A_74 = arith.constant 0 : i32
          %dma_wait3A_75 = arith.constant 0 : i32
          %dma_wait3A_76 = tpu.memref_slice %arg2[%arg1, %scan3A_25, %dma_wait3A_74, %dma_wait3A_75] : memref<16x5x25x80xi32, #tpu.memory_space<hbm>> -> memref<1x1x25x80xi32, #tpu.memory_space<hbm>>
          %dma_wait3A_77 = tpu.memref_squeeze %dma_wait3A_76 : memref<1x1x25x80xi32, #tpu.memory_space<hbm>> -> memref<25x80xi32, #tpu.memory_space<hbm>>
          tpu.wait_dma2 semaphore(%run_scoped3A : memref<!tpu.dma_semaphore, #tpu.memory_space<semaphore_mem>>) src(%dma_wait3A_77 : memref<25x80xi32, #tpu.memory_space<hbm>>) dst(%arg12 : memref<25x80xi32, #tpu.memory_space<vmem>>)
          tpu.yield
        }) : () -> ()
        "tpu.region"() ({
          %run_scoped3A = tpu.sem_alloc : memref<!tpu.dma_semaphore, #tpu.memory_space<semaphore_mem>>
          %dma_start3A_62 = arith.constant 0 : i32
          %dma_start3A_63 = arith.constant 0 : i32
          %dma_start3A_64 = tpu.memref_slice %arg3[%arg1, %scan3A_25, %dma_start3A_62, %dma_start3A_63] : memref<16x5x25x80xi32, #tpu.memory_space<hbm>> -> memref<1x1x25x80xi32, #tpu.memory_space<hbm>>
          %dma_start3A_65 = tpu.memref_squeeze %dma_start3A_64 : memref<1x1x25x80xi32, #tpu.memory_space<hbm>> -> memref<25x80xi32, #tpu.memory_space<hbm>>
          %dma_start3A_66 = arith.constant 0 : i32
          %dma_start3A_67 = arith.constant 0 : i32
          %dma_start3A_68 = tpu.memref_slice %arg3[%arg1, %scan3A_25, %dma_start3A_66, %dma_start3A_67] : memref<16x5x25x80xi32, #tpu.memory_space<hbm>> -> memref<1x1x25x80xi32, #tpu.memory_space<hbm>>
          %dma_start3A_69 = tpu.memref_squeeze %dma_start3A_68 : memref<1x1x25x80xi32, #tpu.memory_space<hbm>> -> memref<25x80xi32, #tpu.memory_space<hbm>>
          tpu.enqueue_dma source(%dma_start3A_69 : memref<25x80xi32, #tpu.memory_space<hbm>>) target(%arg13 : memref<25x80xi32, #tpu.memory_space<vmem>>) target_semaphore(%run_scoped3A : memref<!tpu.dma_semaphore, #tpu.memory_space<semaphore_mem>>)
          %dma_wait3A_70 = arith.constant 0 : i32
          %dma_wait3A_71 = arith.constant 0 : i32
          %dma_wait3A_72 = tpu.memref_slice %arg3[%arg1, %scan3A_25, %dma_wait3A_70, %dma_wait3A_71] : memref<16x5x25x80xi32, #tpu.memory_space<hbm>> -> memref<1x1x25x80xi32, #tpu.memory_space<hbm>>
          %dma_wait3A_73 = tpu.memref_squeeze %dma_wait3A_72 : memref<1x1x25x80xi32, #tpu.memory_space<hbm>> -> memref<25x80xi32, #tpu.memory_space<hbm>>
          %dma_wait3A_74 = arith.constant 0 : i32
          %dma_wait3A_75 = arith.constant 0 : i32
          %dma_wait3A_76 = tpu.memref_slice %arg3[%arg1, %scan3A_25, %dma_wait3A_74, %dma_wait3A_75] : memref<16x5x25x80xi32, #tpu.memory_space<hbm>> -> memref<1x1x25x80xi32, #tpu.memory_space<hbm>>
          %dma_wait3A_77 = tpu.memref_squeeze %dma_wait3A_76 : memref<1x1x25x80xi32, #tpu.memory_space<hbm>> -> memref<25x80xi32, #tpu.memory_space<hbm>>
          tpu.wait_dma2 semaphore(%run_scoped3A : memref<!tpu.dma_semaphore, #tpu.memory_space<semaphore_mem>>) src(%dma_wait3A_77 : memref<25x80xi32, #tpu.memory_space<hbm>>) dst(%arg13 : memref<25x80xi32, #tpu.memory_space<vmem>>)
          tpu.yield
        }) : () -> ()
        %dma_start3A = arith.constant 0 : i32
        %dma_start3A_26 = arith.constant 0 : i32
        %dma_start3A_27 = tpu.memref_slice %arg12[%dma_start3A, %dma_start3A_26] : memref<25x80xi32, #tpu.memory_space<vmem>> -> memref<1x80xi32, #tpu.memory_space<vmem>>
        %dma_start3A_28 = tpu.memref_squeeze %dma_start3A_27 : memref<1x80xi32, #tpu.memory_space<vmem>> -> memref<80xi32, #tpu.memory_space<vmem>>
        %dma_start3A_29 = arith.constant 0 : i32
        %dma_start3A_30 = arith.constant 0 : i32
        %dma_start3A_31 = tpu.memref_slice %arg4[%dma_start3A_29, %dma_start3A_30] : memref<10000x128xf32, #tpu.memory_space<hbm>> -> memref<10000x128xf32, #tpu.memory_space<hbm>>
        tpu.enqueue_indirect_dma source(%dma_start3A_31 : memref<10000x128xf32, #tpu.memory_space<hbm>>) target(%arg14 : memref<80x128xf32, #tpu.memory_space<vmem>>) offsets(%dma_start3A_28 : memref<80xi32, #tpu.memory_space<vmem>>) semaphore(%arg17 : memref<!tpu.dma_semaphore, #tpu.memory_space<semaphore_mem>>)
        %scan3A_32 = arith.constant 0 : i32
        %scan3A_33 = arith.constant 0 : i32
        %scan3A_34 = arith.constant 12 : i32
        %scan3A_35 = arith.addi %scan3A_33, %scan3A_34 : i32
        %scan3A_36 = arith.constant 1 : i32
        scf.for %scan3A_62 = %scan3A_33 to %scan3A_35 step %scan3A_36  : i32 {
          %mul3A_63 = arith.constant 2 : i32
          %mul3A_64 = arith.muli %mul3A_63, %scan3A_62 : i32
          %dma_wait3A_65 = arith.constant 0 : i32
          %dma_wait3A_66 = arith.constant 0 : i32
          %dma_wait3A_67 = tpu.memref_slice %arg4[%dma_wait3A_65, %dma_wait3A_66] : memref<10000x128xf32, #tpu.memory_space<hbm>> -> memref<80x128xf32, #tpu.memory_space<hbm>>
          %dma_wait3A_68 = arith.constant 0 : i32
          %dma_wait3A_69 = arith.constant 0 : i32
          %dma_wait3A_70 = tpu.memref_slice %arg4[%dma_wait3A_68, %dma_wait3A_69] : memref<10000x128xf32, #tpu.memory_space<hbm>> -> memref<80x128xf32, #tpu.memory_space<hbm>>
          tpu.wait_dma2 semaphore(%arg17 : memref<!tpu.dma_semaphore, #tpu.memory_space<semaphore_mem>>) src(%dma_wait3A_70 : memref<80x128xf32, #tpu.memory_space<hbm>>) dst(%arg14 : memref<80x128xf32, #tpu.memory_space<vmem>>)
          %gt3A = arith.constant 0 : i32
          %gt3A_71 = arith.cmpi sgt, %scan3A_62, %gt3A : i32
          %convert_element_type3A_72 = arith.extui %gt3A_71 : i1 to i32
          %cond3A_73 = arith.constant 0 : i32
          %cond3A_74 = arith.cmpi ne, %convert_element_type3A_72, %cond3A_73 : i32
          scf.if %cond3A_74 {
            %dma_wait3A_116 = arith.constant 0 : i32
            %dma_wait3A_117 = arith.constant 0 : i32
            %dma_wait3A_118 = tpu.memref_slice %arg16[%dma_wait3A_116, %dma_wait3A_117] : memref<10000x128xf32, #tpu.memory_space<vmem_shared>> -> memref<80x128xf32, #tpu.memory_space<vmem_shared>>
            %dma_wait3A_119 = arith.constant 0 : i32
            %dma_wait3A_120 = arith.constant 0 : i32
            %dma_wait3A_121 = tpu.memref_slice %arg16[%dma_wait3A_119, %dma_wait3A_120] : memref<10000x128xf32, #tpu.memory_space<vmem_shared>> -> memref<80x128xf32, #tpu.memory_space<vmem_shared>>
            tpu.wait_dma2 semaphore(%arg20 : memref<!tpu.dma_semaphore, #tpu.memory_space<semaphore_mem>>) src(%arg15 : memref<80x128xf32, #tpu.memory_space<vmem>>) dst(%dma_wait3A_121 : memref<80x128xf32, #tpu.memory_space<vmem_shared>>)
          } else {
          }
          %add3A = arith.constant 1 : i32
          %add3A_75 = arith.addi %mul3A_64, %add3A : i32
          %dma_start3A_76 = arith.constant 0 : i32
          %dma_start3A_77 = tpu.memref_slice %arg12[%add3A_75, %dma_start3A_76] : memref<25x80xi32, #tpu.memory_space<vmem>> -> memref<1x80xi32, #tpu.memory_space<vmem>>
          %dma_start3A_78 = tpu.memref_squeeze %dma_start3A_77 : memref<1x80xi32, #tpu.memory_space<vmem>> -> memref<80xi32, #tpu.memory_space<vmem>>
          %dma_start3A_79 = arith.constant 0 : i32
          %dma_start3A_80 = arith.constant 0 : i32
          %dma_start3A_81 = tpu.memref_slice %arg4[%dma_start3A_79, %dma_start3A_80] : memref<10000x128xf32, #tpu.memory_space<hbm>> -> memref<10000x128xf32, #tpu.memory_space<hbm>>
          tpu.enqueue_indirect_dma source(%dma_start3A_81 : memref<10000x128xf32, #tpu.memory_space<hbm>>) target(%arg15 : memref<80x128xf32, #tpu.memory_space<vmem>>) offsets(%dma_start3A_78 : memref<80xi32, #tpu.memory_space<vmem>>) semaphore(%arg18 : memref<!tpu.dma_semaphore, #tpu.memory_space<semaphore_mem>>)
          %dma_start3A_82 = arith.constant 0 : i32
          %dma_start3A_83 = tpu.memref_slice %arg13[%mul3A_64, %dma_start3A_82] : memref<25x80xi32, #tpu.memory_space<vmem>> -> memref<1x80xi32, #tpu.memory_space<vmem>>
          %dma_start3A_84 = tpu.memref_squeeze %dma_start3A_83 : memref<1x80xi32, #tpu.memory_space<vmem>> -> memref<80xi32, #tpu.memory_space<vmem>>
          %dma_start3A_85 = arith.constant 0 : i32
          %dma_start3A_86 = arith.constant 0 : i32
          %dma_start3A_87 = tpu.memref_slice %arg16[%dma_start3A_85, %dma_start3A_86] : memref<10000x128xf32, #tpu.memory_space<vmem_shared>> -> memref<10000x128xf32, #tpu.memory_space<vmem_shared>>
          tpu.enqueue_indirect_dma source(%arg14 : memref<80x128xf32, #tpu.memory_space<vmem>>) target(%dma_start3A_87 : memref<10000x128xf32, #tpu.memory_space<vmem_shared>>) offsets(%dma_start3A_84 : memref<80xi32, #tpu.memory_space<vmem>>) semaphore(%arg19 : memref<!tpu.dma_semaphore, #tpu.memory_space<semaphore_mem>>) {add = true}
          %dma_wait3A_88 = arith.constant 0 : i32
          %dma_wait3A_89 = arith.constant 0 : i32
          %dma_wait3A_90 = tpu.memref_slice %arg4[%dma_wait3A_88, %dma_wait3A_89] : memref<10000x128xf32, #tpu.memory_space<hbm>> -> memref<80x128xf32, #tpu.memory_space<hbm>>
          %dma_wait3A_91 = arith.constant 0 : i32
          %dma_wait3A_92 = arith.constant 0 : i32
          %dma_wait3A_93 = tpu.memref_slice %arg4[%dma_wait3A_91, %dma_wait3A_92] : memref<10000x128xf32, #tpu.memory_space<hbm>> -> memref<80x128xf32, #tpu.memory_space<hbm>>
          tpu.wait_dma2 semaphore(%arg18 : memref<!tpu.dma_semaphore, #tpu.memory_space<semaphore_mem>>) src(%dma_wait3A_93 : memref<80x128xf32, #tpu.memory_space<hbm>>) dst(%arg15 : memref<80x128xf32, #tpu.memory_space<vmem>>)
          %dma_wait3A_94 = arith.constant 0 : i32
          %dma_wait3A_95 = arith.constant 0 : i32
          %dma_wait3A_96 = tpu.memref_slice %arg16[%dma_wait3A_94, %dma_wait3A_95] : memref<10000x128xf32, #tpu.memory_space<vmem_shared>> -> memref<80x128xf32, #tpu.memory_space<vmem_shared>>
          %dma_wait3A_97 = arith.constant 0 : i32
          %dma_wait3A_98 = arith.constant 0 : i32
          %dma_wait3A_99 = tpu.memref_slice %arg16[%dma_wait3A_97, %dma_wait3A_98] : memref<10000x128xf32, #tpu.memory_space<vmem_shared>> -> memref<80x128xf32, #tpu.memory_space<vmem_shared>>
          tpu.wait_dma2 semaphore(%arg19 : memref<!tpu.dma_semaphore, #tpu.memory_space<semaphore_mem>>) src(%arg14 : memref<80x128xf32, #tpu.memory_space<vmem>>) dst(%dma_wait3A_99 : memref<80x128xf32, #tpu.memory_space<vmem_shared>>)
          %add3A_100 = arith.constant 2 : i32
          %add3A_101 = arith.addi %mul3A_64, %add3A_100 : i32
          %dma_start3A_102 = arith.constant 0 : i32
          %dma_start3A_103 = tpu.memref_slice %arg12[%add3A_101, %dma_start3A_102] : memref<25x80xi32, #tpu.memory_space<vmem>> -> memref<1x80xi32, #tpu.memory_space<vmem>>
          %dma_start3A_104 = tpu.memref_squeeze %dma_start3A_103 : memref<1x80xi32, #tpu.memory_space<vmem>> -> memref<80xi32, #tpu.memory_space<vmem>>
          %dma_start3A_105 = arith.constant 0 : i32
          %dma_start3A_106 = arith.constant 0 : i32
          %dma_start3A_107 = tpu.memref_slice %arg4[%dma_start3A_105, %dma_start3A_106] : memref<10000x128xf32, #tpu.memory_space<hbm>> -> memref<10000x128xf32, #tpu.memory_space<hbm>>
          tpu.enqueue_indirect_dma source(%dma_start3A_107 : memref<10000x128xf32, #tpu.memory_space<hbm>>) target(%arg14 : memref<80x128xf32, #tpu.memory_space<vmem>>) offsets(%dma_start3A_104 : memref<80xi32, #tpu.memory_space<vmem>>) semaphore(%arg17 : memref<!tpu.dma_semaphore, #tpu.memory_space<semaphore_mem>>)
          %add3A_108 = arith.constant 1 : i32
          %add3A_109 = arith.addi %mul3A_64, %add3A_108 : i32
          %dma_start3A_110 = arith.constant 0 : i32
          %dma_start3A_111 = tpu.memref_slice %arg13[%add3A_109, %dma_start3A_110] : memref<25x80xi32, #tpu.memory_space<vmem>> -> memref<1x80xi32, #tpu.memory_space<vmem>>
          %dma_start3A_112 = tpu.memref_squeeze %dma_start3A_111 : memref<1x80xi32, #tpu.memory_space<vmem>> -> memref<80xi32, #tpu.memory_space<vmem>>
          %dma_start3A_113 = arith.constant 0 : i32
          %dma_start3A_114 = arith.constant 0 : i32
          %dma_start3A_115 = tpu.memref_slice %arg16[%dma_start3A_113, %dma_start3A_114] : memref<10000x128xf32, #tpu.memory_space<vmem_shared>> -> memref<10000x128xf32, #tpu.memory_space<vmem_shared>>
          tpu.enqueue_indirect_dma source(%arg15 : memref<80x128xf32, #tpu.memory_space<vmem>>) target(%dma_start3A_115 : memref<10000x128xf32, #tpu.memory_space<vmem_shared>>) offsets(%dma_start3A_112 : memref<80xi32, #tpu.memory_space<vmem>>) semaphore(%arg20 : memref<!tpu.dma_semaphore, #tpu.memory_space<semaphore_mem>>) {add = true}
        }
        %scan3A_37 = arith.constant 12 : i32
        %dma_wait3A = arith.constant 0 : i32
        %dma_wait3A_38 = arith.constant 0 : i32
        %dma_wait3A_39 = tpu.memref_slice %arg4[%dma_wait3A, %dma_wait3A_38] : memref<10000x128xf32, #tpu.memory_space<hbm>> -> memref<80x128xf32, #tpu.memory_space<hbm>>
        %dma_wait3A_40 = arith.constant 0 : i32
        %dma_wait3A_41 = arith.constant 0 : i32
        %dma_wait3A_42 = tpu.memref_slice %arg4[%dma_wait3A_40, %dma_wait3A_41] : memref<10000x128xf32, #tpu.memory_space<hbm>> -> memref<80x128xf32, #tpu.memory_space<hbm>>
        tpu.wait_dma2 semaphore(%arg17 : memref<!tpu.dma_semaphore, #tpu.memory_space<semaphore_mem>>) src(%dma_wait3A_42 : memref<80x128xf32, #tpu.memory_space<hbm>>) dst(%arg14 : memref<80x128xf32, #tpu.memory_space<vmem>>)
        %dma_start3A_43 = arith.constant 24 : i32
        %dma_start3A_44 = arith.constant 0 : i32
        %dma_start3A_45 = tpu.memref_slice %arg13[%dma_start3A_43, %dma_start3A_44] : memref<25x80xi32, #tpu.memory_space<vmem>> -> memref<1x80xi32, #tpu.memory_space<vmem>>
        %dma_start3A_46 = tpu.memref_squeeze %dma_start3A_45 : memref<1x80xi32, #tpu.memory_space<vmem>> -> memref<80xi32, #tpu.memory_space<vmem>>
        %dma_start3A_47 = arith.constant 0 : i32
        %dma_start3A_48 = arith.constant 0 : i32
        %dma_start3A_49 = tpu.memref_slice %arg16[%dma_start3A_47, %dma_start3A_48] : memref<10000x128xf32, #tpu.memory_space<vmem_shared>> -> memref<10000x128xf32, #tpu.memory_space<vmem_shared>>
        tpu.enqueue_indirect_dma source(%arg14 : memref<80x128xf32, #tpu.memory_space<vmem>>) target(%dma_start3A_49 : memref<10000x128xf32, #tpu.memory_space<vmem_shared>>) offsets(%dma_start3A_46 : memref<80xi32, #tpu.memory_space<vmem>>) semaphore(%arg19 : memref<!tpu.dma_semaphore, #tpu.memory_space<semaphore_mem>>) {add = true}
        %dma_wait3A_50 = arith.constant 0 : i32
        %dma_wait3A_51 = arith.constant 0 : i32
        %dma_wait3A_52 = tpu.memref_slice %arg16[%dma_wait3A_50, %dma_wait3A_51] : memref<10000x128xf32, #tpu.memory_space<vmem_shared>> -> memref<80x128xf32, #tpu.memory_space<vmem_shared>>
        %dma_wait3A_53 = arith.constant 0 : i32
        %dma_wait3A_54 = arith.constant 0 : i32
        %dma_wait3A_55 = tpu.memref_slice %arg16[%dma_wait3A_53, %dma_wait3A_54] : memref<10000x128xf32, #tpu.memory_space<vmem_shared>> -> memref<80x128xf32, #tpu.memory_space<vmem_shared>>
        tpu.wait_dma2 semaphore(%arg20 : memref<!tpu.dma_semaphore, #tpu.memory_space<semaphore_mem>>) src(%arg15 : memref<80x128xf32, #tpu.memory_space<vmem>>) dst(%dma_wait3A_55 : memref<80x128xf32, #tpu.memory_space<vmem_shared>>)
        %dma_wait3A_56 = arith.constant 0 : i32
        %dma_wait3A_57 = arith.constant 0 : i32
        %dma_wait3A_58 = tpu.memref_slice %arg16[%dma_wait3A_56, %dma_wait3A_57] : memref<10000x128xf32, #tpu.memory_space<vmem_shared>> -> memref<80x128xf32, #tpu.memory_space<vmem_shared>>
        %dma_wait3A_59 = arith.constant 0 : i32
        %dma_wait3A_60 = arith.constant 0 : i32
        %dma_wait3A_61 = tpu.memref_slice %arg16[%dma_wait3A_59, %dma_wait3A_60] : memref<10000x128xf32, #tpu.memory_space<vmem_shared>> -> memref<80x128xf32, #tpu.memory_space<vmem_shared>>
        tpu.wait_dma2 semaphore(%arg19 : memref<!tpu.dma_semaphore, #tpu.memory_space<semaphore_mem>>) src(%arg14 : memref<80x128xf32, #tpu.memory_space<vmem>>) dst(%dma_wait3A_61 : memref<80x128xf32, #tpu.memory_space<vmem_shared>>)
      }
      %scan3A_22 = arith.constant 5 : i32
      %barrier3A_23 = arith.constant 0 : index
      tpu.barrier barrier_id(%barrier3A_23)
      "tpu.region"() ({
        %run_scoped3A = tpu.sem_alloc : memref<!tpu.dma_semaphore, #tpu.memory_space<semaphore_mem>>
        %dma_start3A = arith.constant 0 : i32
        %dma_start3A_25 = tpu.memref_slice %arg8[%mul3A_0, %dma_start3A] : memref<10000x128xf32, #tpu.memory_space<hbm>> -> memref<640x128xf32, #tpu.memory_space<hbm>>
        %dma_start3A_26 = arith.constant 0 : i32
        %dma_start3A_27 = tpu.memref_slice %arg16[%mul3A_0, %dma_start3A_26] : memref<10000x128xf32, #tpu.memory_space<vmem_shared>> -> memref<640x128xf32, #tpu.memory_space<vmem_shared>>
        tpu.enqueue_dma source(%dma_start3A_27 : memref<640x128xf32, #tpu.memory_space<vmem_shared>>) target(%dma_start3A_25 : memref<640x128xf32, #tpu.memory_space<hbm>>) target_semaphore(%run_scoped3A : memref<!tpu.dma_semaphore, #tpu.memory_space<semaphore_mem>>)
        %dma_wait3A = arith.constant 0 : i32
        %dma_wait3A_28 = tpu.memref_slice %arg8[%mul3A_0, %dma_wait3A] : memref<10000x128xf32, #tpu.memory_space<hbm>> -> memref<640x128xf32, #tpu.memory_space<hbm>>
        %dma_wait3A_29 = arith.constant 0 : i32
        %dma_wait3A_30 = tpu.memref_slice %arg16[%mul3A_0, %dma_wait3A_29] : memref<10000x128xf32, #tpu.memory_space<vmem_shared>> -> memref<640x128xf32, #tpu.memory_space<vmem_shared>>
        tpu.wait_dma2 semaphore(%run_scoped3A : memref<!tpu.dma_semaphore, #tpu.memory_space<semaphore_mem>>) src(%dma_wait3A_30 : memref<640x128xf32, #tpu.memory_space<vmem_shared>>) dst(%dma_wait3A_28 : memref<640x128xf32, #tpu.memory_space<hbm>>)
        tpu.yield
      }) : () -> ()
      %barrier3A_24 = arith.constant 0 : index
      tpu.barrier barrier_id(%barrier3A_24)
    } else {
    }
    %eq3A_3 = arith.constant 1 : i32
    %eq3A_4 = arith.cmpi eq, %arg0, %eq3A_3 : i32
    %convert_element_type3A_5 = arith.extui %eq3A_4 : i1 to i32
    %cond3A_6 = arith.constant 0 : i32
    %cond3A_7 = arith.cmpi ne, %convert_element_type3A_5, %cond3A_6 : i32
    scf.if %cond3A_7 {
      "tpu.region"() ({
        %run_scoped3A = tpu.sem_alloc : memref<!tpu.dma_semaphore, #tpu.memory_space<semaphore_mem>>
        %dma_start3A = arith.constant 0 : i32
        %dma_start3A_25 = tpu.memref_slice %arg16[%mul3A_0, %dma_start3A] : memref<10000x128xf32, #tpu.memory_space<vmem_shared>> -> memref<640x128xf32, #tpu.memory_space<vmem_shared>>
        %dma_start3A_26 = arith.constant 0 : i32
        %dma_start3A_27 = tpu.memref_slice %arg5[%mul3A_0, %dma_start3A_26] : memref<10000x128xf32, #tpu.memory_space<hbm>> -> memref<640x128xf32, #tpu.memory_space<hbm>>
        tpu.enqueue_dma source(%dma_start3A_27 : memref<640x128xf32, #tpu.memory_space<hbm>>) target(%dma_start3A_25 : memref<640x128xf32, #tpu.memory_space<vmem_shared>>) target_semaphore(%run_scoped3A : memref<!tpu.dma_semaphore, #tpu.memory_space<semaphore_mem>>)
        %dma_wait3A = arith.constant 0 : i32
        %dma_wait3A_28 = tpu.memref_slice %arg16[%mul3A_0, %dma_wait3A] : memref<10000x128xf32, #tpu.memory_space<vmem_shared>> -> memref<640x128xf32, #tpu.memory_space<vmem_shared>>
        %dma_wait3A_29 = arith.constant 0 : i32
        %dma_wait3A_30 = tpu.memref_slice %arg5[%mul3A_0, %dma_wait3A_29] : memref<10000x128xf32, #tpu.memory_space<hbm>> -> memref<640x128xf32, #tpu.memory_space<hbm>>
        tpu.wait_dma2 semaphore(%run_scoped3A : memref<!tpu.dma_semaphore, #tpu.memory_space<semaphore_mem>>) src(%dma_wait3A_30 : memref<640x128xf32, #tpu.memory_space<hbm>>) dst(%dma_wait3A_28 : memref<640x128xf32, #tpu.memory_space<vmem_shared>>)
        tpu.yield
      }) : () -> ()
      %barrier3A = arith.constant 0 : index
      tpu.barrier barrier_id(%barrier3A)
      %scan3A = arith.constant 0 : i32
      %scan3A_18 = arith.constant 0 : i32
      %scan3A_19 = arith.constant 5 : i32
      %scan3A_20 = arith.addi %scan3A_18, %scan3A_19 : i32
      %scan3A_21 = arith.constant 1 : i32
      scf.for %scan3A_25 = %scan3A_18 to %scan3A_20 step %scan3A_21  : i32 {
        "tpu.region"() ({
          %run_scoped3A = tpu.sem_alloc : memref<!tpu.dma_semaphore, #tpu.memory_space<semaphore_mem>>
          %dma_start3A_62 = arith.constant 0 : i32
          %dma_start3A_63 = arith.constant 0 : i32
          %dma_start3A_64 = tpu.memref_slice %arg2[%arg1, %scan3A_25, %dma_start3A_62, %dma_start3A_63] : memref<16x5x25x80xi32, #tpu.memory_space<hbm>> -> memref<1x1x25x80xi32, #tpu.memory_space<hbm>>
          %dma_start3A_65 = tpu.memref_squeeze %dma_start3A_64 : memref<1x1x25x80xi32, #tpu.memory_space<hbm>> -> memref<25x80xi32, #tpu.memory_space<hbm>>
          %dma_start3A_66 = arith.constant 0 : i32
          %dma_start3A_67 = arith.constant 0 : i32
          %dma_start3A_68 = tpu.memref_slice %arg2[%arg1, %scan3A_25, %dma_start3A_66, %dma_start3A_67] : memref<16x5x25x80xi32, #tpu.memory_space<hbm>> -> memref<1x1x25x80xi32, #tpu.memory_space<hbm>>
          %dma_start3A_69 = tpu.memref_squeeze %dma_start3A_68 : memref<1x1x25x80xi32, #tpu.memory_space<hbm>> -> memref<25x80xi32, #tpu.memory_space<hbm>>
          tpu.enqueue_dma source(%dma_start3A_69 : memref<25x80xi32, #tpu.memory_space<hbm>>) target(%arg12 : memref<25x80xi32, #tpu.memory_space<vmem>>) target_semaphore(%run_scoped3A : memref<!tpu.dma_semaphore, #tpu.memory_space<semaphore_mem>>)
          %dma_wait3A_70 = arith.constant 0 : i32
          %dma_wait3A_71 = arith.constant 0 : i32
          %dma_wait3A_72 = tpu.memref_slice %arg2[%arg1, %scan3A_25, %dma_wait3A_70, %dma_wait3A_71] : memref<16x5x25x80xi32, #tpu.memory_space<hbm>> -> memref<1x1x25x80xi32, #tpu.memory_space<hbm>>
          %dma_wait3A_73 = tpu.memref_squeeze %dma_wait3A_72 : memref<1x1x25x80xi32, #tpu.memory_space<hbm>> -> memref<25x80xi32, #tpu.memory_space<hbm>>
          %dma_wait3A_74 = arith.constant 0 : i32
          %dma_wait3A_75 = arith.constant 0 : i32
          %dma_wait3A_76 = tpu.memref_slice %arg2[%arg1, %scan3A_25, %dma_wait3A_74, %dma_wait3A_75] : memref<16x5x25x80xi32, #tpu.memory_space<hbm>> -> memref<1x1x25x80xi32, #tpu.memory_space<hbm>>
          %dma_wait3A_77 = tpu.memref_squeeze %dma_wait3A_76 : memref<1x1x25x80xi32, #tpu.memory_space<hbm>> -> memref<25x80xi32, #tpu.memory_space<hbm>>
          tpu.wait_dma2 semaphore(%run_scoped3A : memref<!tpu.dma_semaphore, #tpu.memory_space<semaphore_mem>>) src(%dma_wait3A_77 : memref<25x80xi32, #tpu.memory_space<hbm>>) dst(%arg12 : memref<25x80xi32, #tpu.memory_space<vmem>>)
          tpu.yield
        }) : () -> ()
        "tpu.region"() ({
          %run_scoped3A = tpu.sem_alloc : memref<!tpu.dma_semaphore, #tpu.memory_space<semaphore_mem>>
          %dma_start3A_62 = arith.constant 0 : i32
          %dma_start3A_63 = arith.constant 0 : i32
          %dma_start3A_64 = tpu.memref_slice %arg3[%arg1, %scan3A_25, %dma_start3A_62, %dma_start3A_63] : memref<16x5x25x80xi32, #tpu.memory_space<hbm>> -> memref<1x1x25x80xi32, #tpu.memory_space<hbm>>
          %dma_start3A_65 = tpu.memref_squeeze %dma_start3A_64 : memref<1x1x25x80xi32, #tpu.memory_space<hbm>> -> memref<25x80xi32, #tpu.memory_space<hbm>>
          %dma_start3A_66 = arith.constant 0 : i32
          %dma_start3A_67 = arith.constant 0 : i32
          %dma_start3A_68 = tpu.memref_slice %arg3[%arg1, %scan3A_25, %dma_start3A_66, %dma_start3A_67] : memref<16x5x25x80xi32, #tpu.memory_space<hbm>> -> memref<1x1x25x80xi32, #tpu.memory_space<hbm>>
          %dma_start3A_69 = tpu.memref_squeeze %dma_start3A_68 : memref<1x1x25x80xi32, #tpu.memory_space<hbm>> -> memref<25x80xi32, #tpu.memory_space<hbm>>
          tpu.enqueue_dma source(%dma_start3A_69 : memref<25x80xi32, #tpu.memory_space<hbm>>) target(%arg13 : memref<25x80xi32, #tpu.memory_space<vmem>>) target_semaphore(%run_scoped3A : memref<!tpu.dma_semaphore, #tpu.memory_space<semaphore_mem>>)
          %dma_wait3A_70 = arith.constant 0 : i32
          %dma_wait3A_71 = arith.constant 0 : i32
          %dma_wait3A_72 = tpu.memref_slice %arg3[%arg1, %scan3A_25, %dma_wait3A_70, %dma_wait3A_71] : memref<16x5x25x80xi32, #tpu.memory_space<hbm>> -> memref<1x1x25x80xi32, #tpu.memory_space<hbm>>
          %dma_wait3A_73 = tpu.memref_squeeze %dma_wait3A_72 : memref<1x1x25x80xi32, #tpu.memory_space<hbm>> -> memref<25x80xi32, #tpu.memory_space<hbm>>
          %dma_wait3A_74 = arith.constant 0 : i32
          %dma_wait3A_75 = arith.constant 0 : i32
          %dma_wait3A_76 = tpu.memref_slice %arg3[%arg1, %scan3A_25, %dma_wait3A_74, %dma_wait3A_75] : memref<16x5x25x80xi32, #tpu.memory_space<hbm>> -> memref<1x1x25x80xi32, #tpu.memory_space<hbm>>
          %dma_wait3A_77 = tpu.memref_squeeze %dma_wait3A_76 : memref<1x1x25x80xi32, #tpu.memory_space<hbm>> -> memref<25x80xi32, #tpu.memory_space<hbm>>
          tpu.wait_dma2 semaphore(%run_scoped3A : memref<!tpu.dma_semaphore, #tpu.memory_space<semaphore_mem>>) src(%dma_wait3A_77 : memref<25x80xi32, #tpu.memory_space<hbm>>) dst(%arg13 : memref<25x80xi32, #tpu.memory_space<vmem>>)
          tpu.yield
        }) : () -> ()
        %dma_start3A = arith.constant 0 : i32
        %dma_start3A_26 = arith.constant 0 : i32
        %dma_start3A_27 = tpu.memref_slice %arg12[%dma_start3A, %dma_start3A_26] : memref<25x80xi32, #tpu.memory_space<vmem>> -> memref<1x80xi32, #tpu.memory_space<vmem>>
        %dma_start3A_28 = tpu.memref_squeeze %dma_start3A_27 : memref<1x80xi32, #tpu.memory_space<vmem>> -> memref<80xi32, #tpu.memory_space<vmem>>
        %dma_start3A_29 = arith.constant 0 : i32
        %dma_start3A_30 = arith.constant 0 : i32
        %dma_start3A_31 = tpu.memref_slice %arg5[%dma_start3A_29, %dma_start3A_30] : memref<10000x128xf32, #tpu.memory_space<hbm>> -> memref<10000x128xf32, #tpu.memory_space<hbm>>
        tpu.enqueue_indirect_dma source(%dma_start3A_31 : memref<10000x128xf32, #tpu.memory_space<hbm>>) target(%arg14 : memref<80x128xf32, #tpu.memory_space<vmem>>) offsets(%dma_start3A_28 : memref<80xi32, #tpu.memory_space<vmem>>) semaphore(%arg17 : memref<!tpu.dma_semaphore, #tpu.memory_space<semaphore_mem>>)
        %scan3A_32 = arith.constant 0 : i32
        %scan3A_33 = arith.constant 0 : i32
        %scan3A_34 = arith.constant 12 : i32
        %scan3A_35 = arith.addi %scan3A_33, %scan3A_34 : i32
        %scan3A_36 = arith.constant 1 : i32
        scf.for %scan3A_62 = %scan3A_33 to %scan3A_35 step %scan3A_36  : i32 {
          %mul3A_63 = arith.constant 2 : i32
          %mul3A_64 = arith.muli %mul3A_63, %scan3A_62 : i32
          %dma_wait3A_65 = arith.constant 0 : i32
          %dma_wait3A_66 = arith.constant 0 : i32
          %dma_wait3A_67 = tpu.memref_slice %arg5[%dma_wait3A_65, %dma_wait3A_66] : memref<10000x128xf32, #tpu.memory_space<hbm>> -> memref<80x128xf32, #tpu.memory_space<hbm>>
          %dma_wait3A_68 = arith.constant 0 : i32
          %dma_wait3A_69 = arith.constant 0 : i32
          %dma_wait3A_70 = tpu.memref_slice %arg5[%dma_wait3A_68, %dma_wait3A_69] : memref<10000x128xf32, #tpu.memory_space<hbm>> -> memref<80x128xf32, #tpu.memory_space<hbm>>
          tpu.wait_dma2 semaphore(%arg17 : memref<!tpu.dma_semaphore, #tpu.memory_space<semaphore_mem>>) src(%dma_wait3A_70 : memref<80x128xf32, #tpu.memory_space<hbm>>) dst(%arg14 : memref<80x128xf32, #tpu.memory_space<vmem>>)
          %gt3A = arith.constant 0 : i32
          %gt3A_71 = arith.cmpi sgt, %scan3A_62, %gt3A : i32
          %convert_element_type3A_72 = arith.extui %gt3A_71 : i1 to i32
          %cond3A_73 = arith.constant 0 : i32
          %cond3A_74 = arith.cmpi ne, %convert_element_type3A_72, %cond3A_73 : i32
          scf.if %cond3A_74 {
            %dma_wait3A_116 = arith.constant 0 : i32
            %dma_wait3A_117 = arith.constant 0 : i32
            %dma_wait3A_118 = tpu.memref_slice %arg16[%dma_wait3A_116, %dma_wait3A_117] : memref<10000x128xf32, #tpu.memory_space<vmem_shared>> -> memref<80x128xf32, #tpu.memory_space<vmem_shared>>
            %dma_wait3A_119 = arith.constant 0 : i32
            %dma_wait3A_120 = arith.constant 0 : i32
            %dma_wait3A_121 = tpu.memref_slice %arg16[%dma_wait3A_119, %dma_wait3A_120] : memref<10000x128xf32, #tpu.memory_space<vmem_shared>> -> memref<80x128xf32, #tpu.memory_space<vmem_shared>>
            tpu.wait_dma2 semaphore(%arg20 : memref<!tpu.dma_semaphore, #tpu.memory_space<semaphore_mem>>) src(%arg15 : memref<80x128xf32, #tpu.memory_space<vmem>>) dst(%dma_wait3A_121 : memref<80x128xf32, #tpu.memory_space<vmem_shared>>)
          } else {
          }
          %add3A = arith.constant 1 : i32
          %add3A_75 = arith.addi %mul3A_64, %add3A : i32
          %dma_start3A_76 = arith.constant 0 : i32
          %dma_start3A_77 = tpu.memref_slice %arg12[%add3A_75, %dma_start3A_76] : memref<25x80xi32, #tpu.memory_space<vmem>> -> memref<1x80xi32, #tpu.memory_space<vmem>>
          %dma_start3A_78 = tpu.memref_squeeze %dma_start3A_77 : memref<1x80xi32, #tpu.memory_space<vmem>> -> memref<80xi32, #tpu.memory_space<vmem>>
          %dma_start3A_79 = arith.constant 0 : i32
          %dma_start3A_80 = arith.constant 0 : i32
          %dma_start3A_81 = tpu.memref_slice %arg5[%dma_start3A_79, %dma_start3A_80] : memref<10000x128xf32, #tpu.memory_space<hbm>> -> memref<10000x128xf32, #tpu.memory_space<hbm>>
          tpu.enqueue_indirect_dma source(%dma_start3A_81 : memref<10000x128xf32, #tpu.memory_space<hbm>>) target(%arg15 : memref<80x128xf32, #tpu.memory_space<vmem>>) offsets(%dma_start3A_78 : memref<80xi32, #tpu.memory_space<vmem>>) semaphore(%arg18 : memref<!tpu.dma_semaphore, #tpu.memory_space<semaphore_mem>>)
          %dma_start3A_82 = arith.constant 0 : i32
          %dma_start3A_83 = tpu.memref_slice %arg13[%mul3A_64, %dma_start3A_82] : memref<25x80xi32, #tpu.memory_space<vmem>> -> memref<1x80xi32, #tpu.memory_space<vmem>>
          %dma_start3A_84 = tpu.memref_squeeze %dma_start3A_83 : memref<1x80xi32, #tpu.memory_space<vmem>> -> memref<80xi32, #tpu.memory_space<vmem>>
          %dma_start3A_85 = arith.constant 0 : i32
          %dma_start3A_86 = arith.constant 0 : i32
          %dma_start3A_87 = tpu.memref_slice %arg16[%dma_start3A_85, %dma_start3A_86] : memref<10000x128xf32, #tpu.memory_space<vmem_shared>> -> memref<10000x128xf32, #tpu.memory_space<vmem_shared>>
          tpu.enqueue_indirect_dma source(%arg14 : memref<80x128xf32, #tpu.memory_space<vmem>>) target(%dma_start3A_87 : memref<10000x128xf32, #tpu.memory_space<vmem_shared>>) offsets(%dma_start3A_84 : memref<80xi32, #tpu.memory_space<vmem>>) semaphore(%arg19 : memref<!tpu.dma_semaphore, #tpu.memory_space<semaphore_mem>>) {add = true}
          %dma_wait3A_88 = arith.constant 0 : i32
          %dma_wait3A_89 = arith.constant 0 : i32
          %dma_wait3A_90 = tpu.memref_slice %arg5[%dma_wait3A_88, %dma_wait3A_89] : memref<10000x128xf32, #tpu.memory_space<hbm>> -> memref<80x128xf32, #tpu.memory_space<hbm>>
          %dma_wait3A_91 = arith.constant 0 : i32
          %dma_wait3A_92 = arith.constant 0 : i32
          %dma_wait3A_93 = tpu.memref_slice %arg5[%dma_wait3A_91, %dma_wait3A_92] : memref<10000x128xf32, #tpu.memory_space<hbm>> -> memref<80x128xf32, #tpu.memory_space<hbm>>
          tpu.wait_dma2 semaphore(%arg18 : memref<!tpu.dma_semaphore, #tpu.memory_space<semaphore_mem>>) src(%dma_wait3A_93 : memref<80x128xf32, #tpu.memory_space<hbm>>) dst(%arg15 : memref<80x128xf32, #tpu.memory_space<vmem>>)
          %dma_wait3A_94 = arith.constant 0 : i32
          %dma_wait3A_95 = arith.constant 0 : i32
          %dma_wait3A_96 = tpu.memref_slice %arg16[%dma_wait3A_94, %dma_wait3A_95] : memref<10000x128xf32, #tpu.memory_space<vmem_shared>> -> memref<80x128xf32, #tpu.memory_space<vmem_shared>>
          %dma_wait3A_97 = arith.constant 0 : i32
          %dma_wait3A_98 = arith.constant 0 : i32
          %dma_wait3A_99 = tpu.memref_slice %arg16[%dma_wait3A_97, %dma_wait3A_98] : memref<10000x128xf32, #tpu.memory_space<vmem_shared>> -> memref<80x128xf32, #tpu.memory_space<vmem_shared>>
          tpu.wait_dma2 semaphore(%arg19 : memref<!tpu.dma_semaphore, #tpu.memory_space<semaphore_mem>>) src(%arg14 : memref<80x128xf32, #tpu.memory_space<vmem>>) dst(%dma_wait3A_99 : memref<80x128xf32, #tpu.memory_space<vmem_shared>>)
          %add3A_100 = arith.constant 2 : i32
          %add3A_101 = arith.addi %mul3A_64, %add3A_100 : i32
          %dma_start3A_102 = arith.constant 0 : i32
          %dma_start3A_103 = tpu.memref_slice %arg12[%add3A_101, %dma_start3A_102] : memref<25x80xi32, #tpu.memory_space<vmem>> -> memref<1x80xi32, #tpu.memory_space<vmem>>
          %dma_start3A_104 = tpu.memref_squeeze %dma_start3A_103 : memref<1x80xi32, #tpu.memory_space<vmem>> -> memref<80xi32, #tpu.memory_space<vmem>>
          %dma_start3A_105 = arith.constant 0 : i32
          %dma_start3A_106 = arith.constant 0 : i32
          %dma_start3A_107 = tpu.memref_slice %arg5[%dma_start3A_105, %dma_start3A_106] : memref<10000x128xf32, #tpu.memory_space<hbm>> -> memref<10000x128xf32, #tpu.memory_space<hbm>>
          tpu.enqueue_indirect_dma source(%dma_start3A_107 : memref<10000x128xf32, #tpu.memory_space<hbm>>) target(%arg14 : memref<80x128xf32, #tpu.memory_space<vmem>>) offsets(%dma_start3A_104 : memref<80xi32, #tpu.memory_space<vmem>>) semaphore(%arg17 : memref<!tpu.dma_semaphore, #tpu.memory_space<semaphore_mem>>)
          %add3A_108 = arith.constant 1 : i32
          %add3A_109 = arith.addi %mul3A_64, %add3A_108 : i32
          %dma_start3A_110 = arith.constant 0 : i32
          %dma_start3A_111 = tpu.memref_slice %arg13[%add3A_109, %dma_start3A_110] : memref<25x80xi32, #tpu.memory_space<vmem>> -> memref<1x80xi32, #tpu.memory_space<vmem>>
          %dma_start3A_112 = tpu.memref_squeeze %dma_start3A_111 : memref<1x80xi32, #tpu.memory_space<vmem>> -> memref<80xi32, #tpu.memory_space<vmem>>
          %dma_start3A_113 = arith.constant 0 : i32
          %dma_start3A_114 = arith.constant 0 : i32
          %dma_start3A_115 = tpu.memref_slice %arg16[%dma_start3A_113, %dma_start3A_114] : memref<10000x128xf32, #tpu.memory_space<vmem_shared>> -> memref<10000x128xf32, #tpu.memory_space<vmem_shared>>
          tpu.enqueue_indirect_dma source(%arg15 : memref<80x128xf32, #tpu.memory_space<vmem>>) target(%dma_start3A_115 : memref<10000x128xf32, #tpu.memory_space<vmem_shared>>) offsets(%dma_start3A_112 : memref<80xi32, #tpu.memory_space<vmem>>) semaphore(%arg20 : memref<!tpu.dma_semaphore, #tpu.memory_space<semaphore_mem>>) {add = true}
        }
        %scan3A_37 = arith.constant 12 : i32
        %dma_wait3A = arith.constant 0 : i32
        %dma_wait3A_38 = arith.constant 0 : i32
        %dma_wait3A_39 = tpu.memref_slice %arg5[%dma_wait3A, %dma_wait3A_38] : memref<10000x128xf32, #tpu.memory_space<hbm>> -> memref<80x128xf32, #tpu.memory_space<hbm>>
        %dma_wait3A_40 = arith.constant 0 : i32
        %dma_wait3A_41 = arith.constant 0 : i32
        %dma_wait3A_42 = tpu.memref_slice %arg5[%dma_wait3A_40, %dma_wait3A_41] : memref<10000x128xf32, #tpu.memory_space<hbm>> -> memref<80x128xf32, #tpu.memory_space<hbm>>
        tpu.wait_dma2 semaphore(%arg17 : memref<!tpu.dma_semaphore, #tpu.memory_space<semaphore_mem>>) src(%dma_wait3A_42 : memref<80x128xf32, #tpu.memory_space<hbm>>) dst(%arg14 : memref<80x128xf32, #tpu.memory_space<vmem>>)
        %dma_start3A_43 = arith.constant 24 : i32
        %dma_start3A_44 = arith.constant 0 : i32
        %dma_start3A_45 = tpu.memref_slice %arg13[%dma_start3A_43, %dma_start3A_44] : memref<25x80xi32, #tpu.memory_space<vmem>> -> memref<1x80xi32, #tpu.memory_space<vmem>>
        %dma_start3A_46 = tpu.memref_squeeze %dma_start3A_45 : memref<1x80xi32, #tpu.memory_space<vmem>> -> memref<80xi32, #tpu.memory_space<vmem>>
        %dma_start3A_47 = arith.constant 0 : i32
        %dma_start3A_48 = arith.constant 0 : i32
        %dma_start3A_49 = tpu.memref_slice %arg16[%dma_start3A_47, %dma_start3A_48] : memref<10000x128xf32, #tpu.memory_space<vmem_shared>> -> memref<10000x128xf32, #tpu.memory_space<vmem_shared>>
        tpu.enqueue_indirect_dma source(%arg14 : memref<80x128xf32, #tpu.memory_space<vmem>>) target(%dma_start3A_49 : memref<10000x128xf32, #tpu.memory_space<vmem_shared>>) offsets(%dma_start3A_46 : memref<80xi32, #tpu.memory_space<vmem>>) semaphore(%arg19 : memref<!tpu.dma_semaphore, #tpu.memory_space<semaphore_mem>>) {add = true}
        %dma_wait3A_50 = arith.constant 0 : i32
        %dma_wait3A_51 = arith.constant 0 : i32
        %dma_wait3A_52 = tpu.memref_slice %arg16[%dma_wait3A_50, %dma_wait3A_51] : memref<10000x128xf32, #tpu.memory_space<vmem_shared>> -> memref<80x128xf32, #tpu.memory_space<vmem_shared>>
        %dma_wait3A_53 = arith.constant 0 : i32
        %dma_wait3A_54 = arith.constant 0 : i32
        %dma_wait3A_55 = tpu.memref_slice %arg16[%dma_wait3A_53, %dma_wait3A_54] : memref<10000x128xf32, #tpu.memory_space<vmem_shared>> -> memref<80x128xf32, #tpu.memory_space<vmem_shared>>
        tpu.wait_dma2 semaphore(%arg20 : memref<!tpu.dma_semaphore, #tpu.memory_space<semaphore_mem>>) src(%arg15 : memref<80x128xf32, #tpu.memory_space<vmem>>) dst(%dma_wait3A_55 : memref<80x128xf32, #tpu.memory_space<vmem_shared>>)
        %dma_wait3A_56 = arith.constant 0 : i32
        %dma_wait3A_57 = arith.constant 0 : i32
        %dma_wait3A_58 = tpu.memref_slice %arg16[%dma_wait3A_56, %dma_wait3A_57] : memref<10000x128xf32, #tpu.memory_space<vmem_shared>> -> memref<80x128xf32, #tpu.memory_space<vmem_shared>>
        %dma_wait3A_59 = arith.constant 0 : i32
        %dma_wait3A_60 = arith.constant 0 : i32
        %dma_wait3A_61 = tpu.memref_slice %arg16[%dma_wait3A_59, %dma_wait3A_60] : memref<10000x128xf32, #tpu.memory_space<vmem_shared>> -> memref<80x128xf32, #tpu.memory_space<vmem_shared>>
        tpu.wait_dma2 semaphore(%arg19 : memref<!tpu.dma_semaphore, #tpu.memory_space<semaphore_mem>>) src(%arg14 : memref<80x128xf32, #tpu.memory_space<vmem>>) dst(%dma_wait3A_61 : memref<80x128xf32, #tpu.memory_space<vmem_shared>>)
      }
      %scan3A_22 = arith.constant 5 : i32
      %barrier3A_23 = arith.constant 0 : index
      tpu.barrier barrier_id(%barrier3A_23)
      "tpu.region"() ({
        %run_scoped3A = tpu.sem_alloc : memref<!tpu.dma_semaphore, #tpu.memory_space<semaphore_mem>>
        %dma_start3A = arith.constant 0 : i32
        %dma_start3A_25 = tpu.memref_slice %arg9[%mul3A_0, %dma_start3A] : memref<10000x128xf32, #tpu.memory_space<hbm>> -> memref<640x128xf32, #tpu.memory_space<hbm>>
        %dma_start3A_26 = arith.constant 0 : i32
        %dma_start3A_27 = tpu.memref_slice %arg16[%mul3A_0, %dma_start3A_26] : memref<10000x128xf32, #tpu.memory_space<vmem_shared>> -> memref<640x128xf32, #tpu.memory_space<vmem_shared>>
        tpu.enqueue_dma source(%dma_start3A_27 : memref<640x128xf32, #tpu.memory_space<vmem_shared>>) target(%dma_start3A_25 : memref<640x128xf32, #tpu.memory_space<hbm>>) target_semaphore(%run_scoped3A : memref<!tpu.dma_semaphore, #tpu.memory_space<semaphore_mem>>)
        %dma_wait3A = arith.constant 0 : i32
        %dma_wait3A_28 = tpu.memref_slice %arg9[%mul3A_0, %dma_wait3A] : memref<10000x128xf32, #tpu.memory_space<hbm>> -> memref<640x128xf32, #tpu.memory_space<hbm>>
        %dma_wait3A_29 = arith.constant 0 : i32
        %dma_wait3A_30 = tpu.memref_slice %arg16[%mul3A_0, %dma_wait3A_29] : memref<10000x128xf32, #tpu.memory_space<vmem_shared>> -> memref<640x128xf32, #tpu.memory_space<vmem_shared>>
        tpu.wait_dma2 semaphore(%run_scoped3A : memref<!tpu.dma_semaphore, #tpu.memory_space<semaphore_mem>>) src(%dma_wait3A_30 : memref<640x128xf32, #tpu.memory_space<vmem_shared>>) dst(%dma_wait3A_28 : memref<640x128xf32, #tpu.memory_space<hbm>>)
        tpu.yield
      }) : () -> ()
      %barrier3A_24 = arith.constant 0 : index
      tpu.barrier barrier_id(%barrier3A_24)
    } else {
    }
    %eq3A_8 = arith.constant 0 : i32
    %eq3A_9 = arith.cmpi eq, %arg0, %eq3A_8 : i32
    %convert_element_type3A_10 = arith.extui %eq3A_9 : i1 to i32
    %cond3A_11 = arith.constant 0 : i32
    %cond3A_12 = arith.cmpi ne, %convert_element_type3A_10, %cond3A_11 : i32
    scf.if %cond3A_12 {
      "tpu.region"() ({
        %run_scoped3A = tpu.sem_alloc : memref<!tpu.dma_semaphore, #tpu.memory_space<semaphore_mem>>
        %dma_start3A = arith.constant 0 : i32
        %dma_start3A_25 = tpu.memref_slice %arg16[%mul3A_0, %dma_start3A] : memref<10000x128xf32, #tpu.memory_space<vmem_shared>> -> memref<640x128xf32, #tpu.memory_space<vmem_shared>>
        %dma_start3A_26 = arith.constant 0 : i32
        %dma_start3A_27 = tpu.memref_slice %arg6[%mul3A_0, %dma_start3A_26] : memref<10000x128xf32, #tpu.memory_space<hbm>> -> memref<640x128xf32, #tpu.memory_space<hbm>>
        tpu.enqueue_dma source(%dma_start3A_27 : memref<640x128xf32, #tpu.memory_space<hbm>>) target(%dma_start3A_25 : memref<640x128xf32, #tpu.memory_space<vmem_shared>>) target_semaphore(%run_scoped3A : memref<!tpu.dma_semaphore, #tpu.memory_space<semaphore_mem>>)
        %dma_wait3A = arith.constant 0 : i32
        %dma_wait3A_28 = tpu.memref_slice %arg16[%mul3A_0, %dma_wait3A] : memref<10000x128xf32, #tpu.memory_space<vmem_shared>> -> memref<640x128xf32, #tpu.memory_space<vmem_shared>>
        %dma_wait3A_29 = arith.constant 0 : i32
        %dma_wait3A_30 = tpu.memref_slice %arg6[%mul3A_0, %dma_wait3A_29] : memref<10000x128xf32, #tpu.memory_space<hbm>> -> memref<640x128xf32, #tpu.memory_space<hbm>>
        tpu.wait_dma2 semaphore(%run_scoped3A : memref<!tpu.dma_semaphore, #tpu.memory_space<semaphore_mem>>) src(%dma_wait3A_30 : memref<640x128xf32, #tpu.memory_space<hbm>>) dst(%dma_wait3A_28 : memref<640x128xf32, #tpu.memory_space<vmem_shared>>)
        tpu.yield
      }) : () -> ()
      %barrier3A = arith.constant 0 : index
      tpu.barrier barrier_id(%barrier3A)
      %scan3A = arith.constant 0 : i32
      %scan3A_18 = arith.constant 0 : i32
      %scan3A_19 = arith.constant 5 : i32
      %scan3A_20 = arith.addi %scan3A_18, %scan3A_19 : i32
      %scan3A_21 = arith.constant 1 : i32
      scf.for %scan3A_25 = %scan3A_18 to %scan3A_20 step %scan3A_21  : i32 {
        "tpu.region"() ({
          %run_scoped3A = tpu.sem_alloc : memref<!tpu.dma_semaphore, #tpu.memory_space<semaphore_mem>>
          %dma_start3A_62 = arith.constant 0 : i32
          %dma_start3A_63 = arith.constant 0 : i32
          %dma_start3A_64 = tpu.memref_slice %arg2[%arg1, %scan3A_25, %dma_start3A_62, %dma_start3A_63] : memref<16x5x25x80xi32, #tpu.memory_space<hbm>> -> memref<1x1x25x80xi32, #tpu.memory_space<hbm>>
          %dma_start3A_65 = tpu.memref_squeeze %dma_start3A_64 : memref<1x1x25x80xi32, #tpu.memory_space<hbm>> -> memref<25x80xi32, #tpu.memory_space<hbm>>
          %dma_start3A_66 = arith.constant 0 : i32
          %dma_start3A_67 = arith.constant 0 : i32
          %dma_start3A_68 = tpu.memref_slice %arg2[%arg1, %scan3A_25, %dma_start3A_66, %dma_start3A_67] : memref<16x5x25x80xi32, #tpu.memory_space<hbm>> -> memref<1x1x25x80xi32, #tpu.memory_space<hbm>>
          %dma_start3A_69 = tpu.memref_squeeze %dma_start3A_68 : memref<1x1x25x80xi32, #tpu.memory_space<hbm>> -> memref<25x80xi32, #tpu.memory_space<hbm>>
          tpu.enqueue_dma source(%dma_start3A_69 : memref<25x80xi32, #tpu.memory_space<hbm>>) target(%arg12 : memref<25x80xi32, #tpu.memory_space<vmem>>) target_semaphore(%run_scoped3A : memref<!tpu.dma_semaphore, #tpu.memory_space<semaphore_mem>>)
          %dma_wait3A_70 = arith.constant 0 : i32
          %dma_wait3A_71 = arith.constant 0 : i32
          %dma_wait3A_72 = tpu.memref_slice %arg2[%arg1, %scan3A_25, %dma_wait3A_70, %dma_wait3A_71] : memref<16x5x25x80xi32, #tpu.memory_space<hbm>> -> memref<1x1x25x80xi32, #tpu.memory_space<hbm>>
          %dma_wait3A_73 = tpu.memref_squeeze %dma_wait3A_72 : memref<1x1x25x80xi32, #tpu.memory_space<hbm>> -> memref<25x80xi32, #tpu.memory_space<hbm>>
          %dma_wait3A_74 = arith.constant 0 : i32
          %dma_wait3A_75 = arith.constant 0 : i32
          %dma_wait3A_76 = tpu.memref_slice %arg2[%arg1, %scan3A_25, %dma_wait3A_74, %dma_wait3A_75] : memref<16x5x25x80xi32, #tpu.memory_space<hbm>> -> memref<1x1x25x80xi32, #tpu.memory_space<hbm>>
          %dma_wait3A_77 = tpu.memref_squeeze %dma_wait3A_76 : memref<1x1x25x80xi32, #tpu.memory_space<hbm>> -> memref<25x80xi32, #tpu.memory_space<hbm>>
          tpu.wait_dma2 semaphore(%run_scoped3A : memref<!tpu.dma_semaphore, #tpu.memory_space<semaphore_mem>>) src(%dma_wait3A_77 : memref<25x80xi32, #tpu.memory_space<hbm>>) dst(%arg12 : memref<25x80xi32, #tpu.memory_space<vmem>>)
          tpu.yield
        }) : () -> ()
        "tpu.region"() ({
          %run_scoped3A = tpu.sem_alloc : memref<!tpu.dma_semaphore, #tpu.memory_space<semaphore_mem>>
          %dma_start3A_62 = arith.constant 0 : i32
          %dma_start3A_63 = arith.constant 0 : i32
          %dma_start3A_64 = tpu.memref_slice %arg3[%arg1, %scan3A_25, %dma_start3A_62, %dma_start3A_63] : memref<16x5x25x80xi32, #tpu.memory_space<hbm>> -> memref<1x1x25x80xi32, #tpu.memory_space<hbm>>
          %dma_start3A_65 = tpu.memref_squeeze %dma_start3A_64 : memref<1x1x25x80xi32, #tpu.memory_space<hbm>> -> memref<25x80xi32, #tpu.memory_space<hbm>>
          %dma_start3A_66 = arith.constant 0 : i32
          %dma_start3A_67 = arith.constant 0 : i32
          %dma_start3A_68 = tpu.memref_slice %arg3[%arg1, %scan3A_25, %dma_start3A_66, %dma_start3A_67] : memref<16x5x25x80xi32, #tpu.memory_space<hbm>> -> memref<1x1x25x80xi32, #tpu.memory_space<hbm>>
          %dma_start3A_69 = tpu.memref_squeeze %dma_start3A_68 : memref<1x1x25x80xi32, #tpu.memory_space<hbm>> -> memref<25x80xi32, #tpu.memory_space<hbm>>
          tpu.enqueue_dma source(%dma_start3A_69 : memref<25x80xi32, #tpu.memory_space<hbm>>) target(%arg13 : memref<25x80xi32, #tpu.memory_space<vmem>>) target_semaphore(%run_scoped3A : memref<!tpu.dma_semaphore, #tpu.memory_space<semaphore_mem>>)
          %dma_wait3A_70 = arith.constant 0 : i32
          %dma_wait3A_71 = arith.constant 0 : i32
          %dma_wait3A_72 = tpu.memref_slice %arg3[%arg1, %scan3A_25, %dma_wait3A_70, %dma_wait3A_71] : memref<16x5x25x80xi32, #tpu.memory_space<hbm>> -> memref<1x1x25x80xi32, #tpu.memory_space<hbm>>
          %dma_wait3A_73 = tpu.memref_squeeze %dma_wait3A_72 : memref<1x1x25x80xi32, #tpu.memory_space<hbm>> -> memref<25x80xi32, #tpu.memory_space<hbm>>
          %dma_wait3A_74 = arith.constant 0 : i32
          %dma_wait3A_75 = arith.constant 0 : i32
          %dma_wait3A_76 = tpu.memref_slice %arg3[%arg1, %scan3A_25, %dma_wait3A_74, %dma_wait3A_75] : memref<16x5x25x80xi32, #tpu.memory_space<hbm>> -> memref<1x1x25x80xi32, #tpu.memory_space<hbm>>
          %dma_wait3A_77 = tpu.memref_squeeze %dma_wait3A_76 : memref<1x1x25x80xi32, #tpu.memory_space<hbm>> -> memref<25x80xi32, #tpu.memory_space<hbm>>
          tpu.wait_dma2 semaphore(%run_scoped3A : memref<!tpu.dma_semaphore, #tpu.memory_space<semaphore_mem>>) src(%dma_wait3A_77 : memref<25x80xi32, #tpu.memory_space<hbm>>) dst(%arg13 : memref<25x80xi32, #tpu.memory_space<vmem>>)
          tpu.yield
        }) : () -> ()
        %dma_start3A = arith.constant 0 : i32
        %dma_start3A_26 = arith.constant 0 : i32
        %dma_start3A_27 = tpu.memref_slice %arg12[%dma_start3A, %dma_start3A_26] : memref<25x80xi32, #tpu.memory_space<vmem>> -> memref<1x80xi32, #tpu.memory_space<vmem>>
        %dma_start3A_28 = tpu.memref_squeeze %dma_start3A_27 : memref<1x80xi32, #tpu.memory_space<vmem>> -> memref<80xi32, #tpu.memory_space<vmem>>
        %dma_start3A_29 = arith.constant 0 : i32
        %dma_start3A_30 = arith.constant 0 : i32
        %dma_start3A_31 = tpu.memref_slice %arg6[%dma_start3A_29, %dma_start3A_30] : memref<10000x128xf32, #tpu.memory_space<hbm>> -> memref<10000x128xf32, #tpu.memory_space<hbm>>
        tpu.enqueue_indirect_dma source(%dma_start3A_31 : memref<10000x128xf32, #tpu.memory_space<hbm>>) target(%arg14 : memref<80x128xf32, #tpu.memory_space<vmem>>) offsets(%dma_start3A_28 : memref<80xi32, #tpu.memory_space<vmem>>) semaphore(%arg17 : memref<!tpu.dma_semaphore, #tpu.memory_space<semaphore_mem>>)
        %scan3A_32 = arith.constant 0 : i32
        %scan3A_33 = arith.constant 0 : i32
        %scan3A_34 = arith.constant 12 : i32
        %scan3A_35 = arith.addi %scan3A_33, %scan3A_34 : i32
        %scan3A_36 = arith.constant 1 : i32
        scf.for %scan3A_62 = %scan3A_33 to %scan3A_35 step %scan3A_36  : i32 {
          %mul3A_63 = arith.constant 2 : i32
          %mul3A_64 = arith.muli %mul3A_63, %scan3A_62 : i32
          %dma_wait3A_65 = arith.constant 0 : i32
          %dma_wait3A_66 = arith.constant 0 : i32
          %dma_wait3A_67 = tpu.memref_slice %arg6[%dma_wait3A_65, %dma_wait3A_66] : memref<10000x128xf32, #tpu.memory_space<hbm>> -> memref<80x128xf32, #tpu.memory_space<hbm>>
          %dma_wait3A_68 = arith.constant 0 : i32
          %dma_wait3A_69 = arith.constant 0 : i32
          %dma_wait3A_70 = tpu.memref_slice %arg6[%dma_wait3A_68, %dma_wait3A_69] : memref<10000x128xf32, #tpu.memory_space<hbm>> -> memref<80x128xf32, #tpu.memory_space<hbm>>
          tpu.wait_dma2 semaphore(%arg17 : memref<!tpu.dma_semaphore, #tpu.memory_space<semaphore_mem>>) src(%dma_wait3A_70 : memref<80x128xf32, #tpu.memory_space<hbm>>) dst(%arg14 : memref<80x128xf32, #tpu.memory_space<vmem>>)
          %gt3A = arith.constant 0 : i32
          %gt3A_71 = arith.cmpi sgt, %scan3A_62, %gt3A : i32
          %convert_element_type3A_72 = arith.extui %gt3A_71 : i1 to i32
          %cond3A_73 = arith.constant 0 : i32
          %cond3A_74 = arith.cmpi ne, %convert_element_type3A_72, %cond3A_73 : i32
          scf.if %cond3A_74 {
            %dma_wait3A_116 = arith.constant 0 : i32
            %dma_wait3A_117 = arith.constant 0 : i32
            %dma_wait3A_118 = tpu.memref_slice %arg16[%dma_wait3A_116, %dma_wait3A_117] : memref<10000x128xf32, #tpu.memory_space<vmem_shared>> -> memref<80x128xf32, #tpu.memory_space<vmem_shared>>
            %dma_wait3A_119 = arith.constant 0 : i32
            %dma_wait3A_120 = arith.constant 0 : i32
            %dma_wait3A_121 = tpu.memref_slice %arg16[%dma_wait3A_119, %dma_wait3A_120] : memref<10000x128xf32, #tpu.memory_space<vmem_shared>> -> memref<80x128xf32, #tpu.memory_space<vmem_shared>>
            tpu.wait_dma2 semaphore(%arg20 : memref<!tpu.dma_semaphore, #tpu.memory_space<semaphore_mem>>) src(%arg15 : memref<80x128xf32, #tpu.memory_space<vmem>>) dst(%dma_wait3A_121 : memref<80x128xf32, #tpu.memory_space<vmem_shared>>)
          } else {
          }
          %add3A = arith.constant 1 : i32
          %add3A_75 = arith.addi %mul3A_64, %add3A : i32
          %dma_start3A_76 = arith.constant 0 : i32
          %dma_start3A_77 = tpu.memref_slice %arg12[%add3A_75, %dma_start3A_76] : memref<25x80xi32, #tpu.memory_space<vmem>> -> memref<1x80xi32, #tpu.memory_space<vmem>>
          %dma_start3A_78 = tpu.memref_squeeze %dma_start3A_77 : memref<1x80xi32, #tpu.memory_space<vmem>> -> memref<80xi32, #tpu.memory_space<vmem>>
          %dma_start3A_79 = arith.constant 0 : i32
          %dma_start3A_80 = arith.constant 0 : i32
          %dma_start3A_81 = tpu.memref_slice %arg6[%dma_start3A_79, %dma_start3A_80] : memref<10000x128xf32, #tpu.memory_space<hbm>> -> memref<10000x128xf32, #tpu.memory_space<hbm>>
          tpu.enqueue_indirect_dma source(%dma_start3A_81 : memref<10000x128xf32, #tpu.memory_space<hbm>>) target(%arg15 : memref<80x128xf32, #tpu.memory_space<vmem>>) offsets(%dma_start3A_78 : memref<80xi32, #tpu.memory_space<vmem>>) semaphore(%arg18 : memref<!tpu.dma_semaphore, #tpu.memory_space<semaphore_mem>>)
          %dma_start3A_82 = arith.constant 0 : i32
          %dma_start3A_83 = tpu.memref_slice %arg13[%mul3A_64, %dma_start3A_82] : memref<25x80xi32, #tpu.memory_space<vmem>> -> memref<1x80xi32, #tpu.memory_space<vmem>>
          %dma_start3A_84 = tpu.memref_squeeze %dma_start3A_83 : memref<1x80xi32, #tpu.memory_space<vmem>> -> memref<80xi32, #tpu.memory_space<vmem>>
          %dma_start3A_85 = arith.constant 0 : i32
          %dma_start3A_86 = arith.constant 0 : i32
          %dma_start3A_87 = tpu.memref_slice %arg16[%dma_start3A_85, %dma_start3A_86] : memref<10000x128xf32, #tpu.memory_space<vmem_shared>> -> memref<10000x128xf32, #tpu.memory_space<vmem_shared>>
          tpu.enqueue_indirect_dma source(%arg14 : memref<80x128xf32, #tpu.memory_space<vmem>>) target(%dma_start3A_87 : memref<10000x128xf32, #tpu.memory_space<vmem_shared>>) offsets(%dma_start3A_84 : memref<80xi32, #tpu.memory_space<vmem>>) semaphore(%arg19 : memref<!tpu.dma_semaphore, #tpu.memory_space<semaphore_mem>>) {add = true}
          %dma_wait3A_88 = arith.constant 0 : i32
          %dma_wait3A_89 = arith.constant 0 : i32
          %dma_wait3A_90 = tpu.memref_slice %arg6[%dma_wait3A_88, %dma_wait3A_89] : memref<10000x128xf32, #tpu.memory_space<hbm>> -> memref<80x128xf32, #tpu.memory_space<hbm>>
          %dma_wait3A_91 = arith.constant 0 : i32
          %dma_wait3A_92 = arith.constant 0 : i32
          %dma_wait3A_93 = tpu.memref_slice %arg6[%dma_wait3A_91, %dma_wait3A_92] : memref<10000x128xf32, #tpu.memory_space<hbm>> -> memref<80x128xf32, #tpu.memory_space<hbm>>
          tpu.wait_dma2 semaphore(%arg18 : memref<!tpu.dma_semaphore, #tpu.memory_space<semaphore_mem>>) src(%dma_wait3A_93 : memref<80x128xf32, #tpu.memory_space<hbm>>) dst(%arg15 : memref<80x128xf32, #tpu.memory_space<vmem>>)
          %dma_wait3A_94 = arith.constant 0 : i32
          %dma_wait3A_95 = arith.constant 0 : i32
          %dma_wait3A_96 = tpu.memref_slice %arg16[%dma_wait3A_94, %dma_wait3A_95] : memref<10000x128xf32, #tpu.memory_space<vmem_shared>> -> memref<80x128xf32, #tpu.memory_space<vmem_shared>>
          %dma_wait3A_97 = arith.constant 0 : i32
          %dma_wait3A_98 = arith.constant 0 : i32
          %dma_wait3A_99 = tpu.memref_slice %arg16[%dma_wait3A_97, %dma_wait3A_98] : memref<10000x128xf32, #tpu.memory_space<vmem_shared>> -> memref<80x128xf32, #tpu.memory_space<vmem_shared>>
          tpu.wait_dma2 semaphore(%arg19 : memref<!tpu.dma_semaphore, #tpu.memory_space<semaphore_mem>>) src(%arg14 : memref<80x128xf32, #tpu.memory_space<vmem>>) dst(%dma_wait3A_99 : memref<80x128xf32, #tpu.memory_space<vmem_shared>>)
          %add3A_100 = arith.constant 2 : i32
          %add3A_101 = arith.addi %mul3A_64, %add3A_100 : i32
          %dma_start3A_102 = arith.constant 0 : i32
          %dma_start3A_103 = tpu.memref_slice %arg12[%add3A_101, %dma_start3A_102] : memref<25x80xi32, #tpu.memory_space<vmem>> -> memref<1x80xi32, #tpu.memory_space<vmem>>
          %dma_start3A_104 = tpu.memref_squeeze %dma_start3A_103 : memref<1x80xi32, #tpu.memory_space<vmem>> -> memref<80xi32, #tpu.memory_space<vmem>>
          %dma_start3A_105 = arith.constant 0 : i32
          %dma_start3A_106 = arith.constant 0 : i32
          %dma_start3A_107 = tpu.memref_slice %arg6[%dma_start3A_105, %dma_start3A_106] : memref<10000x128xf32, #tpu.memory_space<hbm>> -> memref<10000x128xf32, #tpu.memory_space<hbm>>
          tpu.enqueue_indirect_dma source(%dma_start3A_107 : memref<10000x128xf32, #tpu.memory_space<hbm>>) target(%arg14 : memref<80x128xf32, #tpu.memory_space<vmem>>) offsets(%dma_start3A_104 : memref<80xi32, #tpu.memory_space<vmem>>) semaphore(%arg17 : memref<!tpu.dma_semaphore, #tpu.memory_space<semaphore_mem>>)
          %add3A_108 = arith.constant 1 : i32
          %add3A_109 = arith.addi %mul3A_64, %add3A_108 : i32
          %dma_start3A_110 = arith.constant 0 : i32
          %dma_start3A_111 = tpu.memref_slice %arg13[%add3A_109, %dma_start3A_110] : memref<25x80xi32, #tpu.memory_space<vmem>> -> memref<1x80xi32, #tpu.memory_space<vmem>>
          %dma_start3A_112 = tpu.memref_squeeze %dma_start3A_111 : memref<1x80xi32, #tpu.memory_space<vmem>> -> memref<80xi32, #tpu.memory_space<vmem>>
          %dma_start3A_113 = arith.constant 0 : i32
          %dma_start3A_114 = arith.constant 0 : i32
          %dma_start3A_115 = tpu.memref_slice %arg16[%dma_start3A_113, %dma_start3A_114] : memref<10000x128xf32, #tpu.memory_space<vmem_shared>> -> memref<10000x128xf32, #tpu.memory_space<vmem_shared>>
          tpu.enqueue_indirect_dma source(%arg15 : memref<80x128xf32, #tpu.memory_space<vmem>>) target(%dma_start3A_115 : memref<10000x128xf32, #tpu.memory_space<vmem_shared>>) offsets(%dma_start3A_112 : memref<80xi32, #tpu.memory_space<vmem>>) semaphore(%arg20 : memref<!tpu.dma_semaphore, #tpu.memory_space<semaphore_mem>>) {add = true}
        }
        %scan3A_37 = arith.constant 12 : i32
        %dma_wait3A = arith.constant 0 : i32
        %dma_wait3A_38 = arith.constant 0 : i32
        %dma_wait3A_39 = tpu.memref_slice %arg6[%dma_wait3A, %dma_wait3A_38] : memref<10000x128xf32, #tpu.memory_space<hbm>> -> memref<80x128xf32, #tpu.memory_space<hbm>>
        %dma_wait3A_40 = arith.constant 0 : i32
        %dma_wait3A_41 = arith.constant 0 : i32
        %dma_wait3A_42 = tpu.memref_slice %arg6[%dma_wait3A_40, %dma_wait3A_41] : memref<10000x128xf32, #tpu.memory_space<hbm>> -> memref<80x128xf32, #tpu.memory_space<hbm>>
        tpu.wait_dma2 semaphore(%arg17 : memref<!tpu.dma_semaphore, #tpu.memory_space<semaphore_mem>>) src(%dma_wait3A_42 : memref<80x128xf32, #tpu.memory_space<hbm>>) dst(%arg14 : memref<80x128xf32, #tpu.memory_space<vmem>>)
        %dma_start3A_43 = arith.constant 24 : i32
        %dma_start3A_44 = arith.constant 0 : i32
        %dma_start3A_45 = tpu.memref_slice %arg13[%dma_start3A_43, %dma_start3A_44] : memref<25x80xi32, #tpu.memory_space<vmem>> -> memref<1x80xi32, #tpu.memory_space<vmem>>
        %dma_start3A_46 = tpu.memref_squeeze %dma_start3A_45 : memref<1x80xi32, #tpu.memory_space<vmem>> -> memref<80xi32, #tpu.memory_space<vmem>>
        %dma_start3A_47 = arith.constant 0 : i32
        %dma_start3A_48 = arith.constant 0 : i32
        %dma_start3A_49 = tpu.memref_slice %arg16[%dma_start3A_47, %dma_start3A_48] : memref<10000x128xf32, #tpu.memory_space<vmem_shared>> -> memref<10000x128xf32, #tpu.memory_space<vmem_shared>>
        tpu.enqueue_indirect_dma source(%arg14 : memref<80x128xf32, #tpu.memory_space<vmem>>) target(%dma_start3A_49 : memref<10000x128xf32, #tpu.memory_space<vmem_shared>>) offsets(%dma_start3A_46 : memref<80xi32, #tpu.memory_space<vmem>>) semaphore(%arg19 : memref<!tpu.dma_semaphore, #tpu.memory_space<semaphore_mem>>) {add = true}
        %dma_wait3A_50 = arith.constant 0 : i32
        %dma_wait3A_51 = arith.constant 0 : i32
        %dma_wait3A_52 = tpu.memref_slice %arg16[%dma_wait3A_50, %dma_wait3A_51] : memref<10000x128xf32, #tpu.memory_space<vmem_shared>> -> memref<80x128xf32, #tpu.memory_space<vmem_shared>>
        %dma_wait3A_53 = arith.constant 0 : i32
        %dma_wait3A_54 = arith.constant 0 : i32
        %dma_wait3A_55 = tpu.memref_slice %arg16[%dma_wait3A_53, %dma_wait3A_54] : memref<10000x128xf32, #tpu.memory_space<vmem_shared>> -> memref<80x128xf32, #tpu.memory_space<vmem_shared>>
        tpu.wait_dma2 semaphore(%arg20 : memref<!tpu.dma_semaphore, #tpu.memory_space<semaphore_mem>>) src(%arg15 : memref<80x128xf32, #tpu.memory_space<vmem>>) dst(%dma_wait3A_55 : memref<80x128xf32, #tpu.memory_space<vmem_shared>>)
        %dma_wait3A_56 = arith.constant 0 : i32
        %dma_wait3A_57 = arith.constant 0 : i32
        %dma_wait3A_58 = tpu.memref_slice %arg16[%dma_wait3A_56, %dma_wait3A_57] : memref<10000x128xf32, #tpu.memory_space<vmem_shared>> -> memref<80x128xf32, #tpu.memory_space<vmem_shared>>
        %dma_wait3A_59 = arith.constant 0 : i32
        %dma_wait3A_60 = arith.constant 0 : i32
        %dma_wait3A_61 = tpu.memref_slice %arg16[%dma_wait3A_59, %dma_wait3A_60] : memref<10000x128xf32, #tpu.memory_space<vmem_shared>> -> memref<80x128xf32, #tpu.memory_space<vmem_shared>>
        tpu.wait_dma2 semaphore(%arg19 : memref<!tpu.dma_semaphore, #tpu.memory_space<semaphore_mem>>) src(%arg14 : memref<80x128xf32, #tpu.memory_space<vmem>>) dst(%dma_wait3A_61 : memref<80x128xf32, #tpu.memory_space<vmem_shared>>)
      }
      %scan3A_22 = arith.constant 5 : i32
      %barrier3A_23 = arith.constant 0 : index
      tpu.barrier barrier_id(%barrier3A_23)
      "tpu.region"() ({
        %run_scoped3A = tpu.sem_alloc : memref<!tpu.dma_semaphore, #tpu.memory_space<semaphore_mem>>
        %dma_start3A = arith.constant 0 : i32
        %dma_start3A_25 = tpu.memref_slice %arg10[%mul3A_0, %dma_start3A] : memref<10000x128xf32, #tpu.memory_space<hbm>> -> memref<640x128xf32, #tpu.memory_space<hbm>>
        %dma_start3A_26 = arith.constant 0 : i32
        %dma_start3A_27 = tpu.memref_slice %arg16[%mul3A_0, %dma_start3A_26] : memref<10000x128xf32, #tpu.memory_space<vmem_shared>> -> memref<640x128xf32, #tpu.memory_space<vmem_shared>>
        tpu.enqueue_dma source(%dma_start3A_27 : memref<640x128xf32, #tpu.memory_space<vmem_shared>>) target(%dma_start3A_25 : memref<640x128xf32, #tpu.memory_space<hbm>>) target_semaphore(%run_scoped3A : memref<!tpu.dma_semaphore, #tpu.memory_space<semaphore_mem>>)
        %dma_wait3A = arith.constant 0 : i32
        %dma_wait3A_28 = tpu.memref_slice %arg10[%mul3A_0, %dma_wait3A] : memref<10000x128xf32, #tpu.memory_space<hbm>> -> memref<640x128xf32, #tpu.memory_space<hbm>>
        %dma_wait3A_29 = arith.constant 0 : i32
        %dma_wait3A_30 = tpu.memref_slice %arg16[%mul3A_0, %dma_wait3A_29] : memref<10000x128xf32, #tpu.memory_space<vmem_shared>> -> memref<640x128xf32, #tpu.memory_space<vmem_shared>>
        tpu.wait_dma2 semaphore(%run_scoped3A : memref<!tpu.dma_semaphore, #tpu.memory_space<semaphore_mem>>) src(%dma_wait3A_30 : memref<640x128xf32, #tpu.memory_space<vmem_shared>>) dst(%dma_wait3A_28 : memref<640x128xf32, #tpu.memory_space<hbm>>)
        tpu.yield
      }) : () -> ()
      %barrier3A_24 = arith.constant 0 : index
      tpu.barrier barrier_id(%barrier3A_24)
    } else {
    }
    %eq3A_13 = arith.constant 1 : i32
    %eq3A_14 = arith.cmpi eq, %arg0, %eq3A_13 : i32
    %convert_element_type3A_15 = arith.extui %eq3A_14 : i1 to i32
    %cond3A_16 = arith.constant 0 : i32
    %cond3A_17 = arith.cmpi ne, %convert_element_type3A_15, %cond3A_16 : i32
    scf.if %cond3A_17 {
      "tpu.region"() ({
        %run_scoped3A = tpu.sem_alloc : memref<!tpu.dma_semaphore, #tpu.memory_space<semaphore_mem>>
        %dma_start3A = arith.constant 0 : i32
        %dma_start3A_25 = tpu.memref_slice %arg16[%mul3A_0, %dma_start3A] : memref<10000x128xf32, #tpu.memory_space<vmem_shared>> -> memref<640x128xf32, #tpu.memory_space<vmem_shared>>
        %dma_start3A_26 = arith.constant 0 : i32
        %dma_start3A_27 = tpu.memref_slice %arg7[%mul3A_0, %dma_start3A_26] : memref<10000x128xf32, #tpu.memory_space<hbm>> -> memref<640x128xf32, #tpu.memory_space<hbm>>
        tpu.enqueue_dma source(%dma_start3A_27 : memref<640x128xf32, #tpu.memory_space<hbm>>) target(%dma_start3A_25 : memref<640x128xf32, #tpu.memory_space<vmem_shared>>) target_semaphore(%run_scoped3A : memref<!tpu.dma_semaphore, #tpu.memory_space<semaphore_mem>>)
        %dma_wait3A = arith.constant 0 : i32
        %dma_wait3A_28 = tpu.memref_slice %arg16[%mul3A_0, %dma_wait3A] : memref<10000x128xf32, #tpu.memory_space<vmem_shared>> -> memref<640x128xf32, #tpu.memory_space<vmem_shared>>
        %dma_wait3A_29 = arith.constant 0 : i32
        %dma_wait3A_30 = tpu.memref_slice %arg7[%mul3A_0, %dma_wait3A_29] : memref<10000x128xf32, #tpu.memory_space<hbm>> -> memref<640x128xf32, #tpu.memory_space<hbm>>
        tpu.wait_dma2 semaphore(%run_scoped3A : memref<!tpu.dma_semaphore, #tpu.memory_space<semaphore_mem>>) src(%dma_wait3A_30 : memref<640x128xf32, #tpu.memory_space<hbm>>) dst(%dma_wait3A_28 : memref<640x128xf32, #tpu.memory_space<vmem_shared>>)
        tpu.yield
      }) : () -> ()
      %barrier3A = arith.constant 0 : index
      tpu.barrier barrier_id(%barrier3A)
      %scan3A = arith.constant 0 : i32
      %scan3A_18 = arith.constant 0 : i32
      %scan3A_19 = arith.constant 5 : i32
      %scan3A_20 = arith.addi %scan3A_18, %scan3A_19 : i32
      %scan3A_21 = arith.constant 1 : i32
      scf.for %scan3A_25 = %scan3A_18 to %scan3A_20 step %scan3A_21  : i32 {
        "tpu.region"() ({
          %run_scoped3A = tpu.sem_alloc : memref<!tpu.dma_semaphore, #tpu.memory_space<semaphore_mem>>
          %dma_start3A_62 = arith.constant 0 : i32
          %dma_start3A_63 = arith.constant 0 : i32
          %dma_start3A_64 = tpu.memref_slice %arg2[%arg1, %scan3A_25, %dma_start3A_62, %dma_start3A_63] : memref<16x5x25x80xi32, #tpu.memory_space<hbm>> -> memref<1x1x25x80xi32, #tpu.memory_space<hbm>>
          %dma_start3A_65 = tpu.memref_squeeze %dma_start3A_64 : memref<1x1x25x80xi32, #tpu.memory_space<hbm>> -> memref<25x80xi32, #tpu.memory_space<hbm>>
          %dma_start3A_66 = arith.constant 0 : i32
          %dma_start3A_67 = arith.constant 0 : i32
          %dma_start3A_68 = tpu.memref_slice %arg2[%arg1, %scan3A_25, %dma_start3A_66, %dma_start3A_67] : memref<16x5x25x80xi32, #tpu.memory_space<hbm>> -> memref<1x1x25x80xi32, #tpu.memory_space<hbm>>
          %dma_start3A_69 = tpu.memref_squeeze %dma_start3A_68 : memref<1x1x25x80xi32, #tpu.memory_space<hbm>> -> memref<25x80xi32, #tpu.memory_space<hbm>>
          tpu.enqueue_dma source(%dma_start3A_69 : memref<25x80xi32, #tpu.memory_space<hbm>>) target(%arg12 : memref<25x80xi32, #tpu.memory_space<vmem>>) target_semaphore(%run_scoped3A : memref<!tpu.dma_semaphore, #tpu.memory_space<semaphore_mem>>)
          %dma_wait3A_70 = arith.constant 0 : i32
          %dma_wait3A_71 = arith.constant 0 : i32
          %dma_wait3A_72 = tpu.memref_slice %arg2[%arg1, %scan3A_25, %dma_wait3A_70, %dma_wait3A_71] : memref<16x5x25x80xi32, #tpu.memory_space<hbm>> -> memref<1x1x25x80xi32, #tpu.memory_space<hbm>>
          %dma_wait3A_73 = tpu.memref_squeeze %dma_wait3A_72 : memref<1x1x25x80xi32, #tpu.memory_space<hbm>> -> memref<25x80xi32, #tpu.memory_space<hbm>>
          %dma_wait3A_74 = arith.constant 0 : i32
          %dma_wait3A_75 = arith.constant 0 : i32
          %dma_wait3A_76 = tpu.memref_slice %arg2[%arg1, %scan3A_25, %dma_wait3A_74, %dma_wait3A_75] : memref<16x5x25x80xi32, #tpu.memory_space<hbm>> -> memref<1x1x25x80xi32, #tpu.memory_space<hbm>>
          %dma_wait3A_77 = tpu.memref_squeeze %dma_wait3A_76 : memref<1x1x25x80xi32, #tpu.memory_space<hbm>> -> memref<25x80xi32, #tpu.memory_space<hbm>>
          tpu.wait_dma2 semaphore(%run_scoped3A : memref<!tpu.dma_semaphore, #tpu.memory_space<semaphore_mem>>) src(%dma_wait3A_77 : memref<25x80xi32, #tpu.memory_space<hbm>>) dst(%arg12 : memref<25x80xi32, #tpu.memory_space<vmem>>)
          tpu.yield
        }) : () -> ()
        "tpu.region"() ({
          %run_scoped3A = tpu.sem_alloc : memref<!tpu.dma_semaphore, #tpu.memory_space<semaphore_mem>>
          %dma_start3A_62 = arith.constant 0 : i32
          %dma_start3A_63 = arith.constant 0 : i32
          %dma_start3A_64 = tpu.memref_slice %arg3[%arg1, %scan3A_25, %dma_start3A_62, %dma_start3A_63] : memref<16x5x25x80xi32, #tpu.memory_space<hbm>> -> memref<1x1x25x80xi32, #tpu.memory_space<hbm>>
          %dma_start3A_65 = tpu.memref_squeeze %dma_start3A_64 : memref<1x1x25x80xi32, #tpu.memory_space<hbm>> -> memref<25x80xi32, #tpu.memory_space<hbm>>
          %dma_start3A_66 = arith.constant 0 : i32
          %dma_start3A_67 = arith.constant 0 : i32
          %dma_start3A_68 = tpu.memref_slice %arg3[%arg1, %scan3A_25, %dma_start3A_66, %dma_start3A_67] : memref<16x5x25x80xi32, #tpu.memory_space<hbm>> -> memref<1x1x25x80xi32, #tpu.memory_space<hbm>>
          %dma_start3A_69 = tpu.memref_squeeze %dma_start3A_68 : memref<1x1x25x80xi32, #tpu.memory_space<hbm>> -> memref<25x80xi32, #tpu.memory_space<hbm>>
          tpu.enqueue_dma source(%dma_start3A_69 : memref<25x80xi32, #tpu.memory_space<hbm>>) target(%arg13 : memref<25x80xi32, #tpu.memory_space<vmem>>) target_semaphore(%run_scoped3A : memref<!tpu.dma_semaphore, #tpu.memory_space<semaphore_mem>>)
          %dma_wait3A_70 = arith.constant 0 : i32
          %dma_wait3A_71 = arith.constant 0 : i32
          %dma_wait3A_72 = tpu.memref_slice %arg3[%arg1, %scan3A_25, %dma_wait3A_70, %dma_wait3A_71] : memref<16x5x25x80xi32, #tpu.memory_space<hbm>> -> memref<1x1x25x80xi32, #tpu.memory_space<hbm>>
          %dma_wait3A_73 = tpu.memref_squeeze %dma_wait3A_72 : memref<1x1x25x80xi32, #tpu.memory_space<hbm>> -> memref<25x80xi32, #tpu.memory_space<hbm>>
          %dma_wait3A_74 = arith.constant 0 : i32
          %dma_wait3A_75 = arith.constant 0 : i32
          %dma_wait3A_76 = tpu.memref_slice %arg3[%arg1, %scan3A_25, %dma_wait3A_74, %dma_wait3A_75] : memref<16x5x25x80xi32, #tpu.memory_space<hbm>> -> memref<1x1x25x80xi32, #tpu.memory_space<hbm>>
          %dma_wait3A_77 = tpu.memref_squeeze %dma_wait3A_76 : memref<1x1x25x80xi32, #tpu.memory_space<hbm>> -> memref<25x80xi32, #tpu.memory_space<hbm>>
          tpu.wait_dma2 semaphore(%run_scoped3A : memref<!tpu.dma_semaphore, #tpu.memory_space<semaphore_mem>>) src(%dma_wait3A_77 : memref<25x80xi32, #tpu.memory_space<hbm>>) dst(%arg13 : memref<25x80xi32, #tpu.memory_space<vmem>>)
          tpu.yield
        }) : () -> ()
        %dma_start3A = arith.constant 0 : i32
        %dma_start3A_26 = arith.constant 0 : i32
        %dma_start3A_27 = tpu.memref_slice %arg12[%dma_start3A, %dma_start3A_26] : memref<25x80xi32, #tpu.memory_space<vmem>> -> memref<1x80xi32, #tpu.memory_space<vmem>>
        %dma_start3A_28 = tpu.memref_squeeze %dma_start3A_27 : memref<1x80xi32, #tpu.memory_space<vmem>> -> memref<80xi32, #tpu.memory_space<vmem>>
        %dma_start3A_29 = arith.constant 0 : i32
        %dma_start3A_30 = arith.constant 0 : i32
        %dma_start3A_31 = tpu.memref_slice %arg7[%dma_start3A_29, %dma_start3A_30] : memref<10000x128xf32, #tpu.memory_space<hbm>> -> memref<10000x128xf32, #tpu.memory_space<hbm>>
        tpu.enqueue_indirect_dma source(%dma_start3A_31 : memref<10000x128xf32, #tpu.memory_space<hbm>>) target(%arg14 : memref<80x128xf32, #tpu.memory_space<vmem>>) offsets(%dma_start3A_28 : memref<80xi32, #tpu.memory_space<vmem>>) semaphore(%arg17 : memref<!tpu.dma_semaphore, #tpu.memory_space<semaphore_mem>>)
        %scan3A_32 = arith.constant 0 : i32
        %scan3A_33 = arith.constant 0 : i32
        %scan3A_34 = arith.constant 12 : i32
        %scan3A_35 = arith.addi %scan3A_33, %scan3A_34 : i32
        %scan3A_36 = arith.constant 1 : i32
        scf.for %scan3A_62 = %scan3A_33 to %scan3A_35 step %scan3A_36  : i32 {
          %mul3A_63 = arith.constant 2 : i32
          %mul3A_64 = arith.muli %mul3A_63, %scan3A_62 : i32
          %dma_wait3A_65 = arith.constant 0 : i32
          %dma_wait3A_66 = arith.constant 0 : i32
          %dma_wait3A_67 = tpu.memref_slice %arg7[%dma_wait3A_65, %dma_wait3A_66] : memref<10000x128xf32, #tpu.memory_space<hbm>> -> memref<80x128xf32, #tpu.memory_space<hbm>>
          %dma_wait3A_68 = arith.constant 0 : i32
          %dma_wait3A_69 = arith.constant 0 : i32
          %dma_wait3A_70 = tpu.memref_slice %arg7[%dma_wait3A_68, %dma_wait3A_69] : memref<10000x128xf32, #tpu.memory_space<hbm>> -> memref<80x128xf32, #tpu.memory_space<hbm>>
          tpu.wait_dma2 semaphore(%arg17 : memref<!tpu.dma_semaphore, #tpu.memory_space<semaphore_mem>>) src(%dma_wait3A_70 : memref<80x128xf32, #tpu.memory_space<hbm>>) dst(%arg14 : memref<80x128xf32, #tpu.memory_space<vmem>>)
          %gt3A = arith.constant 0 : i32
          %gt3A_71 = arith.cmpi sgt, %scan3A_62, %gt3A : i32
          %convert_element_type3A_72 = arith.extui %gt3A_71 : i1 to i32
          %cond3A_73 = arith.constant 0 : i32
          %cond3A_74 = arith.cmpi ne, %convert_element_type3A_72, %cond3A_73 : i32
          scf.if %cond3A_74 {
            %dma_wait3A_116 = arith.constant 0 : i32
            %dma_wait3A_117 = arith.constant 0 : i32
            %dma_wait3A_118 = tpu.memref_slice %arg16[%dma_wait3A_116, %dma_wait3A_117] : memref<10000x128xf32, #tpu.memory_space<vmem_shared>> -> memref<80x128xf32, #tpu.memory_space<vmem_shared>>
            %dma_wait3A_119 = arith.constant 0 : i32
            %dma_wait3A_120 = arith.constant 0 : i32
            %dma_wait3A_121 = tpu.memref_slice %arg16[%dma_wait3A_119, %dma_wait3A_120] : memref<10000x128xf32, #tpu.memory_space<vmem_shared>> -> memref<80x128xf32, #tpu.memory_space<vmem_shared>>
            tpu.wait_dma2 semaphore(%arg20 : memref<!tpu.dma_semaphore, #tpu.memory_space<semaphore_mem>>) src(%arg15 : memref<80x128xf32, #tpu.memory_space<vmem>>) dst(%dma_wait3A_121 : memref<80x128xf32, #tpu.memory_space<vmem_shared>>)
          } else {
          }
          %add3A = arith.constant 1 : i32
          %add3A_75 = arith.addi %mul3A_64, %add3A : i32
          %dma_start3A_76 = arith.constant 0 : i32
          %dma_start3A_77 = tpu.memref_slice %arg12[%add3A_75, %dma_start3A_76] : memref<25x80xi32, #tpu.memory_space<vmem>> -> memref<1x80xi32, #tpu.memory_space<vmem>>
          %dma_start3A_78 = tpu.memref_squeeze %dma_start3A_77 : memref<1x80xi32, #tpu.memory_space<vmem>> -> memref<80xi32, #tpu.memory_space<vmem>>
          %dma_start3A_79 = arith.constant 0 : i32
          %dma_start3A_80 = arith.constant 0 : i32
          %dma_start3A_81 = tpu.memref_slice %arg7[%dma_start3A_79, %dma_start3A_80] : memref<10000x128xf32, #tpu.memory_space<hbm>> -> memref<10000x128xf32, #tpu.memory_space<hbm>>
          tpu.enqueue_indirect_dma source(%dma_start3A_81 : memref<10000x128xf32, #tpu.memory_space<hbm>>) target(%arg15 : memref<80x128xf32, #tpu.memory_space<vmem>>) offsets(%dma_start3A_78 : memref<80xi32, #tpu.memory_space<vmem>>) semaphore(%arg18 : memref<!tpu.dma_semaphore, #tpu.memory_space<semaphore_mem>>)
          %dma_start3A_82 = arith.constant 0 : i32
          %dma_start3A_83 = tpu.memref_slice %arg13[%mul3A_64, %dma_start3A_82] : memref<25x80xi32, #tpu.memory_space<vmem>> -> memref<1x80xi32, #tpu.memory_space<vmem>>
          %dma_start3A_84 = tpu.memref_squeeze %dma_start3A_83 : memref<1x80xi32, #tpu.memory_space<vmem>> -> memref<80xi32, #tpu.memory_space<vmem>>
          %dma_start3A_85 = arith.constant 0 : i32
          %dma_start3A_86 = arith.constant 0 : i32
          %dma_start3A_87 = tpu.memref_slice %arg16[%dma_start3A_85, %dma_start3A_86] : memref<10000x128xf32, #tpu.memory_space<vmem_shared>> -> memref<10000x128xf32, #tpu.memory_space<vmem_shared>>
          tpu.enqueue_indirect_dma source(%arg14 : memref<80x128xf32, #tpu.memory_space<vmem>>) target(%dma_start3A_87 : memref<10000x128xf32, #tpu.memory_space<vmem_shared>>) offsets(%dma_start3A_84 : memref<80xi32, #tpu.memory_space<vmem>>) semaphore(%arg19 : memref<!tpu.dma_semaphore, #tpu.memory_space<semaphore_mem>>) {add = true}
          %dma_wait3A_88 = arith.constant 0 : i32
          %dma_wait3A_89 = arith.constant 0 : i32
          %dma_wait3A_90 = tpu.memref_slice %arg7[%dma_wait3A_88, %dma_wait3A_89] : memref<10000x128xf32, #tpu.memory_space<hbm>> -> memref<80x128xf32, #tpu.memory_space<hbm>>
          %dma_wait3A_91 = arith.constant 0 : i32
          %dma_wait3A_92 = arith.constant 0 : i32
          %dma_wait3A_93 = tpu.memref_slice %arg7[%dma_wait3A_91, %dma_wait3A_92] : memref<10000x128xf32, #tpu.memory_space<hbm>> -> memref<80x128xf32, #tpu.memory_space<hbm>>
          tpu.wait_dma2 semaphore(%arg18 : memref<!tpu.dma_semaphore, #tpu.memory_space<semaphore_mem>>) src(%dma_wait3A_93 : memref<80x128xf32, #tpu.memory_space<hbm>>) dst(%arg15 : memref<80x128xf32, #tpu.memory_space<vmem>>)
          %dma_wait3A_94 = arith.constant 0 : i32
          %dma_wait3A_95 = arith.constant 0 : i32
          %dma_wait3A_96 = tpu.memref_slice %arg16[%dma_wait3A_94, %dma_wait3A_95] : memref<10000x128xf32, #tpu.memory_space<vmem_shared>> -> memref<80x128xf32, #tpu.memory_space<vmem_shared>>
          %dma_wait3A_97 = arith.constant 0 : i32
          %dma_wait3A_98 = arith.constant 0 : i32
          %dma_wait3A_99 = tpu.memref_slice %arg16[%dma_wait3A_97, %dma_wait3A_98] : memref<10000x128xf32, #tpu.memory_space<vmem_shared>> -> memref<80x128xf32, #tpu.memory_space<vmem_shared>>
          tpu.wait_dma2 semaphore(%arg19 : memref<!tpu.dma_semaphore, #tpu.memory_space<semaphore_mem>>) src(%arg14 : memref<80x128xf32, #tpu.memory_space<vmem>>) dst(%dma_wait3A_99 : memref<80x128xf32, #tpu.memory_space<vmem_shared>>)
          %add3A_100 = arith.constant 2 : i32
          %add3A_101 = arith.addi %mul3A_64, %add3A_100 : i32
          %dma_start3A_102 = arith.constant 0 : i32
          %dma_start3A_103 = tpu.memref_slice %arg12[%add3A_101, %dma_start3A_102] : memref<25x80xi32, #tpu.memory_space<vmem>> -> memref<1x80xi32, #tpu.memory_space<vmem>>
          %dma_start3A_104 = tpu.memref_squeeze %dma_start3A_103 : memref<1x80xi32, #tpu.memory_space<vmem>> -> memref<80xi32, #tpu.memory_space<vmem>>
          %dma_start3A_105 = arith.constant 0 : i32
          %dma_start3A_106 = arith.constant 0 : i32
          %dma_start3A_107 = tpu.memref_slice %arg7[%dma_start3A_105, %dma_start3A_106] : memref<10000x128xf32, #tpu.memory_space<hbm>> -> memref<10000x128xf32, #tpu.memory_space<hbm>>
          tpu.enqueue_indirect_dma source(%dma_start3A_107 : memref<10000x128xf32, #tpu.memory_space<hbm>>) target(%arg14 : memref<80x128xf32, #tpu.memory_space<vmem>>) offsets(%dma_start3A_104 : memref<80xi32, #tpu.memory_space<vmem>>) semaphore(%arg17 : memref<!tpu.dma_semaphore, #tpu.memory_space<semaphore_mem>>)
          %add3A_108 = arith.constant 1 : i32
          %add3A_109 = arith.addi %mul3A_64, %add3A_108 : i32
          %dma_start3A_110 = arith.constant 0 : i32
          %dma_start3A_111 = tpu.memref_slice %arg13[%add3A_109, %dma_start3A_110] : memref<25x80xi32, #tpu.memory_space<vmem>> -> memref<1x80xi32, #tpu.memory_space<vmem>>
          %dma_start3A_112 = tpu.memref_squeeze %dma_start3A_111 : memref<1x80xi32, #tpu.memory_space<vmem>> -> memref<80xi32, #tpu.memory_space<vmem>>
          %dma_start3A_113 = arith.constant 0 : i32
          %dma_start3A_114 = arith.constant 0 : i32
          %dma_start3A_115 = tpu.memref_slice %arg16[%dma_start3A_113, %dma_start3A_114] : memref<10000x128xf32, #tpu.memory_space<vmem_shared>> -> memref<10000x128xf32, #tpu.memory_space<vmem_shared>>
          tpu.enqueue_indirect_dma source(%arg15 : memref<80x128xf32, #tpu.memory_space<vmem>>) target(%dma_start3A_115 : memref<10000x128xf32, #tpu.memory_space<vmem_shared>>) offsets(%dma_start3A_112 : memref<80xi32, #tpu.memory_space<vmem>>) semaphore(%arg20 : memref<!tpu.dma_semaphore, #tpu.memory_space<semaphore_mem>>) {add = true}
        }
        %scan3A_37 = arith.constant 12 : i32
        %dma_wait3A = arith.constant 0 : i32
        %dma_wait3A_38 = arith.constant 0 : i32
        %dma_wait3A_39 = tpu.memref_slice %arg7[%dma_wait3A, %dma_wait3A_38] : memref<10000x128xf32, #tpu.memory_space<hbm>> -> memref<80x128xf32, #tpu.memory_space<hbm>>
        %dma_wait3A_40 = arith.constant 0 : i32
        %dma_wait3A_41 = arith.constant 0 : i32
        %dma_wait3A_42 = tpu.memref_slice %arg7[%dma_wait3A_40, %dma_wait3A_41] : memref<10000x128xf32, #tpu.memory_space<hbm>> -> memref<80x128xf32, #tpu.memory_space<hbm>>
        tpu.wait_dma2 semaphore(%arg17 : memref<!tpu.dma_semaphore, #tpu.memory_space<semaphore_mem>>) src(%dma_wait3A_42 : memref<80x128xf32, #tpu.memory_space<hbm>>) dst(%arg14 : memref<80x128xf32, #tpu.memory_space<vmem>>)
        %dma_start3A_43 = arith.constant 24 : i32
        %dma_start3A_44 = arith.constant 0 : i32
        %dma_start3A_45 = tpu.memref_slice %arg13[%dma_start3A_43, %dma_start3A_44] : memref<25x80xi32, #tpu.memory_space<vmem>> -> memref<1x80xi32, #tpu.memory_space<vmem>>
        %dma_start3A_46 = tpu.memref_squeeze %dma_start3A_45 : memref<1x80xi32, #tpu.memory_space<vmem>> -> memref<80xi32, #tpu.memory_space<vmem>>
        %dma_start3A_47 = arith.constant 0 : i32
        %dma_start3A_48 = arith.constant 0 : i32
        %dma_start3A_49 = tpu.memref_slice %arg16[%dma_start3A_47, %dma_start3A_48] : memref<10000x128xf32, #tpu.memory_space<vmem_shared>> -> memref<10000x128xf32, #tpu.memory_space<vmem_shared>>
        tpu.enqueue_indirect_dma source(%arg14 : memref<80x128xf32, #tpu.memory_space<vmem>>) target(%dma_start3A_49 : memref<10000x128xf32, #tpu.memory_space<vmem_shared>>) offsets(%dma_start3A_46 : memref<80xi32, #tpu.memory_space<vmem>>) semaphore(%arg19 : memref<!tpu.dma_semaphore, #tpu.memory_space<semaphore_mem>>) {add = true}
        %dma_wait3A_50 = arith.constant 0 : i32
        %dma_wait3A_51 = arith.constant 0 : i32
        %dma_wait3A_52 = tpu.memref_slice %arg16[%dma_wait3A_50, %dma_wait3A_51] : memref<10000x128xf32, #tpu.memory_space<vmem_shared>> -> memref<80x128xf32, #tpu.memory_space<vmem_shared>>
        %dma_wait3A_53 = arith.constant 0 : i32
        %dma_wait3A_54 = arith.constant 0 : i32
        %dma_wait3A_55 = tpu.memref_slice %arg16[%dma_wait3A_53, %dma_wait3A_54] : memref<10000x128xf32, #tpu.memory_space<vmem_shared>> -> memref<80x128xf32, #tpu.memory_space<vmem_shared>>
        tpu.wait_dma2 semaphore(%arg20 : memref<!tpu.dma_semaphore, #tpu.memory_space<semaphore_mem>>) src(%arg15 : memref<80x128xf32, #tpu.memory_space<vmem>>) dst(%dma_wait3A_55 : memref<80x128xf32, #tpu.memory_space<vmem_shared>>)
        %dma_wait3A_56 = arith.constant 0 : i32
        %dma_wait3A_57 = arith.constant 0 : i32
        %dma_wait3A_58 = tpu.memref_slice %arg16[%dma_wait3A_56, %dma_wait3A_57] : memref<10000x128xf32, #tpu.memory_space<vmem_shared>> -> memref<80x128xf32, #tpu.memory_space<vmem_shared>>
        %dma_wait3A_59 = arith.constant 0 : i32
        %dma_wait3A_60 = arith.constant 0 : i32
        %dma_wait3A_61 = tpu.memref_slice %arg16[%dma_wait3A_59, %dma_wait3A_60] : memref<10000x128xf32, #tpu.memory_space<vmem_shared>> -> memref<80x128xf32, #tpu.memory_space<vmem_shared>>
        tpu.wait_dma2 semaphore(%arg19 : memref<!tpu.dma_semaphore, #tpu.memory_space<semaphore_mem>>) src(%arg14 : memref<80x128xf32, #tpu.memory_space<vmem>>) dst(%dma_wait3A_61 : memref<80x128xf32, #tpu.memory_space<vmem_shared>>)
      }
      %scan3A_22 = arith.constant 5 : i32
      %barrier3A_23 = arith.constant 0 : index
      tpu.barrier barrier_id(%barrier3A_23)
      "tpu.region"() ({
        %run_scoped3A = tpu.sem_alloc : memref<!tpu.dma_semaphore, #tpu.memory_space<semaphore_mem>>
        %dma_start3A = arith.constant 0 : i32
        %dma_start3A_25 = tpu.memref_slice %arg11[%mul3A_0, %dma_start3A] : memref<10000x128xf32, #tpu.memory_space<hbm>> -> memref<640x128xf32, #tpu.memory_space<hbm>>
        %dma_start3A_26 = arith.constant 0 : i32
        %dma_start3A_27 = tpu.memref_slice %arg16[%mul3A_0, %dma_start3A_26] : memref<10000x128xf32, #tpu.memory_space<vmem_shared>> -> memref<640x128xf32, #tpu.memory_space<vmem_shared>>
        tpu.enqueue_dma source(%dma_start3A_27 : memref<640x128xf32, #tpu.memory_space<vmem_shared>>) target(%dma_start3A_25 : memref<640x128xf32, #tpu.memory_space<hbm>>) target_semaphore(%run_scoped3A : memref<!tpu.dma_semaphore, #tpu.memory_space<semaphore_mem>>)
        %dma_wait3A = arith.constant 0 : i32
        %dma_wait3A_28 = tpu.memref_slice %arg11[%mul3A_0, %dma_wait3A] : memref<10000x128xf32, #tpu.memory_space<hbm>> -> memref<640x128xf32, #tpu.memory_space<hbm>>
        %dma_wait3A_29 = arith.constant 0 : i32
        %dma_wait3A_30 = tpu.memref_slice %arg16[%mul3A_0, %dma_wait3A_29] : memref<10000x128xf32, #tpu.memory_space<vmem_shared>> -> memref<640x128xf32, #tpu.memory_space<vmem_shared>>
        tpu.wait_dma2 semaphore(%run_scoped3A : memref<!tpu.dma_semaphore, #tpu.memory_space<semaphore_mem>>) src(%dma_wait3A_30 : memref<640x128xf32, #tpu.memory_space<vmem_shared>>) dst(%dma_wait3A_28 : memref<640x128xf32, #tpu.memory_space<hbm>>)
        tpu.yield
      }) : () -> ()
      %barrier3A_24 = arith.constant 0 : index
      tpu.barrier barrier_id(%barrier3A_24)
    } else {
    }
    return
  }
}

#map = affine_map<(d0, d1) -> (0, 0, 0, 0)>
#map1 = affine_map<(d0, d1) -> (0, 0)>
module attributes {stable_mosaic.version = 14 : i64} {
  func.func @agg(%arg0: i32, %arg1: i32, %arg2: memref<16x5x25x80xi32, #tpu.memory_space<hbm>>, %arg3: memref<16x5x25x80xi32, #tpu.memory_space<hbm>>, %arg4: memref<10000x128xf32, #tpu.memory_space<hbm>>, %arg5: memref<10000x128xf32, #tpu.memory_space<hbm>>, %arg6: memref<10000x128xf32, #tpu.memory_space<hbm>>, %arg7: memref<10000x128xf32, #tpu.memory_space<hbm>>, %arg8: memref<25x80xi32, #tpu.memory_space<vmem>>, %arg9: memref<25x80xi32, #tpu.memory_space<vmem>>, %arg10: memref<80x128xf32, #tpu.memory_space<vmem>>, %arg11: memref<80x128xf32, #tpu.memory_space<vmem>>, %arg12: memref<10000x128xf32, #tpu.memory_space<vmem_shared>>, %arg13: memref<!tpu.dma_semaphore, #tpu.memory_space<semaphore_mem>>, %arg14: memref<!tpu.dma_semaphore, #tpu.memory_space<semaphore_mem>>, %arg15: memref<!tpu.dma_semaphore, #tpu.memory_space<semaphore_mem>>, %arg16: memref<!tpu.dma_semaphore, #tpu.memory_space<semaphore_mem>>) attributes {dimension_semantics = [#tpu.dimension_semantics<core_parallel>, #tpu.dimension_semantics<subcore_parallel>], iteration_bounds = array<i64: 2, 16>, scalar_prefetch = 0 : i64, scratch_operands = 9 : i64, tpu.core_type = #tpu.core_type<sc_vector_subcore>, window_params = [{transform_indices = #map}, {transform_indices = #map}, {transform_indices = #map1}, {transform_indices = #map1}, {transform_indices = #map1}, {transform_indices = #map1}]} {
    %mul3A = arith.constant 624 : i32
    %mul3A_0 = arith.muli %arg1, %mul3A : i32
    %eq3A = arith.constant 0 : i32
    %eq3A_1 = arith.cmpi eq, %arg0, %eq3A : i32
    %convert_element_type3A = arith.extui %eq3A_1 : i1 to i32
    %cond3A = arith.constant 0 : i32
    %cond3A_2 = arith.cmpi ne, %convert_element_type3A, %cond3A : i32
    scf.if %cond3A_2 {
      "tpu.region"() ({
        %run_scoped3A = tpu.sem_alloc : memref<!tpu.dma_semaphore, #tpu.memory_space<semaphore_mem>>
        %dma_start3A = arith.constant 0 : i32
        %dma_start3A_15 = tpu.memref_slice %arg12[%mul3A_0, %dma_start3A] : memref<10000x128xf32, #tpu.memory_space<vmem_shared>> -> memref<640x128xf32, #tpu.memory_space<vmem_shared>>
        %dma_start3A_16 = arith.constant 0 : i32
        %dma_start3A_17 = tpu.memref_slice %arg4[%mul3A_0, %dma_start3A_16] : memref<10000x128xf32, #tpu.memory_space<hbm>> -> memref<640x128xf32, #tpu.memory_space<hbm>>
        tpu.enqueue_dma source(%dma_start3A_17 : memref<640x128xf32, #tpu.memory_space<hbm>>) target(%dma_start3A_15 : memref<640x128xf32, #tpu.memory_space<vmem_shared>>) target_semaphore(%run_scoped3A : memref<!tpu.dma_semaphore, #tpu.memory_space<semaphore_mem>>)
        %dma_wait3A = arith.constant 0 : i32
        %dma_wait3A_18 = tpu.memref_slice %arg12[%mul3A_0, %dma_wait3A] : memref<10000x128xf32, #tpu.memory_space<vmem_shared>> -> memref<640x128xf32, #tpu.memory_space<vmem_shared>>
        %dma_wait3A_19 = arith.constant 0 : i32
        %dma_wait3A_20 = tpu.memref_slice %arg4[%mul3A_0, %dma_wait3A_19] : memref<10000x128xf32, #tpu.memory_space<hbm>> -> memref<640x128xf32, #tpu.memory_space<hbm>>
        tpu.wait_dma2 semaphore(%run_scoped3A : memref<!tpu.dma_semaphore, #tpu.memory_space<semaphore_mem>>) src(%dma_wait3A_20 : memref<640x128xf32, #tpu.memory_space<hbm>>) dst(%dma_wait3A_18 : memref<640x128xf32, #tpu.memory_space<vmem_shared>>)
        tpu.yield
      }) : () -> ()
      %barrier3A = arith.constant 0 : index
      tpu.barrier barrier_id(%barrier3A)
      %scan3A = arith.constant 0 : i32
      %scan3A_8 = arith.constant 0 : i32
      %scan3A_9 = arith.constant 5 : i32
      %scan3A_10 = arith.addi %scan3A_8, %scan3A_9 : i32
      %scan3A_11 = arith.constant 1 : i32
      scf.for %scan3A_15 = %scan3A_8 to %scan3A_10 step %scan3A_11  : i32 {
        "tpu.region"() ({
          %run_scoped3A = tpu.sem_alloc : memref<!tpu.dma_semaphore, #tpu.memory_space<semaphore_mem>>
          %dma_start3A_52 = arith.constant 0 : i32
          %dma_start3A_53 = arith.constant 0 : i32
          %dma_start3A_54 = tpu.memref_slice %arg2[%arg1, %scan3A_15, %dma_start3A_52, %dma_start3A_53] : memref<16x5x25x80xi32, #tpu.memory_space<hbm>> -> memref<1x1x25x80xi32, #tpu.memory_space<hbm>>
          %dma_start3A_55 = tpu.memref_squeeze %dma_start3A_54 : memref<1x1x25x80xi32, #tpu.memory_space<hbm>> -> memref<25x80xi32, #tpu.memory_space<hbm>>
          %dma_start3A_56 = arith.constant 0 : i32
          %dma_start3A_57 = arith.constant 0 : i32
          %dma_start3A_58 = tpu.memref_slice %arg2[%arg1, %scan3A_15, %dma_start3A_56, %dma_start3A_57] : memref<16x5x25x80xi32, #tpu.memory_space<hbm>> -> memref<1x1x25x80xi32, #tpu.memory_space<hbm>>
          %dma_start3A_59 = tpu.memref_squeeze %dma_start3A_58 : memref<1x1x25x80xi32, #tpu.memory_space<hbm>> -> memref<25x80xi32, #tpu.memory_space<hbm>>
          tpu.enqueue_dma source(%dma_start3A_59 : memref<25x80xi32, #tpu.memory_space<hbm>>) target(%arg8 : memref<25x80xi32, #tpu.memory_space<vmem>>) target_semaphore(%run_scoped3A : memref<!tpu.dma_semaphore, #tpu.memory_space<semaphore_mem>>)
          %dma_wait3A_60 = arith.constant 0 : i32
          %dma_wait3A_61 = arith.constant 0 : i32
          %dma_wait3A_62 = tpu.memref_slice %arg2[%arg1, %scan3A_15, %dma_wait3A_60, %dma_wait3A_61] : memref<16x5x25x80xi32, #tpu.memory_space<hbm>> -> memref<1x1x25x80xi32, #tpu.memory_space<hbm>>
          %dma_wait3A_63 = tpu.memref_squeeze %dma_wait3A_62 : memref<1x1x25x80xi32, #tpu.memory_space<hbm>> -> memref<25x80xi32, #tpu.memory_space<hbm>>
          %dma_wait3A_64 = arith.constant 0 : i32
          %dma_wait3A_65 = arith.constant 0 : i32
          %dma_wait3A_66 = tpu.memref_slice %arg2[%arg1, %scan3A_15, %dma_wait3A_64, %dma_wait3A_65] : memref<16x5x25x80xi32, #tpu.memory_space<hbm>> -> memref<1x1x25x80xi32, #tpu.memory_space<hbm>>
          %dma_wait3A_67 = tpu.memref_squeeze %dma_wait3A_66 : memref<1x1x25x80xi32, #tpu.memory_space<hbm>> -> memref<25x80xi32, #tpu.memory_space<hbm>>
          tpu.wait_dma2 semaphore(%run_scoped3A : memref<!tpu.dma_semaphore, #tpu.memory_space<semaphore_mem>>) src(%dma_wait3A_67 : memref<25x80xi32, #tpu.memory_space<hbm>>) dst(%arg8 : memref<25x80xi32, #tpu.memory_space<vmem>>)
          tpu.yield
        }) : () -> ()
        "tpu.region"() ({
          %run_scoped3A = tpu.sem_alloc : memref<!tpu.dma_semaphore, #tpu.memory_space<semaphore_mem>>
          %dma_start3A_52 = arith.constant 0 : i32
          %dma_start3A_53 = arith.constant 0 : i32
          %dma_start3A_54 = tpu.memref_slice %arg3[%arg1, %scan3A_15, %dma_start3A_52, %dma_start3A_53] : memref<16x5x25x80xi32, #tpu.memory_space<hbm>> -> memref<1x1x25x80xi32, #tpu.memory_space<hbm>>
          %dma_start3A_55 = tpu.memref_squeeze %dma_start3A_54 : memref<1x1x25x80xi32, #tpu.memory_space<hbm>> -> memref<25x80xi32, #tpu.memory_space<hbm>>
          %dma_start3A_56 = arith.constant 0 : i32
          %dma_start3A_57 = arith.constant 0 : i32
          %dma_start3A_58 = tpu.memref_slice %arg3[%arg1, %scan3A_15, %dma_start3A_56, %dma_start3A_57] : memref<16x5x25x80xi32, #tpu.memory_space<hbm>> -> memref<1x1x25x80xi32, #tpu.memory_space<hbm>>
          %dma_start3A_59 = tpu.memref_squeeze %dma_start3A_58 : memref<1x1x25x80xi32, #tpu.memory_space<hbm>> -> memref<25x80xi32, #tpu.memory_space<hbm>>
          tpu.enqueue_dma source(%dma_start3A_59 : memref<25x80xi32, #tpu.memory_space<hbm>>) target(%arg9 : memref<25x80xi32, #tpu.memory_space<vmem>>) target_semaphore(%run_scoped3A : memref<!tpu.dma_semaphore, #tpu.memory_space<semaphore_mem>>)
          %dma_wait3A_60 = arith.constant 0 : i32
          %dma_wait3A_61 = arith.constant 0 : i32
          %dma_wait3A_62 = tpu.memref_slice %arg3[%arg1, %scan3A_15, %dma_wait3A_60, %dma_wait3A_61] : memref<16x5x25x80xi32, #tpu.memory_space<hbm>> -> memref<1x1x25x80xi32, #tpu.memory_space<hbm>>
          %dma_wait3A_63 = tpu.memref_squeeze %dma_wait3A_62 : memref<1x1x25x80xi32, #tpu.memory_space<hbm>> -> memref<25x80xi32, #tpu.memory_space<hbm>>
          %dma_wait3A_64 = arith.constant 0 : i32
          %dma_wait3A_65 = arith.constant 0 : i32
          %dma_wait3A_66 = tpu.memref_slice %arg3[%arg1, %scan3A_15, %dma_wait3A_64, %dma_wait3A_65] : memref<16x5x25x80xi32, #tpu.memory_space<hbm>> -> memref<1x1x25x80xi32, #tpu.memory_space<hbm>>
          %dma_wait3A_67 = tpu.memref_squeeze %dma_wait3A_66 : memref<1x1x25x80xi32, #tpu.memory_space<hbm>> -> memref<25x80xi32, #tpu.memory_space<hbm>>
          tpu.wait_dma2 semaphore(%run_scoped3A : memref<!tpu.dma_semaphore, #tpu.memory_space<semaphore_mem>>) src(%dma_wait3A_67 : memref<25x80xi32, #tpu.memory_space<hbm>>) dst(%arg9 : memref<25x80xi32, #tpu.memory_space<vmem>>)
          tpu.yield
        }) : () -> ()
        %dma_start3A = arith.constant 0 : i32
        %dma_start3A_16 = arith.constant 0 : i32
        %dma_start3A_17 = tpu.memref_slice %arg8[%dma_start3A, %dma_start3A_16] : memref<25x80xi32, #tpu.memory_space<vmem>> -> memref<1x80xi32, #tpu.memory_space<vmem>>
        %dma_start3A_18 = tpu.memref_squeeze %dma_start3A_17 : memref<1x80xi32, #tpu.memory_space<vmem>> -> memref<80xi32, #tpu.memory_space<vmem>>
        %dma_start3A_19 = arith.constant 0 : i32
        %dma_start3A_20 = arith.constant 0 : i32
        %dma_start3A_21 = tpu.memref_slice %arg4[%dma_start3A_19, %dma_start3A_20] : memref<10000x128xf32, #tpu.memory_space<hbm>> -> memref<10000x128xf32, #tpu.memory_space<hbm>>
        tpu.enqueue_indirect_dma source(%dma_start3A_21 : memref<10000x128xf32, #tpu.memory_space<hbm>>) target(%arg10 : memref<80x128xf32, #tpu.memory_space<vmem>>) offsets(%dma_start3A_18 : memref<80xi32, #tpu.memory_space<vmem>>) semaphore(%arg13 : memref<!tpu.dma_semaphore, #tpu.memory_space<semaphore_mem>>)
        %scan3A_22 = arith.constant 0 : i32
        %scan3A_23 = arith.constant 0 : i32
        %scan3A_24 = arith.constant 12 : i32
        %scan3A_25 = arith.addi %scan3A_23, %scan3A_24 : i32
        %scan3A_26 = arith.constant 1 : i32
        scf.for %scan3A_52 = %scan3A_23 to %scan3A_25 step %scan3A_26  : i32 {
          %mul3A_53 = arith.constant 2 : i32
          %mul3A_54 = arith.muli %mul3A_53, %scan3A_52 : i32
          %dma_wait3A_55 = arith.constant 0 : i32
          %dma_wait3A_56 = arith.constant 0 : i32
          %dma_wait3A_57 = tpu.memref_slice %arg4[%dma_wait3A_55, %dma_wait3A_56] : memref<10000x128xf32, #tpu.memory_space<hbm>> -> memref<80x128xf32, #tpu.memory_space<hbm>>
          %dma_wait3A_58 = arith.constant 0 : i32
          %dma_wait3A_59 = arith.constant 0 : i32
          %dma_wait3A_60 = tpu.memref_slice %arg4[%dma_wait3A_58, %dma_wait3A_59] : memref<10000x128xf32, #tpu.memory_space<hbm>> -> memref<80x128xf32, #tpu.memory_space<hbm>>
          tpu.wait_dma2 semaphore(%arg13 : memref<!tpu.dma_semaphore, #tpu.memory_space<semaphore_mem>>) src(%dma_wait3A_60 : memref<80x128xf32, #tpu.memory_space<hbm>>) dst(%arg10 : memref<80x128xf32, #tpu.memory_space<vmem>>)
          %gt3A = arith.constant 0 : i32
          %gt3A_61 = arith.cmpi sgt, %scan3A_52, %gt3A : i32
          %convert_element_type3A_62 = arith.extui %gt3A_61 : i1 to i32
          %cond3A_63 = arith.constant 0 : i32
          %cond3A_64 = arith.cmpi ne, %convert_element_type3A_62, %cond3A_63 : i32
          scf.if %cond3A_64 {
            %dma_wait3A_106 = arith.constant 0 : i32
            %dma_wait3A_107 = arith.constant 0 : i32
            %dma_wait3A_108 = tpu.memref_slice %arg12[%dma_wait3A_106, %dma_wait3A_107] : memref<10000x128xf32, #tpu.memory_space<vmem_shared>> -> memref<80x128xf32, #tpu.memory_space<vmem_shared>>
            %dma_wait3A_109 = arith.constant 0 : i32
            %dma_wait3A_110 = arith.constant 0 : i32
            %dma_wait3A_111 = tpu.memref_slice %arg12[%dma_wait3A_109, %dma_wait3A_110] : memref<10000x128xf32, #tpu.memory_space<vmem_shared>> -> memref<80x128xf32, #tpu.memory_space<vmem_shared>>
            tpu.wait_dma2 semaphore(%arg16 : memref<!tpu.dma_semaphore, #tpu.memory_space<semaphore_mem>>) src(%arg11 : memref<80x128xf32, #tpu.memory_space<vmem>>) dst(%dma_wait3A_111 : memref<80x128xf32, #tpu.memory_space<vmem_shared>>)
          } else {
          }
          %add3A = arith.constant 1 : i32
          %add3A_65 = arith.addi %mul3A_54, %add3A : i32
          %dma_start3A_66 = arith.constant 0 : i32
          %dma_start3A_67 = tpu.memref_slice %arg8[%add3A_65, %dma_start3A_66] : memref<25x80xi32, #tpu.memory_space<vmem>> -> memref<1x80xi32, #tpu.memory_space<vmem>>
          %dma_start3A_68 = tpu.memref_squeeze %dma_start3A_67 : memref<1x80xi32, #tpu.memory_space<vmem>> -> memref<80xi32, #tpu.memory_space<vmem>>
          %dma_start3A_69 = arith.constant 0 : i32
          %dma_start3A_70 = arith.constant 0 : i32
          %dma_start3A_71 = tpu.memref_slice %arg4[%dma_start3A_69, %dma_start3A_70] : memref<10000x128xf32, #tpu.memory_space<hbm>> -> memref<10000x128xf32, #tpu.memory_space<hbm>>
          tpu.enqueue_indirect_dma source(%dma_start3A_71 : memref<10000x128xf32, #tpu.memory_space<hbm>>) target(%arg11 : memref<80x128xf32, #tpu.memory_space<vmem>>) offsets(%dma_start3A_68 : memref<80xi32, #tpu.memory_space<vmem>>) semaphore(%arg14 : memref<!tpu.dma_semaphore, #tpu.memory_space<semaphore_mem>>)
          %dma_start3A_72 = arith.constant 0 : i32
          %dma_start3A_73 = tpu.memref_slice %arg9[%mul3A_54, %dma_start3A_72] : memref<25x80xi32, #tpu.memory_space<vmem>> -> memref<1x80xi32, #tpu.memory_space<vmem>>
          %dma_start3A_74 = tpu.memref_squeeze %dma_start3A_73 : memref<1x80xi32, #tpu.memory_space<vmem>> -> memref<80xi32, #tpu.memory_space<vmem>>
          %dma_start3A_75 = arith.constant 0 : i32
          %dma_start3A_76 = arith.constant 0 : i32
          %dma_start3A_77 = tpu.memref_slice %arg12[%dma_start3A_75, %dma_start3A_76] : memref<10000x128xf32, #tpu.memory_space<vmem_shared>> -> memref<10000x128xf32, #tpu.memory_space<vmem_shared>>
          tpu.enqueue_indirect_dma source(%arg10 : memref<80x128xf32, #tpu.memory_space<vmem>>) target(%dma_start3A_77 : memref<10000x128xf32, #tpu.memory_space<vmem_shared>>) offsets(%dma_start3A_74 : memref<80xi32, #tpu.memory_space<vmem>>) semaphore(%arg15 : memref<!tpu.dma_semaphore, #tpu.memory_space<semaphore_mem>>) {add = true}
          %dma_wait3A_78 = arith.constant 0 : i32
          %dma_wait3A_79 = arith.constant 0 : i32
          %dma_wait3A_80 = tpu.memref_slice %arg4[%dma_wait3A_78, %dma_wait3A_79] : memref<10000x128xf32, #tpu.memory_space<hbm>> -> memref<80x128xf32, #tpu.memory_space<hbm>>
          %dma_wait3A_81 = arith.constant 0 : i32
          %dma_wait3A_82 = arith.constant 0 : i32
          %dma_wait3A_83 = tpu.memref_slice %arg4[%dma_wait3A_81, %dma_wait3A_82] : memref<10000x128xf32, #tpu.memory_space<hbm>> -> memref<80x128xf32, #tpu.memory_space<hbm>>
          tpu.wait_dma2 semaphore(%arg14 : memref<!tpu.dma_semaphore, #tpu.memory_space<semaphore_mem>>) src(%dma_wait3A_83 : memref<80x128xf32, #tpu.memory_space<hbm>>) dst(%arg11 : memref<80x128xf32, #tpu.memory_space<vmem>>)
          %dma_wait3A_84 = arith.constant 0 : i32
          %dma_wait3A_85 = arith.constant 0 : i32
          %dma_wait3A_86 = tpu.memref_slice %arg12[%dma_wait3A_84, %dma_wait3A_85] : memref<10000x128xf32, #tpu.memory_space<vmem_shared>> -> memref<80x128xf32, #tpu.memory_space<vmem_shared>>
          %dma_wait3A_87 = arith.constant 0 : i32
          %dma_wait3A_88 = arith.constant 0 : i32
          %dma_wait3A_89 = tpu.memref_slice %arg12[%dma_wait3A_87, %dma_wait3A_88] : memref<10000x128xf32, #tpu.memory_space<vmem_shared>> -> memref<80x128xf32, #tpu.memory_space<vmem_shared>>
          tpu.wait_dma2 semaphore(%arg15 : memref<!tpu.dma_semaphore, #tpu.memory_space<semaphore_mem>>) src(%arg10 : memref<80x128xf32, #tpu.memory_space<vmem>>) dst(%dma_wait3A_89 : memref<80x128xf32, #tpu.memory_space<vmem_shared>>)
          %add3A_90 = arith.constant 2 : i32
          %add3A_91 = arith.addi %mul3A_54, %add3A_90 : i32
          %dma_start3A_92 = arith.constant 0 : i32
          %dma_start3A_93 = tpu.memref_slice %arg8[%add3A_91, %dma_start3A_92] : memref<25x80xi32, #tpu.memory_space<vmem>> -> memref<1x80xi32, #tpu.memory_space<vmem>>
          %dma_start3A_94 = tpu.memref_squeeze %dma_start3A_93 : memref<1x80xi32, #tpu.memory_space<vmem>> -> memref<80xi32, #tpu.memory_space<vmem>>
          %dma_start3A_95 = arith.constant 0 : i32
          %dma_start3A_96 = arith.constant 0 : i32
          %dma_start3A_97 = tpu.memref_slice %arg4[%dma_start3A_95, %dma_start3A_96] : memref<10000x128xf32, #tpu.memory_space<hbm>> -> memref<10000x128xf32, #tpu.memory_space<hbm>>
          tpu.enqueue_indirect_dma source(%dma_start3A_97 : memref<10000x128xf32, #tpu.memory_space<hbm>>) target(%arg10 : memref<80x128xf32, #tpu.memory_space<vmem>>) offsets(%dma_start3A_94 : memref<80xi32, #tpu.memory_space<vmem>>) semaphore(%arg13 : memref<!tpu.dma_semaphore, #tpu.memory_space<semaphore_mem>>)
          %add3A_98 = arith.constant 1 : i32
          %add3A_99 = arith.addi %mul3A_54, %add3A_98 : i32
          %dma_start3A_100 = arith.constant 0 : i32
          %dma_start3A_101 = tpu.memref_slice %arg9[%add3A_99, %dma_start3A_100] : memref<25x80xi32, #tpu.memory_space<vmem>> -> memref<1x80xi32, #tpu.memory_space<vmem>>
          %dma_start3A_102 = tpu.memref_squeeze %dma_start3A_101 : memref<1x80xi32, #tpu.memory_space<vmem>> -> memref<80xi32, #tpu.memory_space<vmem>>
          %dma_start3A_103 = arith.constant 0 : i32
          %dma_start3A_104 = arith.constant 0 : i32
          %dma_start3A_105 = tpu.memref_slice %arg12[%dma_start3A_103, %dma_start3A_104] : memref<10000x128xf32, #tpu.memory_space<vmem_shared>> -> memref<10000x128xf32, #tpu.memory_space<vmem_shared>>
          tpu.enqueue_indirect_dma source(%arg11 : memref<80x128xf32, #tpu.memory_space<vmem>>) target(%dma_start3A_105 : memref<10000x128xf32, #tpu.memory_space<vmem_shared>>) offsets(%dma_start3A_102 : memref<80xi32, #tpu.memory_space<vmem>>) semaphore(%arg16 : memref<!tpu.dma_semaphore, #tpu.memory_space<semaphore_mem>>) {add = true}
        }
        %scan3A_27 = arith.constant 12 : i32
        %dma_wait3A = arith.constant 0 : i32
        %dma_wait3A_28 = arith.constant 0 : i32
        %dma_wait3A_29 = tpu.memref_slice %arg4[%dma_wait3A, %dma_wait3A_28] : memref<10000x128xf32, #tpu.memory_space<hbm>> -> memref<80x128xf32, #tpu.memory_space<hbm>>
        %dma_wait3A_30 = arith.constant 0 : i32
        %dma_wait3A_31 = arith.constant 0 : i32
        %dma_wait3A_32 = tpu.memref_slice %arg4[%dma_wait3A_30, %dma_wait3A_31] : memref<10000x128xf32, #tpu.memory_space<hbm>> -> memref<80x128xf32, #tpu.memory_space<hbm>>
        tpu.wait_dma2 semaphore(%arg13 : memref<!tpu.dma_semaphore, #tpu.memory_space<semaphore_mem>>) src(%dma_wait3A_32 : memref<80x128xf32, #tpu.memory_space<hbm>>) dst(%arg10 : memref<80x128xf32, #tpu.memory_space<vmem>>)
        %dma_start3A_33 = arith.constant 24 : i32
        %dma_start3A_34 = arith.constant 0 : i32
        %dma_start3A_35 = tpu.memref_slice %arg9[%dma_start3A_33, %dma_start3A_34] : memref<25x80xi32, #tpu.memory_space<vmem>> -> memref<1x80xi32, #tpu.memory_space<vmem>>
        %dma_start3A_36 = tpu.memref_squeeze %dma_start3A_35 : memref<1x80xi32, #tpu.memory_space<vmem>> -> memref<80xi32, #tpu.memory_space<vmem>>
        %dma_start3A_37 = arith.constant 0 : i32
        %dma_start3A_38 = arith.constant 0 : i32
        %dma_start3A_39 = tpu.memref_slice %arg12[%dma_start3A_37, %dma_start3A_38] : memref<10000x128xf32, #tpu.memory_space<vmem_shared>> -> memref<10000x128xf32, #tpu.memory_space<vmem_shared>>
        tpu.enqueue_indirect_dma source(%arg10 : memref<80x128xf32, #tpu.memory_space<vmem>>) target(%dma_start3A_39 : memref<10000x128xf32, #tpu.memory_space<vmem_shared>>) offsets(%dma_start3A_36 : memref<80xi32, #tpu.memory_space<vmem>>) semaphore(%arg15 : memref<!tpu.dma_semaphore, #tpu.memory_space<semaphore_mem>>) {add = true}
        %dma_wait3A_40 = arith.constant 0 : i32
        %dma_wait3A_41 = arith.constant 0 : i32
        %dma_wait3A_42 = tpu.memref_slice %arg12[%dma_wait3A_40, %dma_wait3A_41] : memref<10000x128xf32, #tpu.memory_space<vmem_shared>> -> memref<80x128xf32, #tpu.memory_space<vmem_shared>>
        %dma_wait3A_43 = arith.constant 0 : i32
        %dma_wait3A_44 = arith.constant 0 : i32
        %dma_wait3A_45 = tpu.memref_slice %arg12[%dma_wait3A_43, %dma_wait3A_44] : memref<10000x128xf32, #tpu.memory_space<vmem_shared>> -> memref<80x128xf32, #tpu.memory_space<vmem_shared>>
        tpu.wait_dma2 semaphore(%arg16 : memref<!tpu.dma_semaphore, #tpu.memory_space<semaphore_mem>>) src(%arg11 : memref<80x128xf32, #tpu.memory_space<vmem>>) dst(%dma_wait3A_45 : memref<80x128xf32, #tpu.memory_space<vmem_shared>>)
        %dma_wait3A_46 = arith.constant 0 : i32
        %dma_wait3A_47 = arith.constant 0 : i32
        %dma_wait3A_48 = tpu.memref_slice %arg12[%dma_wait3A_46, %dma_wait3A_47] : memref<10000x128xf32, #tpu.memory_space<vmem_shared>> -> memref<80x128xf32, #tpu.memory_space<vmem_shared>>
        %dma_wait3A_49 = arith.constant 0 : i32
        %dma_wait3A_50 = arith.constant 0 : i32
        %dma_wait3A_51 = tpu.memref_slice %arg12[%dma_wait3A_49, %dma_wait3A_50] : memref<10000x128xf32, #tpu.memory_space<vmem_shared>> -> memref<80x128xf32, #tpu.memory_space<vmem_shared>>
        tpu.wait_dma2 semaphore(%arg15 : memref<!tpu.dma_semaphore, #tpu.memory_space<semaphore_mem>>) src(%arg10 : memref<80x128xf32, #tpu.memory_space<vmem>>) dst(%dma_wait3A_51 : memref<80x128xf32, #tpu.memory_space<vmem_shared>>)
      }
      %scan3A_12 = arith.constant 5 : i32
      %barrier3A_13 = arith.constant 0 : index
      tpu.barrier barrier_id(%barrier3A_13)
      "tpu.region"() ({
        %run_scoped3A = tpu.sem_alloc : memref<!tpu.dma_semaphore, #tpu.memory_space<semaphore_mem>>
        %dma_start3A = arith.constant 0 : i32
        %dma_start3A_15 = tpu.memref_slice %arg6[%mul3A_0, %dma_start3A] : memref<10000x128xf32, #tpu.memory_space<hbm>> -> memref<640x128xf32, #tpu.memory_space<hbm>>
        %dma_start3A_16 = arith.constant 0 : i32
        %dma_start3A_17 = tpu.memref_slice %arg12[%mul3A_0, %dma_start3A_16] : memref<10000x128xf32, #tpu.memory_space<vmem_shared>> -> memref<640x128xf32, #tpu.memory_space<vmem_shared>>
        tpu.enqueue_dma source(%dma_start3A_17 : memref<640x128xf32, #tpu.memory_space<vmem_shared>>) target(%dma_start3A_15 : memref<640x128xf32, #tpu.memory_space<hbm>>) target_semaphore(%run_scoped3A : memref<!tpu.dma_semaphore, #tpu.memory_space<semaphore_mem>>)
        %dma_wait3A = arith.constant 0 : i32
        %dma_wait3A_18 = tpu.memref_slice %arg6[%mul3A_0, %dma_wait3A] : memref<10000x128xf32, #tpu.memory_space<hbm>> -> memref<640x128xf32, #tpu.memory_space<hbm>>
        %dma_wait3A_19 = arith.constant 0 : i32
        %dma_wait3A_20 = tpu.memref_slice %arg12[%mul3A_0, %dma_wait3A_19] : memref<10000x128xf32, #tpu.memory_space<vmem_shared>> -> memref<640x128xf32, #tpu.memory_space<vmem_shared>>
        tpu.wait_dma2 semaphore(%run_scoped3A : memref<!tpu.dma_semaphore, #tpu.memory_space<semaphore_mem>>) src(%dma_wait3A_20 : memref<640x128xf32, #tpu.memory_space<vmem_shared>>) dst(%dma_wait3A_18 : memref<640x128xf32, #tpu.memory_space<hbm>>)
        tpu.yield
      }) : () -> ()
      %barrier3A_14 = arith.constant 0 : index
      tpu.barrier barrier_id(%barrier3A_14)
    } else {
    }
    %eq3A_3 = arith.constant 1 : i32
    %eq3A_4 = arith.cmpi eq, %arg0, %eq3A_3 : i32
    %convert_element_type3A_5 = arith.extui %eq3A_4 : i1 to i32
    %cond3A_6 = arith.constant 0 : i32
    %cond3A_7 = arith.cmpi ne, %convert_element_type3A_5, %cond3A_6 : i32
    scf.if %cond3A_7 {
      "tpu.region"() ({
        %run_scoped3A = tpu.sem_alloc : memref<!tpu.dma_semaphore, #tpu.memory_space<semaphore_mem>>
        %dma_start3A = arith.constant 0 : i32
        %dma_start3A_15 = tpu.memref_slice %arg12[%mul3A_0, %dma_start3A] : memref<10000x128xf32, #tpu.memory_space<vmem_shared>> -> memref<640x128xf32, #tpu.memory_space<vmem_shared>>
        %dma_start3A_16 = arith.constant 0 : i32
        %dma_start3A_17 = tpu.memref_slice %arg5[%mul3A_0, %dma_start3A_16] : memref<10000x128xf32, #tpu.memory_space<hbm>> -> memref<640x128xf32, #tpu.memory_space<hbm>>
        tpu.enqueue_dma source(%dma_start3A_17 : memref<640x128xf32, #tpu.memory_space<hbm>>) target(%dma_start3A_15 : memref<640x128xf32, #tpu.memory_space<vmem_shared>>) target_semaphore(%run_scoped3A : memref<!tpu.dma_semaphore, #tpu.memory_space<semaphore_mem>>)
        %dma_wait3A = arith.constant 0 : i32
        %dma_wait3A_18 = tpu.memref_slice %arg12[%mul3A_0, %dma_wait3A] : memref<10000x128xf32, #tpu.memory_space<vmem_shared>> -> memref<640x128xf32, #tpu.memory_space<vmem_shared>>
        %dma_wait3A_19 = arith.constant 0 : i32
        %dma_wait3A_20 = tpu.memref_slice %arg5[%mul3A_0, %dma_wait3A_19] : memref<10000x128xf32, #tpu.memory_space<hbm>> -> memref<640x128xf32, #tpu.memory_space<hbm>>
        tpu.wait_dma2 semaphore(%run_scoped3A : memref<!tpu.dma_semaphore, #tpu.memory_space<semaphore_mem>>) src(%dma_wait3A_20 : memref<640x128xf32, #tpu.memory_space<hbm>>) dst(%dma_wait3A_18 : memref<640x128xf32, #tpu.memory_space<vmem_shared>>)
        tpu.yield
      }) : () -> ()
      %barrier3A = arith.constant 0 : index
      tpu.barrier barrier_id(%barrier3A)
      %scan3A = arith.constant 0 : i32
      %scan3A_8 = arith.constant 0 : i32
      %scan3A_9 = arith.constant 5 : i32
      %scan3A_10 = arith.addi %scan3A_8, %scan3A_9 : i32
      %scan3A_11 = arith.constant 1 : i32
      scf.for %scan3A_15 = %scan3A_8 to %scan3A_10 step %scan3A_11  : i32 {
        "tpu.region"() ({
          %run_scoped3A = tpu.sem_alloc : memref<!tpu.dma_semaphore, #tpu.memory_space<semaphore_mem>>
          %dma_start3A_52 = arith.constant 0 : i32
          %dma_start3A_53 = arith.constant 0 : i32
          %dma_start3A_54 = tpu.memref_slice %arg2[%arg1, %scan3A_15, %dma_start3A_52, %dma_start3A_53] : memref<16x5x25x80xi32, #tpu.memory_space<hbm>> -> memref<1x1x25x80xi32, #tpu.memory_space<hbm>>
          %dma_start3A_55 = tpu.memref_squeeze %dma_start3A_54 : memref<1x1x25x80xi32, #tpu.memory_space<hbm>> -> memref<25x80xi32, #tpu.memory_space<hbm>>
          %dma_start3A_56 = arith.constant 0 : i32
          %dma_start3A_57 = arith.constant 0 : i32
          %dma_start3A_58 = tpu.memref_slice %arg2[%arg1, %scan3A_15, %dma_start3A_56, %dma_start3A_57] : memref<16x5x25x80xi32, #tpu.memory_space<hbm>> -> memref<1x1x25x80xi32, #tpu.memory_space<hbm>>
          %dma_start3A_59 = tpu.memref_squeeze %dma_start3A_58 : memref<1x1x25x80xi32, #tpu.memory_space<hbm>> -> memref<25x80xi32, #tpu.memory_space<hbm>>
          tpu.enqueue_dma source(%dma_start3A_59 : memref<25x80xi32, #tpu.memory_space<hbm>>) target(%arg8 : memref<25x80xi32, #tpu.memory_space<vmem>>) target_semaphore(%run_scoped3A : memref<!tpu.dma_semaphore, #tpu.memory_space<semaphore_mem>>)
          %dma_wait3A_60 = arith.constant 0 : i32
          %dma_wait3A_61 = arith.constant 0 : i32
          %dma_wait3A_62 = tpu.memref_slice %arg2[%arg1, %scan3A_15, %dma_wait3A_60, %dma_wait3A_61] : memref<16x5x25x80xi32, #tpu.memory_space<hbm>> -> memref<1x1x25x80xi32, #tpu.memory_space<hbm>>
          %dma_wait3A_63 = tpu.memref_squeeze %dma_wait3A_62 : memref<1x1x25x80xi32, #tpu.memory_space<hbm>> -> memref<25x80xi32, #tpu.memory_space<hbm>>
          %dma_wait3A_64 = arith.constant 0 : i32
          %dma_wait3A_65 = arith.constant 0 : i32
          %dma_wait3A_66 = tpu.memref_slice %arg2[%arg1, %scan3A_15, %dma_wait3A_64, %dma_wait3A_65] : memref<16x5x25x80xi32, #tpu.memory_space<hbm>> -> memref<1x1x25x80xi32, #tpu.memory_space<hbm>>
          %dma_wait3A_67 = tpu.memref_squeeze %dma_wait3A_66 : memref<1x1x25x80xi32, #tpu.memory_space<hbm>> -> memref<25x80xi32, #tpu.memory_space<hbm>>
          tpu.wait_dma2 semaphore(%run_scoped3A : memref<!tpu.dma_semaphore, #tpu.memory_space<semaphore_mem>>) src(%dma_wait3A_67 : memref<25x80xi32, #tpu.memory_space<hbm>>) dst(%arg8 : memref<25x80xi32, #tpu.memory_space<vmem>>)
          tpu.yield
        }) : () -> ()
        "tpu.region"() ({
          %run_scoped3A = tpu.sem_alloc : memref<!tpu.dma_semaphore, #tpu.memory_space<semaphore_mem>>
          %dma_start3A_52 = arith.constant 0 : i32
          %dma_start3A_53 = arith.constant 0 : i32
          %dma_start3A_54 = tpu.memref_slice %arg3[%arg1, %scan3A_15, %dma_start3A_52, %dma_start3A_53] : memref<16x5x25x80xi32, #tpu.memory_space<hbm>> -> memref<1x1x25x80xi32, #tpu.memory_space<hbm>>
          %dma_start3A_55 = tpu.memref_squeeze %dma_start3A_54 : memref<1x1x25x80xi32, #tpu.memory_space<hbm>> -> memref<25x80xi32, #tpu.memory_space<hbm>>
          %dma_start3A_56 = arith.constant 0 : i32
          %dma_start3A_57 = arith.constant 0 : i32
          %dma_start3A_58 = tpu.memref_slice %arg3[%arg1, %scan3A_15, %dma_start3A_56, %dma_start3A_57] : memref<16x5x25x80xi32, #tpu.memory_space<hbm>> -> memref<1x1x25x80xi32, #tpu.memory_space<hbm>>
          %dma_start3A_59 = tpu.memref_squeeze %dma_start3A_58 : memref<1x1x25x80xi32, #tpu.memory_space<hbm>> -> memref<25x80xi32, #tpu.memory_space<hbm>>
          tpu.enqueue_dma source(%dma_start3A_59 : memref<25x80xi32, #tpu.memory_space<hbm>>) target(%arg9 : memref<25x80xi32, #tpu.memory_space<vmem>>) target_semaphore(%run_scoped3A : memref<!tpu.dma_semaphore, #tpu.memory_space<semaphore_mem>>)
          %dma_wait3A_60 = arith.constant 0 : i32
          %dma_wait3A_61 = arith.constant 0 : i32
          %dma_wait3A_62 = tpu.memref_slice %arg3[%arg1, %scan3A_15, %dma_wait3A_60, %dma_wait3A_61] : memref<16x5x25x80xi32, #tpu.memory_space<hbm>> -> memref<1x1x25x80xi32, #tpu.memory_space<hbm>>
          %dma_wait3A_63 = tpu.memref_squeeze %dma_wait3A_62 : memref<1x1x25x80xi32, #tpu.memory_space<hbm>> -> memref<25x80xi32, #tpu.memory_space<hbm>>
          %dma_wait3A_64 = arith.constant 0 : i32
          %dma_wait3A_65 = arith.constant 0 : i32
          %dma_wait3A_66 = tpu.memref_slice %arg3[%arg1, %scan3A_15, %dma_wait3A_64, %dma_wait3A_65] : memref<16x5x25x80xi32, #tpu.memory_space<hbm>> -> memref<1x1x25x80xi32, #tpu.memory_space<hbm>>
          %dma_wait3A_67 = tpu.memref_squeeze %dma_wait3A_66 : memref<1x1x25x80xi32, #tpu.memory_space<hbm>> -> memref<25x80xi32, #tpu.memory_space<hbm>>
          tpu.wait_dma2 semaphore(%run_scoped3A : memref<!tpu.dma_semaphore, #tpu.memory_space<semaphore_mem>>) src(%dma_wait3A_67 : memref<25x80xi32, #tpu.memory_space<hbm>>) dst(%arg9 : memref<25x80xi32, #tpu.memory_space<vmem>>)
          tpu.yield
        }) : () -> ()
        %dma_start3A = arith.constant 0 : i32
        %dma_start3A_16 = arith.constant 0 : i32
        %dma_start3A_17 = tpu.memref_slice %arg8[%dma_start3A, %dma_start3A_16] : memref<25x80xi32, #tpu.memory_space<vmem>> -> memref<1x80xi32, #tpu.memory_space<vmem>>
        %dma_start3A_18 = tpu.memref_squeeze %dma_start3A_17 : memref<1x80xi32, #tpu.memory_space<vmem>> -> memref<80xi32, #tpu.memory_space<vmem>>
        %dma_start3A_19 = arith.constant 0 : i32
        %dma_start3A_20 = arith.constant 0 : i32
        %dma_start3A_21 = tpu.memref_slice %arg5[%dma_start3A_19, %dma_start3A_20] : memref<10000x128xf32, #tpu.memory_space<hbm>> -> memref<10000x128xf32, #tpu.memory_space<hbm>>
        tpu.enqueue_indirect_dma source(%dma_start3A_21 : memref<10000x128xf32, #tpu.memory_space<hbm>>) target(%arg10 : memref<80x128xf32, #tpu.memory_space<vmem>>) offsets(%dma_start3A_18 : memref<80xi32, #tpu.memory_space<vmem>>) semaphore(%arg13 : memref<!tpu.dma_semaphore, #tpu.memory_space<semaphore_mem>>)
        %scan3A_22 = arith.constant 0 : i32
        %scan3A_23 = arith.constant 0 : i32
        %scan3A_24 = arith.constant 12 : i32
        %scan3A_25 = arith.addi %scan3A_23, %scan3A_24 : i32
        %scan3A_26 = arith.constant 1 : i32
        scf.for %scan3A_52 = %scan3A_23 to %scan3A_25 step %scan3A_26  : i32 {
          %mul3A_53 = arith.constant 2 : i32
          %mul3A_54 = arith.muli %mul3A_53, %scan3A_52 : i32
          %dma_wait3A_55 = arith.constant 0 : i32
          %dma_wait3A_56 = arith.constant 0 : i32
          %dma_wait3A_57 = tpu.memref_slice %arg5[%dma_wait3A_55, %dma_wait3A_56] : memref<10000x128xf32, #tpu.memory_space<hbm>> -> memref<80x128xf32, #tpu.memory_space<hbm>>
          %dma_wait3A_58 = arith.constant 0 : i32
          %dma_wait3A_59 = arith.constant 0 : i32
          %dma_wait3A_60 = tpu.memref_slice %arg5[%dma_wait3A_58, %dma_wait3A_59] : memref<10000x128xf32, #tpu.memory_space<hbm>> -> memref<80x128xf32, #tpu.memory_space<hbm>>
          tpu.wait_dma2 semaphore(%arg13 : memref<!tpu.dma_semaphore, #tpu.memory_space<semaphore_mem>>) src(%dma_wait3A_60 : memref<80x128xf32, #tpu.memory_space<hbm>>) dst(%arg10 : memref<80x128xf32, #tpu.memory_space<vmem>>)
          %gt3A = arith.constant 0 : i32
          %gt3A_61 = arith.cmpi sgt, %scan3A_52, %gt3A : i32
          %convert_element_type3A_62 = arith.extui %gt3A_61 : i1 to i32
          %cond3A_63 = arith.constant 0 : i32
          %cond3A_64 = arith.cmpi ne, %convert_element_type3A_62, %cond3A_63 : i32
          scf.if %cond3A_64 {
            %dma_wait3A_106 = arith.constant 0 : i32
            %dma_wait3A_107 = arith.constant 0 : i32
            %dma_wait3A_108 = tpu.memref_slice %arg12[%dma_wait3A_106, %dma_wait3A_107] : memref<10000x128xf32, #tpu.memory_space<vmem_shared>> -> memref<80x128xf32, #tpu.memory_space<vmem_shared>>
            %dma_wait3A_109 = arith.constant 0 : i32
            %dma_wait3A_110 = arith.constant 0 : i32
            %dma_wait3A_111 = tpu.memref_slice %arg12[%dma_wait3A_109, %dma_wait3A_110] : memref<10000x128xf32, #tpu.memory_space<vmem_shared>> -> memref<80x128xf32, #tpu.memory_space<vmem_shared>>
            tpu.wait_dma2 semaphore(%arg16 : memref<!tpu.dma_semaphore, #tpu.memory_space<semaphore_mem>>) src(%arg11 : memref<80x128xf32, #tpu.memory_space<vmem>>) dst(%dma_wait3A_111 : memref<80x128xf32, #tpu.memory_space<vmem_shared>>)
          } else {
          }
          %add3A = arith.constant 1 : i32
          %add3A_65 = arith.addi %mul3A_54, %add3A : i32
          %dma_start3A_66 = arith.constant 0 : i32
          %dma_start3A_67 = tpu.memref_slice %arg8[%add3A_65, %dma_start3A_66] : memref<25x80xi32, #tpu.memory_space<vmem>> -> memref<1x80xi32, #tpu.memory_space<vmem>>
          %dma_start3A_68 = tpu.memref_squeeze %dma_start3A_67 : memref<1x80xi32, #tpu.memory_space<vmem>> -> memref<80xi32, #tpu.memory_space<vmem>>
          %dma_start3A_69 = arith.constant 0 : i32
          %dma_start3A_70 = arith.constant 0 : i32
          %dma_start3A_71 = tpu.memref_slice %arg5[%dma_start3A_69, %dma_start3A_70] : memref<10000x128xf32, #tpu.memory_space<hbm>> -> memref<10000x128xf32, #tpu.memory_space<hbm>>
          tpu.enqueue_indirect_dma source(%dma_start3A_71 : memref<10000x128xf32, #tpu.memory_space<hbm>>) target(%arg11 : memref<80x128xf32, #tpu.memory_space<vmem>>) offsets(%dma_start3A_68 : memref<80xi32, #tpu.memory_space<vmem>>) semaphore(%arg14 : memref<!tpu.dma_semaphore, #tpu.memory_space<semaphore_mem>>)
          %dma_start3A_72 = arith.constant 0 : i32
          %dma_start3A_73 = tpu.memref_slice %arg9[%mul3A_54, %dma_start3A_72] : memref<25x80xi32, #tpu.memory_space<vmem>> -> memref<1x80xi32, #tpu.memory_space<vmem>>
          %dma_start3A_74 = tpu.memref_squeeze %dma_start3A_73 : memref<1x80xi32, #tpu.memory_space<vmem>> -> memref<80xi32, #tpu.memory_space<vmem>>
          %dma_start3A_75 = arith.constant 0 : i32
          %dma_start3A_76 = arith.constant 0 : i32
          %dma_start3A_77 = tpu.memref_slice %arg12[%dma_start3A_75, %dma_start3A_76] : memref<10000x128xf32, #tpu.memory_space<vmem_shared>> -> memref<10000x128xf32, #tpu.memory_space<vmem_shared>>
          tpu.enqueue_indirect_dma source(%arg10 : memref<80x128xf32, #tpu.memory_space<vmem>>) target(%dma_start3A_77 : memref<10000x128xf32, #tpu.memory_space<vmem_shared>>) offsets(%dma_start3A_74 : memref<80xi32, #tpu.memory_space<vmem>>) semaphore(%arg15 : memref<!tpu.dma_semaphore, #tpu.memory_space<semaphore_mem>>) {add = true}
          %dma_wait3A_78 = arith.constant 0 : i32
          %dma_wait3A_79 = arith.constant 0 : i32
          %dma_wait3A_80 = tpu.memref_slice %arg5[%dma_wait3A_78, %dma_wait3A_79] : memref<10000x128xf32, #tpu.memory_space<hbm>> -> memref<80x128xf32, #tpu.memory_space<hbm>>
          %dma_wait3A_81 = arith.constant 0 : i32
          %dma_wait3A_82 = arith.constant 0 : i32
          %dma_wait3A_83 = tpu.memref_slice %arg5[%dma_wait3A_81, %dma_wait3A_82] : memref<10000x128xf32, #tpu.memory_space<hbm>> -> memref<80x128xf32, #tpu.memory_space<hbm>>
          tpu.wait_dma2 semaphore(%arg14 : memref<!tpu.dma_semaphore, #tpu.memory_space<semaphore_mem>>) src(%dma_wait3A_83 : memref<80x128xf32, #tpu.memory_space<hbm>>) dst(%arg11 : memref<80x128xf32, #tpu.memory_space<vmem>>)
          %dma_wait3A_84 = arith.constant 0 : i32
          %dma_wait3A_85 = arith.constant 0 : i32
          %dma_wait3A_86 = tpu.memref_slice %arg12[%dma_wait3A_84, %dma_wait3A_85] : memref<10000x128xf32, #tpu.memory_space<vmem_shared>> -> memref<80x128xf32, #tpu.memory_space<vmem_shared>>
          %dma_wait3A_87 = arith.constant 0 : i32
          %dma_wait3A_88 = arith.constant 0 : i32
          %dma_wait3A_89 = tpu.memref_slice %arg12[%dma_wait3A_87, %dma_wait3A_88] : memref<10000x128xf32, #tpu.memory_space<vmem_shared>> -> memref<80x128xf32, #tpu.memory_space<vmem_shared>>
          tpu.wait_dma2 semaphore(%arg15 : memref<!tpu.dma_semaphore, #tpu.memory_space<semaphore_mem>>) src(%arg10 : memref<80x128xf32, #tpu.memory_space<vmem>>) dst(%dma_wait3A_89 : memref<80x128xf32, #tpu.memory_space<vmem_shared>>)
          %add3A_90 = arith.constant 2 : i32
          %add3A_91 = arith.addi %mul3A_54, %add3A_90 : i32
          %dma_start3A_92 = arith.constant 0 : i32
          %dma_start3A_93 = tpu.memref_slice %arg8[%add3A_91, %dma_start3A_92] : memref<25x80xi32, #tpu.memory_space<vmem>> -> memref<1x80xi32, #tpu.memory_space<vmem>>
          %dma_start3A_94 = tpu.memref_squeeze %dma_start3A_93 : memref<1x80xi32, #tpu.memory_space<vmem>> -> memref<80xi32, #tpu.memory_space<vmem>>
          %dma_start3A_95 = arith.constant 0 : i32
          %dma_start3A_96 = arith.constant 0 : i32
          %dma_start3A_97 = tpu.memref_slice %arg5[%dma_start3A_95, %dma_start3A_96] : memref<10000x128xf32, #tpu.memory_space<hbm>> -> memref<10000x128xf32, #tpu.memory_space<hbm>>
          tpu.enqueue_indirect_dma source(%dma_start3A_97 : memref<10000x128xf32, #tpu.memory_space<hbm>>) target(%arg10 : memref<80x128xf32, #tpu.memory_space<vmem>>) offsets(%dma_start3A_94 : memref<80xi32, #tpu.memory_space<vmem>>) semaphore(%arg13 : memref<!tpu.dma_semaphore, #tpu.memory_space<semaphore_mem>>)
          %add3A_98 = arith.constant 1 : i32
          %add3A_99 = arith.addi %mul3A_54, %add3A_98 : i32
          %dma_start3A_100 = arith.constant 0 : i32
          %dma_start3A_101 = tpu.memref_slice %arg9[%add3A_99, %dma_start3A_100] : memref<25x80xi32, #tpu.memory_space<vmem>> -> memref<1x80xi32, #tpu.memory_space<vmem>>
          %dma_start3A_102 = tpu.memref_squeeze %dma_start3A_101 : memref<1x80xi32, #tpu.memory_space<vmem>> -> memref<80xi32, #tpu.memory_space<vmem>>
          %dma_start3A_103 = arith.constant 0 : i32
          %dma_start3A_104 = arith.constant 0 : i32
          %dma_start3A_105 = tpu.memref_slice %arg12[%dma_start3A_103, %dma_start3A_104] : memref<10000x128xf32, #tpu.memory_space<vmem_shared>> -> memref<10000x128xf32, #tpu.memory_space<vmem_shared>>
          tpu.enqueue_indirect_dma source(%arg11 : memref<80x128xf32, #tpu.memory_space<vmem>>) target(%dma_start3A_105 : memref<10000x128xf32, #tpu.memory_space<vmem_shared>>) offsets(%dma_start3A_102 : memref<80xi32, #tpu.memory_space<vmem>>) semaphore(%arg16 : memref<!tpu.dma_semaphore, #tpu.memory_space<semaphore_mem>>) {add = true}
        }
        %scan3A_27 = arith.constant 12 : i32
        %dma_wait3A = arith.constant 0 : i32
        %dma_wait3A_28 = arith.constant 0 : i32
        %dma_wait3A_29 = tpu.memref_slice %arg5[%dma_wait3A, %dma_wait3A_28] : memref<10000x128xf32, #tpu.memory_space<hbm>> -> memref<80x128xf32, #tpu.memory_space<hbm>>
        %dma_wait3A_30 = arith.constant 0 : i32
        %dma_wait3A_31 = arith.constant 0 : i32
        %dma_wait3A_32 = tpu.memref_slice %arg5[%dma_wait3A_30, %dma_wait3A_31] : memref<10000x128xf32, #tpu.memory_space<hbm>> -> memref<80x128xf32, #tpu.memory_space<hbm>>
        tpu.wait_dma2 semaphore(%arg13 : memref<!tpu.dma_semaphore, #tpu.memory_space<semaphore_mem>>) src(%dma_wait3A_32 : memref<80x128xf32, #tpu.memory_space<hbm>>) dst(%arg10 : memref<80x128xf32, #tpu.memory_space<vmem>>)
        %dma_start3A_33 = arith.constant 24 : i32
        %dma_start3A_34 = arith.constant 0 : i32
        %dma_start3A_35 = tpu.memref_slice %arg9[%dma_start3A_33, %dma_start3A_34] : memref<25x80xi32, #tpu.memory_space<vmem>> -> memref<1x80xi32, #tpu.memory_space<vmem>>
        %dma_start3A_36 = tpu.memref_squeeze %dma_start3A_35 : memref<1x80xi32, #tpu.memory_space<vmem>> -> memref<80xi32, #tpu.memory_space<vmem>>
        %dma_start3A_37 = arith.constant 0 : i32
        %dma_start3A_38 = arith.constant 0 : i32
        %dma_start3A_39 = tpu.memref_slice %arg12[%dma_start3A_37, %dma_start3A_38] : memref<10000x128xf32, #tpu.memory_space<vmem_shared>> -> memref<10000x128xf32, #tpu.memory_space<vmem_shared>>
        tpu.enqueue_indirect_dma source(%arg10 : memref<80x128xf32, #tpu.memory_space<vmem>>) target(%dma_start3A_39 : memref<10000x128xf32, #tpu.memory_space<vmem_shared>>) offsets(%dma_start3A_36 : memref<80xi32, #tpu.memory_space<vmem>>) semaphore(%arg15 : memref<!tpu.dma_semaphore, #tpu.memory_space<semaphore_mem>>) {add = true}
        %dma_wait3A_40 = arith.constant 0 : i32
        %dma_wait3A_41 = arith.constant 0 : i32
        %dma_wait3A_42 = tpu.memref_slice %arg12[%dma_wait3A_40, %dma_wait3A_41] : memref<10000x128xf32, #tpu.memory_space<vmem_shared>> -> memref<80x128xf32, #tpu.memory_space<vmem_shared>>
        %dma_wait3A_43 = arith.constant 0 : i32
        %dma_wait3A_44 = arith.constant 0 : i32
        %dma_wait3A_45 = tpu.memref_slice %arg12[%dma_wait3A_43, %dma_wait3A_44] : memref<10000x128xf32, #tpu.memory_space<vmem_shared>> -> memref<80x128xf32, #tpu.memory_space<vmem_shared>>
        tpu.wait_dma2 semaphore(%arg16 : memref<!tpu.dma_semaphore, #tpu.memory_space<semaphore_mem>>) src(%arg11 : memref<80x128xf32, #tpu.memory_space<vmem>>) dst(%dma_wait3A_45 : memref<80x128xf32, #tpu.memory_space<vmem_shared>>)
        %dma_wait3A_46 = arith.constant 0 : i32
        %dma_wait3A_47 = arith.constant 0 : i32
        %dma_wait3A_48 = tpu.memref_slice %arg12[%dma_wait3A_46, %dma_wait3A_47] : memref<10000x128xf32, #tpu.memory_space<vmem_shared>> -> memref<80x128xf32, #tpu.memory_space<vmem_shared>>
        %dma_wait3A_49 = arith.constant 0 : i32
        %dma_wait3A_50 = arith.constant 0 : i32
        %dma_wait3A_51 = tpu.memref_slice %arg12[%dma_wait3A_49, %dma_wait3A_50] : memref<10000x128xf32, #tpu.memory_space<vmem_shared>> -> memref<80x128xf32, #tpu.memory_space<vmem_shared>>
        tpu.wait_dma2 semaphore(%arg15 : memref<!tpu.dma_semaphore, #tpu.memory_space<semaphore_mem>>) src(%arg10 : memref<80x128xf32, #tpu.memory_space<vmem>>) dst(%dma_wait3A_51 : memref<80x128xf32, #tpu.memory_space<vmem_shared>>)
      }
      %scan3A_12 = arith.constant 5 : i32
      %barrier3A_13 = arith.constant 0 : index
      tpu.barrier barrier_id(%barrier3A_13)
      "tpu.region"() ({
        %run_scoped3A = tpu.sem_alloc : memref<!tpu.dma_semaphore, #tpu.memory_space<semaphore_mem>>
        %dma_start3A = arith.constant 0 : i32
        %dma_start3A_15 = tpu.memref_slice %arg7[%mul3A_0, %dma_start3A] : memref<10000x128xf32, #tpu.memory_space<hbm>> -> memref<640x128xf32, #tpu.memory_space<hbm>>
        %dma_start3A_16 = arith.constant 0 : i32
        %dma_start3A_17 = tpu.memref_slice %arg12[%mul3A_0, %dma_start3A_16] : memref<10000x128xf32, #tpu.memory_space<vmem_shared>> -> memref<640x128xf32, #tpu.memory_space<vmem_shared>>
        tpu.enqueue_dma source(%dma_start3A_17 : memref<640x128xf32, #tpu.memory_space<vmem_shared>>) target(%dma_start3A_15 : memref<640x128xf32, #tpu.memory_space<hbm>>) target_semaphore(%run_scoped3A : memref<!tpu.dma_semaphore, #tpu.memory_space<semaphore_mem>>)
        %dma_wait3A = arith.constant 0 : i32
        %dma_wait3A_18 = tpu.memref_slice %arg7[%mul3A_0, %dma_wait3A] : memref<10000x128xf32, #tpu.memory_space<hbm>> -> memref<640x128xf32, #tpu.memory_space<hbm>>
        %dma_wait3A_19 = arith.constant 0 : i32
        %dma_wait3A_20 = tpu.memref_slice %arg12[%mul3A_0, %dma_wait3A_19] : memref<10000x128xf32, #tpu.memory_space<vmem_shared>> -> memref<640x128xf32, #tpu.memory_space<vmem_shared>>
        tpu.wait_dma2 semaphore(%run_scoped3A : memref<!tpu.dma_semaphore, #tpu.memory_space<semaphore_mem>>) src(%dma_wait3A_20 : memref<640x128xf32, #tpu.memory_space<vmem_shared>>) dst(%dma_wait3A_18 : memref<640x128xf32, #tpu.memory_space<hbm>>)
        tpu.yield
      }) : () -> ()
      %barrier3A_14 = arith.constant 0 : index
      tpu.barrier barrier_id(%barrier3A_14)
    } else {
    }
    return
  }
}

module attributes {stable_mosaic.version = 14 : i64} {
  func.func @body(%arg0: i32, %arg1: memref<1000x256xf32, #tpu.memory_space<vmem>>, %arg2: memref<256x256xf32, #tpu.memory_space<vmem>>, %arg3: memref<1x256xf32, #tpu.memory_space<vmem>>, %arg4: memref<1000x256xf32, #tpu.memory_space<vmem>>, %arg5: memref<1x256xf32, #tpu.memory_space<vmem>>, %arg6: memref<1x256xf32, #tpu.memory_space<vmem>>, %arg7: memref<10x256xf32, #tpu.memory_space<vmem>>, %arg8: memref<10x256xf32, #tpu.memory_space<vmem>>) attributes {dimension_semantics = [#tpu.dimension_semantics<arbitrary>], iteration_bounds = array<i64: 10>, scalar_prefetch = 0 : i64, scratch_operands = 2 : i64, tpu.core_type = #tpu.core_type<tc>, window_params = [{transform_indices = @transform_0, window_bounds = array<i64: 1000, 256>}, {pipeline_mode = #tpu.pipeline_mode<synchronous>, transform_indices = @transform_1, window_bounds = array<i64: 256, 256>}, {pipeline_mode = #tpu.pipeline_mode<synchronous>, transform_indices = @transform_2, window_bounds = array<i64: 1, 256>}, {transform_indices = @transform_3, window_bounds = array<i64: 1000, 256>}, {pipeline_mode = #tpu.pipeline_mode<synchronous>, transform_indices = @transform_4, window_bounds = array<i64: 1, 256>}, {pipeline_mode = #tpu.pipeline_mode<synchronous>, transform_indices = @transform_5, window_bounds = array<i64: 1, 256>}]} {
    %get3A = arith.constant 0 : index
    %get3A_0 = arith.constant 0 : index
    %get3A_1 = vector.load %arg1[%get3A, %get3A_0] : memref<1000x256xf32, #tpu.memory_space<vmem>>, vector<1000x256xf32>
    %get3A_2 = arith.constant 0 : index
    %get3A_3 = arith.constant 0 : index
    %get3A_4 = vector.load %arg2[%get3A_2, %get3A_3] : memref<256x256xf32, #tpu.memory_space<vmem>>, vector<256x256xf32>
    %dot_general3A = arith.constant dense<0.000000e+00> : vector<1000x256xf32>
    %dot_general3A_5 = tpu.matmul %get3A_1, %get3A_4, %dot_general3A {dimension_numbers = #tpu.dot_dimension_numbers<[1], [0], [0], [1], [0, 0, 1, 1], [], []>, transpose_lhs_hint = false} : vector<1000x256xf32>, vector<256x256xf32>, vector<1000x256xf32> -> vector<1000x256xf32>
    %get3A_6 = arith.constant 0 : index
    %get3A_7 = arith.constant 0 : index
    %get3A_8 = vector.load %arg3[%get3A_6, %get3A_7] : memref<1x256xf32, #tpu.memory_space<vmem>>, vector<1x256xf32>
    %add3A = vector.broadcast %get3A_8 : vector<1x256xf32> to vector<1000x256xf32>
    %add3A_9 = arith.addf %dot_general3A_5, %add3A : vector<1000x256xf32>
    %swap3A = arith.constant 0 : index
    %swap3A_10 = arith.constant 0 : index
    %swap3A_11 = vector.load %arg4[%swap3A, %swap3A_10] : memref<1000x256xf32, #tpu.memory_space<vmem>>, vector<1000x256xf32>
    tpu.vector_store %arg4[%swap3A, %swap3A_10], %add3A_9 {strides = array<i32>} : memref<1000x256xf32, #tpu.memory_space<vmem>>, vector<1000x256xf32>,
    %slice3A = vector.extract_strided_slice %add3A_9 {offsets = [0, 0], sizes = [125, 256], strides = [1, 1]} : vector<1000x256xf32> to vector<125x256xf32>
    %reduce_sum3A = arith.constant dense<0.000000e+00> : vector<256xf32>
    %reduce_sum3A_12 = vector.multi_reduction <add>, %slice3A, %reduce_sum3A [0] : vector<125x256xf32> to vector<256xf32>
    %broadcast_in_dim3A = vector.shape_cast %reduce_sum3A_12 : vector<256xf32> to vector<1x256xf32>
    %slice3A_13 = vector.extract_strided_slice %add3A_9 {offsets = [125, 0], sizes = [125, 256], strides = [1, 1]} : vector<1000x256xf32> to vector<125x256xf32>
    %reduce_sum3A_14 = arith.constant dense<0.000000e+00> : vector<256xf32>
    %reduce_sum3A_15 = vector.multi_reduction <add>, %slice3A_13, %reduce_sum3A_14 [0] : vector<125x256xf32> to vector<256xf32>
    %broadcast_in_dim3A_16 = vector.shape_cast %reduce_sum3A_15 : vector<256xf32> to vector<1x256xf32>
    %slice3A_17 = vector.extract_strided_slice %add3A_9 {offsets = [250, 0], sizes = [125, 256], strides = [1, 1]} : vector<1000x256xf32> to vector<125x256xf32>
    %reduce_sum3A_18 = arith.constant dense<0.000000e+00> : vector<256xf32>
    %reduce_sum3A_19 = vector.multi_reduction <add>, %slice3A_17, %reduce_sum3A_18 [0] : vector<125x256xf32> to vector<256xf32>
    %broadcast_in_dim3A_20 = vector.shape_cast %reduce_sum3A_19 : vector<256xf32> to vector<1x256xf32>
    %slice3A_21 = vector.extract_strided_slice %add3A_9 {offsets = [375, 0], sizes = [125, 256], strides = [1, 1]} : vector<1000x256xf32> to vector<125x256xf32>
    %reduce_sum3A_22 = arith.constant dense<0.000000e+00> : vector<256xf32>
    %reduce_sum3A_23 = vector.multi_reduction <add>, %slice3A_21, %reduce_sum3A_22 [0] : vector<125x256xf32> to vector<256xf32>
    %broadcast_in_dim3A_24 = vector.shape_cast %reduce_sum3A_23 : vector<256xf32> to vector<1x256xf32>
    %slice3A_25 = vector.extract_strided_slice %add3A_9 {offsets = [500, 0], sizes = [125, 256], strides = [1, 1]} : vector<1000x256xf32> to vector<125x256xf32>
    %reduce_sum3A_26 = arith.constant dense<0.000000e+00> : vector<256xf32>
    %reduce_sum3A_27 = vector.multi_reduction <add>, %slice3A_25, %reduce_sum3A_26 [0] : vector<125x256xf32> to vector<256xf32>
    %broadcast_in_dim3A_28 = vector.shape_cast %reduce_sum3A_27 : vector<256xf32> to vector<1x256xf32>
    %slice3A_29 = vector.extract_strided_slice %add3A_9 {offsets = [625, 0], sizes = [125, 256], strides = [1, 1]} : vector<1000x256xf32> to vector<125x256xf32>
    %reduce_sum3A_30 = arith.constant dense<0.000000e+00> : vector<256xf32>
    %reduce_sum3A_31 = vector.multi_reduction <add>, %slice3A_29, %reduce_sum3A_30 [0] : vector<125x256xf32> to vector<256xf32>
    %broadcast_in_dim3A_32 = vector.shape_cast %reduce_sum3A_31 : vector<256xf32> to vector<1x256xf32>
    %slice3A_33 = vector.extract_strided_slice %add3A_9 {offsets = [750, 0], sizes = [125, 256], strides = [1, 1]} : vector<1000x256xf32> to vector<125x256xf32>
    %reduce_sum3A_34 = arith.constant dense<0.000000e+00> : vector<256xf32>
    %reduce_sum3A_35 = vector.multi_reduction <add>, %slice3A_33, %reduce_sum3A_34 [0] : vector<125x256xf32> to vector<256xf32>
    %broadcast_in_dim3A_36 = vector.shape_cast %reduce_sum3A_35 : vector<256xf32> to vector<1x256xf32>
    %slice3A_37 = vector.extract_strided_slice %add3A_9 {offsets = [875, 0], sizes = [125, 256], strides = [1, 1]} : vector<1000x256xf32> to vector<125x256xf32>
    %reduce_sum3A_38 = arith.constant dense<0.000000e+00> : vector<256xf32>
    %reduce_sum3A_39 = vector.multi_reduction <add>, %slice3A_37, %reduce_sum3A_38 [0] : vector<125x256xf32> to vector<256xf32>
    %broadcast_in_dim3A_40 = vector.shape_cast %reduce_sum3A_39 : vector<256xf32> to vector<1x256xf32>
    %add3A_41 = arith.addf %broadcast_in_dim3A, %broadcast_in_dim3A_16 : vector<1x256xf32>
    %add3A_42 = arith.addf %broadcast_in_dim3A_20, %broadcast_in_dim3A_24 : vector<1x256xf32>
    %add3A_43 = arith.addf %add3A_41, %add3A_42 : vector<1x256xf32>
    %add3A_44 = arith.addf %broadcast_in_dim3A_28, %broadcast_in_dim3A_32 : vector<1x256xf32>
    %add3A_45 = arith.addf %broadcast_in_dim3A_36, %broadcast_in_dim3A_40 : vector<1x256xf32>
    %add3A_46 = arith.addf %add3A_44, %add3A_45 : vector<1x256xf32>
    %add3A_47 = arith.addf %add3A_43, %add3A_46 : vector<1x256xf32>
    %div3A = arith.constant 1.000000e+03 : f32
    %div3A_48 = vector.broadcast %div3A : f32 to vector<1x256xf32>
    %div3A_49 = arith.divf %add3A_47, %div3A_48 : vector<1x256xf32>
    %sub3A = vector.broadcast %div3A_49 : vector<1x256xf32> to vector<1000x256xf32>
    %sub3A_50 = arith.subf %add3A_9, %sub3A : vector<1000x256xf32>
    %mul3A = arith.mulf %sub3A_50, %sub3A_50 : vector<1000x256xf32>
    %slice3A_51 = vector.extract_strided_slice %mul3A {offsets = [0, 0], sizes = [125, 256], strides = [1, 1]} : vector<1000x256xf32> to vector<125x256xf32>
    %reduce_sum3A_52 = arith.constant dense<0.000000e+00> : vector<256xf32>
    %reduce_sum3A_53 = vector.multi_reduction <add>, %slice3A_51, %reduce_sum3A_52 [0] : vector<125x256xf32> to vector<256xf32>
    %broadcast_in_dim3A_54 = vector.shape_cast %reduce_sum3A_53 : vector<256xf32> to vector<1x256xf32>
    %slice3A_55 = vector.extract_strided_slice %mul3A {offsets = [125, 0], sizes = [125, 256], strides = [1, 1]} : vector<1000x256xf32> to vector<125x256xf32>
    %reduce_sum3A_56 = arith.constant dense<0.000000e+00> : vector<256xf32>
    %reduce_sum3A_57 = vector.multi_reduction <add>, %slice3A_55, %reduce_sum3A_56 [0] : vector<125x256xf32> to vector<256xf32>
    %broadcast_in_dim3A_58 = vector.shape_cast %reduce_sum3A_57 : vector<256xf32> to vector<1x256xf32>
    %slice3A_59 = vector.extract_strided_slice %mul3A {offsets = [250, 0], sizes = [125, 256], strides = [1, 1]} : vector<1000x256xf32> to vector<125x256xf32>
    %reduce_sum3A_60 = arith.constant dense<0.000000e+00> : vector<256xf32>
    %reduce_sum3A_61 = vector.multi_reduction <add>, %slice3A_59, %reduce_sum3A_60 [0] : vector<125x256xf32> to vector<256xf32>
    %broadcast_in_dim3A_62 = vector.shape_cast %reduce_sum3A_61 : vector<256xf32> to vector<1x256xf32>
    %slice3A_63 = vector.extract_strided_slice %mul3A {offsets = [375, 0], sizes = [125, 256], strides = [1, 1]} : vector<1000x256xf32> to vector<125x256xf32>
    %reduce_sum3A_64 = arith.constant dense<0.000000e+00> : vector<256xf32>
    %reduce_sum3A_65 = vector.multi_reduction <add>, %slice3A_63, %reduce_sum3A_64 [0] : vector<125x256xf32> to vector<256xf32>
    %broadcast_in_dim3A_66 = vector.shape_cast %reduce_sum3A_65 : vector<256xf32> to vector<1x256xf32>
    %slice3A_67 = vector.extract_strided_slice %mul3A {offsets = [500, 0], sizes = [125, 256], strides = [1, 1]} : vector<1000x256xf32> to vector<125x256xf32>
    %reduce_sum3A_68 = arith.constant dense<0.000000e+00> : vector<256xf32>
    %reduce_sum3A_69 = vector.multi_reduction <add>, %slice3A_67, %reduce_sum3A_68 [0] : vector<125x256xf32> to vector<256xf32>
    %broadcast_in_dim3A_70 = vector.shape_cast %reduce_sum3A_69 : vector<256xf32> to vector<1x256xf32>
    %slice3A_71 = vector.extract_strided_slice %mul3A {offsets = [625, 0], sizes = [125, 256], strides = [1, 1]} : vector<1000x256xf32> to vector<125x256xf32>
    %reduce_sum3A_72 = arith.constant dense<0.000000e+00> : vector<256xf32>
    %reduce_sum3A_73 = vector.multi_reduction <add>, %slice3A_71, %reduce_sum3A_72 [0] : vector<125x256xf32> to vector<256xf32>
    %broadcast_in_dim3A_74 = vector.shape_cast %reduce_sum3A_73 : vector<256xf32> to vector<1x256xf32>
    %slice3A_75 = vector.extract_strided_slice %mul3A {offsets = [750, 0], sizes = [125, 256], strides = [1, 1]} : vector<1000x256xf32> to vector<125x256xf32>
    %reduce_sum3A_76 = arith.constant dense<0.000000e+00> : vector<256xf32>
    %reduce_sum3A_77 = vector.multi_reduction <add>, %slice3A_75, %reduce_sum3A_76 [0] : vector<125x256xf32> to vector<256xf32>
    %broadcast_in_dim3A_78 = vector.shape_cast %reduce_sum3A_77 : vector<256xf32> to vector<1x256xf32>
    %slice3A_79 = vector.extract_strided_slice %mul3A {offsets = [875, 0], sizes = [125, 256], strides = [1, 1]} : vector<1000x256xf32> to vector<125x256xf32>
    %reduce_sum3A_80 = arith.constant dense<0.000000e+00> : vector<256xf32>
    %reduce_sum3A_81 = vector.multi_reduction <add>, %slice3A_79, %reduce_sum3A_80 [0] : vector<125x256xf32> to vector<256xf32>
    %broadcast_in_dim3A_82 = vector.shape_cast %reduce_sum3A_81 : vector<256xf32> to vector<1x256xf32>
    %add3A_83 = arith.addf %broadcast_in_dim3A_54, %broadcast_in_dim3A_58 : vector<1x256xf32>
    %add3A_84 = arith.addf %broadcast_in_dim3A_62, %broadcast_in_dim3A_66 : vector<1x256xf32>
    %add3A_85 = arith.addf %add3A_83, %add3A_84 : vector<1x256xf32>
    %add3A_86 = arith.addf %broadcast_in_dim3A_70, %broadcast_in_dim3A_74 : vector<1x256xf32>
    %add3A_87 = arith.addf %broadcast_in_dim3A_78, %broadcast_in_dim3A_82 : vector<1x256xf32>
    %add3A_88 = arith.addf %add3A_86, %add3A_87 : vector<1x256xf32>
    %add3A_89 = arith.addf %add3A_85, %add3A_88 : vector<1x256xf32>
    %swap3A_90 = arith.index_cast %arg0 : i32 to index
    %swap3A_91 = arith.constant 0 : index
    %swap3A_92 = vector.load %arg7[%swap3A_90, %swap3A_91] : memref<10x256xf32, #tpu.memory_space<vmem>>, vector<1x256xf32>
    tpu.vector_store %arg7[%swap3A_90, %swap3A_91], %div3A_49 {strides = array<i32>} : memref<10x256xf32, #tpu.memory_space<vmem>>, vector<1x256xf32>,
    %swap3A_93 = arith.index_cast %arg0 : i32 to index
    %swap3A_94 = arith.constant 0 : index
    %swap3A_95 = vector.load %arg8[%swap3A_93, %swap3A_94] : memref<10x256xf32, #tpu.memory_space<vmem>>, vector<1x256xf32>
    tpu.vector_store %arg8[%swap3A_93, %swap3A_94], %add3A_89 {strides = array<i32>} : memref<10x256xf32, #tpu.memory_space<vmem>>, vector<1x256xf32>,
    %eq3A = arith.constant 9 : i32
    %eq3A_96 = arith.cmpi eq, %arg0, %eq3A : i32
    %convert_element_type3A = arith.extui %eq3A_96 : i1 to i32
    %cond3A = arith.constant 0 : i32
    %cond3A_97 = arith.cmpi ne, %convert_element_type3A, %cond3A : i32
    scf.if %cond3A_97 {
      %get3A_98 = arith.constant 0 : index
      %get3A_99 = arith.constant 0 : index
      %get3A_100 = vector.load %arg7[%get3A_98, %get3A_99] : memref<10x256xf32, #tpu.memory_space<vmem>>, vector<10x256xf32>
      %reduce_sum3A_101 = arith.constant dense<0.000000e+00> : vector<256xf32>
      %reduce_sum3A_102 = vector.multi_reduction <add>, %get3A_100, %reduce_sum3A_101 [0] : vector<10x256xf32> to vector<256xf32>
      %broadcast_in_dim3A_103 = vector.shape_cast %reduce_sum3A_102 : vector<256xf32> to vector<1x256xf32>
      %div3A_104 = arith.constant 1.000000e+01 : f32
      %div3A_105 = vector.broadcast %div3A_104 : f32 to vector<1x256xf32>
      %div3A_106 = arith.divf %broadcast_in_dim3A_103, %div3A_105 : vector<1x256xf32>
      %sub3A_107 = vector.broadcast %div3A_106 : vector<1x256xf32> to vector<10x256xf32>
      %sub3A_108 = arith.subf %get3A_100, %sub3A_107 : vector<10x256xf32>
      %get3A_109 = arith.constant 0 : index
      %get3A_110 = arith.constant 0 : index
      %get3A_111 = vector.load %arg8[%get3A_109, %get3A_110] : memref<10x256xf32, #tpu.memory_space<vmem>>, vector<10x256xf32>
      %reduce_sum3A_112 = arith.constant dense<0.000000e+00> : vector<256xf32>
      %reduce_sum3A_113 = vector.multi_reduction <add>, %get3A_111, %reduce_sum3A_112 [0] : vector<10x256xf32> to vector<256xf32>
      %broadcast_in_dim3A_114 = vector.shape_cast %reduce_sum3A_113 : vector<256xf32> to vector<1x256xf32>
      %mul3A_115 = arith.mulf %sub3A_108, %sub3A_108 : vector<10x256xf32>
      %reduce_sum3A_116 = arith.constant dense<0.000000e+00> : vector<256xf32>
      %reduce_sum3A_117 = vector.multi_reduction <add>, %mul3A_115, %reduce_sum3A_116 [0] : vector<10x256xf32> to vector<256xf32>
      %broadcast_in_dim3A_118 = vector.shape_cast %reduce_sum3A_117 : vector<256xf32> to vector<1x256xf32>
      %mul3A_119 = arith.constant 1.000000e+03 : f32
      %mul3A_120 = vector.broadcast %mul3A_119 : f32 to vector<1x256xf32>
      %mul3A_121 = arith.mulf %mul3A_120, %broadcast_in_dim3A_118 : vector<1x256xf32>
      %add3A_122 = arith.addf %broadcast_in_dim3A_114, %mul3A_121 : vector<1x256xf32>
      %div3A_123 = arith.constant 1.000000e+04 : f32
      %div3A_124 = vector.broadcast %div3A_123 : f32 to vector<1x256xf32>
      %div3A_125 = arith.divf %add3A_122, %div3A_124 : vector<1x256xf32>
      %swap3A_126 = arith.constant 0 : index
      %swap3A_127 = arith.constant 0 : index
      %swap3A_128 = vector.load %arg5[%swap3A_126, %swap3A_127] : memref<1x256xf32, #tpu.memory_space<vmem>>, vector<1x256xf32>
      tpu.vector_store %arg5[%swap3A_126, %swap3A_127], %div3A_106 {strides = array<i32>} : memref<1x256xf32, #tpu.memory_space<vmem>>, vector<1x256xf32>,
      %swap3A_129 = arith.constant 0 : index
      %swap3A_130 = arith.constant 0 : index
      %swap3A_131 = vector.load %arg6[%swap3A_129, %swap3A_130] : memref<1x256xf32, #tpu.memory_space<vmem>>, vector<1x256xf32>
      tpu.vector_store %arg6[%swap3A_129, %swap3A_130], %div3A_125 {strides = array<i32>} : memref<1x256xf32, #tpu.memory_space<vmem>>, vector<1x256xf32>,
    } else {
    }
    return
  }
  func.func @transform_0(%arg0: i32) -> (i32, i32) {
    %c0_i32 = arith.constant 0 : i32
    %c0_i32_0 = arith.constant 0 : i32
    return %arg0, %c0_i32 : i32, i32
  }
  func.func @transform_1(%arg0: i32) -> (i32, i32) {
    %c0_i32 = arith.constant 0 : i32
    %c0_i32_0 = arith.constant 0 : i32
    %c0_i32_1 = arith.constant 0 : i32
    return %c0_i32, %c0_i32_0 : i32, i32
  }
  func.func @transform_2(%arg0: i32) -> (i32, i32) {
    %c0_i32 = arith.constant 0 : i32
    %c0_i32_0 = arith.constant 0 : i32
    %c0_i32_1 = arith.constant 0 : i32
    return %c0_i32, %c0_i32_0 : i32, i32
  }
  func.func @transform_3(%arg0: i32) -> (i32, i32) {
    %c0_i32 = arith.constant 0 : i32
    %c0_i32_0 = arith.constant 0 : i32
    return %arg0, %c0_i32 : i32, i32
  }
  func.func @transform_4(%arg0: i32) -> (i32, i32) {
    %c0_i32 = arith.constant 0 : i32
    %c0_i32_0 = arith.constant 0 : i32
    %c0_i32_1 = arith.constant 0 : i32
    return %c0_i32, %c0_i32_0 : i32, i32
  }
  func.func @transform_5(%arg0: i32) -> (i32, i32) {
    %c0_i32 = arith.constant 0 : i32
    %c0_i32_0 = arith.constant 0 : i32
    %c0_i32_1 = arith.constant 0 : i32
    return %c0_i32, %c0_i32_0 : i32, i32
  }
}

module attributes {stable_mosaic.version = 14 : i64} {
  func.func @body(%arg0: i32, %arg1: memref<2x1000x128xf32, #tpu.memory_space<vmem>>, %arg2: memref<1000x1xf32, #tpu.memory_space<vmem>>) attributes {dimension_semantics = [#tpu.dimension_semantics<arbitrary>], iteration_bounds = array<i64: 10>, scalar_prefetch = 0 : i64, scratch_operands = 0 : i64, tpu.core_type = #tpu.core_type<tc>, window_params = [{transform_indices = @transform_0, window_bounds = array<i64: 2, 1000, 128>}, {transform_indices = @transform_1, window_bounds = array<i64: 1000, 1>}]} {
    %get3A = arith.constant 0 : index
    %get3A_0 = arith.constant 0 : index
    %get3A_1 = arith.constant 0 : index
    %get3A_2 = vector.load %arg1[%get3A, %get3A_0, %get3A_1] : memref<2x1000x128xf32, #tpu.memory_space<vmem>>, vector<1x1000x1xf32>
    %get3A_3 = vector.shape_cast %get3A_2 : vector<1x1000x1xf32> to vector<1000x1xf32>
    %add3A = arith.constant 1.000000e+00 : f32
    %add3A_4 = vector.broadcast %add3A : f32 to vector<1000x1xf32>
    %add3A_5 = arith.addf %add3A_4, %get3A_3 : vector<1000x1xf32>
    %get3A_6 = arith.constant 1 : index
    %get3A_7 = arith.constant 0 : index
    %get3A_8 = arith.constant 0 : index
    %get3A_9 = vector.load %arg1[%get3A_6, %get3A_7, %get3A_8] : memref<2x1000x128xf32, #tpu.memory_space<vmem>>, vector<1x1000x1xf32>
    %get3A_10 = vector.shape_cast %get3A_9 : vector<1x1000x1xf32> to vector<1000x1xf32>
    %add3A_11 = arith.addf %add3A_5, %get3A_10 : vector<1000x1xf32>
    %rsqrt3A = math.rsqrt %add3A_11 : vector<1000x1xf32>
    %swap3A = arith.constant 0 : index
    %swap3A_12 = arith.constant 0 : index
    %swap3A_13 = vector.load %arg2[%swap3A, %swap3A_12] : memref<1000x1xf32, #tpu.memory_space<vmem>>, vector<1000x1xf32>
    tpu.vector_store %arg2[%swap3A, %swap3A_12], %rsqrt3A {strides = array<i32>} : memref<1000x1xf32, #tpu.memory_space<vmem>>, vector<1000x1xf32>,
    return
  }
  func.func @transform_0(%arg0: i32) -> (i32, i32, i32) {
    %c0_i32 = arith.constant 0 : i32
    %c0_i32_0 = arith.constant 0 : i32
    %c0_i32_1 = arith.constant 0 : i32
    return %c0_i32, %arg0, %c0_i32_0 : i32, i32, i32
  }
  func.func @transform_1(%arg0: i32) -> (i32, i32) {
    %c0_i32 = arith.constant 0 : i32
    %c0_i32_0 = arith.constant 0 : i32
    return %arg0, %c0_i32 : i32, i32
  }
}

module attributes {stable_mosaic.version = 14 : i64} {
  func.func @body(%arg0: i32, %arg1: memref<1000x256xf32, #tpu.memory_space<vmem>>, %arg2: memref<1x256xf32, #tpu.memory_space<vmem>>, %arg3: memref<1x256xf32, #tpu.memory_space<vmem>>, %arg4: memref<1x256xf32, #tpu.memory_space<vmem>>, %arg5: memref<1x256xf32, #tpu.memory_space<vmem>>, %arg6: memref<256x256xf32, #tpu.memory_space<vmem>>, %arg7: memref<1000x1xf32, #tpu.memory_space<vmem>>, %arg8: memref<1000x128xf32, #tpu.memory_space<vmem>>, %arg9: memref<1000x128xf32, #tpu.memory_space<vmem>>) attributes {dimension_semantics = [#tpu.dimension_semantics<arbitrary>], iteration_bounds = array<i64: 10>, scalar_prefetch = 0 : i64, scratch_operands = 0 : i64, tpu.core_type = #tpu.core_type<tc>, window_params = [{transform_indices = @transform_0, window_bounds = array<i64: 1000, 256>}, {pipeline_mode = #tpu.pipeline_mode<synchronous>, transform_indices = @transform_1, window_bounds = array<i64: 1, 256>}, {pipeline_mode = #tpu.pipeline_mode<synchronous>, transform_indices = @transform_2, window_bounds = array<i64: 1, 256>}, {pipeline_mode = #tpu.pipeline_mode<synchronous>, transform_indices = @transform_3, window_bounds = array<i64: 1, 256>}, {pipeline_mode = #tpu.pipeline_mode<synchronous>, transform_indices = @transform_4, window_bounds = array<i64: 1, 256>}, {pipeline_mode = #tpu.pipeline_mode<synchronous>, transform_indices = @transform_5, window_bounds = array<i64: 256, 256>}, {transform_indices = @transform_6, window_bounds = array<i64: 1000, 1>}, {transform_indices = @transform_7, window_bounds = array<i64: 1000, 128>}, {transform_indices = @transform_8, window_bounds = array<i64: 1000, 128>}]} {
    %get3A = arith.constant 0 : index
    %get3A_0 = arith.constant 0 : index
    %get3A_1 = vector.load %arg2[%get3A, %get3A_0] : memref<1x256xf32, #tpu.memory_space<vmem>>, vector<1x256xf32>
    %get3A_2 = arith.constant 0 : index
    %get3A_3 = arith.constant 0 : index
    %get3A_4 = vector.load %arg3[%get3A_2, %get3A_3] : memref<1x256xf32, #tpu.memory_space<vmem>>, vector<1x256xf32>
    %get3A_5 = arith.constant 0 : index
    %get3A_6 = arith.constant 0 : index
    %get3A_7 = vector.load %arg1[%get3A_5, %get3A_6] : memref<1000x256xf32, #tpu.memory_space<vmem>>, vector<1000x256xf32>
    %sub3A = vector.broadcast %get3A_1 : vector<1x256xf32> to vector<1000x256xf32>
    %sub3A_8 = arith.subf %get3A_7, %sub3A : vector<1000x256xf32>
    %add3A = arith.constant 9.99999974E-6 : f32
    %add3A_9 = vector.broadcast %add3A : f32 to vector<1x256xf32>
    %add3A_10 = arith.addf %get3A_4, %add3A_9 : vector<1x256xf32>
    %rsqrt3A = math.rsqrt %add3A_10 : vector<1x256xf32>
    %mul3A = vector.broadcast %rsqrt3A : vector<1x256xf32> to vector<1000x256xf32>
    %mul3A_11 = arith.mulf %sub3A_8, %mul3A : vector<1000x256xf32>
    %get3A_12 = arith.constant 0 : index
    %get3A_13 = arith.constant 0 : index
    %get3A_14 = vector.load %arg4[%get3A_12, %get3A_13] : memref<1x256xf32, #tpu.memory_space<vmem>>, vector<1x256xf32>
    %mul3A_15 = vector.broadcast %get3A_14 : vector<1x256xf32> to vector<1000x256xf32>
    %mul3A_16 = arith.mulf %mul3A_11, %mul3A_15 : vector<1000x256xf32>
    %get3A_17 = arith.constant 0 : index
    %get3A_18 = arith.constant 0 : index
    %get3A_19 = vector.load %arg5[%get3A_17, %get3A_18] : memref<1x256xf32, #tpu.memory_space<vmem>>, vector<1x256xf32>
    %add3A_20 = vector.broadcast %get3A_19 : vector<1x256xf32> to vector<1000x256xf32>
    %add3A_21 = arith.addf %mul3A_16, %add3A_20 : vector<1000x256xf32>
    %max3A = arith.constant 0.000000e+00 : f32
    %max3A_22 = vector.broadcast %max3A : f32 to vector<1000x256xf32>
    %max3A_23 = arith.maximumf %add3A_21, %max3A_22 : vector<1000x256xf32>
    %get3A_24 = arith.constant 0 : index
    %get3A_25 = arith.constant 0 : index
    %get3A_26 = vector.load %arg6[%get3A_24, %get3A_25] : memref<256x256xf32, #tpu.memory_space<vmem>>, vector<256x256xf32>
    %dot_general3A = arith.constant dense<0.000000e+00> : vector<1000x256xf32>
    %dot_general3A_27 = tpu.matmul %max3A_23, %get3A_26, %dot_general3A {dimension_numbers = #tpu.dot_dimension_numbers<[1], [0], [0], [1], [0, 0, 1, 1], [], []>, transpose_lhs_hint = false} : vector<1000x256xf32>, vector<256x256xf32>, vector<1000x256xf32> -> vector<1000x256xf32>
    %get3A_28 = arith.constant 0 : index
    %get3A_29 = arith.constant 0 : index
    %get3A_30 = vector.load %arg7[%get3A_28, %get3A_29] : memref<1000x1xf32, #tpu.memory_space<vmem>>, vector<1000x1xf32>
    %mul3A_31 = vector.broadcast %get3A_30 : vector<1000x1xf32> to vector<1000x256xf32>
    %mul3A_32 = arith.mulf %dot_general3A_27, %mul3A_31 : vector<1000x256xf32>
    %slice3A = vector.extract_strided_slice %mul3A_32 {offsets = [0, 0], sizes = [1000, 128], strides = [1, 1]} : vector<1000x256xf32> to vector<1000x128xf32>
    %swap3A = arith.constant 0 : index
    %swap3A_33 = arith.constant 0 : index
    %swap3A_34 = vector.load %arg8[%swap3A, %swap3A_33] : memref<1000x128xf32, #tpu.memory_space<vmem>>, vector<1000x128xf32>
    tpu.vector_store %arg8[%swap3A, %swap3A_33], %slice3A {strides = array<i32>} : memref<1000x128xf32, #tpu.memory_space<vmem>>, vector<1000x128xf32>,
    %slice3A_35 = vector.extract_strided_slice %mul3A_32 {offsets = [0, 128], sizes = [1000, 128], strides = [1, 1]} : vector<1000x256xf32> to vector<1000x128xf32>
    %swap3A_36 = arith.constant 0 : index
    %swap3A_37 = arith.constant 0 : index
    %swap3A_38 = vector.load %arg9[%swap3A_36, %swap3A_37] : memref<1000x128xf32, #tpu.memory_space<vmem>>, vector<1000x128xf32>
    tpu.vector_store %arg9[%swap3A_36, %swap3A_37], %slice3A_35 {strides = array<i32>} : memref<1000x128xf32, #tpu.memory_space<vmem>>, vector<1000x128xf32>,
    return
  }
  func.func @transform_0(%arg0: i32) -> (i32, i32) {
    %c0_i32 = arith.constant 0 : i32
    %c0_i32_0 = arith.constant 0 : i32
    return %arg0, %c0_i32 : i32, i32
  }
  func.func @transform_1(%arg0: i32) -> (i32, i32) {
    %c0_i32 = arith.constant 0 : i32
    %c0_i32_0 = arith.constant 0 : i32
    %c0_i32_1 = arith.constant 0 : i32
    return %c0_i32, %c0_i32_0 : i32, i32
  }
  func.func @transform_2(%arg0: i32) -> (i32, i32) {
    %c0_i32 = arith.constant 0 : i32
    %c0_i32_0 = arith.constant 0 : i32
    %c0_i32_1 = arith.constant 0 : i32
    return %c0_i32, %c0_i32_0 : i32, i32
  }
  func.func @transform_3(%arg0: i32) -> (i32, i32) {
    %c0_i32 = arith.constant 0 : i32
    %c0_i32_0 = arith.constant 0 : i32
    %c0_i32_1 = arith.constant 0 : i32
    return %c0_i32, %c0_i32_0 : i32, i32
  }
  func.func @transform_4(%arg0: i32) -> (i32, i32) {
    %c0_i32 = arith.constant 0 : i32
    %c0_i32_0 = arith.constant 0 : i32
    %c0_i32_1 = arith.constant 0 : i32
    return %c0_i32, %c0_i32_0 : i32, i32
  }
  func.func @transform_5(%arg0: i32) -> (i32, i32) {
    %c0_i32 = arith.constant 0 : i32
    %c0_i32_0 = arith.constant 0 : i32
    %c0_i32_1 = arith.constant 0 : i32
    return %c0_i32, %c0_i32_0 : i32, i32
  }
  func.func @transform_6(%arg0: i32) -> (i32, i32) {
    %c0_i32 = arith.constant 0 : i32
    %c0_i32_0 = arith.constant 0 : i32
    return %arg0, %c0_i32 : i32, i32
  }
  func.func @transform_7(%arg0: i32) -> (i32, i32) {
    %c0_i32 = arith.constant 0 : i32
    %c0_i32_0 = arith.constant 0 : i32
    return %arg0, %c0_i32 : i32, i32
  }
  func.func @transform_8(%arg0: i32) -> (i32, i32) {
    %c0_i32 = arith.constant 0 : i32
    %c0_i32_0 = arith.constant 0 : i32
    return %arg0, %c0_i32 : i32, i32
  }
}

module attributes {stable_mosaic.version = 14 : i64} {
  func.func @body(%arg0: i32, %arg1: memref<1000x128xf32, #tpu.memory_space<vmem>>, %arg2: memref<1000x128xf32, #tpu.memory_space<vmem>>, %arg3: memref<1000x1xf32, #tpu.memory_space<vmem>>, %arg4: memref<1x256xf32, #tpu.memory_space<vmem>>, %arg5: memref<1000x256xf32, #tpu.memory_space<vmem>>, %arg6: memref<1x256xf32, #tpu.memory_space<vmem>>, %arg7: memref<1x256xf32, #tpu.memory_space<vmem>>, %arg8: memref<10x256xf32, #tpu.memory_space<vmem>>, %arg9: memref<10x256xf32, #tpu.memory_space<vmem>>) attributes {dimension_semantics = [#tpu.dimension_semantics<arbitrary>], iteration_bounds = array<i64: 10>, scalar_prefetch = 0 : i64, scratch_operands = 2 : i64, tpu.core_type = #tpu.core_type<tc>, window_params = [{transform_indices = @transform_0, window_bounds = array<i64: 1000, 128>}, {transform_indices = @transform_1, window_bounds = array<i64: 1000, 128>}, {transform_indices = @transform_2, window_bounds = array<i64: 1000, 1>}, {pipeline_mode = #tpu.pipeline_mode<synchronous>, transform_indices = @transform_3, window_bounds = array<i64: 1, 256>}, {transform_indices = @transform_4, window_bounds = array<i64: 1000, 256>}, {pipeline_mode = #tpu.pipeline_mode<synchronous>, transform_indices = @transform_5, window_bounds = array<i64: 1, 256>}, {pipeline_mode = #tpu.pipeline_mode<synchronous>, transform_indices = @transform_6, window_bounds = array<i64: 1, 256>}]} {
    %get3A = arith.constant 0 : index
    %get3A_0 = arith.constant 0 : index
    %get3A_1 = vector.load %arg3[%get3A, %get3A_0] : memref<1000x1xf32, #tpu.memory_space<vmem>>, vector<1000x1xf32>
    %get3A_2 = arith.constant 0 : index
    %get3A_3 = arith.constant 0 : index
    %get3A_4 = vector.load %arg1[%get3A_2, %get3A_3] : memref<1000x128xf32, #tpu.memory_space<vmem>>, vector<1000x128xf32>
    %mul3A = vector.broadcast %get3A_1 : vector<1000x1xf32> to vector<1000x128xf32>
    %mul3A_5 = arith.mulf %get3A_4, %mul3A : vector<1000x128xf32>
    %get3A_6 = arith.constant 0 : index
    %get3A_7 = arith.constant 0 : index
    %get3A_8 = vector.load %arg2[%get3A_6, %get3A_7] : memref<1000x128xf32, #tpu.memory_space<vmem>>, vector<1000x128xf32>
    %mul3A_9 = vector.broadcast %get3A_1 : vector<1000x1xf32> to vector<1000x128xf32>
    %mul3A_10 = arith.mulf %get3A_8, %mul3A_9 : vector<1000x128xf32>
    %concatenate3A = tpu.concatenate %mul3A_5, %mul3A_10 in 1 : vector<1000x128xf32>, vector<1000x128xf32> -> vector<1000x256xf32>
    %get3A_11 = arith.constant 0 : index
    %get3A_12 = arith.constant 0 : index
    %get3A_13 = vector.load %arg4[%get3A_11, %get3A_12] : memref<1x256xf32, #tpu.memory_space<vmem>>, vector<1x256xf32>
    %add3A = vector.broadcast %get3A_13 : vector<1x256xf32> to vector<1000x256xf32>
    %add3A_14 = arith.addf %concatenate3A, %add3A : vector<1000x256xf32>
    %swap3A = arith.constant 0 : index
    %swap3A_15 = arith.constant 0 : index
    %swap3A_16 = vector.load %arg5[%swap3A, %swap3A_15] : memref<1000x256xf32, #tpu.memory_space<vmem>>, vector<1000x256xf32>
    tpu.vector_store %arg5[%swap3A, %swap3A_15], %add3A_14 {strides = array<i32>} : memref<1000x256xf32, #tpu.memory_space<vmem>>, vector<1000x256xf32>,
    %slice3A = vector.extract_strided_slice %add3A_14 {offsets = [0, 0], sizes = [125, 256], strides = [1, 1]} : vector<1000x256xf32> to vector<125x256xf32>
    %reduce_sum3A = arith.constant dense<0.000000e+00> : vector<256xf32>
    %reduce_sum3A_17 = vector.multi_reduction <add>, %slice3A, %reduce_sum3A [0] : vector<125x256xf32> to vector<256xf32>
    %broadcast_in_dim3A = vector.shape_cast %reduce_sum3A_17 : vector<256xf32> to vector<1x256xf32>
    %slice3A_18 = vector.extract_strided_slice %add3A_14 {offsets = [125, 0], sizes = [125, 256], strides = [1, 1]} : vector<1000x256xf32> to vector<125x256xf32>
    %reduce_sum3A_19 = arith.constant dense<0.000000e+00> : vector<256xf32>
    %reduce_sum3A_20 = vector.multi_reduction <add>, %slice3A_18, %reduce_sum3A_19 [0] : vector<125x256xf32> to vector<256xf32>
    %broadcast_in_dim3A_21 = vector.shape_cast %reduce_sum3A_20 : vector<256xf32> to vector<1x256xf32>
    %slice3A_22 = vector.extract_strided_slice %add3A_14 {offsets = [250, 0], sizes = [125, 256], strides = [1, 1]} : vector<1000x256xf32> to vector<125x256xf32>
    %reduce_sum3A_23 = arith.constant dense<0.000000e+00> : vector<256xf32>
    %reduce_sum3A_24 = vector.multi_reduction <add>, %slice3A_22, %reduce_sum3A_23 [0] : vector<125x256xf32> to vector<256xf32>
    %broadcast_in_dim3A_25 = vector.shape_cast %reduce_sum3A_24 : vector<256xf32> to vector<1x256xf32>
    %slice3A_26 = vector.extract_strided_slice %add3A_14 {offsets = [375, 0], sizes = [125, 256], strides = [1, 1]} : vector<1000x256xf32> to vector<125x256xf32>
    %reduce_sum3A_27 = arith.constant dense<0.000000e+00> : vector<256xf32>
    %reduce_sum3A_28 = vector.multi_reduction <add>, %slice3A_26, %reduce_sum3A_27 [0] : vector<125x256xf32> to vector<256xf32>
    %broadcast_in_dim3A_29 = vector.shape_cast %reduce_sum3A_28 : vector<256xf32> to vector<1x256xf32>
    %slice3A_30 = vector.extract_strided_slice %add3A_14 {offsets = [500, 0], sizes = [125, 256], strides = [1, 1]} : vector<1000x256xf32> to vector<125x256xf32>
    %reduce_sum3A_31 = arith.constant dense<0.000000e+00> : vector<256xf32>
    %reduce_sum3A_32 = vector.multi_reduction <add>, %slice3A_30, %reduce_sum3A_31 [0] : vector<125x256xf32> to vector<256xf32>
    %broadcast_in_dim3A_33 = vector.shape_cast %reduce_sum3A_32 : vector<256xf32> to vector<1x256xf32>
    %slice3A_34 = vector.extract_strided_slice %add3A_14 {offsets = [625, 0], sizes = [125, 256], strides = [1, 1]} : vector<1000x256xf32> to vector<125x256xf32>
    %reduce_sum3A_35 = arith.constant dense<0.000000e+00> : vector<256xf32>
    %reduce_sum3A_36 = vector.multi_reduction <add>, %slice3A_34, %reduce_sum3A_35 [0] : vector<125x256xf32> to vector<256xf32>
    %broadcast_in_dim3A_37 = vector.shape_cast %reduce_sum3A_36 : vector<256xf32> to vector<1x256xf32>
    %slice3A_38 = vector.extract_strided_slice %add3A_14 {offsets = [750, 0], sizes = [125, 256], strides = [1, 1]} : vector<1000x256xf32> to vector<125x256xf32>
    %reduce_sum3A_39 = arith.constant dense<0.000000e+00> : vector<256xf32>
    %reduce_sum3A_40 = vector.multi_reduction <add>, %slice3A_38, %reduce_sum3A_39 [0] : vector<125x256xf32> to vector<256xf32>
    %broadcast_in_dim3A_41 = vector.shape_cast %reduce_sum3A_40 : vector<256xf32> to vector<1x256xf32>
    %slice3A_42 = vector.extract_strided_slice %add3A_14 {offsets = [875, 0], sizes = [125, 256], strides = [1, 1]} : vector<1000x256xf32> to vector<125x256xf32>
    %reduce_sum3A_43 = arith.constant dense<0.000000e+00> : vector<256xf32>
    %reduce_sum3A_44 = vector.multi_reduction <add>, %slice3A_42, %reduce_sum3A_43 [0] : vector<125x256xf32> to vector<256xf32>
    %broadcast_in_dim3A_45 = vector.shape_cast %reduce_sum3A_44 : vector<256xf32> to vector<1x256xf32>
    %add3A_46 = arith.addf %broadcast_in_dim3A, %broadcast_in_dim3A_21 : vector<1x256xf32>
    %add3A_47 = arith.addf %broadcast_in_dim3A_25, %broadcast_in_dim3A_29 : vector<1x256xf32>
    %add3A_48 = arith.addf %add3A_46, %add3A_47 : vector<1x256xf32>
    %add3A_49 = arith.addf %broadcast_in_dim3A_33, %broadcast_in_dim3A_37 : vector<1x256xf32>
    %add3A_50 = arith.addf %broadcast_in_dim3A_41, %broadcast_in_dim3A_45 : vector<1x256xf32>
    %add3A_51 = arith.addf %add3A_49, %add3A_50 : vector<1x256xf32>
    %add3A_52 = arith.addf %add3A_48, %add3A_51 : vector<1x256xf32>
    %div3A = arith.constant 1.000000e+03 : f32
    %div3A_53 = vector.broadcast %div3A : f32 to vector<1x256xf32>
    %div3A_54 = arith.divf %add3A_52, %div3A_53 : vector<1x256xf32>
    %sub3A = vector.broadcast %div3A_54 : vector<1x256xf32> to vector<1000x256xf32>
    %sub3A_55 = arith.subf %add3A_14, %sub3A : vector<1000x256xf32>
    %mul3A_56 = arith.mulf %sub3A_55, %sub3A_55 : vector<1000x256xf32>
    %slice3A_57 = vector.extract_strided_slice %mul3A_56 {offsets = [0, 0], sizes = [125, 256], strides = [1, 1]} : vector<1000x256xf32> to vector<125x256xf32>
    %reduce_sum3A_58 = arith.constant dense<0.000000e+00> : vector<256xf32>
    %reduce_sum3A_59 = vector.multi_reduction <add>, %slice3A_57, %reduce_sum3A_58 [0] : vector<125x256xf32> to vector<256xf32>
    %broadcast_in_dim3A_60 = vector.shape_cast %reduce_sum3A_59 : vector<256xf32> to vector<1x256xf32>
    %slice3A_61 = vector.extract_strided_slice %mul3A_56 {offsets = [125, 0], sizes = [125, 256], strides = [1, 1]} : vector<1000x256xf32> to vector<125x256xf32>
    %reduce_sum3A_62 = arith.constant dense<0.000000e+00> : vector<256xf32>
    %reduce_sum3A_63 = vector.multi_reduction <add>, %slice3A_61, %reduce_sum3A_62 [0] : vector<125x256xf32> to vector<256xf32>
    %broadcast_in_dim3A_64 = vector.shape_cast %reduce_sum3A_63 : vector<256xf32> to vector<1x256xf32>
    %slice3A_65 = vector.extract_strided_slice %mul3A_56 {offsets = [250, 0], sizes = [125, 256], strides = [1, 1]} : vector<1000x256xf32> to vector<125x256xf32>
    %reduce_sum3A_66 = arith.constant dense<0.000000e+00> : vector<256xf32>
    %reduce_sum3A_67 = vector.multi_reduction <add>, %slice3A_65, %reduce_sum3A_66 [0] : vector<125x256xf32> to vector<256xf32>
    %broadcast_in_dim3A_68 = vector.shape_cast %reduce_sum3A_67 : vector<256xf32> to vector<1x256xf32>
    %slice3A_69 = vector.extract_strided_slice %mul3A_56 {offsets = [375, 0], sizes = [125, 256], strides = [1, 1]} : vector<1000x256xf32> to vector<125x256xf32>
    %reduce_sum3A_70 = arith.constant dense<0.000000e+00> : vector<256xf32>
    %reduce_sum3A_71 = vector.multi_reduction <add>, %slice3A_69, %reduce_sum3A_70 [0] : vector<125x256xf32> to vector<256xf32>
    %broadcast_in_dim3A_72 = vector.shape_cast %reduce_sum3A_71 : vector<256xf32> to vector<1x256xf32>
    %slice3A_73 = vector.extract_strided_slice %mul3A_56 {offsets = [500, 0], sizes = [125, 256], strides = [1, 1]} : vector<1000x256xf32> to vector<125x256xf32>
    %reduce_sum3A_74 = arith.constant dense<0.000000e+00> : vector<256xf32>
    %reduce_sum3A_75 = vector.multi_reduction <add>, %slice3A_73, %reduce_sum3A_74 [0] : vector<125x256xf32> to vector<256xf32>
    %broadcast_in_dim3A_76 = vector.shape_cast %reduce_sum3A_75 : vector<256xf32> to vector<1x256xf32>
    %slice3A_77 = vector.extract_strided_slice %mul3A_56 {offsets = [625, 0], sizes = [125, 256], strides = [1, 1]} : vector<1000x256xf32> to vector<125x256xf32>
    %reduce_sum3A_78 = arith.constant dense<0.000000e+00> : vector<256xf32>
    %reduce_sum3A_79 = vector.multi_reduction <add>, %slice3A_77, %reduce_sum3A_78 [0] : vector<125x256xf32> to vector<256xf32>
    %broadcast_in_dim3A_80 = vector.shape_cast %reduce_sum3A_79 : vector<256xf32> to vector<1x256xf32>
    %slice3A_81 = vector.extract_strided_slice %mul3A_56 {offsets = [750, 0], sizes = [125, 256], strides = [1, 1]} : vector<1000x256xf32> to vector<125x256xf32>
    %reduce_sum3A_82 = arith.constant dense<0.000000e+00> : vector<256xf32>
    %reduce_sum3A_83 = vector.multi_reduction <add>, %slice3A_81, %reduce_sum3A_82 [0] : vector<125x256xf32> to vector<256xf32>
    %broadcast_in_dim3A_84 = vector.shape_cast %reduce_sum3A_83 : vector<256xf32> to vector<1x256xf32>
    %slice3A_85 = vector.extract_strided_slice %mul3A_56 {offsets = [875, 0], sizes = [125, 256], strides = [1, 1]} : vector<1000x256xf32> to vector<125x256xf32>
    %reduce_sum3A_86 = arith.constant dense<0.000000e+00> : vector<256xf32>
    %reduce_sum3A_87 = vector.multi_reduction <add>, %slice3A_85, %reduce_sum3A_86 [0] : vector<125x256xf32> to vector<256xf32>
    %broadcast_in_dim3A_88 = vector.shape_cast %reduce_sum3A_87 : vector<256xf32> to vector<1x256xf32>
    %add3A_89 = arith.addf %broadcast_in_dim3A_60, %broadcast_in_dim3A_64 : vector<1x256xf32>
    %add3A_90 = arith.addf %broadcast_in_dim3A_68, %broadcast_in_dim3A_72 : vector<1x256xf32>
    %add3A_91 = arith.addf %add3A_89, %add3A_90 : vector<1x256xf32>
    %add3A_92 = arith.addf %broadcast_in_dim3A_76, %broadcast_in_dim3A_80 : vector<1x256xf32>
    %add3A_93 = arith.addf %broadcast_in_dim3A_84, %broadcast_in_dim3A_88 : vector<1x256xf32>
    %add3A_94 = arith.addf %add3A_92, %add3A_93 : vector<1x256xf32>
    %add3A_95 = arith.addf %add3A_91, %add3A_94 : vector<1x256xf32>
    %swap3A_96 = arith.index_cast %arg0 : i32 to index
    %swap3A_97 = arith.constant 0 : index
    %swap3A_98 = vector.load %arg8[%swap3A_96, %swap3A_97] : memref<10x256xf32, #tpu.memory_space<vmem>>, vector<1x256xf32>
    tpu.vector_store %arg8[%swap3A_96, %swap3A_97], %div3A_54 {strides = array<i32>} : memref<10x256xf32, #tpu.memory_space<vmem>>, vector<1x256xf32>,
    %swap3A_99 = arith.index_cast %arg0 : i32 to index
    %swap3A_100 = arith.constant 0 : index
    %swap3A_101 = vector.load %arg9[%swap3A_99, %swap3A_100] : memref<10x256xf32, #tpu.memory_space<vmem>>, vector<1x256xf32>
    tpu.vector_store %arg9[%swap3A_99, %swap3A_100], %add3A_95 {strides = array<i32>} : memref<10x256xf32, #tpu.memory_space<vmem>>, vector<1x256xf32>,
    %eq3A = arith.constant 9 : i32
    %eq3A_102 = arith.cmpi eq, %arg0, %eq3A : i32
    %convert_element_type3A = arith.extui %eq3A_102 : i1 to i32
    %cond3A = arith.constant 0 : i32
    %cond3A_103 = arith.cmpi ne, %convert_element_type3A, %cond3A : i32
    scf.if %cond3A_103 {
      %get3A_104 = arith.constant 0 : index
      %get3A_105 = arith.constant 0 : index
      %get3A_106 = vector.load %arg8[%get3A_104, %get3A_105] : memref<10x256xf32, #tpu.memory_space<vmem>>, vector<10x256xf32>
      %reduce_sum3A_107 = arith.constant dense<0.000000e+00> : vector<256xf32>
      %reduce_sum3A_108 = vector.multi_reduction <add>, %get3A_106, %reduce_sum3A_107 [0] : vector<10x256xf32> to vector<256xf32>
      %broadcast_in_dim3A_109 = vector.shape_cast %reduce_sum3A_108 : vector<256xf32> to vector<1x256xf32>
      %div3A_110 = arith.constant 1.000000e+01 : f32
      %div3A_111 = vector.broadcast %div3A_110 : f32 to vector<1x256xf32>
      %div3A_112 = arith.divf %broadcast_in_dim3A_109, %div3A_111 : vector<1x256xf32>
      %sub3A_113 = vector.broadcast %div3A_112 : vector<1x256xf32> to vector<10x256xf32>
      %sub3A_114 = arith.subf %get3A_106, %sub3A_113 : vector<10x256xf32>
      %get3A_115 = arith.constant 0 : index
      %get3A_116 = arith.constant 0 : index
      %get3A_117 = vector.load %arg9[%get3A_115, %get3A_116] : memref<10x256xf32, #tpu.memory_space<vmem>>, vector<10x256xf32>
      %reduce_sum3A_118 = arith.constant dense<0.000000e+00> : vector<256xf32>
      %reduce_sum3A_119 = vector.multi_reduction <add>, %get3A_117, %reduce_sum3A_118 [0] : vector<10x256xf32> to vector<256xf32>
      %broadcast_in_dim3A_120 = vector.shape_cast %reduce_sum3A_119 : vector<256xf32> to vector<1x256xf32>
      %mul3A_121 = arith.mulf %sub3A_114, %sub3A_114 : vector<10x256xf32>
      %reduce_sum3A_122 = arith.constant dense<0.000000e+00> : vector<256xf32>
      %reduce_sum3A_123 = vector.multi_reduction <add>, %mul3A_121, %reduce_sum3A_122 [0] : vector<10x256xf32> to vector<256xf32>
      %broadcast_in_dim3A_124 = vector.shape_cast %reduce_sum3A_123 : vector<256xf32> to vector<1x256xf32>
      %mul3A_125 = arith.constant 1.000000e+03 : f32
      %mul3A_126 = vector.broadcast %mul3A_125 : f32 to vector<1x256xf32>
      %mul3A_127 = arith.mulf %mul3A_126, %broadcast_in_dim3A_124 : vector<1x256xf32>
      %add3A_128 = arith.addf %broadcast_in_dim3A_120, %mul3A_127 : vector<1x256xf32>
      %div3A_129 = arith.constant 1.000000e+04 : f32
      %div3A_130 = vector.broadcast %div3A_129 : f32 to vector<1x256xf32>
      %div3A_131 = arith.divf %add3A_128, %div3A_130 : vector<1x256xf32>
      %swap3A_132 = arith.constant 0 : index
      %swap3A_133 = arith.constant 0 : index
      %swap3A_134 = vector.load %arg6[%swap3A_132, %swap3A_133] : memref<1x256xf32, #tpu.memory_space<vmem>>, vector<1x256xf32>
      tpu.vector_store %arg6[%swap3A_132, %swap3A_133], %div3A_112 {strides = array<i32>} : memref<1x256xf32, #tpu.memory_space<vmem>>, vector<1x256xf32>,
      %swap3A_135 = arith.constant 0 : index
      %swap3A_136 = arith.constant 0 : index
      %swap3A_137 = vector.load %arg7[%swap3A_135, %swap3A_136] : memref<1x256xf32, #tpu.memory_space<vmem>>, vector<1x256xf32>
      tpu.vector_store %arg7[%swap3A_135, %swap3A_136], %div3A_131 {strides = array<i32>} : memref<1x256xf32, #tpu.memory_space<vmem>>, vector<1x256xf32>,
    } else {
    }
    return
  }
  func.func @transform_0(%arg0: i32) -> (i32, i32) {
    %c0_i32 = arith.constant 0 : i32
    %c0_i32_0 = arith.constant 0 : i32
    return %arg0, %c0_i32 : i32, i32
  }
  func.func @transform_1(%arg0: i32) -> (i32, i32) {
    %c0_i32 = arith.constant 0 : i32
    %c0_i32_0 = arith.constant 0 : i32
    return %arg0, %c0_i32 : i32, i32
  }
  func.func @transform_2(%arg0: i32) -> (i32, i32) {
    %c0_i32 = arith.constant 0 : i32
    %c0_i32_0 = arith.constant 0 : i32
    return %arg0, %c0_i32 : i32, i32
  }
  func.func @transform_3(%arg0: i32) -> (i32, i32) {
    %c0_i32 = arith.constant 0 : i32
    %c0_i32_0 = arith.constant 0 : i32
    %c0_i32_1 = arith.constant 0 : i32
    return %c0_i32, %c0_i32_0 : i32, i32
  }
  func.func @transform_4(%arg0: i32) -> (i32, i32) {
    %c0_i32 = arith.constant 0 : i32
    %c0_i32_0 = arith.constant 0 : i32
    return %arg0, %c0_i32 : i32, i32
  }
  func.func @transform_5(%arg0: i32) -> (i32, i32) {
    %c0_i32 = arith.constant 0 : i32
    %c0_i32_0 = arith.constant 0 : i32
    %c0_i32_1 = arith.constant 0 : i32
    return %c0_i32, %c0_i32_0 : i32, i32
  }
  func.func @transform_6(%arg0: i32) -> (i32, i32) {
    %c0_i32 = arith.constant 0 : i32
    %c0_i32_0 = arith.constant 0 : i32
    %c0_i32_1 = arith.constant 0 : i32
    return %c0_i32, %c0_i32_0 : i32, i32
  }
}

module attributes {stable_mosaic.version = 14 : i64} {
  func.func @body(%arg0: i32, %arg1: memref<1000x128xf32, #tpu.memory_space<vmem>>, %arg2: memref<1000x128xf32, #tpu.memory_space<vmem>>, %arg3: memref<1000x128xf32, #tpu.memory_space<vmem>>, %arg4: memref<1000x128xf32, #tpu.memory_space<vmem>>, %arg5: memref<1000x1xf32, #tpu.memory_space<vmem>>, %arg6: memref<1x512xf32, #tpu.memory_space<vmem>>, %arg7: memref<1000x512xf32, #tpu.memory_space<vmem>>, %arg8: memref<1x512xf32, #tpu.memory_space<vmem>>, %arg9: memref<1x512xf32, #tpu.memory_space<vmem>>, %arg10: memref<10x512xf32, #tpu.memory_space<vmem>>, %arg11: memref<10x512xf32, #tpu.memory_space<vmem>>) attributes {dimension_semantics = [#tpu.dimension_semantics<arbitrary>], iteration_bounds = array<i64: 10>, scalar_prefetch = 0 : i64, scratch_operands = 2 : i64, tpu.core_type = #tpu.core_type<tc>, window_params = [{transform_indices = @transform_0, window_bounds = array<i64: 1000, 128>}, {transform_indices = @transform_1, window_bounds = array<i64: 1000, 128>}, {transform_indices = @transform_2, window_bounds = array<i64: 1000, 128>}, {transform_indices = @transform_3, window_bounds = array<i64: 1000, 128>}, {transform_indices = @transform_4, window_bounds = array<i64: 1000, 1>}, {pipeline_mode = #tpu.pipeline_mode<synchronous>, transform_indices = @transform_5, window_bounds = array<i64: 1, 512>}, {transform_indices = @transform_6, window_bounds = array<i64: 1000, 512>}, {pipeline_mode = #tpu.pipeline_mode<synchronous>, transform_indices = @transform_7, window_bounds = array<i64: 1, 512>}, {pipeline_mode = #tpu.pipeline_mode<synchronous>, transform_indices = @transform_8, window_bounds = array<i64: 1, 512>}]} {
    %get3A = arith.constant 0 : index
    %get3A_0 = arith.constant 0 : index
    %get3A_1 = vector.load %arg5[%get3A, %get3A_0] : memref<1000x1xf32, #tpu.memory_space<vmem>>, vector<1000x1xf32>
    %get3A_2 = arith.constant 0 : index
    %get3A_3 = arith.constant 0 : index
    %get3A_4 = vector.load %arg1[%get3A_2, %get3A_3] : memref<1000x128xf32, #tpu.memory_space<vmem>>, vector<1000x128xf32>
    %mul3A = vector.broadcast %get3A_1 : vector<1000x1xf32> to vector<1000x128xf32>
    %mul3A_5 = arith.mulf %get3A_4, %mul3A : vector<1000x128xf32>
    %get3A_6 = arith.constant 0 : index
    %get3A_7 = arith.constant 0 : index
    %get3A_8 = vector.load %arg2[%get3A_6, %get3A_7] : memref<1000x128xf32, #tpu.memory_space<vmem>>, vector<1000x128xf32>
    %mul3A_9 = vector.broadcast %get3A_1 : vector<1000x1xf32> to vector<1000x128xf32>
    %mul3A_10 = arith.mulf %get3A_8, %mul3A_9 : vector<1000x128xf32>
    %get3A_11 = arith.constant 0 : index
    %get3A_12 = arith.constant 0 : index
    %get3A_13 = vector.load %arg3[%get3A_11, %get3A_12] : memref<1000x128xf32, #tpu.memory_space<vmem>>, vector<1000x128xf32>
    %mul3A_14 = vector.broadcast %get3A_1 : vector<1000x1xf32> to vector<1000x128xf32>
    %mul3A_15 = arith.mulf %get3A_13, %mul3A_14 : vector<1000x128xf32>
    %get3A_16 = arith.constant 0 : index
    %get3A_17 = arith.constant 0 : index
    %get3A_18 = vector.load %arg4[%get3A_16, %get3A_17] : memref<1000x128xf32, #tpu.memory_space<vmem>>, vector<1000x128xf32>
    %mul3A_19 = vector.broadcast %get3A_1 : vector<1000x1xf32> to vector<1000x128xf32>
    %mul3A_20 = arith.mulf %get3A_18, %mul3A_19 : vector<1000x128xf32>
    %concatenate3A = tpu.concatenate %mul3A_5, %mul3A_10, %mul3A_15, %mul3A_20 in 1 : vector<1000x128xf32>, vector<1000x128xf32>, vector<1000x128xf32>, vector<1000x128xf32> -> vector<1000x512xf32>
    %get3A_21 = arith.constant 0 : index
    %get3A_22 = arith.constant 0 : index
    %get3A_23 = vector.load %arg6[%get3A_21, %get3A_22] : memref<1x512xf32, #tpu.memory_space<vmem>>, vector<1x512xf32>
    %add3A = vector.broadcast %get3A_23 : vector<1x512xf32> to vector<1000x512xf32>
    %add3A_24 = arith.addf %concatenate3A, %add3A : vector<1000x512xf32>
    %swap3A = arith.constant 0 : index
    %swap3A_25 = arith.constant 0 : index
    %swap3A_26 = vector.load %arg7[%swap3A, %swap3A_25] : memref<1000x512xf32, #tpu.memory_space<vmem>>, vector<1000x512xf32>
    tpu.vector_store %arg7[%swap3A, %swap3A_25], %add3A_24 {strides = array<i32>} : memref<1000x512xf32, #tpu.memory_space<vmem>>, vector<1000x512xf32>,
    %slice3A = vector.extract_strided_slice %add3A_24 {offsets = [0, 0], sizes = [125, 512], strides = [1, 1]} : vector<1000x512xf32> to vector<125x512xf32>
    %reduce_sum3A = arith.constant dense<0.000000e+00> : vector<512xf32>
    %reduce_sum3A_27 = vector.multi_reduction <add>, %slice3A, %reduce_sum3A [0] : vector<125x512xf32> to vector<512xf32>
    %broadcast_in_dim3A = vector.shape_cast %reduce_sum3A_27 : vector<512xf32> to vector<1x512xf32>
    %slice3A_28 = vector.extract_strided_slice %add3A_24 {offsets = [125, 0], sizes = [125, 512], strides = [1, 1]} : vector<1000x512xf32> to vector<125x512xf32>
    %reduce_sum3A_29 = arith.constant dense<0.000000e+00> : vector<512xf32>
    %reduce_sum3A_30 = vector.multi_reduction <add>, %slice3A_28, %reduce_sum3A_29 [0] : vector<125x512xf32> to vector<512xf32>
    %broadcast_in_dim3A_31 = vector.shape_cast %reduce_sum3A_30 : vector<512xf32> to vector<1x512xf32>
    %slice3A_32 = vector.extract_strided_slice %add3A_24 {offsets = [250, 0], sizes = [125, 512], strides = [1, 1]} : vector<1000x512xf32> to vector<125x512xf32>
    %reduce_sum3A_33 = arith.constant dense<0.000000e+00> : vector<512xf32>
    %reduce_sum3A_34 = vector.multi_reduction <add>, %slice3A_32, %reduce_sum3A_33 [0] : vector<125x512xf32> to vector<512xf32>
    %broadcast_in_dim3A_35 = vector.shape_cast %reduce_sum3A_34 : vector<512xf32> to vector<1x512xf32>
    %slice3A_36 = vector.extract_strided_slice %add3A_24 {offsets = [375, 0], sizes = [125, 512], strides = [1, 1]} : vector<1000x512xf32> to vector<125x512xf32>
    %reduce_sum3A_37 = arith.constant dense<0.000000e+00> : vector<512xf32>
    %reduce_sum3A_38 = vector.multi_reduction <add>, %slice3A_36, %reduce_sum3A_37 [0] : vector<125x512xf32> to vector<512xf32>
    %broadcast_in_dim3A_39 = vector.shape_cast %reduce_sum3A_38 : vector<512xf32> to vector<1x512xf32>
    %slice3A_40 = vector.extract_strided_slice %add3A_24 {offsets = [500, 0], sizes = [125, 512], strides = [1, 1]} : vector<1000x512xf32> to vector<125x512xf32>
    %reduce_sum3A_41 = arith.constant dense<0.000000e+00> : vector<512xf32>
    %reduce_sum3A_42 = vector.multi_reduction <add>, %slice3A_40, %reduce_sum3A_41 [0] : vector<125x512xf32> to vector<512xf32>
    %broadcast_in_dim3A_43 = vector.shape_cast %reduce_sum3A_42 : vector<512xf32> to vector<1x512xf32>
    %slice3A_44 = vector.extract_strided_slice %add3A_24 {offsets = [625, 0], sizes = [125, 512], strides = [1, 1]} : vector<1000x512xf32> to vector<125x512xf32>
    %reduce_sum3A_45 = arith.constant dense<0.000000e+00> : vector<512xf32>
    %reduce_sum3A_46 = vector.multi_reduction <add>, %slice3A_44, %reduce_sum3A_45 [0] : vector<125x512xf32> to vector<512xf32>
    %broadcast_in_dim3A_47 = vector.shape_cast %reduce_sum3A_46 : vector<512xf32> to vector<1x512xf32>
    %slice3A_48 = vector.extract_strided_slice %add3A_24 {offsets = [750, 0], sizes = [125, 512], strides = [1, 1]} : vector<1000x512xf32> to vector<125x512xf32>
    %reduce_sum3A_49 = arith.constant dense<0.000000e+00> : vector<512xf32>
    %reduce_sum3A_50 = vector.multi_reduction <add>, %slice3A_48, %reduce_sum3A_49 [0] : vector<125x512xf32> to vector<512xf32>
    %broadcast_in_dim3A_51 = vector.shape_cast %reduce_sum3A_50 : vector<512xf32> to vector<1x512xf32>
    %slice3A_52 = vector.extract_strided_slice %add3A_24 {offsets = [875, 0], sizes = [125, 512], strides = [1, 1]} : vector<1000x512xf32> to vector<125x512xf32>
    %reduce_sum3A_53 = arith.constant dense<0.000000e+00> : vector<512xf32>
    %reduce_sum3A_54 = vector.multi_reduction <add>, %slice3A_52, %reduce_sum3A_53 [0] : vector<125x512xf32> to vector<512xf32>
    %broadcast_in_dim3A_55 = vector.shape_cast %reduce_sum3A_54 : vector<512xf32> to vector<1x512xf32>
    %add3A_56 = arith.addf %broadcast_in_dim3A, %broadcast_in_dim3A_31 : vector<1x512xf32>
    %add3A_57 = arith.addf %broadcast_in_dim3A_35, %broadcast_in_dim3A_39 : vector<1x512xf32>
    %add3A_58 = arith.addf %add3A_56, %add3A_57 : vector<1x512xf32>
    %add3A_59 = arith.addf %broadcast_in_dim3A_43, %broadcast_in_dim3A_47 : vector<1x512xf32>
    %add3A_60 = arith.addf %broadcast_in_dim3A_51, %broadcast_in_dim3A_55 : vector<1x512xf32>
    %add3A_61 = arith.addf %add3A_59, %add3A_60 : vector<1x512xf32>
    %add3A_62 = arith.addf %add3A_58, %add3A_61 : vector<1x512xf32>
    %div3A = arith.constant 1.000000e+03 : f32
    %div3A_63 = vector.broadcast %div3A : f32 to vector<1x512xf32>
    %div3A_64 = arith.divf %add3A_62, %div3A_63 : vector<1x512xf32>
    %sub3A = vector.broadcast %div3A_64 : vector<1x512xf32> to vector<1000x512xf32>
    %sub3A_65 = arith.subf %add3A_24, %sub3A : vector<1000x512xf32>
    %mul3A_66 = arith.mulf %sub3A_65, %sub3A_65 : vector<1000x512xf32>
    %slice3A_67 = vector.extract_strided_slice %mul3A_66 {offsets = [0, 0], sizes = [125, 512], strides = [1, 1]} : vector<1000x512xf32> to vector<125x512xf32>
    %reduce_sum3A_68 = arith.constant dense<0.000000e+00> : vector<512xf32>
    %reduce_sum3A_69 = vector.multi_reduction <add>, %slice3A_67, %reduce_sum3A_68 [0] : vector<125x512xf32> to vector<512xf32>
    %broadcast_in_dim3A_70 = vector.shape_cast %reduce_sum3A_69 : vector<512xf32> to vector<1x512xf32>
    %slice3A_71 = vector.extract_strided_slice %mul3A_66 {offsets = [125, 0], sizes = [125, 512], strides = [1, 1]} : vector<1000x512xf32> to vector<125x512xf32>
    %reduce_sum3A_72 = arith.constant dense<0.000000e+00> : vector<512xf32>
    %reduce_sum3A_73 = vector.multi_reduction <add>, %slice3A_71, %reduce_sum3A_72 [0] : vector<125x512xf32> to vector<512xf32>
    %broadcast_in_dim3A_74 = vector.shape_cast %reduce_sum3A_73 : vector<512xf32> to vector<1x512xf32>
    %slice3A_75 = vector.extract_strided_slice %mul3A_66 {offsets = [250, 0], sizes = [125, 512], strides = [1, 1]} : vector<1000x512xf32> to vector<125x512xf32>
    %reduce_sum3A_76 = arith.constant dense<0.000000e+00> : vector<512xf32>
    %reduce_sum3A_77 = vector.multi_reduction <add>, %slice3A_75, %reduce_sum3A_76 [0] : vector<125x512xf32> to vector<512xf32>
    %broadcast_in_dim3A_78 = vector.shape_cast %reduce_sum3A_77 : vector<512xf32> to vector<1x512xf32>
    %slice3A_79 = vector.extract_strided_slice %mul3A_66 {offsets = [375, 0], sizes = [125, 512], strides = [1, 1]} : vector<1000x512xf32> to vector<125x512xf32>
    %reduce_sum3A_80 = arith.constant dense<0.000000e+00> : vector<512xf32>
    %reduce_sum3A_81 = vector.multi_reduction <add>, %slice3A_79, %reduce_sum3A_80 [0] : vector<125x512xf32> to vector<512xf32>
    %broadcast_in_dim3A_82 = vector.shape_cast %reduce_sum3A_81 : vector<512xf32> to vector<1x512xf32>
    %slice3A_83 = vector.extract_strided_slice %mul3A_66 {offsets = [500, 0], sizes = [125, 512], strides = [1, 1]} : vector<1000x512xf32> to vector<125x512xf32>
    %reduce_sum3A_84 = arith.constant dense<0.000000e+00> : vector<512xf32>
    %reduce_sum3A_85 = vector.multi_reduction <add>, %slice3A_83, %reduce_sum3A_84 [0] : vector<125x512xf32> to vector<512xf32>
    %broadcast_in_dim3A_86 = vector.shape_cast %reduce_sum3A_85 : vector<512xf32> to vector<1x512xf32>
    %slice3A_87 = vector.extract_strided_slice %mul3A_66 {offsets = [625, 0], sizes = [125, 512], strides = [1, 1]} : vector<1000x512xf32> to vector<125x512xf32>
    %reduce_sum3A_88 = arith.constant dense<0.000000e+00> : vector<512xf32>
    %reduce_sum3A_89 = vector.multi_reduction <add>, %slice3A_87, %reduce_sum3A_88 [0] : vector<125x512xf32> to vector<512xf32>
    %broadcast_in_dim3A_90 = vector.shape_cast %reduce_sum3A_89 : vector<512xf32> to vector<1x512xf32>
    %slice3A_91 = vector.extract_strided_slice %mul3A_66 {offsets = [750, 0], sizes = [125, 512], strides = [1, 1]} : vector<1000x512xf32> to vector<125x512xf32>
    %reduce_sum3A_92 = arith.constant dense<0.000000e+00> : vector<512xf32>
    %reduce_sum3A_93 = vector.multi_reduction <add>, %slice3A_91, %reduce_sum3A_92 [0] : vector<125x512xf32> to vector<512xf32>
    %broadcast_in_dim3A_94 = vector.shape_cast %reduce_sum3A_93 : vector<512xf32> to vector<1x512xf32>
    %slice3A_95 = vector.extract_strided_slice %mul3A_66 {offsets = [875, 0], sizes = [125, 512], strides = [1, 1]} : vector<1000x512xf32> to vector<125x512xf32>
    %reduce_sum3A_96 = arith.constant dense<0.000000e+00> : vector<512xf32>
    %reduce_sum3A_97 = vector.multi_reduction <add>, %slice3A_95, %reduce_sum3A_96 [0] : vector<125x512xf32> to vector<512xf32>
    %broadcast_in_dim3A_98 = vector.shape_cast %reduce_sum3A_97 : vector<512xf32> to vector<1x512xf32>
    %add3A_99 = arith.addf %broadcast_in_dim3A_70, %broadcast_in_dim3A_74 : vector<1x512xf32>
    %add3A_100 = arith.addf %broadcast_in_dim3A_78, %broadcast_in_dim3A_82 : vector<1x512xf32>
    %add3A_101 = arith.addf %add3A_99, %add3A_100 : vector<1x512xf32>
    %add3A_102 = arith.addf %broadcast_in_dim3A_86, %broadcast_in_dim3A_90 : vector<1x512xf32>
    %add3A_103 = arith.addf %broadcast_in_dim3A_94, %broadcast_in_dim3A_98 : vector<1x512xf32>
    %add3A_104 = arith.addf %add3A_102, %add3A_103 : vector<1x512xf32>
    %add3A_105 = arith.addf %add3A_101, %add3A_104 : vector<1x512xf32>
    %swap3A_106 = arith.index_cast %arg0 : i32 to index
    %swap3A_107 = arith.constant 0 : index
    %swap3A_108 = vector.load %arg10[%swap3A_106, %swap3A_107] : memref<10x512xf32, #tpu.memory_space<vmem>>, vector<1x512xf32>
    tpu.vector_store %arg10[%swap3A_106, %swap3A_107], %div3A_64 {strides = array<i32>} : memref<10x512xf32, #tpu.memory_space<vmem>>, vector<1x512xf32>,
    %swap3A_109 = arith.index_cast %arg0 : i32 to index
    %swap3A_110 = arith.constant 0 : index
    %swap3A_111 = vector.load %arg11[%swap3A_109, %swap3A_110] : memref<10x512xf32, #tpu.memory_space<vmem>>, vector<1x512xf32>
    tpu.vector_store %arg11[%swap3A_109, %swap3A_110], %add3A_105 {strides = array<i32>} : memref<10x512xf32, #tpu.memory_space<vmem>>, vector<1x512xf32>,
    %eq3A = arith.constant 9 : i32
    %eq3A_112 = arith.cmpi eq, %arg0, %eq3A : i32
    %convert_element_type3A = arith.extui %eq3A_112 : i1 to i32
    %cond3A = arith.constant 0 : i32
    %cond3A_113 = arith.cmpi ne, %convert_element_type3A, %cond3A : i32
    scf.if %cond3A_113 {
      %get3A_114 = arith.constant 0 : index
      %get3A_115 = arith.constant 0 : index
      %get3A_116 = vector.load %arg10[%get3A_114, %get3A_115] : memref<10x512xf32, #tpu.memory_space<vmem>>, vector<10x512xf32>
      %reduce_sum3A_117 = arith.constant dense<0.000000e+00> : vector<512xf32>
      %reduce_sum3A_118 = vector.multi_reduction <add>, %get3A_116, %reduce_sum3A_117 [0] : vector<10x512xf32> to vector<512xf32>
      %broadcast_in_dim3A_119 = vector.shape_cast %reduce_sum3A_118 : vector<512xf32> to vector<1x512xf32>
      %div3A_120 = arith.constant 1.000000e+01 : f32
      %div3A_121 = vector.broadcast %div3A_120 : f32 to vector<1x512xf32>
      %div3A_122 = arith.divf %broadcast_in_dim3A_119, %div3A_121 : vector<1x512xf32>
      %sub3A_123 = vector.broadcast %div3A_122 : vector<1x512xf32> to vector<10x512xf32>
      %sub3A_124 = arith.subf %get3A_116, %sub3A_123 : vector<10x512xf32>
      %get3A_125 = arith.constant 0 : index
      %get3A_126 = arith.constant 0 : index
      %get3A_127 = vector.load %arg11[%get3A_125, %get3A_126] : memref<10x512xf32, #tpu.memory_space<vmem>>, vector<10x512xf32>
      %reduce_sum3A_128 = arith.constant dense<0.000000e+00> : vector<512xf32>
      %reduce_sum3A_129 = vector.multi_reduction <add>, %get3A_127, %reduce_sum3A_128 [0] : vector<10x512xf32> to vector<512xf32>
      %broadcast_in_dim3A_130 = vector.shape_cast %reduce_sum3A_129 : vector<512xf32> to vector<1x512xf32>
      %mul3A_131 = arith.mulf %sub3A_124, %sub3A_124 : vector<10x512xf32>
      %reduce_sum3A_132 = arith.constant dense<0.000000e+00> : vector<512xf32>
      %reduce_sum3A_133 = vector.multi_reduction <add>, %mul3A_131, %reduce_sum3A_132 [0] : vector<10x512xf32> to vector<512xf32>
      %broadcast_in_dim3A_134 = vector.shape_cast %reduce_sum3A_133 : vector<512xf32> to vector<1x512xf32>
      %mul3A_135 = arith.constant 1.000000e+03 : f32
      %mul3A_136 = vector.broadcast %mul3A_135 : f32 to vector<1x512xf32>
      %mul3A_137 = arith.mulf %mul3A_136, %broadcast_in_dim3A_134 : vector<1x512xf32>
      %add3A_138 = arith.addf %broadcast_in_dim3A_130, %mul3A_137 : vector<1x512xf32>
      %div3A_139 = arith.constant 1.000000e+04 : f32
      %div3A_140 = vector.broadcast %div3A_139 : f32 to vector<1x512xf32>
      %div3A_141 = arith.divf %add3A_138, %div3A_140 : vector<1x512xf32>
      %swap3A_142 = arith.constant 0 : index
      %swap3A_143 = arith.constant 0 : index
      %swap3A_144 = vector.load %arg8[%swap3A_142, %swap3A_143] : memref<1x512xf32, #tpu.memory_space<vmem>>, vector<1x512xf32>
      tpu.vector_store %arg8[%swap3A_142, %swap3A_143], %div3A_122 {strides = array<i32>} : memref<1x512xf32, #tpu.memory_space<vmem>>, vector<1x512xf32>,
      %swap3A_145 = arith.constant 0 : index
      %swap3A_146 = arith.constant 0 : index
      %swap3A_147 = vector.load %arg9[%swap3A_145, %swap3A_146] : memref<1x512xf32, #tpu.memory_space<vmem>>, vector<1x512xf32>
      tpu.vector_store %arg9[%swap3A_145, %swap3A_146], %div3A_141 {strides = array<i32>} : memref<1x512xf32, #tpu.memory_space<vmem>>, vector<1x512xf32>,
    } else {
    }
    return
  }
  func.func @transform_0(%arg0: i32) -> (i32, i32) {
    %c0_i32 = arith.constant 0 : i32
    %c0_i32_0 = arith.constant 0 : i32
    return %arg0, %c0_i32 : i32, i32
  }
  func.func @transform_1(%arg0: i32) -> (i32, i32) {
    %c0_i32 = arith.constant 0 : i32
    %c0_i32_0 = arith.constant 0 : i32
    return %arg0, %c0_i32 : i32, i32
  }
  func.func @transform_2(%arg0: i32) -> (i32, i32) {
    %c0_i32 = arith.constant 0 : i32
    %c0_i32_0 = arith.constant 0 : i32
    return %arg0, %c0_i32 : i32, i32
  }
  func.func @transform_3(%arg0: i32) -> (i32, i32) {
    %c0_i32 = arith.constant 0 : i32
    %c0_i32_0 = arith.constant 0 : i32
    return %arg0, %c0_i32 : i32, i32
  }
  func.func @transform_4(%arg0: i32) -> (i32, i32) {
    %c0_i32 = arith.constant 0 : i32
    %c0_i32_0 = arith.constant 0 : i32
    return %arg0, %c0_i32 : i32, i32
  }
  func.func @transform_5(%arg0: i32) -> (i32, i32) {
    %c0_i32 = arith.constant 0 : i32
    %c0_i32_0 = arith.constant 0 : i32
    %c0_i32_1 = arith.constant 0 : i32
    return %c0_i32, %c0_i32_0 : i32, i32
  }
  func.func @transform_6(%arg0: i32) -> (i32, i32) {
    %c0_i32 = arith.constant 0 : i32
    %c0_i32_0 = arith.constant 0 : i32
    return %arg0, %c0_i32 : i32, i32
  }
  func.func @transform_7(%arg0: i32) -> (i32, i32) {
    %c0_i32 = arith.constant 0 : i32
    %c0_i32_0 = arith.constant 0 : i32
    %c0_i32_1 = arith.constant 0 : i32
    return %c0_i32, %c0_i32_0 : i32, i32
  }
  func.func @transform_8(%arg0: i32) -> (i32, i32) {
    %c0_i32 = arith.constant 0 : i32
    %c0_i32_0 = arith.constant 0 : i32
    %c0_i32_1 = arith.constant 0 : i32
    return %c0_i32, %c0_i32_0 : i32, i32
  }
}

module attributes {stable_mosaic.version = 14 : i64} {
  func.func @body(%arg0: i32, %arg1: memref<1000x256xf32, #tpu.memory_space<vmem>>, %arg2: memref<1x256xf32, #tpu.memory_space<vmem>>, %arg3: memref<1x256xf32, #tpu.memory_space<vmem>>, %arg4: memref<1x256xf32, #tpu.memory_space<vmem>>, %arg5: memref<1x256xf32, #tpu.memory_space<vmem>>, %arg6: memref<256x512xf32, #tpu.memory_space<vmem>>, %arg7: memref<1000x1xf32, #tpu.memory_space<vmem>>, %arg8: memref<1000x128xf32, #tpu.memory_space<vmem>>, %arg9: memref<1000x128xf32, #tpu.memory_space<vmem>>, %arg10: memref<1000x128xf32, #tpu.memory_space<vmem>>, %arg11: memref<1000x128xf32, #tpu.memory_space<vmem>>) attributes {dimension_semantics = [#tpu.dimension_semantics<arbitrary>], iteration_bounds = array<i64: 10>, scalar_prefetch = 0 : i64, scratch_operands = 0 : i64, tpu.core_type = #tpu.core_type<tc>, window_params = [{transform_indices = @transform_0, window_bounds = array<i64: 1000, 256>}, {pipeline_mode = #tpu.pipeline_mode<synchronous>, transform_indices = @transform_1, window_bounds = array<i64: 1, 256>}, {pipeline_mode = #tpu.pipeline_mode<synchronous>, transform_indices = @transform_2, window_bounds = array<i64: 1, 256>}, {pipeline_mode = #tpu.pipeline_mode<synchronous>, transform_indices = @transform_3, window_bounds = array<i64: 1, 256>}, {pipeline_mode = #tpu.pipeline_mode<synchronous>, transform_indices = @transform_4, window_bounds = array<i64: 1, 256>}, {pipeline_mode = #tpu.pipeline_mode<synchronous>, transform_indices = @transform_5, window_bounds = array<i64: 256, 512>}, {transform_indices = @transform_6, window_bounds = array<i64: 1000, 1>}, {transform_indices = @transform_7, window_bounds = array<i64: 1000, 128>}, {transform_indices = @transform_8, window_bounds = array<i64: 1000, 128>}, {transform_indices = @transform_9, window_bounds = array<i64: 1000, 128>}, {transform_indices = @transform_10, window_bounds = array<i64: 1000, 128>}]} {
    %get3A = arith.constant 0 : index
    %get3A_0 = arith.constant 0 : index
    %get3A_1 = vector.load %arg2[%get3A, %get3A_0] : memref<1x256xf32, #tpu.memory_space<vmem>>, vector<1x256xf32>
    %get3A_2 = arith.constant 0 : index
    %get3A_3 = arith.constant 0 : index
    %get3A_4 = vector.load %arg3[%get3A_2, %get3A_3] : memref<1x256xf32, #tpu.memory_space<vmem>>, vector<1x256xf32>
    %get3A_5 = arith.constant 0 : index
    %get3A_6 = arith.constant 0 : index
    %get3A_7 = vector.load %arg1[%get3A_5, %get3A_6] : memref<1000x256xf32, #tpu.memory_space<vmem>>, vector<1000x256xf32>
    %sub3A = vector.broadcast %get3A_1 : vector<1x256xf32> to vector<1000x256xf32>
    %sub3A_8 = arith.subf %get3A_7, %sub3A : vector<1000x256xf32>
    %add3A = arith.constant 9.99999974E-6 : f32
    %add3A_9 = vector.broadcast %add3A : f32 to vector<1x256xf32>
    %add3A_10 = arith.addf %get3A_4, %add3A_9 : vector<1x256xf32>
    %rsqrt3A = math.rsqrt %add3A_10 : vector<1x256xf32>
    %mul3A = vector.broadcast %rsqrt3A : vector<1x256xf32> to vector<1000x256xf32>
    %mul3A_11 = arith.mulf %sub3A_8, %mul3A : vector<1000x256xf32>
    %get3A_12 = arith.constant 0 : index
    %get3A_13 = arith.constant 0 : index
    %get3A_14 = vector.load %arg4[%get3A_12, %get3A_13] : memref<1x256xf32, #tpu.memory_space<vmem>>, vector<1x256xf32>
    %mul3A_15 = vector.broadcast %get3A_14 : vector<1x256xf32> to vector<1000x256xf32>
    %mul3A_16 = arith.mulf %mul3A_11, %mul3A_15 : vector<1000x256xf32>
    %get3A_17 = arith.constant 0 : index
    %get3A_18 = arith.constant 0 : index
    %get3A_19 = vector.load %arg5[%get3A_17, %get3A_18] : memref<1x256xf32, #tpu.memory_space<vmem>>, vector<1x256xf32>
    %add3A_20 = vector.broadcast %get3A_19 : vector<1x256xf32> to vector<1000x256xf32>
    %add3A_21 = arith.addf %mul3A_16, %add3A_20 : vector<1000x256xf32>
    %max3A = arith.constant 0.000000e+00 : f32
    %max3A_22 = vector.broadcast %max3A : f32 to vector<1000x256xf32>
    %max3A_23 = arith.maximumf %add3A_21, %max3A_22 : vector<1000x256xf32>
    %get3A_24 = arith.constant 0 : index
    %get3A_25 = arith.constant 0 : index
    %get3A_26 = vector.load %arg6[%get3A_24, %get3A_25] : memref<256x512xf32, #tpu.memory_space<vmem>>, vector<256x512xf32>
    %dot_general3A = arith.constant dense<0.000000e+00> : vector<1000x512xf32>
    %dot_general3A_27 = tpu.matmul %max3A_23, %get3A_26, %dot_general3A {dimension_numbers = #tpu.dot_dimension_numbers<[1], [0], [0], [1], [0, 0, 1, 1], [], []>, transpose_lhs_hint = false} : vector<1000x256xf32>, vector<256x512xf32>, vector<1000x512xf32> -> vector<1000x512xf32>
    %get3A_28 = arith.constant 0 : index
    %get3A_29 = arith.constant 0 : index
    %get3A_30 = vector.load %arg7[%get3A_28, %get3A_29] : memref<1000x1xf32, #tpu.memory_space<vmem>>, vector<1000x1xf32>
    %mul3A_31 = vector.broadcast %get3A_30 : vector<1000x1xf32> to vector<1000x512xf32>
    %mul3A_32 = arith.mulf %dot_general3A_27, %mul3A_31 : vector<1000x512xf32>
    %slice3A = vector.extract_strided_slice %mul3A_32 {offsets = [0, 0], sizes = [1000, 128], strides = [1, 1]} : vector<1000x512xf32> to vector<1000x128xf32>
    %swap3A = arith.constant 0 : index
    %swap3A_33 = arith.constant 0 : index
    %swap3A_34 = vector.load %arg8[%swap3A, %swap3A_33] : memref<1000x128xf32, #tpu.memory_space<vmem>>, vector<1000x128xf32>
    tpu.vector_store %arg8[%swap3A, %swap3A_33], %slice3A {strides = array<i32>} : memref<1000x128xf32, #tpu.memory_space<vmem>>, vector<1000x128xf32>,
    %slice3A_35 = vector.extract_strided_slice %mul3A_32 {offsets = [0, 128], sizes = [1000, 128], strides = [1, 1]} : vector<1000x512xf32> to vector<1000x128xf32>
    %swap3A_36 = arith.constant 0 : index
    %swap3A_37 = arith.constant 0 : index
    %swap3A_38 = vector.load %arg9[%swap3A_36, %swap3A_37] : memref<1000x128xf32, #tpu.memory_space<vmem>>, vector<1000x128xf32>
    tpu.vector_store %arg9[%swap3A_36, %swap3A_37], %slice3A_35 {strides = array<i32>} : memref<1000x128xf32, #tpu.memory_space<vmem>>, vector<1000x128xf32>,
    %slice3A_39 = vector.extract_strided_slice %mul3A_32 {offsets = [0, 256], sizes = [1000, 128], strides = [1, 1]} : vector<1000x512xf32> to vector<1000x128xf32>
    %swap3A_40 = arith.constant 0 : index
    %swap3A_41 = arith.constant 0 : index
    %swap3A_42 = vector.load %arg10[%swap3A_40, %swap3A_41] : memref<1000x128xf32, #tpu.memory_space<vmem>>, vector<1000x128xf32>
    tpu.vector_store %arg10[%swap3A_40, %swap3A_41], %slice3A_39 {strides = array<i32>} : memref<1000x128xf32, #tpu.memory_space<vmem>>, vector<1000x128xf32>,
    %slice3A_43 = vector.extract_strided_slice %mul3A_32 {offsets = [0, 384], sizes = [1000, 128], strides = [1, 1]} : vector<1000x512xf32> to vector<1000x128xf32>
    %swap3A_44 = arith.constant 0 : index
    %swap3A_45 = arith.constant 0 : index
    %swap3A_46 = vector.load %arg11[%swap3A_44, %swap3A_45] : memref<1000x128xf32, #tpu.memory_space<vmem>>, vector<1000x128xf32>
    tpu.vector_store %arg11[%swap3A_44, %swap3A_45], %slice3A_43 {strides = array<i32>} : memref<1000x128xf32, #tpu.memory_space<vmem>>, vector<1000x128xf32>,
    return
  }
  func.func @transform_0(%arg0: i32) -> (i32, i32) {
    %c0_i32 = arith.constant 0 : i32
    %c0_i32_0 = arith.constant 0 : i32
    return %arg0, %c0_i32 : i32, i32
  }
  func.func @transform_1(%arg0: i32) -> (i32, i32) {
    %c0_i32 = arith.constant 0 : i32
    %c0_i32_0 = arith.constant 0 : i32
    %c0_i32_1 = arith.constant 0 : i32
    return %c0_i32, %c0_i32_0 : i32, i32
  }
  func.func @transform_2(%arg0: i32) -> (i32, i32) {
    %c0_i32 = arith.constant 0 : i32
    %c0_i32_0 = arith.constant 0 : i32
    %c0_i32_1 = arith.constant 0 : i32
    return %c0_i32, %c0_i32_0 : i32, i32
  }
  func.func @transform_3(%arg0: i32) -> (i32, i32) {
    %c0_i32 = arith.constant 0 : i32
    %c0_i32_0 = arith.constant 0 : i32
    %c0_i32_1 = arith.constant 0 : i32
    return %c0_i32, %c0_i32_0 : i32, i32
  }
  func.func @transform_4(%arg0: i32) -> (i32, i32) {
    %c0_i32 = arith.constant 0 : i32
    %c0_i32_0 = arith.constant 0 : i32
    %c0_i32_1 = arith.constant 0 : i32
    return %c0_i32, %c0_i32_0 : i32, i32
  }
  func.func @transform_5(%arg0: i32) -> (i32, i32) {
    %c0_i32 = arith.constant 0 : i32
    %c0_i32_0 = arith.constant 0 : i32
    %c0_i32_1 = arith.constant 0 : i32
    return %c0_i32, %c0_i32_0 : i32, i32
  }
  func.func @transform_6(%arg0: i32) -> (i32, i32) {
    %c0_i32 = arith.constant 0 : i32
    %c0_i32_0 = arith.constant 0 : i32
    return %arg0, %c0_i32 : i32, i32
  }
  func.func @transform_7(%arg0: i32) -> (i32, i32) {
    %c0_i32 = arith.constant 0 : i32
    %c0_i32_0 = arith.constant 0 : i32
    return %arg0, %c0_i32 : i32, i32
  }
  func.func @transform_8(%arg0: i32) -> (i32, i32) {
    %c0_i32 = arith.constant 0 : i32
    %c0_i32_0 = arith.constant 0 : i32
    return %arg0, %c0_i32 : i32, i32
  }
  func.func @transform_9(%arg0: i32) -> (i32, i32) {
    %c0_i32 = arith.constant 0 : i32
    %c0_i32_0 = arith.constant 0 : i32
    return %arg0, %c0_i32 : i32, i32
  }
  func.func @transform_10(%arg0: i32) -> (i32, i32) {
    %c0_i32 = arith.constant 0 : i32
    %c0_i32_0 = arith.constant 0 : i32
    return %arg0, %c0_i32 : i32, i32
  }
}

module attributes {stable_mosaic.version = 14 : i64} {
  func.func @body(%arg0: i32, %arg1: memref<1000x512xf32, #tpu.memory_space<vmem>>, %arg2: memref<1x512xf32, #tpu.memory_space<vmem>>, %arg3: memref<1x512xf32, #tpu.memory_space<vmem>>, %arg4: memref<1x512xf32, #tpu.memory_space<vmem>>, %arg5: memref<1x512xf32, #tpu.memory_space<vmem>>, %arg6: memref<512x512xf32, #tpu.memory_space<vmem>>, %arg7: memref<1000x1xf32, #tpu.memory_space<vmem>>, %arg8: memref<1000x128xf32, #tpu.memory_space<vmem>>, %arg9: memref<1000x128xf32, #tpu.memory_space<vmem>>, %arg10: memref<1000x128xf32, #tpu.memory_space<vmem>>, %arg11: memref<1000x128xf32, #tpu.memory_space<vmem>>) attributes {dimension_semantics = [#tpu.dimension_semantics<arbitrary>], iteration_bounds = array<i64: 10>, scalar_prefetch = 0 : i64, scratch_operands = 0 : i64, tpu.core_type = #tpu.core_type<tc>, window_params = [{transform_indices = @transform_0, window_bounds = array<i64: 1000, 512>}, {pipeline_mode = #tpu.pipeline_mode<synchronous>, transform_indices = @transform_1, window_bounds = array<i64: 1, 512>}, {pipeline_mode = #tpu.pipeline_mode<synchronous>, transform_indices = @transform_2, window_bounds = array<i64: 1, 512>}, {pipeline_mode = #tpu.pipeline_mode<synchronous>, transform_indices = @transform_3, window_bounds = array<i64: 1, 512>}, {pipeline_mode = #tpu.pipeline_mode<synchronous>, transform_indices = @transform_4, window_bounds = array<i64: 1, 512>}, {pipeline_mode = #tpu.pipeline_mode<synchronous>, transform_indices = @transform_5, window_bounds = array<i64: 512, 512>}, {transform_indices = @transform_6, window_bounds = array<i64: 1000, 1>}, {transform_indices = @transform_7, window_bounds = array<i64: 1000, 128>}, {transform_indices = @transform_8, window_bounds = array<i64: 1000, 128>}, {transform_indices = @transform_9, window_bounds = array<i64: 1000, 128>}, {transform_indices = @transform_10, window_bounds = array<i64: 1000, 128>}]} {
    %get3A = arith.constant 0 : index
    %get3A_0 = arith.constant 0 : index
    %get3A_1 = vector.load %arg2[%get3A, %get3A_0] : memref<1x512xf32, #tpu.memory_space<vmem>>, vector<1x512xf32>
    %get3A_2 = arith.constant 0 : index
    %get3A_3 = arith.constant 0 : index
    %get3A_4 = vector.load %arg3[%get3A_2, %get3A_3] : memref<1x512xf32, #tpu.memory_space<vmem>>, vector<1x512xf32>
    %get3A_5 = arith.constant 0 : index
    %get3A_6 = arith.constant 0 : index
    %get3A_7 = vector.load %arg1[%get3A_5, %get3A_6] : memref<1000x512xf32, #tpu.memory_space<vmem>>, vector<1000x512xf32>
    %sub3A = vector.broadcast %get3A_1 : vector<1x512xf32> to vector<1000x512xf32>
    %sub3A_8 = arith.subf %get3A_7, %sub3A : vector<1000x512xf32>
    %add3A = arith.constant 9.99999974E-6 : f32
    %add3A_9 = vector.broadcast %add3A : f32 to vector<1x512xf32>
    %add3A_10 = arith.addf %get3A_4, %add3A_9 : vector<1x512xf32>
    %rsqrt3A = math.rsqrt %add3A_10 : vector<1x512xf32>
    %mul3A = vector.broadcast %rsqrt3A : vector<1x512xf32> to vector<1000x512xf32>
    %mul3A_11 = arith.mulf %sub3A_8, %mul3A : vector<1000x512xf32>
    %get3A_12 = arith.constant 0 : index
    %get3A_13 = arith.constant 0 : index
    %get3A_14 = vector.load %arg4[%get3A_12, %get3A_13] : memref<1x512xf32, #tpu.memory_space<vmem>>, vector<1x512xf32>
    %mul3A_15 = vector.broadcast %get3A_14 : vector<1x512xf32> to vector<1000x512xf32>
    %mul3A_16 = arith.mulf %mul3A_11, %mul3A_15 : vector<1000x512xf32>
    %get3A_17 = arith.constant 0 : index
    %get3A_18 = arith.constant 0 : index
    %get3A_19 = vector.load %arg5[%get3A_17, %get3A_18] : memref<1x512xf32, #tpu.memory_space<vmem>>, vector<1x512xf32>
    %add3A_20 = vector.broadcast %get3A_19 : vector<1x512xf32> to vector<1000x512xf32>
    %add3A_21 = arith.addf %mul3A_16, %add3A_20 : vector<1000x512xf32>
    %max3A = arith.constant 0.000000e+00 : f32
    %max3A_22 = vector.broadcast %max3A : f32 to vector<1000x512xf32>
    %max3A_23 = arith.maximumf %add3A_21, %max3A_22 : vector<1000x512xf32>
    %get3A_24 = arith.constant 0 : index
    %get3A_25 = arith.constant 0 : index
    %get3A_26 = vector.load %arg6[%get3A_24, %get3A_25] : memref<512x512xf32, #tpu.memory_space<vmem>>, vector<512x512xf32>
    %dot_general3A = arith.constant dense<0.000000e+00> : vector<1000x512xf32>
    %dot_general3A_27 = tpu.matmul %max3A_23, %get3A_26, %dot_general3A {dimension_numbers = #tpu.dot_dimension_numbers<[1], [0], [0], [1], [0, 0, 1, 1], [], []>, transpose_lhs_hint = false} : vector<1000x512xf32>, vector<512x512xf32>, vector<1000x512xf32> -> vector<1000x512xf32>
    %get3A_28 = arith.constant 0 : index
    %get3A_29 = arith.constant 0 : index
    %get3A_30 = vector.load %arg7[%get3A_28, %get3A_29] : memref<1000x1xf32, #tpu.memory_space<vmem>>, vector<1000x1xf32>
    %mul3A_31 = vector.broadcast %get3A_30 : vector<1000x1xf32> to vector<1000x512xf32>
    %mul3A_32 = arith.mulf %dot_general3A_27, %mul3A_31 : vector<1000x512xf32>
    %slice3A = vector.extract_strided_slice %mul3A_32 {offsets = [0, 0], sizes = [1000, 128], strides = [1, 1]} : vector<1000x512xf32> to vector<1000x128xf32>
    %swap3A = arith.constant 0 : index
    %swap3A_33 = arith.constant 0 : index
    %swap3A_34 = vector.load %arg8[%swap3A, %swap3A_33] : memref<1000x128xf32, #tpu.memory_space<vmem>>, vector<1000x128xf32>
    tpu.vector_store %arg8[%swap3A, %swap3A_33], %slice3A {strides = array<i32>} : memref<1000x128xf32, #tpu.memory_space<vmem>>, vector<1000x128xf32>,
    %slice3A_35 = vector.extract_strided_slice %mul3A_32 {offsets = [0, 128], sizes = [1000, 128], strides = [1, 1]} : vector<1000x512xf32> to vector<1000x128xf32>
    %swap3A_36 = arith.constant 0 : index
    %swap3A_37 = arith.constant 0 : index
    %swap3A_38 = vector.load %arg9[%swap3A_36, %swap3A_37] : memref<1000x128xf32, #tpu.memory_space<vmem>>, vector<1000x128xf32>
    tpu.vector_store %arg9[%swap3A_36, %swap3A_37], %slice3A_35 {strides = array<i32>} : memref<1000x128xf32, #tpu.memory_space<vmem>>, vector<1000x128xf32>,
    %slice3A_39 = vector.extract_strided_slice %mul3A_32 {offsets = [0, 256], sizes = [1000, 128], strides = [1, 1]} : vector<1000x512xf32> to vector<1000x128xf32>
    %swap3A_40 = arith.constant 0 : index
    %swap3A_41 = arith.constant 0 : index
    %swap3A_42 = vector.load %arg10[%swap3A_40, %swap3A_41] : memref<1000x128xf32, #tpu.memory_space<vmem>>, vector<1000x128xf32>
    tpu.vector_store %arg10[%swap3A_40, %swap3A_41], %slice3A_39 {strides = array<i32>} : memref<1000x128xf32, #tpu.memory_space<vmem>>, vector<1000x128xf32>,
    %slice3A_43 = vector.extract_strided_slice %mul3A_32 {offsets = [0, 384], sizes = [1000, 128], strides = [1, 1]} : vector<1000x512xf32> to vector<1000x128xf32>
    %swap3A_44 = arith.constant 0 : index
    %swap3A_45 = arith.constant 0 : index
    %swap3A_46 = vector.load %arg11[%swap3A_44, %swap3A_45] : memref<1000x128xf32, #tpu.memory_space<vmem>>, vector<1000x128xf32>
    tpu.vector_store %arg11[%swap3A_44, %swap3A_45], %slice3A_43 {strides = array<i32>} : memref<1000x128xf32, #tpu.memory_space<vmem>>, vector<1000x128xf32>,
    return
  }
  func.func @transform_0(%arg0: i32) -> (i32, i32) {
    %c0_i32 = arith.constant 0 : i32
    %c0_i32_0 = arith.constant 0 : i32
    return %arg0, %c0_i32 : i32, i32
  }
  func.func @transform_1(%arg0: i32) -> (i32, i32) {
    %c0_i32 = arith.constant 0 : i32
    %c0_i32_0 = arith.constant 0 : i32
    %c0_i32_1 = arith.constant 0 : i32
    return %c0_i32, %c0_i32_0 : i32, i32
  }
  func.func @transform_2(%arg0: i32) -> (i32, i32) {
    %c0_i32 = arith.constant 0 : i32
    %c0_i32_0 = arith.constant 0 : i32
    %c0_i32_1 = arith.constant 0 : i32
    return %c0_i32, %c0_i32_0 : i32, i32
  }
  func.func @transform_3(%arg0: i32) -> (i32, i32) {
    %c0_i32 = arith.constant 0 : i32
    %c0_i32_0 = arith.constant 0 : i32
    %c0_i32_1 = arith.constant 0 : i32
    return %c0_i32, %c0_i32_0 : i32, i32
  }
  func.func @transform_4(%arg0: i32) -> (i32, i32) {
    %c0_i32 = arith.constant 0 : i32
    %c0_i32_0 = arith.constant 0 : i32
    %c0_i32_1 = arith.constant 0 : i32
    return %c0_i32, %c0_i32_0 : i32, i32
  }
  func.func @transform_5(%arg0: i32) -> (i32, i32) {
    %c0_i32 = arith.constant 0 : i32
    %c0_i32_0 = arith.constant 0 : i32
    %c0_i32_1 = arith.constant 0 : i32
    return %c0_i32, %c0_i32_0 : i32, i32
  }
  func.func @transform_6(%arg0: i32) -> (i32, i32) {
    %c0_i32 = arith.constant 0 : i32
    %c0_i32_0 = arith.constant 0 : i32
    return %arg0, %c0_i32 : i32, i32
  }
  func.func @transform_7(%arg0: i32) -> (i32, i32) {
    %c0_i32 = arith.constant 0 : i32
    %c0_i32_0 = arith.constant 0 : i32
    return %arg0, %c0_i32 : i32, i32
  }
  func.func @transform_8(%arg0: i32) -> (i32, i32) {
    %c0_i32 = arith.constant 0 : i32
    %c0_i32_0 = arith.constant 0 : i32
    return %arg0, %c0_i32 : i32, i32
  }
  func.func @transform_9(%arg0: i32) -> (i32, i32) {
    %c0_i32 = arith.constant 0 : i32
    %c0_i32_0 = arith.constant 0 : i32
    return %arg0, %c0_i32 : i32, i32
  }
  func.func @transform_10(%arg0: i32) -> (i32, i32) {
    %c0_i32 = arith.constant 0 : i32
    %c0_i32_0 = arith.constant 0 : i32
    return %arg0, %c0_i32 : i32, i32
  }
}

module attributes {stable_mosaic.version = 14 : i64} {
  func.func @body(%arg0: i32, %arg1: memref<1000x512xf32, #tpu.memory_space<vmem>>, %arg2: memref<1x512xf32, #tpu.memory_space<vmem>>, %arg3: memref<1x512xf32, #tpu.memory_space<vmem>>, %arg4: memref<1x512xf32, #tpu.memory_space<vmem>>, %arg5: memref<1x512xf32, #tpu.memory_space<vmem>>, %arg6: memref<1000x1xi32, #tpu.memory_space<vmem>>, %arg7: memref<1536x256xf32, #tpu.memory_space<vmem>>, %arg8: memref<1x256xf32, #tpu.memory_space<vmem>>, %arg9: memref<256x128xf32, #tpu.memory_space<vmem>>, %arg10: memref<1x128xf32, #tpu.memory_space<vmem>>, %arg11: memref<128x1xf32, #tpu.memory_space<vmem>>, %arg12: memref<1x1xf32, #tpu.memory_space<vmem>>, %arg13: memref<64x1xf32, #tpu.memory_space<vmem>>, %arg14: memref<64x512xf32, #tpu.memory_space<vmem>>, %arg15: memref<64x512xf32, #tpu.memory_space<vmem>>, %arg16: memref<64x1xf32, #tpu.memory_space<vmem>>) attributes {dimension_semantics = [#tpu.dimension_semantics<arbitrary>], iteration_bounds = array<i64: 10>, scalar_prefetch = 0 : i64, scratch_operands = 3 : i64, tpu.core_type = #tpu.core_type<tc>, window_params = [{transform_indices = @transform_0, window_bounds = array<i64: 1000, 512>}, {pipeline_mode = #tpu.pipeline_mode<synchronous>, transform_indices = @transform_1, window_bounds = array<i64: 1, 512>}, {pipeline_mode = #tpu.pipeline_mode<synchronous>, transform_indices = @transform_2, window_bounds = array<i64: 1, 512>}, {pipeline_mode = #tpu.pipeline_mode<synchronous>, transform_indices = @transform_3, window_bounds = array<i64: 1, 512>}, {pipeline_mode = #tpu.pipeline_mode<synchronous>, transform_indices = @transform_4, window_bounds = array<i64: 1, 512>}, {transform_indices = @transform_5, window_bounds = array<i64: 1000, 1>}, {pipeline_mode = #tpu.pipeline_mode<synchronous>, transform_indices = @transform_6, window_bounds = array<i64: 1536, 256>}, {pipeline_mode = #tpu.pipeline_mode<synchronous>, transform_indices = @transform_7, window_bounds = array<i64: 1, 256>}, {pipeline_mode = #tpu.pipeline_mode<synchronous>, transform_indices = @transform_8, window_bounds = array<i64: 256, 128>}, {pipeline_mode = #tpu.pipeline_mode<synchronous>, transform_indices = @transform_9, window_bounds = array<i64: 1, 128>}, {pipeline_mode = #tpu.pipeline_mode<synchronous>, transform_indices = @transform_10, window_bounds = array<i64: 128, 1>}, {pipeline_mode = #tpu.pipeline_mode<synchronous>, transform_indices = @transform_11, window_bounds = array<i64: 1, 1>}, {pipeline_mode = #tpu.pipeline_mode<synchronous>, transform_indices = @transform_12, window_bounds = array<i64: 64, 1>}]} {
    %eq3A = arith.constant 0 : i32
    %eq3A_0 = arith.cmpi eq, %arg0, %eq3A : i32
    %convert_element_type3A = arith.extui %eq3A_0 : i1 to i32
    %cond3A = arith.constant 0 : i32
    %cond3A_1 = arith.cmpi ne, %convert_element_type3A, %cond3A : i32
    scf.if %cond3A_1 {
      %broadcast_in_dim3A = arith.constant 0.000000e+00 : f32
      %broadcast_in_dim3A_52 = vector.broadcast %broadcast_in_dim3A : f32 to vector<64x512xf32>
      %swap3A = arith.constant 0 : index
      %swap3A_53 = arith.constant 0 : index
      %swap3A_54 = vector.load %arg14[%swap3A, %swap3A_53] : memref<64x512xf32, #tpu.memory_space<vmem>>, vector<64x512xf32>
      tpu.vector_store %arg14[%swap3A, %swap3A_53], %broadcast_in_dim3A_52 {strides = array<i32>} : memref<64x512xf32, #tpu.memory_space<vmem>>, vector<64x512xf32>,
      %broadcast_in_dim3A_55 = arith.constant 0.000000e+00 : f32
      %broadcast_in_dim3A_56 = vector.broadcast %broadcast_in_dim3A_55 : f32 to vector<64x1xf32>
      %swap3A_57 = arith.constant 0 : index
      %swap3A_58 = arith.constant 0 : index
      %swap3A_59 = vector.load %arg16[%swap3A_57, %swap3A_58] : memref<64x1xf32, #tpu.memory_space<vmem>>, vector<64x1xf32>
      tpu.vector_store %arg16[%swap3A_57, %swap3A_58], %broadcast_in_dim3A_56 {strides = array<i32>} : memref<64x1xf32, #tpu.memory_space<vmem>>, vector<64x1xf32>,
      %broadcast_in_dim3A_60 = arith.constant 0xFF800000 : f32
      %broadcast_in_dim3A_61 = vector.broadcast %broadcast_in_dim3A_60 : f32 to vector<64x512xf32>
      %swap3A_62 = arith.constant 0 : index
      %swap3A_63 = arith.constant 0 : index
      %swap3A_64 = vector.load %arg15[%swap3A_62, %swap3A_63] : memref<64x512xf32, #tpu.memory_space<vmem>>, vector<64x512xf32>
      tpu.vector_store %arg15[%swap3A_62, %swap3A_63], %broadcast_in_dim3A_61 {strides = array<i32>} : memref<64x512xf32, #tpu.memory_space<vmem>>, vector<64x512xf32>,
    } else {
    }
    %get3A = arith.constant 0 : index
    %get3A_2 = arith.constant 0 : index
    %get3A_3 = vector.load %arg2[%get3A, %get3A_2] : memref<1x512xf32, #tpu.memory_space<vmem>>, vector<1x512xf32>
    %get3A_4 = arith.constant 0 : index
    %get3A_5 = arith.constant 0 : index
    %get3A_6 = vector.load %arg3[%get3A_4, %get3A_5] : memref<1x512xf32, #tpu.memory_space<vmem>>, vector<1x512xf32>
    %get3A_7 = arith.constant 0 : index
    %get3A_8 = arith.constant 0 : index
    %get3A_9 = vector.load %arg1[%get3A_7, %get3A_8] : memref<1000x512xf32, #tpu.memory_space<vmem>>, vector<1000x512xf32>
    %sub3A = vector.broadcast %get3A_3 : vector<1x512xf32> to vector<1000x512xf32>
    %sub3A_10 = arith.subf %get3A_9, %sub3A : vector<1000x512xf32>
    %add3A = arith.constant 9.99999974E-6 : f32
    %add3A_11 = vector.broadcast %add3A : f32 to vector<1x512xf32>
    %add3A_12 = arith.addf %get3A_6, %add3A_11 : vector<1x512xf32>
    %rsqrt3A = math.rsqrt %add3A_12 : vector<1x512xf32>
    %mul3A = vector.broadcast %rsqrt3A : vector<1x512xf32> to vector<1000x512xf32>
    %mul3A_13 = arith.mulf %sub3A_10, %mul3A : vector<1000x512xf32>
    %get3A_14 = arith.constant 0 : index
    %get3A_15 = arith.constant 0 : index
    %get3A_16 = vector.load %arg4[%get3A_14, %get3A_15] : memref<1x512xf32, #tpu.memory_space<vmem>>, vector<1x512xf32>
    %mul3A_17 = vector.broadcast %get3A_16 : vector<1x512xf32> to vector<1000x512xf32>
    %mul3A_18 = arith.mulf %mul3A_13, %mul3A_17 : vector<1000x512xf32>
    %get3A_19 = arith.constant 0 : index
    %get3A_20 = arith.constant 0 : index
    %get3A_21 = vector.load %arg5[%get3A_19, %get3A_20] : memref<1x512xf32, #tpu.memory_space<vmem>>, vector<1x512xf32>
    %add3A_22 = vector.broadcast %get3A_21 : vector<1x512xf32> to vector<1000x512xf32>
    %add3A_23 = arith.addf %mul3A_18, %add3A_22 : vector<1000x512xf32>
    %max3A = arith.constant 0.000000e+00 : f32
    %max3A_24 = vector.broadcast %max3A : f32 to vector<1000x512xf32>
    %max3A_25 = arith.maximumf %add3A_23, %max3A_24 : vector<1000x512xf32>
    %get3A_26 = arith.constant 0 : index
    %get3A_27 = arith.constant 0 : index
    %get3A_28 = vector.load %arg6[%get3A_26, %get3A_27] : memref<1000x1xi32, #tpu.memory_space<vmem>>, vector<1000x1xi32>
    %reduce_min3A = vector.shape_cast %get3A_28 : vector<1000x1xi32> to vector<1x1000x1xi32>
    %reduce_min3A_29 = arith.constant dense<2147483647> : vector<1xi32>
    %reduce_min3A_30 = vector.multi_reduction <minsi>, %reduce_min3A, %reduce_min3A_29 [1, 2] : vector<1x1000x1xi32> to vector<1xi32>
    %reduce_min3A_31 = vector.shape_cast %reduce_min3A_30 : vector<1xi32> to vector<1x1x1xi32>
    %reduce_min3A_32 = vector.extract %reduce_min3A_31[0, 0, 0] : i32 from vector<1x1x1xi32>
    %reduce_max3A = vector.shape_cast %get3A_28 : vector<1000x1xi32> to vector<1x1000x1xi32>
    %reduce_max3A_33 = arith.constant dense<-2147483648> : vector<1xi32>
    %reduce_max3A_34 = vector.multi_reduction <maxsi>, %reduce_max3A, %reduce_max3A_33 [1, 2] : vector<1x1000x1xi32> to vector<1xi32>
    %reduce_max3A_35 = vector.shape_cast %reduce_max3A_34 : vector<1xi32> to vector<1x1x1xi32>
    %reduce_max3A_36 = vector.extract %reduce_max3A_35[0, 0, 0] : i32 from vector<1x1x1xi32>
    %add3A_37 = arith.constant 1 : i32
    %add3A_38 = arith.addi %reduce_max3A_36, %add3A_37 : i32
    %while3A = arith.constant 0 : i32
    %while3A_39 = arith.subi %add3A_38, %reduce_min3A_32 : i32
    %while3A_40 = arith.addi %reduce_min3A_32, %while3A_39 : i32
    %while3A_41 = arith.constant 1 : i32
    %while3A_42 = arith.divsi %while3A_39, %while3A_41 : i32
    %while3A_43 = arith.muli %while3A_42, %while3A_41 : i32
    %while3A_44 = arith.addi %reduce_min3A_32, %while3A_43 : i32
    %while3A_45 = arith.constant 1 : i32
    scf.for %while3A_52 = %reduce_min3A_32 to %while3A_44 step %while3A_45  : i32 {
      %eq3A_53 = vector.broadcast %while3A_52 : i32 to vector<1000x1xi32>
      %eq3A_54 = arith.cmpi eq, %get3A_28, %eq3A_53 : vector<1000x1xi32>
      %jit3A = arith.constant 0xFF800000 : f32
      %broadcast_in_dim3A = vector.shape_cast %eq3A_54 : vector<1000x1xi1> to vector<1000x1xi1>
      %broadcast_in_dim3A_55 = vector.broadcast %broadcast_in_dim3A : vector<1000x1xi1> to vector<1000x512xi1>
      %broadcast_in_dim3A_56 = vector.broadcast %jit3A : f32 to vector<1000x512xf32>
      %select_n3A = arith.select %broadcast_in_dim3A_55, %max3A_25, %broadcast_in_dim3A_56 : vector<1000x512xi1>, vector<1000x512xf32>
      %reduce_max3A_57 = arith.constant dense<0xFF800000> : vector<512xf32>
      %reduce_max3A_58 = vector.multi_reduction <maximumf>, %select_n3A, %reduce_max3A_57 [0] : vector<1000x512xf32> to vector<512xf32>
      %broadcast_in_dim3A_59 = vector.shape_cast %reduce_max3A_58 : vector<512xf32> to vector<1x512xf32>
      %get3A_60 = arith.index_cast %while3A_52 : i32 to index
      %get3A_61 = arith.constant 0 : index
      %get3A_62 = vector.load %arg15[%get3A_60, %get3A_61] : memref<64x512xf32, #tpu.memory_space<vmem>>, vector<1x512xf32>
      %max3A_63 = arith.maximumf %get3A_62, %broadcast_in_dim3A_59 : vector<1x512xf32>
      %swap3A = arith.index_cast %while3A_52 : i32 to index
      %swap3A_64 = arith.constant 0 : index
      %swap3A_65 = vector.load %arg15[%swap3A, %swap3A_64] : memref<64x512xf32, #tpu.memory_space<vmem>>, vector<1x512xf32>
      tpu.vector_store %arg15[%swap3A, %swap3A_64], %max3A_63 {strides = array<i32>} : memref<64x512xf32, #tpu.memory_space<vmem>>, vector<1x512xf32>,
      %get3A_66 = arith.index_cast %while3A_52 : i32 to index
      %get3A_67 = arith.constant 0 : index
      %get3A_68 = vector.load %arg14[%get3A_66, %get3A_67] : memref<64x512xf32, #tpu.memory_space<vmem>>, vector<1x512xf32>
      %jit3A_69 = arith.constant 0.000000e+00 : f32
      %broadcast_in_dim3A_70 = vector.shape_cast %eq3A_54 : vector<1000x1xi1> to vector<1000x1xi1>
      %broadcast_in_dim3A_71 = vector.broadcast %broadcast_in_dim3A_70 : vector<1000x1xi1> to vector<1000x512xi1>
      %broadcast_in_dim3A_72 = vector.broadcast %jit3A_69 : f32 to vector<1000x512xf32>
      %select_n3A_73 = arith.select %broadcast_in_dim3A_71, %max3A_25, %broadcast_in_dim3A_72 : vector<1000x512xi1>, vector<1000x512xf32>
      %reduce_sum3A = arith.constant dense<0.000000e+00> : vector<512xf32>
      %reduce_sum3A_74 = vector.multi_reduction <add>, %select_n3A_73, %reduce_sum3A [0] : vector<1000x512xf32> to vector<512xf32>
      %broadcast_in_dim3A_75 = vector.shape_cast %reduce_sum3A_74 : vector<512xf32> to vector<1x512xf32>
      %add3A_76 = arith.addf %get3A_68, %broadcast_in_dim3A_75 : vector<1x512xf32>
      %swap3A_77 = arith.index_cast %while3A_52 : i32 to index
      %swap3A_78 = arith.constant 0 : index
      %swap3A_79 = vector.load %arg14[%swap3A_77, %swap3A_78] : memref<64x512xf32, #tpu.memory_space<vmem>>, vector<1x512xf32>
      tpu.vector_store %arg14[%swap3A_77, %swap3A_78], %add3A_76 {strides = array<i32>} : memref<64x512xf32, #tpu.memory_space<vmem>>, vector<1x512xf32>,
      %get3A_80 = arith.index_cast %while3A_52 : i32 to index
      %get3A_81 = arith.constant 0 : index
      %get3A_82 = vector.load %arg16[%get3A_80, %get3A_81] : memref<64x1xf32, #tpu.memory_space<vmem>>, vector<1x1xf32>
      %convert_element_type3A_83 = arith.extui %eq3A_54 : vector<1000x1xi1> to vector<1000x1xi32>
      %convert_element_type3A_84 = arith.sitofp %convert_element_type3A_83 : vector<1000x1xi32> to vector<1000x1xf32>
      %reduce_sum3A_85 = vector.shape_cast %convert_element_type3A_84 : vector<1000x1xf32> to vector<1x1000x1xf32>
      %reduce_sum3A_86 = arith.constant dense<0.000000e+00> : vector<1xf32>
      %reduce_sum3A_87 = vector.multi_reduction <add>, %reduce_sum3A_85, %reduce_sum3A_86 [1, 2] : vector<1x1000x1xf32> to vector<1xf32>
      %reduce_sum3A_88 = vector.shape_cast %reduce_sum3A_87 : vector<1xf32> to vector<1x1x1xf32>
      %reduce_sum3A_89 = vector.extract %reduce_sum3A_88[0, 0, 0] : f32 from vector<1x1x1xf32>
      %add3A_90 = vector.broadcast %reduce_sum3A_89 : f32 to vector<1x1xf32>
      %add3A_91 = arith.addf %get3A_82, %add3A_90 : vector<1x1xf32>
      %swap3A_92 = arith.index_cast %while3A_52 : i32 to index
      %swap3A_93 = arith.constant 0 : index
      %swap3A_94 = vector.load %arg16[%swap3A_92, %swap3A_93] : memref<64x1xf32, #tpu.memory_space<vmem>>, vector<1x1xf32>
      tpu.vector_store %arg16[%swap3A_92, %swap3A_93], %add3A_91 {strides = array<i32>} : memref<64x1xf32, #tpu.memory_space<vmem>>, vector<1x1xf32>,
    }
    %while3A_46 = arith.constant 1 : i32
    scf.for %while3A_52 = %while3A_44 to %while3A_40 step %while3A_46  : i32 {
      %eq3A_53 = vector.broadcast %while3A_52 : i32 to vector<1000x1xi32>
      %eq3A_54 = arith.cmpi eq, %get3A_28, %eq3A_53 : vector<1000x1xi32>
      %jit3A = arith.constant 0xFF800000 : f32
      %broadcast_in_dim3A = vector.shape_cast %eq3A_54 : vector<1000x1xi1> to vector<1000x1xi1>
      %broadcast_in_dim3A_55 = vector.broadcast %broadcast_in_dim3A : vector<1000x1xi1> to vector<1000x512xi1>
      %broadcast_in_dim3A_56 = vector.broadcast %jit3A : f32 to vector<1000x512xf32>
      %select_n3A = arith.select %broadcast_in_dim3A_55, %max3A_25, %broadcast_in_dim3A_56 : vector<1000x512xi1>, vector<1000x512xf32>
      %reduce_max3A_57 = arith.constant dense<0xFF800000> : vector<512xf32>
      %reduce_max3A_58 = vector.multi_reduction <maximumf>, %select_n3A, %reduce_max3A_57 [0] : vector<1000x512xf32> to vector<512xf32>
      %broadcast_in_dim3A_59 = vector.shape_cast %reduce_max3A_58 : vector<512xf32> to vector<1x512xf32>
      %get3A_60 = arith.index_cast %while3A_52 : i32 to index
      %get3A_61 = arith.constant 0 : index
      %get3A_62 = vector.load %arg15[%get3A_60, %get3A_61] : memref<64x512xf32, #tpu.memory_space<vmem>>, vector<1x512xf32>
      %max3A_63 = arith.maximumf %get3A_62, %broadcast_in_dim3A_59 : vector<1x512xf32>
      %swap3A = arith.index_cast %while3A_52 : i32 to index
      %swap3A_64 = arith.constant 0 : index
      %swap3A_65 = vector.load %arg15[%swap3A, %swap3A_64] : memref<64x512xf32, #tpu.memory_space<vmem>>, vector<1x512xf32>
      tpu.vector_store %arg15[%swap3A, %swap3A_64], %max3A_63 {strides = array<i32>} : memref<64x512xf32, #tpu.memory_space<vmem>>, vector<1x512xf32>,
      %get3A_66 = arith.index_cast %while3A_52 : i32 to index
      %get3A_67 = arith.constant 0 : index
      %get3A_68 = vector.load %arg14[%get3A_66, %get3A_67] : memref<64x512xf32, #tpu.memory_space<vmem>>, vector<1x512xf32>
      %jit3A_69 = arith.constant 0.000000e+00 : f32
      %broadcast_in_dim3A_70 = vector.shape_cast %eq3A_54 : vector<1000x1xi1> to vector<1000x1xi1>
      %broadcast_in_dim3A_71 = vector.broadcast %broadcast_in_dim3A_70 : vector<1000x1xi1> to vector<1000x512xi1>
      %broadcast_in_dim3A_72 = vector.broadcast %jit3A_69 : f32 to vector<1000x512xf32>
      %select_n3A_73 = arith.select %broadcast_in_dim3A_71, %max3A_25, %broadcast_in_dim3A_72 : vector<1000x512xi1>, vector<1000x512xf32>
      %reduce_sum3A = arith.constant dense<0.000000e+00> : vector<512xf32>
      %reduce_sum3A_74 = vector.multi_reduction <add>, %select_n3A_73, %reduce_sum3A [0] : vector<1000x512xf32> to vector<512xf32>
      %broadcast_in_dim3A_75 = vector.shape_cast %reduce_sum3A_74 : vector<512xf32> to vector<1x512xf32>
      %add3A_76 = arith.addf %get3A_68, %broadcast_in_dim3A_75 : vector<1x512xf32>
      %swap3A_77 = arith.index_cast %while3A_52 : i32 to index
      %swap3A_78 = arith.constant 0 : index
      %swap3A_79 = vector.load %arg14[%swap3A_77, %swap3A_78] : memref<64x512xf32, #tpu.memory_space<vmem>>, vector<1x512xf32>
      tpu.vector_store %arg14[%swap3A_77, %swap3A_78], %add3A_76 {strides = array<i32>} : memref<64x512xf32, #tpu.memory_space<vmem>>, vector<1x512xf32>,
      %get3A_80 = arith.index_cast %while3A_52 : i32 to index
      %get3A_81 = arith.constant 0 : index
      %get3A_82 = vector.load %arg16[%get3A_80, %get3A_81] : memref<64x1xf32, #tpu.memory_space<vmem>>, vector<1x1xf32>
      %convert_element_type3A_83 = arith.extui %eq3A_54 : vector<1000x1xi1> to vector<1000x1xi32>
      %convert_element_type3A_84 = arith.sitofp %convert_element_type3A_83 : vector<1000x1xi32> to vector<1000x1xf32>
      %reduce_sum3A_85 = vector.shape_cast %convert_element_type3A_84 : vector<1000x1xf32> to vector<1x1000x1xf32>
      %reduce_sum3A_86 = arith.constant dense<0.000000e+00> : vector<1xf32>
      %reduce_sum3A_87 = vector.multi_reduction <add>, %reduce_sum3A_85, %reduce_sum3A_86 [1, 2] : vector<1x1000x1xf32> to vector<1xf32>
      %reduce_sum3A_88 = vector.shape_cast %reduce_sum3A_87 : vector<1xf32> to vector<1x1x1xf32>
      %reduce_sum3A_89 = vector.extract %reduce_sum3A_88[0, 0, 0] : f32 from vector<1x1x1xf32>
      %add3A_90 = vector.broadcast %reduce_sum3A_89 : f32 to vector<1x1xf32>
      %add3A_91 = arith.addf %get3A_82, %add3A_90 : vector<1x1xf32>
      %swap3A_92 = arith.index_cast %while3A_52 : i32 to index
      %swap3A_93 = arith.constant 0 : index
      %swap3A_94 = vector.load %arg16[%swap3A_92, %swap3A_93] : memref<64x1xf32, #tpu.memory_space<vmem>>, vector<1x1xf32>
      tpu.vector_store %arg16[%swap3A_92, %swap3A_93], %add3A_91 {strides = array<i32>} : memref<64x1xf32, #tpu.memory_space<vmem>>, vector<1x1xf32>,
    }
    %eq3A_47 = arith.constant 9 : i32
    %eq3A_48 = arith.cmpi eq, %arg0, %eq3A_47 : i32
    %convert_element_type3A_49 = arith.extui %eq3A_48 : i1 to i32
    %cond3A_50 = arith.constant 0 : i32
    %cond3A_51 = arith.cmpi ne, %convert_element_type3A_49, %cond3A_50 : i32
    scf.if %cond3A_51 {
      %get3A_52 = arith.constant 0 : index
      %get3A_53 = arith.constant 0 : index
      %get3A_54 = vector.load %arg14[%get3A_52, %get3A_53] : memref<64x512xf32, #tpu.memory_space<vmem>>, vector<64x512xf32>
      %get3A_55 = arith.constant 0 : index
      %get3A_56 = arith.constant 0 : index
      %get3A_57 = vector.load %arg16[%get3A_55, %get3A_56] : memref<64x1xf32, #tpu.memory_space<vmem>>, vector<64x1xf32>
      %max3A_58 = arith.constant 1.000000e+00 : f32
      %max3A_59 = vector.broadcast %max3A_58 : f32 to vector<64x1xf32>
      %max3A_60 = arith.maximumf %get3A_57, %max3A_59 : vector<64x1xf32>
      %div3A = vector.broadcast %max3A_60 : vector<64x1xf32> to vector<64x512xf32>
      %div3A_61 = arith.divf %get3A_54, %div3A : vector<64x512xf32>
      %get3A_62 = arith.constant 0 : index
      %get3A_63 = arith.constant 0 : index
      %get3A_64 = vector.load %arg15[%get3A_62, %get3A_63] : memref<64x512xf32, #tpu.memory_space<vmem>>, vector<64x512xf32>
      %concatenate3A = tpu.concatenate %div3A_61, %get3A_64, %get3A_54 in 1 : vector<64x512xf32>, vector<64x512xf32>, vector<64x512xf32> -> vector<64x1536xf32>
      %get3A_65 = arith.constant 0 : index
      %get3A_66 = arith.constant 0 : index
      %get3A_67 = vector.load %arg7[%get3A_65, %get3A_66] : memref<1536x256xf32, #tpu.memory_space<vmem>>, vector<1536x256xf32>
      %dot_general3A = arith.constant dense<0.000000e+00> : vector<64x256xf32>
      %dot_general3A_68 = tpu.matmul %concatenate3A, %get3A_67, %dot_general3A {dimension_numbers = #tpu.dot_dimension_numbers<[1], [0], [0], [1], [0, 0, 1, 1], [], []>, transpose_lhs_hint = false} : vector<64x1536xf32>, vector<1536x256xf32>, vector<64x256xf32> -> vector<64x256xf32>
      %get3A_69 = arith.constant 0 : index
      %get3A_70 = arith.constant 0 : index
      %get3A_71 = vector.load %arg8[%get3A_69, %get3A_70] : memref<1x256xf32, #tpu.memory_space<vmem>>, vector<1x256xf32>
      %add3A_72 = vector.broadcast %get3A_71 : vector<1x256xf32> to vector<64x256xf32>
      %add3A_73 = arith.addf %dot_general3A_68, %add3A_72 : vector<64x256xf32>
      %max3A_74 = arith.constant 0.000000e+00 : f32
      %max3A_75 = vector.broadcast %max3A_74 : f32 to vector<64x256xf32>
      %max3A_76 = arith.maximumf %add3A_73, %max3A_75 : vector<64x256xf32>
      %get3A_77 = arith.constant 0 : index
      %get3A_78 = arith.constant 0 : index
      %get3A_79 = vector.load %arg9[%get3A_77, %get3A_78] : memref<256x128xf32, #tpu.memory_space<vmem>>, vector<256x128xf32>
      %dot_general3A_80 = arith.constant dense<0.000000e+00> : vector<64x128xf32>
      %dot_general3A_81 = tpu.matmul %max3A_76, %get3A_79, %dot_general3A_80 {dimension_numbers = #tpu.dot_dimension_numbers<[1], [0], [0], [1], [0, 0, 1, 1], [], []>, transpose_lhs_hint = false} : vector<64x256xf32>, vector<256x128xf32>, vector<64x128xf32> -> vector<64x128xf32>
      %get3A_82 = arith.constant 0 : index
      %get3A_83 = arith.constant 0 : index
      %get3A_84 = vector.load %arg10[%get3A_82, %get3A_83] : memref<1x128xf32, #tpu.memory_space<vmem>>, vector<1x128xf32>
      %add3A_85 = vector.broadcast %get3A_84 : vector<1x128xf32> to vector<64x128xf32>
      %add3A_86 = arith.addf %dot_general3A_81, %add3A_85 : vector<64x128xf32>
      %max3A_87 = arith.constant 0.000000e+00 : f32
      %max3A_88 = vector.broadcast %max3A_87 : f32 to vector<64x128xf32>
      %max3A_89 = arith.maximumf %add3A_86, %max3A_88 : vector<64x128xf32>
      %get3A_90 = arith.constant 0 : index
      %get3A_91 = arith.constant 0 : index
      %get3A_92 = vector.load %arg11[%get3A_90, %get3A_91] : memref<128x1xf32, #tpu.memory_space<vmem>>, vector<128x1xf32>
      %dot_general3A_93 = arith.constant dense<0.000000e+00> : vector<64x1xf32>
      %dot_general3A_94 = tpu.matmul %max3A_89, %get3A_92, %dot_general3A_93 {dimension_numbers = #tpu.dot_dimension_numbers<[1], [0], [0], [1], [0, 0, 1, 1], [], []>, transpose_lhs_hint = false} : vector<64x128xf32>, vector<128x1xf32>, vector<64x1xf32> -> vector<64x1xf32>
      %get3A_95 = arith.constant 0 : index
      %get3A_96 = arith.constant 0 : index
      %get3A_97 = vector.load %arg12[%get3A_95, %get3A_96] : memref<1x1xf32, #tpu.memory_space<vmem>>, vector<1x1xf32>
      %add3A_98 = vector.broadcast %get3A_97 : vector<1x1xf32> to vector<64x1xf32>
      %add3A_99 = arith.addf %dot_general3A_94, %add3A_98 : vector<64x1xf32>
      %swap3A = arith.constant 0 : index
      %swap3A_100 = arith.constant 0 : index
      %swap3A_101 = vector.load %arg13[%swap3A, %swap3A_100] : memref<64x1xf32, #tpu.memory_space<vmem>>, vector<64x1xf32>
      tpu.vector_store %arg13[%swap3A, %swap3A_100], %add3A_99 {strides = array<i32>} : memref<64x1xf32, #tpu.memory_space<vmem>>, vector<64x1xf32>,
    } else {
    }
    return
  }
  func.func @transform_0(%arg0: i32) -> (i32, i32) {
    %c0_i32 = arith.constant 0 : i32
    %c0_i32_0 = arith.constant 0 : i32
    return %arg0, %c0_i32 : i32, i32
  }
  func.func @transform_1(%arg0: i32) -> (i32, i32) {
    %c0_i32 = arith.constant 0 : i32
    %c0_i32_0 = arith.constant 0 : i32
    %c0_i32_1 = arith.constant 0 : i32
    return %c0_i32, %c0_i32_0 : i32, i32
  }
  func.func @transform_2(%arg0: i32) -> (i32, i32) {
    %c0_i32 = arith.constant 0 : i32
    %c0_i32_0 = arith.constant 0 : i32
    %c0_i32_1 = arith.constant 0 : i32
    return %c0_i32, %c0_i32_0 : i32, i32
  }
  func.func @transform_3(%arg0: i32) -> (i32, i32) {
    %c0_i32 = arith.constant 0 : i32
    %c0_i32_0 = arith.constant 0 : i32
    %c0_i32_1 = arith.constant 0 : i32
    return %c0_i32, %c0_i32_0 : i32, i32
  }
  func.func @transform_4(%arg0: i32) -> (i32, i32) {
    %c0_i32 = arith.constant 0 : i32
    %c0_i32_0 = arith.constant 0 : i32
    %c0_i32_1 = arith.constant 0 : i32
    return %c0_i32, %c0_i32_0 : i32, i32
  }
  func.func @transform_5(%arg0: i32) -> (i32, i32) {
    %c0_i32 = arith.constant 0 : i32
    %c0_i32_0 = arith.constant 0 : i32
    return %arg0, %c0_i32 : i32, i32
  }
  func.func @transform_6(%arg0: i32) -> (i32, i32) {
    %c0_i32 = arith.constant 0 : i32
    %c0_i32_0 = arith.constant 0 : i32
    %c0_i32_1 = arith.constant 0 : i32
    return %c0_i32, %c0_i32_0 : i32, i32
  }
  func.func @transform_7(%arg0: i32) -> (i32, i32) {
    %c0_i32 = arith.constant 0 : i32
    %c0_i32_0 = arith.constant 0 : i32
    %c0_i32_1 = arith.constant 0 : i32
    return %c0_i32, %c0_i32_0 : i32, i32
  }
  func.func @transform_8(%arg0: i32) -> (i32, i32) {
    %c0_i32 = arith.constant 0 : i32
    %c0_i32_0 = arith.constant 0 : i32
    %c0_i32_1 = arith.constant 0 : i32
    return %c0_i32, %c0_i32_0 : i32, i32
  }
  func.func @transform_9(%arg0: i32) -> (i32, i32) {
    %c0_i32 = arith.constant 0 : i32
    %c0_i32_0 = arith.constant 0 : i32
    %c0_i32_1 = arith.constant 0 : i32
    return %c0_i32, %c0_i32_0 : i32, i32
  }
  func.func @transform_10(%arg0: i32) -> (i32, i32) {
    %c0_i32 = arith.constant 0 : i32
    %c0_i32_0 = arith.constant 0 : i32
    %c0_i32_1 = arith.constant 0 : i32
    return %c0_i32, %c0_i32_0 : i32, i32
  }
  func.func @transform_11(%arg0: i32) -> (i32, i32) {
    %c0_i32 = arith.constant 0 : i32
    %c0_i32_0 = arith.constant 0 : i32
    %c0_i32_1 = arith.constant 0 : i32
    return %c0_i32, %c0_i32_0 : i32, i32
  }
  func.func @transform_12(%arg0: i32) -> (i32, i32) {
    %c0_i32 = arith.constant 0 : i32
    %c0_i32_0 = arith.constant 0 : i32
    %c0_i32_1 = arith.constant 0 : i32
    return %c0_i32, %c0_i32_0 : i32, i32
  }
}

</mosaic_0001>

<sc_bundles>
// kernel: kernel.15.cloned.1.call-start
scs
__scs_entry_jumppad:
0x0: {  	(pc) =	sbr.rel $0x88, $3  }
0x1: {  	(tag) =	ssettag $0x0;
	lr =	simm.s32 $0x1  }
0x2: {  	[smem:$0x3F88] =	sst lr;
	_ =	strace $0xD0000000  }
0x3: {  	_ = 	snop  }
0x4: {  	_ = 	snop  }
0x5: {  	_ = 	snop  }
0x6: {  	_ = 	snop  }
0x7: {  	_ = 	snop  }
__scs_overlays_trampoline_lowered:
0x8: {  	[smem:$0x3F97] =	sst s0  }
0x9: {  	[smem:$0x3F98] =	sst s1  }
0xa: {  	[smem:$0x3F99] =	sst s2  }
0xb: {  	[smem:$0x3F9A] =	sst s3  }
0xc: {  	[smem:$0x3F9B] =	sst s4  }
0xd: {  	[smem:$0x3F9C] =	sst s5  }
0xe: {  	[smem:$0x3F9D] =	sst s6  }
0xf: {  	[smem:$0x3F9E] =	sst s7  }
0x10: {  	[smem:$0x3F9F] =	sst s8  }
0x11: {  	[smem:$0x3FA0] =	sst s9;
	s0 =	simm.s32 @!p0 $0x0  }
0x12: {  	s1 =	sld [smem:$0x3F86];
	s0 =	simm.s32 @p0 $0x1  }
0x13: {  	[smem:$0x3FA1] =	sst s0;
	s0 =	simm.s32 @!p1 $0x0  }
0x14: {  	s2 =	sld [smem:$0x3F85];
	s0 =	simm.s32 @p1 $0x1  }
0x15: {  	[smem:$0x3FA2] =	sst s0;
	s0 =	simm.s32 @!p2 $0x0  }
0x16: {  	s3 =	sld [smem:$0x3FDB];
	s0 =	simm.s32 @p2 $0x1  }
0x17: {  	s4 =	simm.s32 $0x1BF5;
	[smem:$0x3FA4] =	sst s0  }
0x18: {  	s0 =	sld [smem:$0x3F87];
	_ =	swait.ge [sflag:s4], $0x0  }
0x19: {  	s7 =	sld [smem:$0x3F88]  }
0x1a: {  	s8 =	sadd.s32 $0xFFFFE003, lr  }
0x1b: {  	s9 =	sadd.s32 $0xFFFFFEF7, lr;
	s5 =	simm.s32 $0xFFFFFFFF;
	p2 =	slt.u32 s8, $0xFFFFF086  }
0x1c: {  	p1 =	slt.u32 s9, $0xF7A;
	s5 =	simm.s32 @!p2 $0x0  }
0x1d: {  	s5 =	simm.s32 @p1 $0x1;
	p0 =	seq.s32 s7, s2  }
0x1e: {  	s7 =	smul.u32 @!p0 $0xF7A, s2;
	p2 =	seq.s32 @!p0 s5, $0x0  }
0x1f: {  	s9 =	smul.u32 $0xF7A, s1;
	s8 =	simm.s32 @!p0 $0x1BF5;
	p2 =	por !p2, p0  }
0x20: {  	[sflag:s8] =	ssyncset.s32 @!p0 $0xFFFFF086;
	s6 =	sadd.s32 @!p0 s3, s7;
	s7 =	simm.s32 @!p0 $0x108  }
0x21: {  	s3 =	sadd.s32 s3, s9;
	s6 =	sadd.s32 @!p0 $0x88, s6;
	s7 =	simm.s32 @p2 $0x1082  }
0x22: {  	[simem:s7], [sflag:s8] =	dma.local @!p0 [hbm:s6], $0xF7A  }
0x23: {  	s9 =	sor.u32 $0xD0000000, s2;
	s6 =	simm.s32 $0x108;
	_ =	swait.ge @!p0 [sflag:s8], $0x0  }
0x24: {  	s3 =	sadd.s32 $0x88, s3;
	s6 =	simm.s32 @!p1 $0x1082;
	[sflag:s4] =	ssyncset.s32 $0xFFFFF086  }
0x25: {  	[simem:s6], [sflag:s4] =	dma.local [hbm:s3], $0xF7A  }
0x26: {  	[smem:$0x3F88] =	sst s1;
	(tag) =	ssettag s2;
	_ =	strace s9  }
0x27: {  	s1 =	sld [smem:$0x3F98]  }
0x28: {  	s2 =	sld [smem:$0x3F99]  }
0x29: {  	s4 =	sld [smem:$0x3F9B]  }
0x2a: {  	p0 =	seq.s32 s5, $0x0;
	s5 =	sld [smem:$0x3F9C]  }
0x2b: {  	s6 =	sld [smem:$0x3F9D]  }
0x2c: {  	s7 =	sld [smem:$0x3F9E]  }
0x2d: {  	s3 =	simm.s32 $0x108;
	s8 =	sld [smem:$0x3F9F]  }
0x2e: {  	s3 =	simm.s32 @!p0 $0x1082;
	s9 =	sld [smem:$0x3FA0]  }
0x2f: {  	lr =	sadd.s32 s0, s3;
	s0 =	sld [smem:$0x3F97]  }
0x30: {  	s3 =	sld [smem:$0x3F9A]  }
0x31: {  	[smem:$0x3FA3] =	sst s10  }
0x32: {  	s10 =	sld [smem:$0x3FA1];
	_ =	sdelay $0x3  }
0x33: {  	p0 =	seq.s32 s10, $0x1;
	s10 =	sld [smem:$0x3FA3];
	_ =	sdelay $0x3  }
0x34: {  	[smem:$0x3FA3] =	sst s10  }
0x35: {  	s10 =	sld [smem:$0x3FA2];
	_ =	sdelay $0x3  }
0x36: {  	p1 =	seq.s32 s10, $0x1;
	s10 =	sld [smem:$0x3FA3];
	_ =	sdelay $0x3  }
0x37: {  	[smem:$0x3FA3] =	sst s10  }
0x38: {  	s10 =	sld [smem:$0x3FA4]  }
0x39: {  	_ = 	snop;
	(pc) =	sbr.ind lr, $3  }
0x3a: {  	_ = 	snop  }
0x3b: {  	_ = 	snop  }
0x3c: {  	p2 =	seq.s32 s10, $0x1;
	s10 =	sld [smem:$0x3FA3]  }
0x3d: {  	_ =	shalt  }
0x3e: {  	_ =	shalt  }
0x3f: {  	_ =	shalt  }
0x40: {  	_ =	shalt  }
0x41: {  	_ =	shalt  }
0x42: {  	_ =	shalt  }
0x43: {  	_ =	shalt  }
0x44: {  	_ =	shalt  }
0x45: {  	_ =	shalt  }
0x46: {  	_ =	shalt  }
0x47: {  	_ =	shalt  }
0x48: {  	_ =	shalt  }
0x49: {  	_ =	shalt  }
0x4a: {  	_ =	shalt  }
0x4b: {  	_ =	shalt  }
0x4c: {  	_ =	shalt  }
0x4d: {  	_ =	shalt  }
0x4e: {  	_ =	shalt  }
0x4f: {  	_ =	shalt  }
0x50: {  	_ =	shalt  }
0x51: {  	_ =	shalt  }
0x52: {  	_ =	shalt  }
0x53: {  	_ =	shalt  }
0x54: {  	_ =	shalt  }
0x55: {  	_ =	shalt  }
0x56: {  	_ =	shalt  }
0x57: {  	_ =	shalt  }
0x58: {  	_ =	shalt  }
0x59: {  	_ =	shalt  }
0x5a: {  	_ =	shalt  }
0x5b: {  	_ =	shalt  }
0x5c: {  	_ =	shalt  }
0x5d: {  	_ =	shalt  }
0x5e: {  	_ =	shalt  }
0x5f: {  	_ =	shalt  }
0x60: {  	_ =	shalt  }
0x61: {  	_ =	shalt  }
0x62: {  	_ =	shalt  }
0x63: {  	_ =	shalt  }
0x64: {  	_ =	shalt  }
0x65: {  	_ =	shalt  }
0x66: {  	_ =	shalt  }
0x67: {  	_ =	shalt  }
0x68: {  	_ =	shalt  }
0x69: {  	_ =	shalt  }
0x6a: {  	_ =	shalt  }
0x6b: {  	_ =	shalt  }
0x6c: {  	_ =	shalt  }
0x6d: {  	_ =	shalt  }
0x6e: {  	_ =	shalt  }
0x6f: {  	_ =	shalt  }
0x70: {  	_ =	shalt  }
0x71: {  	_ =	shalt  }
0x72: {  	_ =	shalt  }
0x73: {  	_ =	shalt  }
0x74: {  	_ =	shalt  }
0x75: {  	_ =	shalt  }
0x76: {  	_ =	shalt  }
0x77: {  	_ =	shalt  }
0x78: {  	_ =	shalt  }
0x79: {  	_ =	shalt  }
0x7a: {  	_ =	shalt  }
0x7b: {  	_ =	shalt  }
0x7c: {  	_ =	shalt  }
0x7d: {  	_ =	shalt  }
0x7e: {  	_ =	shalt  }
0x7f: {  	_ =	shalt  }
0x80: {  	_ =	shalt  }
0x81: {  	_ =	shalt  }
0x82: {  	_ =	shalt  }
0x83: {  	_ =	shalt  }
0x84: {  	_ =	shalt  }
0x85: {  	_ =	shalt  }
0x86: {  	_ =	shalt  }
0x87: {  	_ =	shalt  }
.Lfunc_end0:
.L_simem_size_0:
called_computation_lowered:
.L_overlay_start_0:
0x88: {  	s2 =	sld [smem:$0x3FD9]  }
0x89: {  	s3 =	sld [smem:$0x3FFE];
	_ =	sdelay $0x1  }
0x8a: {  	s1 =	srdreg.scid  }
0x8b: {  	s0 =	sand.u32 $0x1, s1  }
0x8c: {  	s16 =	sshll.u32 s0, $0xA;
	s2 =	sadd.s32 s3, s2  }
0x8d: {  	s2 =	sadd.s32 s2, s16  }
0x8e: {  	[smem:$0x3FAF] =	sst s2  }
0x8f: {  	_ = 	snop  }
0x90: {  	(tm) =	ssettm $0x1  }
0x91: {  	s17 =	sld [smem:$0x3FFB];
	_ =	sdelay $0x3  }
0x92: {  	_ =	strace s17  }
0x93: {  	s2 =	sld [smem:$0x3FFC];
	_ =	sdelay $0x3  }
0x94: {  	_ =	strace s2  }
0x95: {  	s2 =	sld [smem:$0x3FFD];
	_ =	sdelay $0x3  }
0x96: {  	_ =	strace s2  }
0x97: {  	_ =	strace $0x8FFFFFFF  }
0x98: {  	s18 =	sld [smem:$0x3FDB];
	_ =	sdelay $0x1  }
0x99: {  	s19 =	simm.s32 $_scs_section_size  }
0x9a: {  	s4 =	simm.s32 $_size__tile_overlayer_lowered;
	s5 =	simm.s32 $_tile_overlayer_lowered  }
0x9b: {  	s22 =	simm.s32 $0x1BFF;
	s21 =	sshll.u32 s5, $0x1;
	s2 =	sadd.s32 s19, s18  }
0x9c: {  	s6 =	simm.s32 $0x0;
	s20 =	sshll.u32 s4, $0x1;
	s4 =	sadd.s32 s21, s2  }
0x9d: {  	[timem:s6], [sflag:s22] =	dma.local [hbm:s4], s20  }
0x9e: {  	_ =	swait.ge [sflag:s22], s20  }
0x9f: {  	s3 =	ssub.s32 $0x0, s20;
	[sflag:s22] =	ssyncset.done $0x0  }
0xa0: {  	[sflag:s22] =	ssyncadd.s32 s3;
	_ =	sdelay $0x1  }
0xa1: {  	s23 =	simm.s32 $0x1B8B  }
0xa2: {  	_ =	swait.ge [sflag:s23], $0x1  }
0xa3: {  	[sflag:s23] =	ssyncset.done $0x0  }
0xa4: {  	s25 =	simm.s32 $0x1B8E;
	s24 =	sld [smem:$0x3FFE];
	[sflag:s23] =	ssyncadd.s32 $0xFFFFFFFF  }
0xa5: {  	s26 =	simm.s32 $execute0_lowered;
	[smem:$0x3FD2] =	sst s25  }
0xa6: {  	s4 =	sshll.u32 s26, $0x1;
	_ =	strace $0x80000046;
	[dreg:$0x1] =	wrdreg $0xFFFFFFFF  }
0xa7: {  	s28 =	simm.s32 $_size_execute0_lowered;
	s2 =	sadd.s32 s2, s4;
	[dreg:$0x0] =	wrdreg $0x0  }
0xa8: {  	s4 =	sshll.u32 s28, $0x1;
	[dreg:$0x2] =	wrdreg s2  }
0xa9: {  	[dreg:$0x3] =	wrdreg s4  }
0xaa: {  	[dreg:$0x4] =	wrdreg $0xC0  }
0xab: {  	_ =	task [dreg:s6], $0x5FFFF  }
0xac: {  	[dreg:$0x1] =	wrdreg $0xFFFFFFFF  }
0xad: {  	[dreg:$0x0] =	wrdreg $0x60  }
0xae: {  	[dreg:$0x2] =	wrdreg s24  }
0xaf: {  	[dreg:$0x3] =	wrdreg $0x54000  }
0xb0: {  	[dreg:$0x4] =	wrdreg $0x9  }
0xb1: {  	_ =	task.clear_ibuf [dreg:s6], $0x5FFFF;
	_ =	strace $0x90000046  }
0xb2: {  	s29 =	simm.s32 $0x9;
	_ =	strace $0x80000048  }
0xb3: {  	_ =	swait.ge [sflag:s29], $0x1  }
0xb4: {  	[sflag:s29] =	ssyncadd.s32 $0xFFFFFFFF  }
0xb5: {  	_ =	strace $0x90000048  }
0xb6: {  	_ =	sfence  }
0xb7: {  	s30 =	sld [smem:$0x0];
	_ =	sdelay $0x2  }
0xb8: {  	s31 =	sshll.u32 s1, $0xD;
	s1 =	sshrl.u32 s1, $0x2  }
0xb9: {  	s3 =	sand.u32 $0x4000, s31;
	s1 =	sadd.s32 s1, s30  }
0xba: {  	s0 =	sor.u32 s3, s0;
	s1 =	sshll.u32 s1, $0x11  }
0xbb: {  	s0 =	sor.u32 s1, s0  }
0xbc: {  	s0 =	sadd.s32 $0x8F2B, s0  }
0xbd: {  	[sflag:s0] =	ssyncadd.remote.s32 $0x1  }
0xbe: {  	_ =	sfence.sel $0xFFFF  }
0xbf: {  	[dreg:$0x0] =	wrdreg $0xFFFFFFFF;
	(pc) =	sbr.abs _section_cstart, $3  }
0xc0: {  	[dreg:$0x1] =	wrdreg $0xFFFFFFFF  }
0xc1: {  	_ =	task.clear_ibuf [dreg:s6], $0x2FFFF;
	_ =	strace $0x9FFFFFFF  }
0xc2: {  	(tm) =	ssettm $0x7FFFFFFF  }
0xc3: {  	_ =	shalt  }
tec
execute0_lowered:
.L_overlay_start_1:
0x0: {  	(tag) =	ssettag $0x1  }
0x1: {  	s5 =	rddreg [dreg:$0x0]  }
0x2: {  	s2 =	rddreg [dreg:$0x1]  }
0x3: {  	s0 =	rddreg [dreg:$0x2]  }
0x4: {  	s1 =	stileid.u32;
	s3 =	simm.s32 $0x0;
	s6 =	srdreg.scid  }
0x5: {  	s14 =	simm.s32 $0x80;
	s15 =	simm.s32 $0x1;
	s16 =	simm.s32 $0x2  }
0x6: {  	s17 =	simm.s32 $0x3E00;
	s18 =	simm.s32 $0x0;
	s4 =	smul.u32 $0x13800, s1  }
0x7: {  	[smem:$0x7FF] =	sst s3;
	s6 =	sand.u32 $0x1, s6;
	s11 =	smul.u32 $0x4E000, s1  }
0x8: {  	s7 =	sshll.u32 s1, $0xB;
	s31 =	sshll.u32 s1, $0x6;
	s9 =	smul.u32 $0x138800, s6  }
0x9: {  	_ =	strace $0x80000047;
	s7 =	sadd.s32 s7, s5;
	s10 =	ssub.s32 $0x2, s6  }
0xa: {  	s13 =	sshll.u32 s6, $0xF;
	s6 =	sor.u32 $0x1C03, s31;
	s8 =	sshrl.u32 s4, $0x3  }
0xb: {  	s12 =	sshrl.u32 s10, $0x1;
	s30 =	sshrl.u32 s11, $0x2;
	s7 =	sadd.s32 s13, s7  }
0xc: {  	s13 =	simm.s32 $0x28;
	s8 =	sadd.s32 s8, s5;
	s9 =	sadd.s32 s4, s9  }
0xd: {  	s4 =	sadd.s32 $0x3F400, s5;
	s10 =	ssub.s32 s10, s12;
	s9 =	sshrl.u32 s9, $0x3  }
0xe: {  	s11 =	sadd.s32 s30, s2;
	s7 =	sadd.s32 $0x8200, s7;
	s9 =	sadd.s32 s9, s5  }
0xf: {  	s12 =	simm.s32 $0x4000;
	s5 =	sadd.s32 $0x18200, s8;
	s8 =	sadd.s32 $0x3F800, s9  }
0x10: {  	s9 =	smax.u32 s10, $0x1;
	s10 =	sshrl.u32 s11, $0x3;
	s11 =	simm.s32 $0x3  }
.LBB2_1:
0x11: {  	[spmem:s10], [sflag:s6] =	dma.local [hbm:s5], $0x2800  }
0x12: {  	_ =	swait.ge [sflag:s11], $0x2800  }
0x13: {  	[sflag:s11] =	ssyncset.done $0x0  }
0x14: {  	[sflag:s11] =	ssyncadd.s32 $0xFFFFD800  }
0x15: {  	[tilespmem:s12], [sflag:$0x3] =	stream.linear.gather [hbm4b:s4+s3], $0x1400, $0x38;
	[tilespmem:$0x18C80] =	vst v63  }
0x16: {  	_ =	swait.ge [sflag:s11], $0x1400  }
0x17: {  	[sflag:s11] =	ssyncset.done $0x0  }
0x18: {  	[sflag:s11] =	ssyncadd.s32 $0xFFFFEC00  }
0x19: {  	[tilespmem:s3], [sflag:$0x3] =	stream.linear.gather [hbm4b:s7+s3], $0x3E80, $0x38;
	[tilespmem:$0x18C80] =	vst v63  }
0x1a: {  	_ =	swait.ge [sflag:s11], $0x3E80  }
0x1b: {  	[sflag:s11] =	ssyncset.done $0x0  }
0x1c: {  	[sflag:s11] =	ssyncadd.s32 $0xFFFFC180  }
0x1d: {  	[bflag:$0x0] =	sbarrier.arrive $0xFFFF  }
0x1e: {  	[spmem:s2] =	stream.indirect.scatter.add.f32 [tilespmem:s12], [sflag:$0x1], $0x80, s3, s13, $0xb8;
	[tilespmem:$0x18C80] =	vst v63  }
0x1f: {  	_ = 	snop  }
0x20: {  	[spmem:s2] =	stream.indirect.scatter.add.f32 [tilespmem:s12], [sflag:$0x2], $0x80, s14, s13, $0xb8;
	[tilespmem:$0x18C80] =	vst v63  }
0x21: {  	_ =	swait.ge [sflag:s15], $0x1400  }
0x22: {  	[sflag:s15] =	ssyncset.done $0x0  }
0x23: {  	s19 =	simm.s32 $0x100;
	[sflag:s15] =	ssyncadd.s32 $0xFFFFEC00  }
0x24: {  	[spmem:s2] =	stream.indirect.scatter.add.f32 [tilespmem:s12], [sflag:$0x1], $0x80, s19, s13, $0xb8;
	[tilespmem:$0x18C80] =	vst v63  }
0x25: {  	_ =	swait.ge [sflag:s16], $0x1400  }
0x26: {  	[sflag:s16] =	ssyncset.done $0x0  }
0x27: {  	s20 =	simm.s32 $0x180;
	s19 =	simm.s32 $0xFFFF1000;
	[sflag:s16] =	ssyncadd.s32 $0xFFFFEC00  }
.LBB2_2:
0x28: {  	[spmem:s2] =	stream.indirect.scatter.add.f32 [tilespmem:s12], [sflag:$0x2], $0x80, s20, s13, $0xb8;
	[tilespmem:$0x18C80] =	vst v63  }
0x29: {  	s20 =	smov.u32 s19  }
0x2a: {  	p0 =	sne.s32 s19, $0xFFFFFC00;
	s19 =	sadd.s32 $0x400, s19;
	_ =	swait.ge [sflag:s15], $0x1400  }
0x2b: {  	s20 =	sshra.s32 s20, $0x2;
	[sflag:s15] =	ssyncset.done $0x0  }
.Ltmp0:
0x2c: {  	s21 =	sadd.s32 $0x3E00, s20;
	[sflag:s15] =	ssyncadd.s32 $0xFFFFEC00;
	(pc) =	sbr.rel @p0 .LBB2_2-.Ltmp0, $4  }
0x2d: {  	[spmem:s2] =	stream.indirect.scatter.add.f32 [tilespmem:s12], [sflag:$0x1], $0x80, s21, s13, $0xb8;
	[tilespmem:$0x18C80] =	vst v63  }
0x2e: {  	_ =	swait.ge [sflag:s16], $0x1400  }
0x2f: {  	[sflag:s16] =	ssyncset.done $0x0  }
0x30: {  	s20 =	sadd.s32 $0x3E80, s20;
	[sflag:s16] =	ssyncadd.s32 $0xFFFFEC00  }
0x31: {  	[spmem:s2] =	stream.indirect.scatter.add.f32 [tilespmem:s12], [sflag:$0x2], $0x80, s20, s13, $0xb8;
	[tilespmem:$0x18C80] =	vst v63  }
0x32: {  	_ =	swait.ge [sflag:s15], $0x1400  }
0x33: {  	[sflag:s15] =	ssyncset.done $0x0  }
0x34: {  	[sflag:s15] =	ssyncadd.s32 $0xFFFFEC00  }
0x35: {  	[spmem:s2] =	stream.indirect.scatter.add.f32 [tilespmem:s12], [sflag:$0x1], $0x80, s17, s13, $0xb8;
	[tilespmem:$0x18C80] =	vst v63  }
0x36: {  	_ =	swait.ge [sflag:s15], $0x1400  }
0x37: {  	[sflag:s15] =	ssyncset.done $0x0  }
0x38: {  	[sflag:s15] =	ssyncadd.s32 $0xFFFFEC00  }
0x39: {  	_ =	swait.ge [sflag:s16], $0x1400  }
0x3a: {  	s18 =	sadd.s32 $0x1, s18;
	[sflag:s16] =	ssyncset.done $0x0  }
0x3b: {  	p0 =	sne.s32 s18, s9;
	[sflag:s16] =	ssyncadd.s32 $0xFFFFEC00  }
.Ltmp1:
0x3c: {  	[bflag:$0x0] =	sbarrier.arrive $0xFFFF;
	(pc) =	sbr.rel @p0 .LBB2_1-.Ltmp1, $4  }
0x3d: {  	[hbm:s8], [sflag:s6] =	dma.local [spmem:s10], $0x2800  }
0x3e: {  	_ =	swait.ge [sflag:s11], $0x2800  }
0x3f: {  	[sflag:s11] =	ssyncset.done $0x0  }
0x40: {  	[sflag:s11] =	ssyncadd.s32 $0xFFFFD800  }
0x41: {  	_ =	sfence.sel $0x180000  }
0x42: {  	[bflag:$0x0] =	sbarrier.arrive $0xFFFF  }
0x43: {  	p0 =	sne.s32 s1, $0x0;
	_ =	strace $0x90000047  }
0x44: {  	s0 =	sadd.s32 @!p0 $0x100000, s0;
	[bflag:$0x2] =	sbarrier.arrive $0xFFFF  }
0x45: {  	[sflag:s0] =	ssyncadd.tile.s32 @!p0 $0x1;
	_ =	shalt  }
.Lfunc_end2:
_tile_overlayer_lowered:
.L_overlay_start_2:
0x46: {  	(tag) =	ssettag $0x2  }
0x47: {  	s0 =	rddreg [dreg:$0x0];
	s2 =	stileid.u32  }
0x48: {  	s1 =	rddreg [dreg:$0x1];
	p0 =	sne.s32 s2, $0x0  }
0x49: {  	s3 =	rddreg [dreg:$0x2];
	[bflag:$0x3] =	sbarrier.arrive $0xFFFF;
	s2 =	simm.s32 @!p0 $0x1C03  }
0x4a: {  	[timem:s3], [sflag:s2] =	dma.local @!p0 [hbm:s0], s1  }
0x4b: {  	s0 =	simm.s32 @!p0 $0x3  }
0x4c: {  	_ =	swait.ge @!p0 [sflag:s0], s1  }
0x4d: {  	s1 =	ssub.s32 @!p0 $0x0, s1;
	[sflag:s0] =	ssyncset.done @!p0 $0x0  }
0x4e: {  	[sflag:s0] =	ssyncadd.s32 @!p0 s1  }
0x4f: {  	[bflag:$0x3] =	sbarrier.arrive $0xFFFF  }
0x50: {  	_ =	shalt  }

// kernel: kernel.18.cloned.1.call-start
scs
__scs_entry_jumppad:
0x0: {  	(pc) =	sbr.rel $0x88, $3  }
0x1: {  	(tag) =	ssettag $0x0;
	lr =	simm.s32 $0x1  }
0x2: {  	[smem:$0x3F88] =	sst lr;
	_ =	strace $0xD0000000  }
0x3: {  	_ = 	snop  }
0x4: {  	_ = 	snop  }
0x5: {  	_ = 	snop  }
0x6: {  	_ = 	snop  }
0x7: {  	_ = 	snop  }
__scs_overlays_trampoline_lowered:
0x8: {  	[smem:$0x3F97] =	sst s0  }
0x9: {  	[smem:$0x3F98] =	sst s1  }
0xa: {  	[smem:$0x3F99] =	sst s2  }
0xb: {  	[smem:$0x3F9A] =	sst s3  }
0xc: {  	[smem:$0x3F9B] =	sst s4  }
0xd: {  	[smem:$0x3F9C] =	sst s5  }
0xe: {  	[smem:$0x3F9D] =	sst s6  }
0xf: {  	[smem:$0x3F9E] =	sst s7  }
0x10: {  	[smem:$0x3F9F] =	sst s8  }
0x11: {  	[smem:$0x3FA0] =	sst s9;
	s0 =	simm.s32 @!p0 $0x0  }
0x12: {  	s1 =	sld [smem:$0x3F86];
	s0 =	simm.s32 @p0 $0x1  }
0x13: {  	[smem:$0x3FA1] =	sst s0;
	s0 =	simm.s32 @!p1 $0x0  }
0x14: {  	s2 =	sld [smem:$0x3F85];
	s0 =	simm.s32 @p1 $0x1  }
0x15: {  	[smem:$0x3FA2] =	sst s0;
	s0 =	simm.s32 @!p2 $0x0  }
0x16: {  	s3 =	sld [smem:$0x3FDB];
	s0 =	simm.s32 @p2 $0x1  }
0x17: {  	s4 =	simm.s32 $0x1BF5;
	[smem:$0x3FA4] =	sst s0  }
0x18: {  	s0 =	sld [smem:$0x3F87];
	_ =	swait.ge [sflag:s4], $0x0  }
0x19: {  	s7 =	sld [smem:$0x3F88]  }
0x1a: {  	s8 =	sadd.s32 $0xFFFFE003, lr  }
0x1b: {  	s9 =	sadd.s32 $0xFFFFFEF7, lr;
	s5 =	simm.s32 $0xFFFFFFFF;
	p2 =	slt.u32 s8, $0xFFFFF086  }
0x1c: {  	p1 =	slt.u32 s9, $0xF7A;
	s5 =	simm.s32 @!p2 $0x0  }
0x1d: {  	s5 =	simm.s32 @p1 $0x1;
	p0 =	seq.s32 s7, s2  }
0x1e: {  	s7 =	smul.u32 @!p0 $0xF7A, s2;
	p2 =	seq.s32 @!p0 s5, $0x0  }
0x1f: {  	s9 =	smul.u32 $0xF7A, s1;
	s8 =	simm.s32 @!p0 $0x1BF5;
	p2 =	por !p2, p0  }
0x20: {  	[sflag:s8] =	ssyncset.s32 @!p0 $0xFFFFF086;
	s6 =	sadd.s32 @!p0 s3, s7;
	s7 =	simm.s32 @!p0 $0x108  }
0x21: {  	s3 =	sadd.s32 s3, s9;
	s6 =	sadd.s32 @!p0 $0x88, s6;
	s7 =	simm.s32 @p2 $0x1082  }
0x22: {  	[simem:s7], [sflag:s8] =	dma.local @!p0 [hbm:s6], $0xF7A  }
0x23: {  	s9 =	sor.u32 $0xD0000000, s2;
	s6 =	simm.s32 $0x108;
	_ =	swait.ge @!p0 [sflag:s8], $0x0  }
0x24: {  	s3 =	sadd.s32 $0x88, s3;
	s6 =	simm.s32 @!p1 $0x1082;
	[sflag:s4] =	ssyncset.s32 $0xFFFFF086  }
0x25: {  	[simem:s6], [sflag:s4] =	dma.local [hbm:s3], $0xF7A  }
0x26: {  	[smem:$0x3F88] =	sst s1;
	(tag) =	ssettag s2;
	_ =	strace s9  }
0x27: {  	s1 =	sld [smem:$0x3F98]  }
0x28: {  	s2 =	sld [smem:$0x3F99]  }
0x29: {  	s4 =	sld [smem:$0x3F9B]  }
0x2a: {  	p0 =	seq.s32 s5, $0x0;
	s5 =	sld [smem:$0x3F9C]  }
0x2b: {  	s6 =	sld [smem:$0x3F9D]  }
0x2c: {  	s7 =	sld [smem:$0x3F9E]  }
0x2d: {  	s3 =	simm.s32 $0x108;
	s8 =	sld [smem:$0x3F9F]  }
0x2e: {  	s3 =	simm.s32 @!p0 $0x1082;
	s9 =	sld [smem:$0x3FA0]  }
0x2f: {  	lr =	sadd.s32 s0, s3;
	s0 =	sld [smem:$0x3F97]  }
0x30: {  	s3 =	sld [smem:$0x3F9A]  }
0x31: {  	[smem:$0x3FA3] =	sst s10  }
0x32: {  	s10 =	sld [smem:$0x3FA1];
	_ =	sdelay $0x3  }
0x33: {  	p0 =	seq.s32 s10, $0x1;
	s10 =	sld [smem:$0x3FA3];
	_ =	sdelay $0x3  }
0x34: {  	[smem:$0x3FA3] =	sst s10  }
0x35: {  	s10 =	sld [smem:$0x3FA2];
	_ =	sdelay $0x3  }
0x36: {  	p1 =	seq.s32 s10, $0x1;
	s10 =	sld [smem:$0x3FA3];
	_ =	sdelay $0x3  }
0x37: {  	[smem:$0x3FA3] =	sst s10  }
0x38: {  	s10 =	sld [smem:$0x3FA4]  }
0x39: {  	_ = 	snop;
	(pc) =	sbr.ind lr, $3  }
0x3a: {  	_ = 	snop  }
0x3b: {  	_ = 	snop  }
0x3c: {  	p2 =	seq.s32 s10, $0x1;
	s10 =	sld [smem:$0x3FA3]  }
0x3d: {  	_ =	shalt  }
0x3e: {  	_ =	shalt  }
0x3f: {  	_ =	shalt  }
0x40: {  	_ =	shalt  }
0x41: {  	_ =	shalt  }
0x42: {  	_ =	shalt  }
0x43: {  	_ =	shalt  }
0x44: {  	_ =	shalt  }
0x45: {  	_ =	shalt  }
0x46: {  	_ =	shalt  }
0x47: {  	_ =	shalt  }
0x48: {  	_ =	shalt  }
0x49: {  	_ =	shalt  }
0x4a: {  	_ =	shalt  }
0x4b: {  	_ =	shalt  }
0x4c: {  	_ =	shalt  }
0x4d: {  	_ =	shalt  }
0x4e: {  	_ =	shalt  }
0x4f: {  	_ =	shalt  }
0x50: {  	_ =	shalt  }
0x51: {  	_ =	shalt  }
0x52: {  	_ =	shalt  }
0x53: {  	_ =	shalt  }
0x54: {  	_ =	shalt  }
0x55: {  	_ =	shalt  }
0x56: {  	_ =	shalt  }
0x57: {  	_ =	shalt  }
0x58: {  	_ =	shalt  }
0x59: {  	_ =	shalt  }
0x5a: {  	_ =	shalt  }
0x5b: {  	_ =	shalt  }
0x5c: {  	_ =	shalt  }
0x5d: {  	_ =	shalt  }
0x5e: {  	_ =	shalt  }
0x5f: {  	_ =	shalt  }
0x60: {  	_ =	shalt  }
0x61: {  	_ =	shalt  }
0x62: {  	_ =	shalt  }
0x63: {  	_ =	shalt  }
0x64: {  	_ =	shalt  }
0x65: {  	_ =	shalt  }
0x66: {  	_ =	shalt  }
0x67: {  	_ =	shalt  }
0x68: {  	_ =	shalt  }
0x69: {  	_ =	shalt  }
0x6a: {  	_ =	shalt  }
0x6b: {  	_ =	shalt  }
0x6c: {  	_ =	shalt  }
0x6d: {  	_ =	shalt  }
0x6e: {  	_ =	shalt  }
0x6f: {  	_ =	shalt  }
0x70: {  	_ =	shalt  }
0x71: {  	_ =	shalt  }
0x72: {  	_ =	shalt  }
0x73: {  	_ =	shalt  }
0x74: {  	_ =	shalt  }
0x75: {  	_ =	shalt  }
0x76: {  	_ =	shalt  }
0x77: {  	_ =	shalt  }
0x78: {  	_ =	shalt  }
0x79: {  	_ =	shalt  }
0x7a: {  	_ =	shalt  }
0x7b: {  	_ =	shalt  }
0x7c: {  	_ =	shalt  }
0x7d: {  	_ =	shalt  }
0x7e: {  	_ =	shalt  }
0x7f: {  	_ =	shalt  }
0x80: {  	_ =	shalt  }
0x81: {  	_ =	shalt  }
0x82: {  	_ =	shalt  }
0x83: {  	_ =	shalt  }
0x84: {  	_ =	shalt  }
0x85: {  	_ =	shalt  }
0x86: {  	_ =	shalt  }
0x87: {  	_ =	shalt  }
.Lfunc_end0:
.L_simem_size_0:
called_computation.1_lowered:
.L_overlay_start_0:
0x88: {  	s2 =	sld [smem:$0x3FD9]  }
0x89: {  	s3 =	sld [smem:$0x3FFE];
	_ =	sdelay $0x1  }
0x8a: {  	s1 =	srdreg.scid  }
0x8b: {  	s0 =	sand.u32 $0x1, s1  }
0x8c: {  	s16 =	sshll.u32 s0, $0xA;
	s2 =	sadd.s32 s3, s2  }
0x8d: {  	s2 =	sadd.s32 s2, s16  }
0x8e: {  	[smem:$0x3FAF] =	sst s2  }
0x8f: {  	_ = 	snop  }
0x90: {  	(tm) =	ssettm $0x1  }
0x91: {  	s17 =	sld [smem:$0x3FFB];
	_ =	sdelay $0x3  }
0x92: {  	_ =	strace s17  }
0x93: {  	s2 =	sld [smem:$0x3FFC];
	_ =	sdelay $0x3  }
0x94: {  	_ =	strace s2  }
0x95: {  	s2 =	sld [smem:$0x3FFD];
	_ =	sdelay $0x3  }
0x96: {  	_ =	strace s2  }
0x97: {  	_ =	strace $0x8FFFFFFF  }
0x98: {  	s18 =	sld [smem:$0x3FDB];
	_ =	sdelay $0x1  }
0x99: {  	s19 =	simm.s32 $_scs_section_size  }
0x9a: {  	s4 =	simm.s32 $_size__tile_overlayer_lowered;
	s5 =	simm.s32 $_tile_overlayer_lowered  }
0x9b: {  	s22 =	simm.s32 $0x1BFF;
	s21 =	sshll.u32 s5, $0x1;
	s2 =	sadd.s32 s19, s18  }
0x9c: {  	s6 =	simm.s32 $0x0;
	s20 =	sshll.u32 s4, $0x1;
	s4 =	sadd.s32 s21, s2  }
0x9d: {  	[timem:s6], [sflag:s22] =	dma.local [hbm:s4], s20  }
0x9e: {  	_ =	swait.ge [sflag:s22], s20  }
0x9f: {  	s3 =	ssub.s32 $0x0, s20;
	[sflag:s22] =	ssyncset.done $0x0  }
0xa0: {  	[sflag:s22] =	ssyncadd.s32 s3;
	_ =	sdelay $0x1  }
0xa1: {  	s23 =	simm.s32 $0x1B8B  }
0xa2: {  	_ =	swait.ge [sflag:s23], $0x1  }
0xa3: {  	[sflag:s23] =	ssyncset.done $0x0  }
0xa4: {  	s25 =	simm.s32 $0x1B8E;
	s24 =	sld [smem:$0x3FFE];
	[sflag:s23] =	ssyncadd.s32 $0xFFFFFFFF  }
0xa5: {  	s26 =	simm.s32 $execute0_lowered;
	[smem:$0x3FD2] =	sst s25  }
0xa6: {  	s4 =	sshll.u32 s26, $0x1;
	_ =	strace $0x80000049;
	[dreg:$0x1] =	wrdreg $0xFFFFFFFF  }
0xa7: {  	s28 =	simm.s32 $_size_execute0_lowered;
	s2 =	sadd.s32 s2, s4;
	[dreg:$0x0] =	wrdreg $0x0  }
0xa8: {  	s4 =	sshll.u32 s28, $0x1;
	[dreg:$0x2] =	wrdreg s2  }
0xa9: {  	[dreg:$0x3] =	wrdreg s4  }
0xaa: {  	[dreg:$0x4] =	wrdreg $0xC0  }
0xab: {  	_ =	task [dreg:s6], $0x5FFFF  }
0xac: {  	[dreg:$0x1] =	wrdreg $0xFFFFFFFF  }
0xad: {  	[dreg:$0x0] =	wrdreg $0x60  }
0xae: {  	[dreg:$0x2] =	wrdreg s24  }
0xaf: {  	[dreg:$0x3] =	wrdreg $0x70000  }
0xb0: {  	[dreg:$0x4] =	wrdreg $0x9  }
0xb1: {  	_ =	task.clear_ibuf [dreg:s6], $0x5FFFF;
	_ =	strace $0x90000049  }
0xb2: {  	s29 =	simm.s32 $0x9;
	_ =	strace $0x8000004B  }
0xb3: {  	_ =	swait.ge [sflag:s29], $0x1  }
0xb4: {  	[sflag:s29] =	ssyncadd.s32 $0xFFFFFFFF  }
0xb5: {  	_ =	strace $0x9000004B  }
0xb6: {  	_ =	sfence  }
0xb7: {  	s30 =	sld [smem:$0x0];
	_ =	sdelay $0x2  }
0xb8: {  	s31 =	sshll.u32 s1, $0xD;
	s1 =	sshrl.u32 s1, $0x2  }
0xb9: {  	s3 =	sand.u32 $0x4000, s31;
	s1 =	sadd.s32 s1, s30  }
0xba: {  	s0 =	sor.u32 s3, s0;
	s1 =	sshll.u32 s1, $0x11  }
0xbb: {  	s0 =	sor.u32 s1, s0  }
0xbc: {  	s0 =	sadd.s32 $0x8F2B, s0  }
0xbd: {  	[sflag:s0] =	ssyncadd.remote.s32 $0x1  }
0xbe: {  	_ =	sfence.sel $0xFFFF  }
0xbf: {  	[dreg:$0x0] =	wrdreg $0xFFFFFFFF;
	(pc) =	sbr.abs _section_cstart, $3  }
0xc0: {  	[dreg:$0x1] =	wrdreg $0xFFFFFFFF  }
0xc1: {  	_ =	task.clear_ibuf [dreg:s6], $0x2FFFF;
	_ =	strace $0x9FFFFFFF  }
0xc2: {  	(tm) =	ssettm $0x7FFFFFFF  }
0xc3: {  	_ =	shalt  }
tec
execute0_lowered:
.L_overlay_start_1:
0x0: {  	(tag) =	ssettag $0x1  }
0x1: {  	s0 =	rddreg [dreg:$0x0]  }
0x2: {  	s1 =	rddreg [dreg:$0x1];
	s2 =	simm.s32 $0x0  }
0x3: {  	s3 =	srdreg.scid;
	s11 =	stileid.u32;
	s18 =	simm.s32 $0x5  }
0x4: {  	s19 =	simm.s32 $0x1000;
	s20 =	simm.s32 $0x50;
	s21 =	simm.s32 $0x2000  }
0x5: {  	s22 =	simm.s32 $0x1;
	s28 =	simm.s32 $0x100;
	s29 =	simm.s32 $0x1080  }
0x6: {  	s30 =	simm.s32 $0x4;
	s31 =	simm.s32 $0x1C00;
	[smem:$0x7FF] =	sst s2  }
0x7: {  	s4 =	sadd.s32 $0x97A00, s0;
	s5 =	sadd.s32 $0x8DA00, s0;
	s6 =	sadd.s32 $0x2F400, s0  }
0x8: {  	s7 =	sadd.s32 $0x56600, s0;
	s3 =	sand.u32 $0x1, s3;
	s8 =	smul.u32 $0x4E000, s11  }
0x9: {  	s9 =	sadd.s32 $0xA1A00, s0;
	s0 =	sadd.s32 $0xC8C00, s0;
	s10 =	smul.u32 $0x2700, s11  }
0xa: {  	s12 =	smul.u32 $0x5000, s11;
	_ =	strace $0x8000004A;
	[dreg:$0x3] =	wrdreg s9  }
0xb: {  	s13 =	sshll.u32 s11, $0x6;
	[dreg:$0x4] =	wrdreg s0;
	s23 =	ssub.s32 $0x2, s3  }
0xc: {  	p0 =	seq.s32 s3, $0x1;
	s3 =	sor.u32 $0x1C05, s13;
	s24 =	sshrl.u32 s23, $0x1  }
.Ltmp0:
0xd: {  	s8 =	sshrl.u32 s8, $0x2;
	s25 =	sadd.s32 s6, s10;
	(pc) =	sbr.rel .LBB2_1-.Ltmp0, $4  }
0xe: {  	s26 =	sadd.s32 s7, s10;
	s0 =	ssub.s32 s23, s24;
	[dreg:$0x5] =	wrdreg s25  }
0xf: {  	s8 =	sadd.s32 s8, s1;
	[dreg:$0x6] =	wrdreg s26;
	s23 =	simm.s32 $0x80  }
0x10: {  	s24 =	simm.s32 $0x4800;
	s25 =	simm.s32 $0x2;
	s26 =	simm.s32 $0x3  }
0x11: {  	s15 =	smax.u32 s0, $0x1;
	s17 =	sshrl.u32 s8, $0x3;
	s0 =	simm.s32 $0x0  }
.LBB2_12:
0x12: {  	s8 =	sadd.s32 s8, s10;
	[bflag:$0x0] =	sbarrier.arrive $0xFFFF;
	s0 =	sadd.s32 $0x1, s0  }
0x13: {  	[hbm:s8], [sflag:s16] =	dma.local [spmem:s17], $0x2800  }
0x14: {  	p1 =	sne.s32 s0, s15  }
.Ltmp1:
0x15: {  	_ =	swait.ge [sflag:s18], $0x2800;
	(pc) =	sbr.rel @!p1 .LBB2_13-.Ltmp1, $3  }
0x16: {  	[sflag:s18] =	ssyncset.done $0x0  }
0x17: {  	[sflag:s18] =	ssyncadd.s32 $0xFFFFD800  }
0x18: {  	[bflag:$0x0] =	sbarrier.arrive $0xFFFF;
	_ =	sdelay $0x1  }
.LBB2_1:
.Ltmp2:
0x19: {  	(pc) =	sbr.rel @!p0 .LBB2_2-.Ltmp2, $1  }
0x1a: {  	_ =	sdelay $0x3  }
0x1b: {  	s8 =	rddreg [dreg:$0x6]  }
0x1c: {  	[spmem:s17], [sflag:s3] =	dma.local [hbm:s8], $0x2800  }
0x1d: {  	_ =	swait.ge [sflag:s18], $0x2800  }
0x1e: {  	[sflag:s18] =	ssyncset.done $0x0  }
0x1f: {  	[sflag:s18] =	ssyncadd.s32 $0xFFFFD800  }
0x20: {  	s8 =	simm.s32 $0x0;
	[bflag:$0x0] =	sbarrier.arrive $0xFFFF  }
.LBB2_8:
0x21: {  	s9 =	sshll.u32 s8, $0xC  }
0x22: {  	s9 =	sadd.s32 s12, s9  }
0x23: {  	s9 =	sshrl.u32 s9, $0x3  }
0x24: {  	s11 =	sadd.s32 s4, s9  }
0x25: {  	[tilespmem:s2], [sflag:$0x5] =	stream.linear.gather [hbm4b:s11+s2], $0xC80, $0x38;
	[tilespmem:$0x1A880] =	vst v63  }
0x26: {  	_ =	swait.ge [sflag:s18], $0xC80  }
0x27: {  	[sflag:s18] =	ssyncset.done $0x0  }
0x28: {  	s9 =	sadd.s32 s5, s9;
	[sflag:s18] =	ssyncadd.s32 $0xFFFFF380  }
0x29: {  	[tilespmem:s19], [sflag:$0x5] =	stream.linear.gather [hbm4b:s9+s2], $0xC80, $0x38;
	[tilespmem:$0x1A880] =	vst v63  }
0x2a: {  	_ =	swait.ge [sflag:s18], $0xC80  }
0x2b: {  	[sflag:s18] =	ssyncset.done $0x0  }
0x2c: {  	[sflag:s18] =	ssyncadd.s32 $0xFFFFF380  }
0x2d: {  	[tilespmem:s21], [sflag:$0x1] =	stream.indirect.gather [hbm4b:s7+s20], $0x80, s2, s20, $0xb8;
	[tilespmem:$0x1A880] =	vst v63  }
0x2e: {  	_ =	swait.ge [sflag:s22], $0x2800  }
0x2f: {  	[sflag:s22] =	ssyncset.done $0x0  }
0x30: {  	[sflag:s22] =	ssyncadd.s32 $0xFFFFD800  }
0x31: {  	[tilespmem:s24], [sflag:$0x2] =	stream.indirect.gather [hbm4b:s7+s20], $0x80, s23, s20, $0xb8;
	[tilespmem:$0x1A880] =	vst v63  }
0x32: {  	_ = 	snop  }
0x33: {  	[spmem:s1] =	stream.indirect.scatter.add.f32 [tilespmem:s21], [sflag:$0x3], $0x80, s19, s20, $0xb8;
	[tilespmem:$0x1A880] =	vst v63  }
0x34: {  	_ =	swait.ge [sflag:s25], $0x2800  }
0x35: {  	[sflag:s25] =	ssyncset.done $0x0  }
0x36: {  	[sflag:s25] =	ssyncadd.s32 $0xFFFFD800  }
0x37: {  	_ =	swait.ge [sflag:s26], $0x2800  }
0x38: {  	[sflag:s26] =	ssyncset.done $0x0  }
0x39: {  	[sflag:s26] =	ssyncadd.s32 $0xFFFFD800  }
0x3a: {  	[tilespmem:s21], [sflag:$0x1] =	stream.indirect.gather [hbm4b:s7+s20], $0x80, s28, s20, $0xb8;
	[tilespmem:$0x1A880] =	vst v63  }
0x3b: {  	_ = 	snop  }
0x3c: {  	[spmem:s1] =	stream.indirect.scatter.add.f32 [tilespmem:s24], [sflag:$0x4], $0x80, s29, s20, $0xb8;
	[tilespmem:$0x1A880] =	vst v63  }
0x3d: {  	_ =	swait.ge [sflag:s22], $0x2800  }
0x3e: {  	[sflag:s22] =	ssyncset.done $0x0  }
0x3f: {  	[sflag:s22] =	ssyncadd.s32 $0xFFFFD800  }
0x40: {  	_ =	swait.ge [sflag:s30], $0x2800  }
0x41: {  	[sflag:s30] =	ssyncset.done $0x0  }
0x42: {  	s11 =	simm.s32 $0x180;
	[sflag:s30] =	ssyncadd.s32 $0xFFFFD800  }
0x43: {  	[tilespmem:s24], [sflag:$0x2] =	stream.indirect.gather [hbm4b:s7+s20], $0x80, s11, s20, $0xb8;
	[tilespmem:$0x1A880] =	vst v63  }
0x44: {  	s14 =	simm.s32 $0x1100  }
0x45: {  	[spmem:s1] =	stream.indirect.scatter.add.f32 [tilespmem:s21], [sflag:$0x3], $0x80, s14, s20, $0xb8;
	[tilespmem:$0x1A880] =	vst v63  }
0x46: {  	_ =	swait.ge [sflag:s25], $0x2800  }
0x47: {  	[sflag:s25] =	ssyncset.done $0x0  }
0x48: {  	[sflag:s25] =	ssyncadd.s32 $0xFFFFD800  }
0x49: {  	_ =	swait.ge [sflag:s26], $0x2800  }
0x4a: {  	s16 =	simm.s32 $0x200;
	[sflag:s26] =	ssyncset.done $0x0  }
0x4b: {  	s9 =	simm.s32 $0xFFFFD800;
	s11 =	simm.s32 $0x1180;
	[sflag:s26] =	ssyncadd.s32 $0xFFFFD800  }
0x4c: {  	[tilespmem:s21], [sflag:$0x1] =	stream.indirect.gather [hbm4b:s7+s20], $0x80, s16, s20, $0xb8;
	[tilespmem:$0x1A880] =	vst v63  }
.LBB2_9:
0x4d: {  	[spmem:s1] =	stream.indirect.scatter.add.f32 [tilespmem:s24], [sflag:$0x4], $0x80, s11, s20, $0xb8;
	[tilespmem:$0x1A880] =	vst v63  }
0x4e: {  	s11 =	smov.u32 s9  }
0x4f: {  	p1 =	sne.s32 s9, $0xFFFFFC00;
	s9 =	sadd.s32 $0x400, s9;
	_ =	swait.ge [sflag:s22], $0x2800  }
0x50: {  	[sflag:s22] =	ssyncset.done $0x0  }
0x51: {  	[sflag:s22] =	ssyncadd.s32 $0xFFFFD800  }
0x52: {  	_ =	swait.ge [sflag:s30], $0x2800  }
0x53: {  	s11 =	sshra.s32 s11, $0x2;
	[sflag:s30] =	ssyncset.done $0x0  }
0x54: {  	s14 =	sadd.s32 $0xC80, s11;
	[sflag:s30] =	ssyncadd.s32 $0xFFFFD800  }
0x55: {  	[tilespmem:s24], [sflag:$0x2] =	stream.indirect.gather [hbm4b:s7+s20], $0x80, s14, s20, $0xb8;
	[tilespmem:$0x1A880] =	vst v63  }
0x56: {  	s14 =	sadd.s32 $0x1C00, s11  }
0x57: {  	[spmem:s1] =	stream.indirect.scatter.add.f32 [tilespmem:s21], [sflag:$0x3], $0x80, s14, s20, $0xb8;
	[tilespmem:$0x1A880] =	vst v63  }
0x58: {  	_ =	swait.ge [sflag:s25], $0x2800  }
0x59: {  	[sflag:s25] =	ssyncset.done $0x0  }
0x5a: {  	[sflag:s25] =	ssyncadd.s32 $0xFFFFD800  }
.Ltmp3:
0x5b: {  	_ =	swait.ge [sflag:s26], $0x2800;
	(pc) =	sbr.rel @p1 .LBB2_9-.Ltmp3, $4  }
0x5c: {  	[sflag:s26] =	ssyncset.done $0x0  }
0x5d: {  	s14 =	sadd.s32 $0xD00, s11;
	[sflag:s26] =	ssyncadd.s32 $0xFFFFD800  }
0x5e: {  	[tilespmem:s21], [sflag:$0x1] =	stream.indirect.gather [hbm4b:s7+s20], $0x80, s14, s20, $0xb8;
	[tilespmem:$0x1A880] =	vst v63  }
0x5f: {  	s11 =	sadd.s32 $0x1C80, s11  }
0x60: {  	[spmem:s1] =	stream.indirect.scatter.add.f32 [tilespmem:s24], [sflag:$0x4], $0x80, s11, s20, $0xb8;
	[tilespmem:$0x1A880] =	vst v63  }
0x61: {  	_ =	swait.ge [sflag:s22], $0x2800  }
0x62: {  	[sflag:s22] =	ssyncset.done $0x0  }
0x63: {  	s8 =	sadd.s32 $0x1, s8;
	[sflag:s22] =	ssyncadd.s32 $0xFFFFD800  }
0x64: {  	[spmem:s1] =	stream.indirect.scatter.add.f32 [tilespmem:s21], [sflag:$0x3], $0x80, s31, s20, $0xb8;
	[tilespmem:$0x1A880] =	vst v63  }
0x65: {  	p1 =	sne.s32 s8, $0x5;
	_ =	swait.ge [sflag:s30], $0x2800  }
.Ltmp4:
0x66: {  	[sflag:s30] =	ssyncset.done $0x0;
	(pc) =	sbr.rel @p1 .LBB2_8-.Ltmp4, $4  }
0x67: {  	[sflag:s30] =	ssyncadd.s32 $0xFFFFD800  }
0x68: {  	_ =	swait.ge [sflag:s26], $0x2800  }
0x69: {  	[sflag:s26] =	ssyncset.done $0x0  }
0x6a: {  	[sflag:s26] =	ssyncadd.s32 $0xFFFFD800  }
.Ltmp5:
0x6b: {  	(pc) =	sbr.rel .LBB2_12-.Ltmp5, $2  }
0x6c: {  	_ =	sdelay $0x2  }
0x6d: {  	s8 =	rddreg [dreg:$0x4];
	s16 =	smov.u32 s3  }
.LBB2_2:
0x6e: {  	s16 =	sor.u32 $0x1C05, s13;
	s8 =	rddreg [dreg:$0x5]  }
0x6f: {  	[spmem:s17], [sflag:s16] =	dma.local [hbm:s8], $0x2800  }
0x70: {  	_ =	swait.ge [sflag:s18], $0x2800  }
0x71: {  	[sflag:s18] =	ssyncset.done $0x0  }
0x72: {  	[sflag:s18] =	ssyncadd.s32 $0xFFFFD800  }
0x73: {  	s8 =	simm.s32 $0x0;
	[bflag:$0x0] =	sbarrier.arrive $0xFFFF  }
.LBB2_3:
0x74: {  	s9 =	sshll.u32 s8, $0xC  }
0x75: {  	s9 =	sadd.s32 s12, s9  }
0x76: {  	s9 =	sshrl.u32 s9, $0x3  }
0x77: {  	s11 =	sadd.s32 s4, s9  }
0x78: {  	[tilespmem:s2], [sflag:$0x5] =	stream.linear.gather [hbm4b:s11+s2], $0xC80, $0x38;
	[tilespmem:$0x1A880] =	vst v63  }
0x79: {  	_ =	swait.ge [sflag:s18], $0xC80  }
0x7a: {  	[sflag:s18] =	ssyncset.done $0x0  }
0x7b: {  	s9 =	sadd.s32 s5, s9;
	[sflag:s18] =	ssyncadd.s32 $0xFFFFF380  }
0x7c: {  	[tilespmem:s19], [sflag:$0x5] =	stream.linear.gather [hbm4b:s9+s2], $0xC80, $0x38;
	[tilespmem:$0x1A880] =	vst v63  }
0x7d: {  	_ =	swait.ge [sflag:s18], $0xC80  }
0x7e: {  	[sflag:s18] =	ssyncset.done $0x0  }
0x7f: {  	[sflag:s18] =	ssyncadd.s32 $0xFFFFF380  }
0x80: {  	[tilespmem:s21], [sflag:$0x1] =	stream.indirect.gather [hbm4b:s6+s20], $0x80, s2, s20, $0xb8;
	[tilespmem:$0x1A880] =	vst v63  }
0x81: {  	_ =	swait.ge [sflag:s22], $0x2800  }
0x82: {  	[sflag:s22] =	ssyncset.done $0x0  }
0x83: {  	[sflag:s22] =	ssyncadd.s32 $0xFFFFD800  }
0x84: {  	[tilespmem:s24], [sflag:$0x2] =	stream.indirect.gather [hbm4b:s6+s20], $0x80, s23, s20, $0xb8;
	[tilespmem:$0x1A880] =	vst v63  }
0x85: {  	_ = 	snop  }
0x86: {  	[spmem:s1] =	stream.indirect.scatter.add.f32 [tilespmem:s21], [sflag:$0x3], $0x80, s19, s20, $0xb8;
	[tilespmem:$0x1A880] =	vst v63  }
0x87: {  	_ =	swait.ge [sflag:s25], $0x2800  }
0x88: {  	[sflag:s25] =	ssyncset.done $0x0  }
0x89: {  	[sflag:s25] =	ssyncadd.s32 $0xFFFFD800  }
0x8a: {  	_ =	swait.ge [sflag:s26], $0x2800  }
0x8b: {  	[sflag:s26] =	ssyncset.done $0x0  }
0x8c: {  	[sflag:s26] =	ssyncadd.s32 $0xFFFFD800  }
0x8d: {  	[tilespmem:s21], [sflag:$0x1] =	stream.indirect.gather [hbm4b:s6+s20], $0x80, s28, s20, $0xb8;
	[tilespmem:$0x1A880] =	vst v63  }
0x8e: {  	_ = 	snop  }
0x8f: {  	[spmem:s1] =	stream.indirect.scatter.add.f32 [tilespmem:s24], [sflag:$0x4], $0x80, s29, s20, $0xb8;
	[tilespmem:$0x1A880] =	vst v63  }
0x90: {  	_ =	swait.ge [sflag:s22], $0x2800  }
0x91: {  	[sflag:s22] =	ssyncset.done $0x0  }
0x92: {  	[sflag:s22] =	ssyncadd.s32 $0xFFFFD800  }
0x93: {  	_ =	swait.ge [sflag:s30], $0x2800  }
0x94: {  	[sflag:s30] =	ssyncset.done $0x0  }
0x95: {  	s14 =	simm.s32 $0x180;
	[sflag:s30] =	ssyncadd.s32 $0xFFFFD800  }
0x96: {  	[tilespmem:s24], [sflag:$0x2] =	stream.indirect.gather [hbm4b:s6+s20], $0x80, s14, s20, $0xb8;
	[tilespmem:$0x1A880] =	vst v63  }
0x97: {  	s11 =	simm.s32 $0x1100  }
0x98: {  	[spmem:s1] =	stream.indirect.scatter.add.f32 [tilespmem:s21], [sflag:$0x3], $0x80, s11, s20, $0xb8;
	[tilespmem:$0x1A880] =	vst v63  }
0x99: {  	_ =	swait.ge [sflag:s25], $0x2800  }
0x9a: {  	[sflag:s25] =	ssyncset.done $0x0  }
0x9b: {  	[sflag:s25] =	ssyncadd.s32 $0xFFFFD800  }
0x9c: {  	_ =	swait.ge [sflag:s26], $0x2800  }
0x9d: {  	s9 =	simm.s32 $0xFFFFD800;
	[sflag:s26] =	ssyncset.done $0x0  }
0x9e: {  	s14 =	simm.s32 $0x200;
	s11 =	simm.s32 $0x1180;
	[sflag:s26] =	ssyncadd.s32 $0xFFFFD800  }
0x9f: {  	[tilespmem:s21], [sflag:$0x1] =	stream.indirect.gather [hbm4b:s6+s20], $0x80, s14, s20, $0xb8;
	[tilespmem:$0x1A880] =	vst v63  }
.LBB2_4:
0xa0: {  	[spmem:s1] =	stream.indirect.scatter.add.f32 [tilespmem:s24], [sflag:$0x4], $0x80, s11, s20, $0xb8;
	[tilespmem:$0x1A880] =	vst v63  }
0xa1: {  	s11 =	smov.u32 s9  }
0xa2: {  	p1 =	sne.s32 s9, $0xFFFFFC00;
	s9 =	sadd.s32 $0x400, s9;
	_ =	swait.ge [sflag:s22], $0x2800  }
0xa3: {  	[sflag:s22] =	ssyncset.done $0x0  }
0xa4: {  	[sflag:s22] =	ssyncadd.s32 $0xFFFFD800  }
0xa5: {  	_ =	swait.ge [sflag:s30], $0x2800  }
0xa6: {  	s11 =	sshra.s32 s11, $0x2;
	[sflag:s30] =	ssyncset.done $0x0  }
0xa7: {  	s14 =	sadd.s32 $0xC80, s11;
	[sflag:s30] =	ssyncadd.s32 $0xFFFFD800  }
0xa8: {  	[tilespmem:s24], [sflag:$0x2] =	stream.indirect.gather [hbm4b:s6+s20], $0x80, s14, s20, $0xb8;
	[tilespmem:$0x1A880] =	vst v63  }
0xa9: {  	s14 =	sadd.s32 $0x1C00, s11  }
0xaa: {  	[spmem:s1] =	stream.indirect.scatter.add.f32 [tilespmem:s21], [sflag:$0x3], $0x80, s14, s20, $0xb8;
	[tilespmem:$0x1A880] =	vst v63  }
0xab: {  	_ =	swait.ge [sflag:s25], $0x2800  }
0xac: {  	[sflag:s25] =	ssyncset.done $0x0  }
0xad: {  	[sflag:s25] =	ssyncadd.s32 $0xFFFFD800  }
.Ltmp6:
0xae: {  	_ =	swait.ge [sflag:s26], $0x2800;
	(pc) =	sbr.rel @p1 .LBB2_4-.Ltmp6, $4  }
0xaf: {  	[sflag:s26] =	ssyncset.done $0x0  }
0xb0: {  	s14 =	sadd.s32 $0xD00, s11;
	[sflag:s26] =	ssyncadd.s32 $0xFFFFD800  }
0xb1: {  	[tilespmem:s21], [sflag:$0x1] =	stream.indirect.gather [hbm4b:s6+s20], $0x80, s14, s20, $0xb8;
	[tilespmem:$0x1A880] =	vst v63  }
0xb2: {  	s11 =	sadd.s32 $0x1C80, s11  }
0xb3: {  	[spmem:s1] =	stream.indirect.scatter.add.f32 [tilespmem:s24], [sflag:$0x4], $0x80, s11, s20, $0xb8;
	[tilespmem:$0x1A880] =	vst v63  }
0xb4: {  	_ =	swait.ge [sflag:s22], $0x2800  }
0xb5: {  	[sflag:s22] =	ssyncset.done $0x0  }
0xb6: {  	s8 =	sadd.s32 $0x1, s8;
	[sflag:s22] =	ssyncadd.s32 $0xFFFFD800  }
0xb7: {  	[spmem:s1] =	stream.indirect.scatter.add.f32 [tilespmem:s21], [sflag:$0x3], $0x80, s31, s20, $0xb8;
	[tilespmem:$0x1A880] =	vst v63  }
0xb8: {  	p1 =	seq.s32 s8, $0x5;
	_ =	swait.ge [sflag:s30], $0x2800  }
.Ltmp7:
0xb9: {  	[sflag:s30] =	ssyncset.done $0x0;
	(pc) =	sbr.rel @!p1 .LBB2_3-.Ltmp7, $4  }
0xba: {  	[sflag:s30] =	ssyncadd.s32 $0xFFFFD800  }
0xbb: {  	_ =	swait.ge [sflag:s26], $0x2800  }
0xbc: {  	[sflag:s26] =	ssyncset.done $0x0  }
0xbd: {  	[sflag:s26] =	ssyncadd.s32 $0xFFFFD800  }
.Ltmp8:
0xbe: {  	(pc) =	sbr.rel .LBB2_12-.Ltmp8, $2  }
0xbf: {  	_ =	sdelay $0x2  }
0xc0: {  	s8 =	rddreg [dreg:$0x3]  }
.LBB2_13:
0xc1: {  	_ =	sfence.sel $0x180000  }
0xc2: {  	[bflag:$0x0] =	sbarrier.arrive $0xFFFF  }
0xc3: {  	_ =	strace $0x9000004A  }
0xc4: {  	s0 =	stileid.u32;
	[bflag:$0x2] =	sbarrier.arrive $0xFFFF  }
0xc5: {  	p0 =	sne.s32 s0, $0x0;
	s0 =	rddreg [dreg:$0x2]  }
0xc6: {  	s0 =	sadd.s32 @!p0 $0x100000, s0  }
0xc7: {  	[sflag:s0] =	ssyncadd.tile.s32 @!p0 $0x1;
	_ =	shalt  }
.Lfunc_end2:
_tile_overlayer_lowered:
.L_overlay_start_2:
0xc8: {  	(tag) =	ssettag $0x2  }
0xc9: {  	s0 =	rddreg [dreg:$0x0];
	s2 =	stileid.u32  }
0xca: {  	s1 =	rddreg [dreg:$0x1];
	p0 =	sne.s32 s2, $0x0  }
0xcb: {  	s3 =	rddreg [dreg:$0x2];
	[bflag:$0x3] =	sbarrier.arrive $0xFFFF;
	s2 =	simm.s32 @!p0 $0x1C05  }
0xcc: {  	[timem:s3], [sflag:s2] =	dma.local @!p0 [hbm:s0], s1  }
0xcd: {  	s0 =	simm.s32 @!p0 $0x5  }
0xce: {  	_ =	swait.ge @!p0 [sflag:s0], s1  }
0xcf: {  	s1 =	ssub.s32 @!p0 $0x0, s1;
	[sflag:s0] =	ssyncset.done @!p0 $0x0  }
0xd0: {  	[sflag:s0] =	ssyncadd.s32 @!p0 s1  }
0xd1: {  	[bflag:$0x3] =	sbarrier.arrive $0xFFFF  }
0xd2: {  	_ =	shalt  }

// kernel: kernel.21.cloned.1.call-start
scs
__scs_entry_jumppad:
0x0: {  	(pc) =	sbr.rel $0x88, $3  }
0x1: {  	(tag) =	ssettag $0x0;
	lr =	simm.s32 $0x1  }
0x2: {  	[smem:$0x3F88] =	sst lr;
	_ =	strace $0xD0000000  }
0x3: {  	_ = 	snop  }
0x4: {  	_ = 	snop  }
0x5: {  	_ = 	snop  }
0x6: {  	_ = 	snop  }
0x7: {  	_ = 	snop  }
__scs_overlays_trampoline_lowered:
0x8: {  	[smem:$0x3F97] =	sst s0  }
0x9: {  	[smem:$0x3F98] =	sst s1  }
0xa: {  	[smem:$0x3F99] =	sst s2  }
0xb: {  	[smem:$0x3F9A] =	sst s3  }
0xc: {  	[smem:$0x3F9B] =	sst s4  }
0xd: {  	[smem:$0x3F9C] =	sst s5  }
0xe: {  	[smem:$0x3F9D] =	sst s6  }
0xf: {  	[smem:$0x3F9E] =	sst s7  }
0x10: {  	[smem:$0x3F9F] =	sst s8  }
0x11: {  	[smem:$0x3FA0] =	sst s9;
	s0 =	simm.s32 @!p0 $0x0  }
0x12: {  	s1 =	sld [smem:$0x3F86];
	s0 =	simm.s32 @p0 $0x1  }
0x13: {  	[smem:$0x3FA1] =	sst s0;
	s0 =	simm.s32 @!p1 $0x0  }
0x14: {  	s2 =	sld [smem:$0x3F85];
	s0 =	simm.s32 @p1 $0x1  }
0x15: {  	[smem:$0x3FA2] =	sst s0;
	s0 =	simm.s32 @!p2 $0x0  }
0x16: {  	s3 =	sld [smem:$0x3FDB];
	s0 =	simm.s32 @p2 $0x1  }
0x17: {  	s4 =	simm.s32 $0x1BF5;
	[smem:$0x3FA4] =	sst s0  }
0x18: {  	s0 =	sld [smem:$0x3F87];
	_ =	swait.ge [sflag:s4], $0x0  }
0x19: {  	s7 =	sld [smem:$0x3F88]  }
0x1a: {  	s8 =	sadd.s32 $0xFFFFE003, lr  }
0x1b: {  	s9 =	sadd.s32 $0xFFFFFEF7, lr;
	s5 =	simm.s32 $0xFFFFFFFF;
	p2 =	slt.u32 s8, $0xFFFFF086  }
0x1c: {  	p1 =	slt.u32 s9, $0xF7A;
	s5 =	simm.s32 @!p2 $0x0  }
0x1d: {  	s5 =	simm.s32 @p1 $0x1;
	p0 =	seq.s32 s7, s2  }
0x1e: {  	s7 =	smul.u32 @!p0 $0xF7A, s2;
	p2 =	seq.s32 @!p0 s5, $0x0  }
0x1f: {  	s9 =	smul.u32 $0xF7A, s1;
	s8 =	simm.s32 @!p0 $0x1BF5;
	p2 =	por !p2, p0  }
0x20: {  	[sflag:s8] =	ssyncset.s32 @!p0 $0xFFFFF086;
	s6 =	sadd.s32 @!p0 s3, s7;
	s7 =	simm.s32 @!p0 $0x108  }
0x21: {  	s3 =	sadd.s32 s3, s9;
	s6 =	sadd.s32 @!p0 $0x88, s6;
	s7 =	simm.s32 @p2 $0x1082  }
0x22: {  	[simem:s7], [sflag:s8] =	dma.local @!p0 [hbm:s6], $0xF7A  }
0x23: {  	s9 =	sor.u32 $0xD0000000, s2;
	s6 =	simm.s32 $0x108;
	_ =	swait.ge @!p0 [sflag:s8], $0x0  }
0x24: {  	s3 =	sadd.s32 $0x88, s3;
	s6 =	simm.s32 @!p1 $0x1082;
	[sflag:s4] =	ssyncset.s32 $0xFFFFF086  }
0x25: {  	[simem:s6], [sflag:s4] =	dma.local [hbm:s3], $0xF7A  }
0x26: {  	[smem:$0x3F88] =	sst s1;
	(tag) =	ssettag s2;
	_ =	strace s9  }
0x27: {  	s1 =	sld [smem:$0x3F98]  }
0x28: {  	s2 =	sld [smem:$0x3F99]  }
0x29: {  	s4 =	sld [smem:$0x3F9B]  }
0x2a: {  	p0 =	seq.s32 s5, $0x0;
	s5 =	sld [smem:$0x3F9C]  }
0x2b: {  	s6 =	sld [smem:$0x3F9D]  }
0x2c: {  	s7 =	sld [smem:$0x3F9E]  }
0x2d: {  	s3 =	simm.s32 $0x108;
	s8 =	sld [smem:$0x3F9F]  }
0x2e: {  	s3 =	simm.s32 @!p0 $0x1082;
	s9 =	sld [smem:$0x3FA0]  }
0x2f: {  	lr =	sadd.s32 s0, s3;
	s0 =	sld [smem:$0x3F97]  }
0x30: {  	s3 =	sld [smem:$0x3F9A]  }
0x31: {  	[smem:$0x3FA3] =	sst s10  }
0x32: {  	s10 =	sld [smem:$0x3FA1];
	_ =	sdelay $0x3  }
0x33: {  	p0 =	seq.s32 s10, $0x1;
	s10 =	sld [smem:$0x3FA3];
	_ =	sdelay $0x3  }
0x34: {  	[smem:$0x3FA3] =	sst s10  }
0x35: {  	s10 =	sld [smem:$0x3FA2];
	_ =	sdelay $0x3  }
0x36: {  	p1 =	seq.s32 s10, $0x1;
	s10 =	sld [smem:$0x3FA3];
	_ =	sdelay $0x3  }
0x37: {  	[smem:$0x3FA3] =	sst s10  }
0x38: {  	s10 =	sld [smem:$0x3FA4]  }
0x39: {  	_ = 	snop;
	(pc) =	sbr.ind lr, $3  }
0x3a: {  	_ = 	snop  }
0x3b: {  	_ = 	snop  }
0x3c: {  	p2 =	seq.s32 s10, $0x1;
	s10 =	sld [smem:$0x3FA3]  }
0x3d: {  	_ =	shalt  }
0x3e: {  	_ =	shalt  }
0x3f: {  	_ =	shalt  }
0x40: {  	_ =	shalt  }
0x41: {  	_ =	shalt  }
0x42: {  	_ =	shalt  }
0x43: {  	_ =	shalt  }
0x44: {  	_ =	shalt  }
0x45: {  	_ =	shalt  }
0x46: {  	_ =	shalt  }
0x47: {  	_ =	shalt  }
0x48: {  	_ =	shalt  }
0x49: {  	_ =	shalt  }
0x4a: {  	_ =	shalt  }
0x4b: {  	_ =	shalt  }
0x4c: {  	_ =	shalt  }
0x4d: {  	_ =	shalt  }
0x4e: {  	_ =	shalt  }
0x4f: {  	_ =	shalt  }
0x50: {  	_ =	shalt  }
0x51: {  	_ =	shalt  }
0x52: {  	_ =	shalt  }
0x53: {  	_ =	shalt  }
0x54: {  	_ =	shalt  }
0x55: {  	_ =	shalt  }
0x56: {  	_ =	shalt  }
0x57: {  	_ =	shalt  }
0x58: {  	_ =	shalt  }
0x59: {  	_ =	shalt  }
0x5a: {  	_ =	shalt  }
0x5b: {  	_ =	shalt  }
0x5c: {  	_ =	shalt  }
0x5d: {  	_ =	shalt  }
0x5e: {  	_ =	shalt  }
0x5f: {  	_ =	shalt  }
0x60: {  	_ =	shalt  }
0x61: {  	_ =	shalt  }
0x62: {  	_ =	shalt  }
0x63: {  	_ =	shalt  }
0x64: {  	_ =	shalt  }
0x65: {  	_ =	shalt  }
0x66: {  	_ =	shalt  }
0x67: {  	_ =	shalt  }
0x68: {  	_ =	shalt  }
0x69: {  	_ =	shalt  }
0x6a: {  	_ =	shalt  }
0x6b: {  	_ =	shalt  }
0x6c: {  	_ =	shalt  }
0x6d: {  	_ =	shalt  }
0x6e: {  	_ =	shalt  }
0x6f: {  	_ =	shalt  }
0x70: {  	_ =	shalt  }
0x71: {  	_ =	shalt  }
0x72: {  	_ =	shalt  }
0x73: {  	_ =	shalt  }
0x74: {  	_ =	shalt  }
0x75: {  	_ =	shalt  }
0x76: {  	_ =	shalt  }
0x77: {  	_ =	shalt  }
0x78: {  	_ =	shalt  }
0x79: {  	_ =	shalt  }
0x7a: {  	_ =	shalt  }
0x7b: {  	_ =	shalt  }
0x7c: {  	_ =	shalt  }
0x7d: {  	_ =	shalt  }
0x7e: {  	_ =	shalt  }
0x7f: {  	_ =	shalt  }
0x80: {  	_ =	shalt  }
0x81: {  	_ =	shalt  }
0x82: {  	_ =	shalt  }
0x83: {  	_ =	shalt  }
0x84: {  	_ =	shalt  }
0x85: {  	_ =	shalt  }
0x86: {  	_ =	shalt  }
0x87: {  	_ =	shalt  }
.Lfunc_end0:
.L_simem_size_0:
called_computation.2_lowered:
.L_overlay_start_0:
0x88: {  	s2 =	sld [smem:$0x3FD9]  }
0x89: {  	s3 =	sld [smem:$0x3FFE];
	_ =	sdelay $0x1  }
0x8a: {  	s1 =	srdreg.scid  }
0x8b: {  	s0 =	sand.u32 $0x1, s1  }
0x8c: {  	s16 =	sshll.u32 s0, $0xA;
	s2 =	sadd.s32 s3, s2  }
0x8d: {  	s2 =	sadd.s32 s2, s16  }
0x8e: {  	[smem:$0x3FAF] =	sst s2  }
0x8f: {  	_ = 	snop  }
0x90: {  	(tm) =	ssettm $0x1  }
0x91: {  	s17 =	sld [smem:$0x3FFB];
	_ =	sdelay $0x3  }
0x92: {  	_ =	strace s17  }
0x93: {  	s2 =	sld [smem:$0x3FFC];
	_ =	sdelay $0x3  }
0x94: {  	_ =	strace s2  }
0x95: {  	s2 =	sld [smem:$0x3FFD];
	_ =	sdelay $0x3  }
0x96: {  	_ =	strace s2  }
0x97: {  	_ =	strace $0x8FFFFFFF  }
0x98: {  	s18 =	sld [smem:$0x3FDB];
	_ =	sdelay $0x1  }
0x99: {  	s19 =	simm.s32 $_scs_section_size  }
0x9a: {  	s4 =	simm.s32 $_size__tile_overlayer_lowered;
	s5 =	simm.s32 $_tile_overlayer_lowered  }
0x9b: {  	s22 =	simm.s32 $0x1BFF;
	s21 =	sshll.u32 s5, $0x1;
	s2 =	sadd.s32 s19, s18  }
0x9c: {  	s6 =	simm.s32 $0x0;
	s20 =	sshll.u32 s4, $0x1;
	s4 =	sadd.s32 s21, s2  }
0x9d: {  	[timem:s6], [sflag:s22] =	dma.local [hbm:s4], s20  }
0x9e: {  	_ =	swait.ge [sflag:s22], s20  }
0x9f: {  	s3 =	ssub.s32 $0x0, s20;
	[sflag:s22] =	ssyncset.done $0x0  }
0xa0: {  	[sflag:s22] =	ssyncadd.s32 s3;
	_ =	sdelay $0x1  }
0xa1: {  	s23 =	simm.s32 $0x1B8B  }
0xa2: {  	_ =	swait.ge [sflag:s23], $0x1  }
0xa3: {  	[sflag:s23] =	ssyncset.done $0x0  }
0xa4: {  	s25 =	simm.s32 $0x1B8E;
	s24 =	sld [smem:$0x3FFE];
	[sflag:s23] =	ssyncadd.s32 $0xFFFFFFFF  }
0xa5: {  	s26 =	simm.s32 $execute0_lowered;
	[smem:$0x3FD2] =	sst s25  }
0xa6: {  	s4 =	sshll.u32 s26, $0x1;
	_ =	strace $0x8000004C;
	[dreg:$0x1] =	wrdreg $0xFFFFFFFF  }
0xa7: {  	s28 =	simm.s32 $_size_execute0_lowered;
	s2 =	sadd.s32 s2, s4;
	[dreg:$0x0] =	wrdreg $0x0  }
0xa8: {  	s4 =	sshll.u32 s28, $0x1;
	[dreg:$0x2] =	wrdreg s2  }
0xa9: {  	[dreg:$0x3] =	wrdreg s4  }
0xaa: {  	[dreg:$0x4] =	wrdreg $0xC0  }
0xab: {  	_ =	task [dreg:s6], $0x5FFFF  }
0xac: {  	[dreg:$0x1] =	wrdreg $0xFFFFFFFF  }
0xad: {  	[dreg:$0x0] =	wrdreg $0x60  }
0xae: {  	[dreg:$0x2] =	wrdreg s24  }
0xaf: {  	[dreg:$0x3] =	wrdreg $0x70000  }
0xb0: {  	[dreg:$0x4] =	wrdreg $0x9  }
0xb1: {  	_ =	task.clear_ibuf [dreg:s6], $0x5FFFF;
	_ =	strace $0x9000004C  }
0xb2: {  	s29 =	simm.s32 $0x9;
	_ =	strace $0x8000004E  }
0xb3: {  	_ =	swait.ge [sflag:s29], $0x1  }
0xb4: {  	[sflag:s29] =	ssyncadd.s32 $0xFFFFFFFF  }
0xb5: {  	_ =	strace $0x9000004E  }
0xb6: {  	_ =	sfence  }
0xb7: {  	s30 =	sld [smem:$0x0];
	_ =	sdelay $0x2  }
0xb8: {  	s31 =	sshll.u32 s1, $0xD;
	s1 =	sshrl.u32 s1, $0x2  }
0xb9: {  	s3 =	sand.u32 $0x4000, s31;
	s1 =	sadd.s32 s1, s30  }
0xba: {  	s0 =	sor.u32 s3, s0;
	s1 =	sshll.u32 s1, $0x11  }
0xbb: {  	s0 =	sor.u32 s1, s0  }
0xbc: {  	s0 =	sadd.s32 $0x8F2B, s0  }
0xbd: {  	[sflag:s0] =	ssyncadd.remote.s32 $0x1  }
0xbe: {  	_ =	sfence.sel $0xFFFF  }
0xbf: {  	[dreg:$0x0] =	wrdreg $0xFFFFFFFF;
	(pc) =	sbr.abs _section_cstart, $3  }
0xc0: {  	[dreg:$0x1] =	wrdreg $0xFFFFFFFF  }
0xc1: {  	_ =	task.clear_ibuf [dreg:s6], $0x2FFFF;
	_ =	strace $0x9FFFFFFF  }
0xc2: {  	(tm) =	ssettm $0x7FFFFFFF  }
0xc3: {  	_ =	shalt  }
tec
execute0_lowered:
.L_overlay_start_1:
0x0: {  	(tag) =	ssettag $0x1  }
0x1: {  	s0 =	rddreg [dreg:$0x0]  }
0x2: {  	s1 =	rddreg [dreg:$0x1];
	s2 =	simm.s32 $0x0;
	s15 =	stileid.u32  }
0x3: {  	s3 =	srdreg.scid;
	s28 =	simm.s32 $0x2000;
	s29 =	simm.s32 $0x1  }
0x4: {  	s30 =	simm.s32 $0x80;
	s31 =	simm.s32 $0x4800;
	s16 =	simm.s32 $0x0  }
0x5: {  	[smem:$0x7FF] =	sst s2;
	s4 =	sadd.s32 $0x97A00, s0;
	s5 =	sadd.s32 $0x8DA00, s0  }
0x6: {  	s6 =	sadd.s32 $0x2F400, s0;
	s7 =	sadd.s32 $0x56600, s0;
	s8 =	sadd.s32 $0xA1A00, s0  }
0x7: {  	s9 =	smul.u32 $0x2700, s15;
	s3 =	sand.u32 $0x1, s3;
	s10 =	sadd.s32 $0xC8C00, s0  }
0x8: {  	s12 =	smul.u32 $0x4E000, s15;
	s14 =	sadd.s32 $0x13E200, s0;
	s26 =	sshll.u32 s15, $0x6  }
0x9: {  	_ =	strace $0x8000004D;
	s11 =	ssub.s32 $0x2, s3;
	[dreg:$0x3] =	wrdreg s14  }
0xa: {  	s14 =	smul.u32 $0x5000, s15;
	p0 =	sne.s32 s3, $0x0;
	[dreg:$0xb] =	wrdreg s26  }
0xb: {  	s3 =	simm.s32 $0x3;
	s15 =	simm.s32 $0x1C00;
	s13 =	sadd.s32 s9, s0  }
0xc: {  	s17 =	sshrl.u32 s11, $0x1;
	s0 =	sadd.s32 $0x165400, s0;
	s19 =	sshrl.u32 s12, $0x2  }
0xd: {  	s20 =	sadd.s32 s7, s9;
	s22 =	sadd.s32 s6, s9;
	[dreg:$0x4] =	wrdreg s0  }
0xe: {  	s24 =	sadd.s32 s8, s9;
	s25 =	sadd.s32 s10, s9;
	[dreg:$0x5] =	wrdreg s20  }
0xf: {  	s12 =	simm.s32 $0x4;
	s18 =	ssub.s32 s11, s17;
	[dreg:$0x7] =	wrdreg s22  }
0x10: {  	s11 =	sadd.s32 s19, s1;
	s21 =	sadd.s32 $0x117000, s13;
	[dreg:$0x9] =	wrdreg s24  }
.Ltmp0:
0x11: {  	s23 =	sadd.s32 $0xEFE00, s13;
	[dreg:$0xa] =	wrdreg s25;
	(pc) =	sbr.rel .LBB2_1-.Ltmp0, $4  }
0x12: {  	s17 =	sor.u32 $0x1C05, s26;
	s24 =	simm.s32 $0x5;
	s25 =	simm.s32 $0x1000  }
0x13: {  	s26 =	simm.s32 $0x50;
	s13 =	simm.s32 $0x1080;
	[dreg:$0x6] =	wrdreg s21  }
0x14: {  	[dreg:$0x8] =	wrdreg s23;
	s0 =	smax.u32 s18, $0x1;
	s23 =	sshrl.u32 s11, $0x3  }
0x15: {  	s11 =	simm.s32 $0x100;
	[dreg:$0xc] =	wrdreg s0;
	s0 =	simm.s32 $0x2  }
.LBB2_20:
0x16: {  	s18 =	sadd.s32 s18, s9;
	[bflag:$0x0] =	sbarrier.arrive $0xFFFF  }
0x17: {  	[hbm:s18], [sflag:s22] =	dma.local [spmem:s23], $0x2800  }
0x18: {  	_ =	swait.ge [sflag:s24], $0x2800  }
0x19: {  	s16 =	sadd.s32 $0x1, s16;
	s22 =	rddreg [dreg:$0xc]  }
0x1a: {  	p1 =	sne.s32 s16, s22  }
.Ltmp1:
0x1b: {  	_ = 	snop;
	(pc) =	sbr.rel @!p1 .LBB2_21-.Ltmp1, $3  }
0x1c: {  	[sflag:s24] =	ssyncset.done $0x0  }
0x1d: {  	[sflag:s24] =	ssyncadd.s32 $0xFFFFD800  }
0x1e: {  	[bflag:$0x0] =	sbarrier.arrive $0xFFFF;
	_ =	sdelay $0x1  }
.LBB2_1:
.Ltmp2:
0x1f: {  	(pc) =	sbr.rel @p0 .LBB2_11-.Ltmp2, $1  }
0x20: {  	_ =	sdelay $0x3  }
0x21: {  	s18 =	rddreg [dreg:$0x7]  }
0x22: {  	[spmem:s23], [sflag:s17] =	dma.local [hbm:s18], $0x2800  }
0x23: {  	_ =	swait.ge [sflag:s24], $0x2800  }
0x24: {  	[sflag:s24] =	ssyncset.done $0x0  }
0x25: {  	[sflag:s24] =	ssyncadd.s32 $0xFFFFD800  }
0x26: {  	s22 =	simm.s32 $0x0;
	[bflag:$0x0] =	sbarrier.arrive $0xFFFF  }
.LBB2_3:
0x27: {  	s18 =	sshll.u32 s22, $0xC  }
0x28: {  	s18 =	sadd.s32 s14, s18  }
0x29: {  	s18 =	sshrl.u32 s18, $0x3  }
0x2a: {  	s19 =	sadd.s32 s4, s18  }
0x2b: {  	[tilespmem:s2], [sflag:$0x5] =	stream.linear.gather [hbm4b:s19+s2], $0xC80, $0x38;
	[tilespmem:$0x1A880] =	vst v63  }
0x2c: {  	_ =	swait.ge [sflag:s24], $0xC80  }
0x2d: {  	[sflag:s24] =	ssyncset.done $0x0  }
0x2e: {  	s18 =	sadd.s32 s5, s18;
	[sflag:s24] =	ssyncadd.s32 $0xFFFFF380  }
0x2f: {  	[tilespmem:s25], [sflag:$0x5] =	stream.linear.gather [hbm4b:s18+s2], $0xC80, $0x38;
	[tilespmem:$0x1A880] =	vst v63  }
0x30: {  	_ =	swait.ge [sflag:s24], $0xC80  }
0x31: {  	[sflag:s24] =	ssyncset.done $0x0  }
0x32: {  	[sflag:s24] =	ssyncadd.s32 $0xFFFFF380  }
0x33: {  	[tilespmem:s28], [sflag:$0x1] =	stream.indirect.gather [hbm4b:s6+s26], $0x80, s2, s26, $0xb8;
	[tilespmem:$0x1A880] =	vst v63  }
0x34: {  	_ =	swait.ge [sflag:s29], $0x2800  }
0x35: {  	[sflag:s29] =	ssyncset.done $0x0  }
0x36: {  	[sflag:s29] =	ssyncadd.s32 $0xFFFFD800  }
0x37: {  	[tilespmem:s31], [sflag:$0x2] =	stream.indirect.gather [hbm4b:s6+s26], $0x80, s30, s26, $0xb8;
	[tilespmem:$0x1A880] =	vst v63  }
0x38: {  	_ = 	snop  }
0x39: {  	[spmem:s1] =	stream.indirect.scatter.add.f32 [tilespmem:s28], [sflag:$0x3], $0x80, s25, s26, $0xb8;
	[tilespmem:$0x1A880] =	vst v63  }
0x3a: {  	_ =	swait.ge [sflag:s0], $0x2800  }
0x3b: {  	[sflag:s0] =	ssyncset.done $0x0  }
0x3c: {  	[sflag:s0] =	ssyncadd.s32 $0xFFFFD800  }
0x3d: {  	_ =	swait.ge [sflag:s3], $0x2800  }
0x3e: {  	[sflag:s3] =	ssyncset.done $0x0  }
0x3f: {  	[sflag:s3] =	ssyncadd.s32 $0xFFFFD800  }
0x40: {  	[tilespmem:s28], [sflag:$0x1] =	stream.indirect.gather [hbm4b:s6+s26], $0x80, s11, s26, $0xb8;
	[tilespmem:$0x1A880] =	vst v63  }
0x41: {  	_ = 	snop  }
0x42: {  	[spmem:s1] =	stream.indirect.scatter.add.f32 [tilespmem:s31], [sflag:$0x4], $0x80, s13, s26, $0xb8;
	[tilespmem:$0x1A880] =	vst v63  }
0x43: {  	_ =	swait.ge [sflag:s29], $0x2800  }
0x44: {  	[sflag:s29] =	ssyncset.done $0x0  }
0x45: {  	[sflag:s29] =	ssyncadd.s32 $0xFFFFD800  }
0x46: {  	_ =	swait.ge [sflag:s12], $0x2800  }
0x47: {  	[sflag:s12] =	ssyncset.done $0x0  }
0x48: {  	s19 =	simm.s32 $0x180;
	[sflag:s12] =	ssyncadd.s32 $0xFFFFD800  }
0x49: {  	[tilespmem:s31], [sflag:$0x2] =	stream.indirect.gather [hbm4b:s6+s26], $0x80, s19, s26, $0xb8;
	[tilespmem:$0x1A880] =	vst v63  }
0x4a: {  	s20 =	simm.s32 $0x1100  }
0x4b: {  	[spmem:s1] =	stream.indirect.scatter.add.f32 [tilespmem:s28], [sflag:$0x3], $0x80, s20, s26, $0xb8;
	[tilespmem:$0x1A880] =	vst v63  }
0x4c: {  	_ =	swait.ge [sflag:s0], $0x2800  }
0x4d: {  	[sflag:s0] =	ssyncset.done $0x0  }
0x4e: {  	[sflag:s0] =	ssyncadd.s32 $0xFFFFD800  }
0x4f: {  	_ =	swait.ge [sflag:s3], $0x2800  }
0x50: {  	s21 =	simm.s32 $0x200;
	[sflag:s3] =	ssyncset.done $0x0  }
0x51: {  	s18 =	simm.s32 $0xFFFFD800;
	s19 =	simm.s32 $0x1180;
	[sflag:s3] =	ssyncadd.s32 $0xFFFFD800  }
0x52: {  	[tilespmem:s28], [sflag:$0x1] =	stream.indirect.gather [hbm4b:s6+s26], $0x80, s21, s26, $0xb8;
	[tilespmem:$0x1A880] =	vst v63  }
.LBB2_4:
0x53: {  	[spmem:s1] =	stream.indirect.scatter.add.f32 [tilespmem:s31], [sflag:$0x4], $0x80, s19, s26, $0xb8;
	[tilespmem:$0x1A880] =	vst v63  }
0x54: {  	s19 =	smov.u32 s18  }
0x55: {  	p1 =	sne.s32 s18, $0xFFFFFC00;
	s18 =	sadd.s32 $0x400, s18;
	_ =	swait.ge [sflag:s29], $0x2800  }
0x56: {  	[sflag:s29] =	ssyncset.done $0x0  }
0x57: {  	[sflag:s29] =	ssyncadd.s32 $0xFFFFD800  }
0x58: {  	_ =	swait.ge [sflag:s12], $0x2800  }
0x59: {  	s19 =	sshra.s32 s19, $0x2;
	[sflag:s12] =	ssyncset.done $0x0  }
0x5a: {  	s20 =	sadd.s32 $0xC80, s19;
	[sflag:s12] =	ssyncadd.s32 $0xFFFFD800  }
0x5b: {  	[tilespmem:s31], [sflag:$0x2] =	stream.indirect.gather [hbm4b:s6+s26], $0x80, s20, s26, $0xb8;
	[tilespmem:$0x1A880] =	vst v63  }
0x5c: {  	s20 =	sadd.s32 $0x1C00, s19  }
0x5d: {  	[spmem:s1] =	stream.indirect.scatter.add.f32 [tilespmem:s28], [sflag:$0x3], $0x80, s20, s26, $0xb8;
	[tilespmem:$0x1A880] =	vst v63  }
0x5e: {  	_ =	swait.ge [sflag:s0], $0x2800  }
0x5f: {  	[sflag:s0] =	ssyncset.done $0x0  }
0x60: {  	[sflag:s0] =	ssyncadd.s32 $0xFFFFD800  }
.Ltmp3:
0x61: {  	_ =	swait.ge [sflag:s3], $0x2800;
	(pc) =	sbr.rel @p1 .LBB2_4-.Ltmp3, $4  }
0x62: {  	[sflag:s3] =	ssyncset.done $0x0  }
0x63: {  	s20 =	sadd.s32 $0xD00, s19;
	[sflag:s3] =	ssyncadd.s32 $0xFFFFD800  }
0x64: {  	[tilespmem:s28], [sflag:$0x1] =	stream.indirect.gather [hbm4b:s6+s26], $0x80, s20, s26, $0xb8;
	[tilespmem:$0x1A880] =	vst v63  }
0x65: {  	s19 =	sadd.s32 $0x1C80, s19  }
0x66: {  	[spmem:s1] =	stream.indirect.scatter.add.f32 [tilespmem:s31], [sflag:$0x4], $0x80, s19, s26, $0xb8;
	[tilespmem:$0x1A880] =	vst v63  }
0x67: {  	_ =	swait.ge [sflag:s29], $0x2800  }
0x68: {  	[sflag:s29] =	ssyncset.done $0x0  }
0x69: {  	s22 =	sadd.s32 $0x1, s22;
	[sflag:s29] =	ssyncadd.s32 $0xFFFFD800  }
0x6a: {  	[spmem:s1] =	stream.indirect.scatter.add.f32 [tilespmem:s28], [sflag:$0x3], $0x80, s15, s26, $0xb8;
	[tilespmem:$0x1A880] =	vst v63  }
0x6b: {  	p1 =	sne.s32 s22, $0x5;
	_ =	swait.ge [sflag:s12], $0x2800  }
.Ltmp4:
0x6c: {  	[sflag:s12] =	ssyncset.done $0x0;
	(pc) =	sbr.rel @p1 .LBB2_3-.Ltmp4, $4  }
0x6d: {  	[sflag:s12] =	ssyncadd.s32 $0xFFFFD800  }
0x6e: {  	_ =	swait.ge [sflag:s3], $0x2800  }
0x6f: {  	[sflag:s3] =	ssyncset.done $0x0  }
0x70: {  	[sflag:s3] =	ssyncadd.s32 $0xFFFFD800  }
0x71: {  	[bflag:$0x0] =	sbarrier.arrive $0xFFFF  }
0x72: {  	s18 =	rddreg [dreg:$0x8]  }
0x73: {  	[hbm:s18], [sflag:s17] =	dma.local [spmem:s23], $0x2800  }
0x74: {  	_ =	swait.ge [sflag:s24], $0x2800  }
0x75: {  	[sflag:s24] =	ssyncset.done $0x0  }
0x76: {  	[sflag:s24] =	ssyncadd.s32 $0xFFFFD800  }
0x77: {  	[bflag:$0x0] =	sbarrier.arrive $0xFFFF  }
0x78: {  	s22 =	rddreg [dreg:$0x9]  }
0x79: {  	[spmem:s23], [sflag:s17] =	dma.local [hbm:s22], $0x2800  }
0x7a: {  	_ =	swait.ge [sflag:s24], $0x2800  }
0x7b: {  	[sflag:s24] =	ssyncset.done $0x0  }
0x7c: {  	[sflag:s24] =	ssyncadd.s32 $0xFFFFD800  }
0x7d: {  	s18 =	simm.s32 $0x0;
	[bflag:$0x0] =	sbarrier.arrive $0xFFFF  }
.LBB2_7:
0x7e: {  	s19 =	sshll.u32 s18, $0xC  }
0x7f: {  	s19 =	sadd.s32 s14, s19  }
0x80: {  	s19 =	sshrl.u32 s19, $0x3  }
0x81: {  	s20 =	sadd.s32 s4, s19  }
0x82: {  	[tilespmem:s2], [sflag:$0x5] =	stream.linear.gather [hbm4b:s20+s2], $0xC80, $0x38;
	[tilespmem:$0x1A880] =	vst v63  }
0x83: {  	_ =	swait.ge [sflag:s24], $0xC80  }
0x84: {  	[sflag:s24] =	ssyncset.done $0x0  }
0x85: {  	s19 =	sadd.s32 s5, s19;
	[sflag:s24] =	ssyncadd.s32 $0xFFFFF380  }
0x86: {  	[tilespmem:s25], [sflag:$0x5] =	stream.linear.gather [hbm4b:s19+s2], $0xC80, $0x38;
	[tilespmem:$0x1A880] =	vst v63  }
0x87: {  	_ =	swait.ge [sflag:s24], $0xC80  }
0x88: {  	[sflag:s24] =	ssyncset.done $0x0  }
0x89: {  	[sflag:s24] =	ssyncadd.s32 $0xFFFFF380  }
0x8a: {  	[tilespmem:s28], [sflag:$0x1] =	stream.indirect.gather [hbm4b:s8+s26], $0x80, s2, s26, $0xb8;
	[tilespmem:$0x1A880] =	vst v63  }
0x8b: {  	_ =	swait.ge [sflag:s29], $0x2800  }
0x8c: {  	[sflag:s29] =	ssyncset.done $0x0  }
0x8d: {  	[sflag:s29] =	ssyncadd.s32 $0xFFFFD800  }
0x8e: {  	[tilespmem:s31], [sflag:$0x2] =	stream.indirect.gather [hbm4b:s8+s26], $0x80, s30, s26, $0xb8;
	[tilespmem:$0x1A880] =	vst v63  }
0x8f: {  	_ = 	snop  }
0x90: {  	[spmem:s1] =	stream.indirect.scatter.add.f32 [tilespmem:s28], [sflag:$0x3], $0x80, s25, s26, $0xb8;
	[tilespmem:$0x1A880] =	vst v63  }
0x91: {  	_ =	swait.ge [sflag:s0], $0x2800  }
0x92: {  	[sflag:s0] =	ssyncset.done $0x0  }
0x93: {  	[sflag:s0] =	ssyncadd.s32 $0xFFFFD800  }
0x94: {  	_ =	swait.ge [sflag:s3], $0x2800  }
0x95: {  	[sflag:s3] =	ssyncset.done $0x0  }
0x96: {  	[sflag:s3] =	ssyncadd.s32 $0xFFFFD800  }
0x97: {  	[tilespmem:s28], [sflag:$0x1] =	stream.indirect.gather [hbm4b:s8+s26], $0x80, s11, s26, $0xb8;
	[tilespmem:$0x1A880] =	vst v63  }
0x98: {  	_ = 	snop  }
0x99: {  	[spmem:s1] =	stream.indirect.scatter.add.f32 [tilespmem:s31], [sflag:$0x4], $0x80, s13, s26, $0xb8;
	[tilespmem:$0x1A880] =	vst v63  }
0x9a: {  	_ =	swait.ge [sflag:s29], $0x2800  }
0x9b: {  	[sflag:s29] =	ssyncset.done $0x0  }
0x9c: {  	[sflag:s29] =	ssyncadd.s32 $0xFFFFD800  }
0x9d: {  	_ =	swait.ge [sflag:s12], $0x2800  }
0x9e: {  	[sflag:s12] =	ssyncset.done $0x0  }
0x9f: {  	s20 =	simm.s32 $0x180;
	[sflag:s12] =	ssyncadd.s32 $0xFFFFD800  }
0xa0: {  	[tilespmem:s31], [sflag:$0x2] =	stream.indirect.gather [hbm4b:s8+s26], $0x80, s20, s26, $0xb8;
	[tilespmem:$0x1A880] =	vst v63  }
0xa1: {  	s21 =	simm.s32 $0x1100  }
0xa2: {  	[spmem:s1] =	stream.indirect.scatter.add.f32 [tilespmem:s28], [sflag:$0x3], $0x80, s21, s26, $0xb8;
	[tilespmem:$0x1A880] =	vst v63  }
0xa3: {  	_ =	swait.ge [sflag:s0], $0x2800  }
0xa4: {  	[sflag:s0] =	ssyncset.done $0x0  }
0xa5: {  	[sflag:s0] =	ssyncadd.s32 $0xFFFFD800  }
0xa6: {  	_ =	swait.ge [sflag:s3], $0x2800  }
0xa7: {  	s22 =	simm.s32 $0x200;
	[sflag:s3] =	ssyncset.done $0x0  }
0xa8: {  	s19 =	simm.s32 $0xFFFFD800;
	s20 =	simm.s32 $0x1180;
	[sflag:s3] =	ssyncadd.s32 $0xFFFFD800  }
0xa9: {  	[tilespmem:s28], [sflag:$0x1] =	stream.indirect.gather [hbm4b:s8+s26], $0x80, s22, s26, $0xb8;
	[tilespmem:$0x1A880] =	vst v63  }
.LBB2_8:
0xaa: {  	[spmem:s1] =	stream.indirect.scatter.add.f32 [tilespmem:s31], [sflag:$0x4], $0x80, s20, s26, $0xb8;
	[tilespmem:$0x1A880] =	vst v63  }
0xab: {  	s20 =	smov.u32 s19  }
0xac: {  	p1 =	sne.s32 s19, $0xFFFFFC00;
	s19 =	sadd.s32 $0x400, s19;
	_ =	swait.ge [sflag:s29], $0x2800  }
0xad: {  	[sflag:s29] =	ssyncset.done $0x0  }
0xae: {  	[sflag:s29] =	ssyncadd.s32 $0xFFFFD800  }
0xaf: {  	_ =	swait.ge [sflag:s12], $0x2800  }
0xb0: {  	s20 =	sshra.s32 s20, $0x2;
	[sflag:s12] =	ssyncset.done $0x0  }
0xb1: {  	s21 =	sadd.s32 $0xC80, s20;
	[sflag:s12] =	ssyncadd.s32 $0xFFFFD800  }
0xb2: {  	[tilespmem:s31], [sflag:$0x2] =	stream.indirect.gather [hbm4b:s8+s26], $0x80, s21, s26, $0xb8;
	[tilespmem:$0x1A880] =	vst v63  }
0xb3: {  	s21 =	sadd.s32 $0x1C00, s20  }
0xb4: {  	[spmem:s1] =	stream.indirect.scatter.add.f32 [tilespmem:s28], [sflag:$0x3], $0x80, s21, s26, $0xb8;
	[tilespmem:$0x1A880] =	vst v63  }
0xb5: {  	_ =	swait.ge [sflag:s0], $0x2800  }
0xb6: {  	[sflag:s0] =	ssyncset.done $0x0  }
0xb7: {  	[sflag:s0] =	ssyncadd.s32 $0xFFFFD800  }
.Ltmp5:
0xb8: {  	_ =	swait.ge [sflag:s3], $0x2800;
	(pc) =	sbr.rel @p1 .LBB2_8-.Ltmp5, $4  }
0xb9: {  	[sflag:s3] =	ssyncset.done $0x0  }
0xba: {  	s21 =	sadd.s32 $0xD00, s20;
	[sflag:s3] =	ssyncadd.s32 $0xFFFFD800  }
0xbb: {  	[tilespmem:s28], [sflag:$0x1] =	stream.indirect.gather [hbm4b:s8+s26], $0x80, s21, s26, $0xb8;
	[tilespmem:$0x1A880] =	vst v63  }
0xbc: {  	s20 =	sadd.s32 $0x1C80, s20  }
0xbd: {  	[spmem:s1] =	stream.indirect.scatter.add.f32 [tilespmem:s31], [sflag:$0x4], $0x80, s20, s26, $0xb8;
	[tilespmem:$0x1A880] =	vst v63  }
0xbe: {  	_ =	swait.ge [sflag:s29], $0x2800  }
0xbf: {  	[sflag:s29] =	ssyncset.done $0x0  }
0xc0: {  	s18 =	sadd.s32 $0x1, s18;
	[sflag:s29] =	ssyncadd.s32 $0xFFFFD800  }
0xc1: {  	[spmem:s1] =	stream.indirect.scatter.add.f32 [tilespmem:s28], [sflag:$0x3], $0x80, s15, s26, $0xb8;
	[tilespmem:$0x1A880] =	vst v63  }
0xc2: {  	p1 =	seq.s32 s18, $0x5;
	_ =	swait.ge [sflag:s12], $0x2800  }
.Ltmp6:
0xc3: {  	[sflag:s12] =	ssyncset.done $0x0;
	(pc) =	sbr.rel @!p1 .LBB2_7-.Ltmp6, $4  }
0xc4: {  	[sflag:s12] =	ssyncadd.s32 $0xFFFFD800  }
0xc5: {  	_ =	swait.ge [sflag:s3], $0x2800  }
0xc6: {  	[sflag:s3] =	ssyncset.done $0x0  }
0xc7: {  	[sflag:s3] =	ssyncadd.s32 $0xFFFFD800  }
.Ltmp7:
0xc8: {  	(pc) =	sbr.rel .LBB2_20-.Ltmp7, $2  }
0xc9: {  	_ =	sdelay $0x2  }
0xca: {  	s18 =	rddreg [dreg:$0x3];
	s22 =	smov.u32 s17  }
.LBB2_11:
0xcb: {  	s18 =	rddreg [dreg:$0xb]  }
0xcc: {  	s21 =	rddreg [dreg:$0x5];
	s22 =	sor.u32 $0x1C05, s18  }
0xcd: {  	[spmem:s23], [sflag:s22] =	dma.local [hbm:s21], $0x2800  }
0xce: {  	_ =	swait.ge [sflag:s24], $0x2800  }
0xcf: {  	[sflag:s24] =	ssyncset.done $0x0  }
0xd0: {  	[sflag:s24] =	ssyncadd.s32 $0xFFFFD800  }
0xd1: {  	s18 =	simm.s32 $0x0;
	[bflag:$0x0] =	sbarrier.arrive $0xFFFF  }
.LBB2_12:
0xd2: {  	s19 =	sshll.u32 s18, $0xC  }
0xd3: {  	s19 =	sadd.s32 s14, s19  }
0xd4: {  	s19 =	sshrl.u32 s19, $0x3  }
0xd5: {  	s20 =	sadd.s32 s4, s19  }
0xd6: {  	[tilespmem:s2], [sflag:$0x5] =	stream.linear.gather [hbm4b:s20+s2], $0xC80, $0x38;
	[tilespmem:$0x1A880] =	vst v63  }
0xd7: {  	_ =	swait.ge [sflag:s24], $0xC80  }
0xd8: {  	[sflag:s24] =	ssyncset.done $0x0  }
0xd9: {  	s19 =	sadd.s32 s5, s19;
	[sflag:s24] =	ssyncadd.s32 $0xFFFFF380  }
0xda: {  	[tilespmem:s25], [sflag:$0x5] =	stream.linear.gather [hbm4b:s19+s2], $0xC80, $0x38;
	[tilespmem:$0x1A880] =	vst v63  }
0xdb: {  	_ =	swait.ge [sflag:s24], $0xC80  }
0xdc: {  	[sflag:s24] =	ssyncset.done $0x0  }
0xdd: {  	[sflag:s24] =	ssyncadd.s32 $0xFFFFF380  }
0xde: {  	[tilespmem:s28], [sflag:$0x1] =	stream.indirect.gather [hbm4b:s7+s26], $0x80, s2, s26, $0xb8;
	[tilespmem:$0x1A880] =	vst v63  }
0xdf: {  	_ =	swait.ge [sflag:s29], $0x2800  }
0xe0: {  	[sflag:s29] =	ssyncset.done $0x0  }
0xe1: {  	[sflag:s29] =	ssyncadd.s32 $0xFFFFD800  }
0xe2: {  	[tilespmem:s31], [sflag:$0x2] =	stream.indirect.gather [hbm4b:s7+s26], $0x80, s30, s26, $0xb8;
	[tilespmem:$0x1A880] =	vst v63  }
0xe3: {  	_ = 	snop  }
0xe4: {  	[spmem:s1] =	stream.indirect.scatter.add.f32 [tilespmem:s28], [sflag:$0x3], $0x80, s25, s26, $0xb8;
	[tilespmem:$0x1A880] =	vst v63  }
0xe5: {  	_ =	swait.ge [sflag:s0], $0x2800  }
0xe6: {  	[sflag:s0] =	ssyncset.done $0x0  }
0xe7: {  	[sflag:s0] =	ssyncadd.s32 $0xFFFFD800  }
0xe8: {  	_ =	swait.ge [sflag:s3], $0x2800  }
0xe9: {  	[sflag:s3] =	ssyncset.done $0x0  }
0xea: {  	[sflag:s3] =	ssyncadd.s32 $0xFFFFD800  }
0xeb: {  	[tilespmem:s28], [sflag:$0x1] =	stream.indirect.gather [hbm4b:s7+s26], $0x80, s11, s26, $0xb8;
	[tilespmem:$0x1A880] =	vst v63  }
0xec: {  	_ = 	snop  }
0xed: {  	[spmem:s1] =	stream.indirect.scatter.add.f32 [tilespmem:s31], [sflag:$0x4], $0x80, s13, s26, $0xb8;
	[tilespmem:$0x1A880] =	vst v63  }
0xee: {  	_ =	swait.ge [sflag:s29], $0x2800  }
0xef: {  	[sflag:s29] =	ssyncset.done $0x0  }
0xf0: {  	[sflag:s29] =	ssyncadd.s32 $0xFFFFD800  }
0xf1: {  	_ =	swait.ge [sflag:s12], $0x2800  }
0xf2: {  	[sflag:s12] =	ssyncset.done $0x0  }
0xf3: {  	s21 =	simm.s32 $0x180;
	[sflag:s12] =	ssyncadd.s32 $0xFFFFD800  }
0xf4: {  	[tilespmem:s31], [sflag:$0x2] =	stream.indirect.gather [hbm4b:s7+s26], $0x80, s21, s26, $0xb8;
	[tilespmem:$0x1A880] =	vst v63  }
0xf5: {  	s20 =	simm.s32 $0x1100  }
0xf6: {  	[spmem:s1] =	stream.indirect.scatter.add.f32 [tilespmem:s28], [sflag:$0x3], $0x80, s20, s26, $0xb8;
	[tilespmem:$0x1A880] =	vst v63  }
0xf7: {  	_ =	swait.ge [sflag:s0], $0x2800  }
0xf8: {  	[sflag:s0] =	ssyncset.done $0x0  }
0xf9: {  	[sflag:s0] =	ssyncadd.s32 $0xFFFFD800  }
0xfa: {  	_ =	swait.ge [sflag:s3], $0x2800  }
0xfb: {  	s19 =	simm.s32 $0xFFFFD800;
	[sflag:s3] =	ssyncset.done $0x0  }
0xfc: {  	s21 =	simm.s32 $0x200;
	s20 =	simm.s32 $0x1180;
	[sflag:s3] =	ssyncadd.s32 $0xFFFFD800  }
0xfd: {  	[tilespmem:s28], [sflag:$0x1] =	stream.indirect.gather [hbm4b:s7+s26], $0x80, s21, s26, $0xb8;
	[tilespmem:$0x1A880] =	vst v63  }
.LBB2_13:
0xfe: {  	[spmem:s1] =	stream.indirect.scatter.add.f32 [tilespmem:s31], [sflag:$0x4], $0x80, s20, s26, $0xb8;
	[tilespmem:$0x1A880] =	vst v63  }
0xff: {  	s20 =	smov.u32 s19  }
0x100: {  	p1 =	sne.s32 s19, $0xFFFFFC00;
	s19 =	sadd.s32 $0x400, s19;
	_ =	swait.ge [sflag:s29], $0x2800  }
0x101: {  	[sflag:s29] =	ssyncset.done $0x0  }
0x102: {  	[sflag:s29] =	ssyncadd.s32 $0xFFFFD800  }
0x103: {  	_ =	swait.ge [sflag:s12], $0x2800  }
0x104: {  	s20 =	sshra.s32 s20, $0x2;
	[sflag:s12] =	ssyncset.done $0x0  }
0x105: {  	s21 =	sadd.s32 $0xC80, s20;
	[sflag:s12] =	ssyncadd.s32 $0xFFFFD800  }
0x106: {  	[tilespmem:s31], [sflag:$0x2] =	stream.indirect.gather [hbm4b:s7+s26], $0x80, s21, s26, $0xb8;
	[tilespmem:$0x1A880] =	vst v63  }
0x107: {  	s21 =	sadd.s32 $0x1C00, s20  }
0x108: {  	[spmem:s1] =	stream.indirect.scatter.add.f32 [tilespmem:s28], [sflag:$0x3], $0x80, s21, s26, $0xb8;
	[tilespmem:$0x1A880] =	vst v63  }
0x109: {  	_ =	swait.ge [sflag:s0], $0x2800  }
0x10a: {  	[sflag:s0] =	ssyncset.done $0x0  }
0x10b: {  	[sflag:s0] =	ssyncadd.s32 $0xFFFFD800  }
.Ltmp8:
0x10c: {  	_ =	swait.ge [sflag:s3], $0x2800;
	(pc) =	sbr.rel @p1 .LBB2_13-.Ltmp8, $4  }
0x10d: {  	[sflag:s3] =	ssyncset.done $0x0  }
0x10e: {  	s21 =	sadd.s32 $0xD00, s20;
	[sflag:s3] =	ssyncadd.s32 $0xFFFFD800  }
0x10f: {  	[tilespmem:s28], [sflag:$0x1] =	stream.indirect.gather [hbm4b:s7+s26], $0x80, s21, s26, $0xb8;
	[tilespmem:$0x1A880] =	vst v63  }
0x110: {  	s20 =	sadd.s32 $0x1C80, s20  }
0x111: {  	[spmem:s1] =	stream.indirect.scatter.add.f32 [tilespmem:s31], [sflag:$0x4], $0x80, s20, s26, $0xb8;
	[tilespmem:$0x1A880] =	vst v63  }
0x112: {  	_ =	swait.ge [sflag:s29], $0x2800  }
0x113: {  	[sflag:s29] =	ssyncset.done $0x0  }
0x114: {  	s18 =	sadd.s32 $0x1, s18;
	[sflag:s29] =	ssyncadd.s32 $0xFFFFD800  }
0x115: {  	[spmem:s1] =	stream.indirect.scatter.add.f32 [tilespmem:s28], [sflag:$0x3], $0x80, s15, s26, $0xb8;
	[tilespmem:$0x1A880] =	vst v63  }
0x116: {  	p1 =	seq.s32 s18, $0x5;
	_ =	swait.ge [sflag:s12], $0x2800  }
.Ltmp9:
0x117: {  	[sflag:s12] =	ssyncset.done $0x0;
	(pc) =	sbr.rel @!p1 .LBB2_12-.Ltmp9, $4  }
0x118: {  	[sflag:s12] =	ssyncadd.s32 $0xFFFFD800  }
0x119: {  	_ =	swait.ge [sflag:s3], $0x2800  }
0x11a: {  	[sflag:s3] =	ssyncset.done $0x0  }
0x11b: {  	[sflag:s3] =	ssyncadd.s32 $0xFFFFD800  }
0x11c: {  	[bflag:$0x0] =	sbarrier.arrive $0xFFFF  }
0x11d: {  	s18 =	rddreg [dreg:$0x6]  }
0x11e: {  	[hbm:s18], [sflag:s22] =	dma.local [spmem:s23], $0x2800  }
0x11f: {  	_ =	swait.ge [sflag:s24], $0x2800  }
0x120: {  	[sflag:s24] =	ssyncset.done $0x0  }
0x121: {  	[sflag:s24] =	ssyncadd.s32 $0xFFFFD800  }
0x122: {  	[bflag:$0x0] =	sbarrier.arrive $0xFFFF  }
0x123: {  	s21 =	rddreg [dreg:$0xa]  }
0x124: {  	[spmem:s23], [sflag:s22] =	dma.local [hbm:s21], $0x2800  }
0x125: {  	_ =	swait.ge [sflag:s24], $0x2800  }
0x126: {  	[sflag:s24] =	ssyncset.done $0x0  }
0x127: {  	[sflag:s24] =	ssyncadd.s32 $0xFFFFD800  }
0x128: {  	s18 =	simm.s32 $0x0;
	[bflag:$0x0] =	sbarrier.arrive $0xFFFF  }
.LBB2_16:
0x129: {  	s19 =	sshll.u32 s18, $0xC  }
0x12a: {  	s19 =	sadd.s32 s14, s19  }
0x12b: {  	s19 =	sshrl.u32 s19, $0x3  }
0x12c: {  	s20 =	sadd.s32 s4, s19  }
0x12d: {  	[tilespmem:s2], [sflag:$0x5] =	stream.linear.gather [hbm4b:s20+s2], $0xC80, $0x38;
	[tilespmem:$0x1A880] =	vst v63  }
0x12e: {  	_ =	swait.ge [sflag:s24], $0xC80  }
0x12f: {  	[sflag:s24] =	ssyncset.done $0x0  }
0x130: {  	s19 =	sadd.s32 s5, s19;
	[sflag:s24] =	ssyncadd.s32 $0xFFFFF380  }
0x131: {  	[tilespmem:s25], [sflag:$0x5] =	stream.linear.gather [hbm4b:s19+s2], $0xC80, $0x38;
	[tilespmem:$0x1A880] =	vst v63  }
0x132: {  	_ =	swait.ge [sflag:s24], $0xC80  }
0x133: {  	[sflag:s24] =	ssyncset.done $0x0  }
0x134: {  	[sflag:s24] =	ssyncadd.s32 $0xFFFFF380  }
0x135: {  	[tilespmem:s28], [sflag:$0x1] =	stream.indirect.gather [hbm4b:s10+s26], $0x80, s2, s26, $0xb8;
	[tilespmem:$0x1A880] =	vst v63  }
0x136: {  	_ =	swait.ge [sflag:s29], $0x2800  }
0x137: {  	[sflag:s29] =	ssyncset.done $0x0  }
0x138: {  	[sflag:s29] =	ssyncadd.s32 $0xFFFFD800  }
0x139: {  	[tilespmem:s31], [sflag:$0x2] =	stream.indirect.gather [hbm4b:s10+s26], $0x80, s30, s26, $0xb8;
	[tilespmem:$0x1A880] =	vst v63  }
0x13a: {  	_ = 	snop  }
0x13b: {  	[spmem:s1] =	stream.indirect.scatter.add.f32 [tilespmem:s28], [sflag:$0x3], $0x80, s25, s26, $0xb8;
	[tilespmem:$0x1A880] =	vst v63  }
0x13c: {  	_ =	swait.ge [sflag:s0], $0x2800  }
0x13d: {  	[sflag:s0] =	ssyncset.done $0x0  }
0x13e: {  	[sflag:s0] =	ssyncadd.s32 $0xFFFFD800  }
0x13f: {  	_ =	swait.ge [sflag:s3], $0x2800  }
0x140: {  	[sflag:s3] =	ssyncset.done $0x0  }
0x141: {  	[sflag:s3] =	ssyncadd.s32 $0xFFFFD800  }
0x142: {  	[tilespmem:s28], [sflag:$0x1] =	stream.indirect.gather [hbm4b:s10+s26], $0x80, s11, s26, $0xb8;
	[tilespmem:$0x1A880] =	vst v63  }
0x143: {  	_ = 	snop  }
0x144: {  	[spmem:s1] =	stream.indirect.scatter.add.f32 [tilespmem:s31], [sflag:$0x4], $0x80, s13, s26, $0xb8;
	[tilespmem:$0x1A880] =	vst v63  }
0x145: {  	_ =	swait.ge [sflag:s29], $0x2800  }
0x146: {  	[sflag:s29] =	ssyncset.done $0x0  }
0x147: {  	[sflag:s29] =	ssyncadd.s32 $0xFFFFD800  }
0x148: {  	_ =	swait.ge [sflag:s12], $0x2800  }
0x149: {  	[sflag:s12] =	ssyncset.done $0x0  }
0x14a: {  	s21 =	simm.s32 $0x180;
	[sflag:s12] =	ssyncadd.s32 $0xFFFFD800  }
0x14b: {  	[tilespmem:s31], [sflag:$0x2] =	stream.indirect.gather [hbm4b:s10+s26], $0x80, s21, s26, $0xb8;
	[tilespmem:$0x1A880] =	vst v63  }
0x14c: {  	s20 =	simm.s32 $0x1100  }
0x14d: {  	[spmem:s1] =	stream.indirect.scatter.add.f32 [tilespmem:s28], [sflag:$0x3], $0x80, s20, s26, $0xb8;
	[tilespmem:$0x1A880] =	vst v63  }
0x14e: {  	_ =	swait.ge [sflag:s0], $0x2800  }
0x14f: {  	[sflag:s0] =	ssyncset.done $0x0  }
0x150: {  	[sflag:s0] =	ssyncadd.s32 $0xFFFFD800  }
0x151: {  	_ =	swait.ge [sflag:s3], $0x2800  }
0x152: {  	s19 =	simm.s32 $0xFFFFD800;
	[sflag:s3] =	ssyncset.done $0x0  }
0x153: {  	s21 =	simm.s32 $0x200;
	s20 =	simm.s32 $0x1180;
	[sflag:s3] =	ssyncadd.s32 $0xFFFFD800  }
0x154: {  	[tilespmem:s28], [sflag:$0x1] =	stream.indirect.gather [hbm4b:s10+s26], $0x80, s21, s26, $0xb8;
	[tilespmem:$0x1A880] =	vst v63  }
.LBB2_17:
0x155: {  	[spmem:s1] =	stream.indirect.scatter.add.f32 [tilespmem:s31], [sflag:$0x4], $0x80, s20, s26, $0xb8;
	[tilespmem:$0x1A880] =	vst v63  }
0x156: {  	s20 =	smov.u32 s19  }
0x157: {  	p1 =	sne.s32 s19, $0xFFFFFC00;
	s19 =	sadd.s32 $0x400, s19;
	_ =	swait.ge [sflag:s29], $0x2800  }
0x158: {  	[sflag:s29] =	ssyncset.done $0x0  }
0x159: {  	[sflag:s29] =	ssyncadd.s32 $0xFFFFD800  }
0x15a: {  	_ =	swait.ge [sflag:s12], $0x2800  }
0x15b: {  	s20 =	sshra.s32 s20, $0x2;
	[sflag:s12] =	ssyncset.done $0x0  }
0x15c: {  	s21 =	sadd.s32 $0xC80, s20;
	[sflag:s12] =	ssyncadd.s32 $0xFFFFD800  }
0x15d: {  	[tilespmem:s31], [sflag:$0x2] =	stream.indirect.gather [hbm4b:s10+s26], $0x80, s21, s26, $0xb8;
	[tilespmem:$0x1A880] =	vst v63  }
0x15e: {  	s21 =	sadd.s32 $0x1C00, s20  }
0x15f: {  	[spmem:s1] =	stream.indirect.scatter.add.f32 [tilespmem:s28], [sflag:$0x3], $0x80, s21, s26, $0xb8;
	[tilespmem:$0x1A880] =	vst v63  }
0x160: {  	_ =	swait.ge [sflag:s0], $0x2800  }
0x161: {  	[sflag:s0] =	ssyncset.done $0x0  }
0x162: {  	[sflag:s0] =	ssyncadd.s32 $0xFFFFD800  }
.Ltmp10:
0x163: {  	_ =	swait.ge [sflag:s3], $0x2800;
	(pc) =	sbr.rel @p1 .LBB2_17-.Ltmp10, $4  }
0x164: {  	[sflag:s3] =	ssyncset.done $0x0  }
0x165: {  	s21 =	sadd.s32 $0xD00, s20;
	[sflag:s3] =	ssyncadd.s32 $0xFFFFD800  }
0x166: {  	[tilespmem:s28], [sflag:$0x1] =	stream.indirect.gather [hbm4b:s10+s26], $0x80, s21, s26, $0xb8;
	[tilespmem:$0x1A880] =	vst v63  }
0x167: {  	s20 =	sadd.s32 $0x1C80, s20  }
0x168: {  	[spmem:s1] =	stream.indirect.scatter.add.f32 [tilespmem:s31], [sflag:$0x4], $0x80, s20, s26, $0xb8;
	[tilespmem:$0x1A880] =	vst v63  }
0x169: {  	_ =	swait.ge [sflag:s29], $0x2800  }
0x16a: {  	[sflag:s29] =	ssyncset.done $0x0  }
0x16b: {  	s18 =	sadd.s32 $0x1, s18;
	[sflag:s29] =	ssyncadd.s32 $0xFFFFD800  }
0x16c: {  	[spmem:s1] =	stream.indirect.scatter.add.f32 [tilespmem:s28], [sflag:$0x3], $0x80, s15, s26, $0xb8;
	[tilespmem:$0x1A880] =	vst v63  }
0x16d: {  	p1 =	sne.s32 s18, $0x5;
	_ =	swait.ge [sflag:s12], $0x2800  }
.Ltmp11:
0x16e: {  	[sflag:s12] =	ssyncset.done $0x0;
	(pc) =	sbr.rel @p1 .LBB2_16-.Ltmp11, $4  }
0x16f: {  	[sflag:s12] =	ssyncadd.s32 $0xFFFFD800  }
0x170: {  	_ =	swait.ge [sflag:s3], $0x2800  }
0x171: {  	[sflag:s3] =	ssyncset.done $0x0  }
0x172: {  	[sflag:s3] =	ssyncadd.s32 $0xFFFFD800  }
.Ltmp12:
0x173: {  	(pc) =	sbr.rel .LBB2_20-.Ltmp12, $2  }
0x174: {  	_ =	sdelay $0x2  }
0x175: {  	s18 =	rddreg [dreg:$0x4]  }
.LBB2_21:
0x176: {  	_ =	sfence.sel $0x180000  }
0x177: {  	[bflag:$0x0] =	sbarrier.arrive $0xFFFF  }
0x178: {  	_ =	strace $0x9000004D  }
0x179: {  	s0 =	stileid.u32;
	[bflag:$0x2] =	sbarrier.arrive $0xFFFF  }
0x17a: {  	p0 =	sne.s32 s0, $0x0;
	s0 =	rddreg [dreg:$0x2]  }
0x17b: {  	s0 =	sadd.s32 @!p0 $0x100000, s0  }
0x17c: {  	[sflag:s0] =	ssyncadd.tile.s32 @!p0 $0x1;
	_ =	shalt  }
.Lfunc_end2:
_tile_overlayer_lowered:
.L_overlay_start_2:
0x17d: {  	(tag) =	ssettag $0x2  }
0x17e: {  	s0 =	rddreg [dreg:$0x0];
	s2 =	stileid.u32  }
0x17f: {  	s1 =	rddreg [dreg:$0x1];
	p0 =	sne.s32 s2, $0x0  }
0x180: {  	s3 =	rddreg [dreg:$0x2];
	[bflag:$0x3] =	sbarrier.arrive $0xFFFF;
	s2 =	simm.s32 @!p0 $0x1C05  }
0x181: {  	[timem:s3], [sflag:s2] =	dma.local @!p0 [hbm:s0], s1  }
0x182: {  	s0 =	simm.s32 @!p0 $0x5  }
0x183: {  	_ =	swait.ge @!p0 [sflag:s0], s1  }
0x184: {  	s1 =	ssub.s32 @!p0 $0x0, s1;
	[sflag:s0] =	ssyncset.done @!p0 $0x0  }
0x185: {  	[sflag:s0] =	ssyncadd.s32 @!p0 s1  }
0x186: {  	[bflag:$0x3] =	sbarrier.arrive $0xFFFF  }
0x187: {  	_ =	shalt  }

// kernel: kernel.24.cloned.1.call-start
scs
__scs_entry_jumppad:
0x0: {  	(pc) =	sbr.rel $0x88, $3  }
0x1: {  	(tag) =	ssettag $0x0;
	lr =	simm.s32 $0x1  }
0x2: {  	[smem:$0x3F88] =	sst lr;
	_ =	strace $0xD0000000  }
0x3: {  	_ = 	snop  }
0x4: {  	_ = 	snop  }
0x5: {  	_ = 	snop  }
0x6: {  	_ = 	snop  }
0x7: {  	_ = 	snop  }
__scs_overlays_trampoline_lowered:
0x8: {  	[smem:$0x3F97] =	sst s0  }
0x9: {  	[smem:$0x3F98] =	sst s1  }
0xa: {  	[smem:$0x3F99] =	sst s2  }
0xb: {  	[smem:$0x3F9A] =	sst s3  }
0xc: {  	[smem:$0x3F9B] =	sst s4  }
0xd: {  	[smem:$0x3F9C] =	sst s5  }
0xe: {  	[smem:$0x3F9D] =	sst s6  }
0xf: {  	[smem:$0x3F9E] =	sst s7  }
0x10: {  	[smem:$0x3F9F] =	sst s8  }
0x11: {  	[smem:$0x3FA0] =	sst s9;
	s0 =	simm.s32 @!p0 $0x0  }
0x12: {  	s1 =	sld [smem:$0x3F86];
	s0 =	simm.s32 @p0 $0x1  }
0x13: {  	[smem:$0x3FA1] =	sst s0;
	s0 =	simm.s32 @!p1 $0x0  }
0x14: {  	s2 =	sld [smem:$0x3F85];
	s0 =	simm.s32 @p1 $0x1  }
0x15: {  	[smem:$0x3FA2] =	sst s0;
	s0 =	simm.s32 @!p2 $0x0  }
0x16: {  	s3 =	sld [smem:$0x3FDB];
	s0 =	simm.s32 @p2 $0x1  }
0x17: {  	s4 =	simm.s32 $0x1BF5;
	[smem:$0x3FA4] =	sst s0  }
0x18: {  	s0 =	sld [smem:$0x3F87];
	_ =	swait.ge [sflag:s4], $0x0  }
0x19: {  	s7 =	sld [smem:$0x3F88]  }
0x1a: {  	s8 =	sadd.s32 $0xFFFFE003, lr  }
0x1b: {  	s9 =	sadd.s32 $0xFFFFFEF7, lr;
	s5 =	simm.s32 $0xFFFFFFFF;
	p2 =	slt.u32 s8, $0xFFFFF086  }
0x1c: {  	p1 =	slt.u32 s9, $0xF7A;
	s5 =	simm.s32 @!p2 $0x0  }
0x1d: {  	s5 =	simm.s32 @p1 $0x1;
	p0 =	seq.s32 s7, s2  }
0x1e: {  	s7 =	smul.u32 @!p0 $0xF7A, s2;
	p2 =	seq.s32 @!p0 s5, $0x0  }
0x1f: {  	s9 =	smul.u32 $0xF7A, s1;
	s8 =	simm.s32 @!p0 $0x1BF5;
	p2 =	por !p2, p0  }
0x20: {  	[sflag:s8] =	ssyncset.s32 @!p0 $0xFFFFF086;
	s6 =	sadd.s32 @!p0 s3, s7;
	s7 =	simm.s32 @!p0 $0x108  }
0x21: {  	s3 =	sadd.s32 s3, s9;
	s6 =	sadd.s32 @!p0 $0x88, s6;
	s7 =	simm.s32 @p2 $0x1082  }
0x22: {  	[simem:s7], [sflag:s8] =	dma.local @!p0 [hbm:s6], $0xF7A  }
0x23: {  	s9 =	sor.u32 $0xD0000000, s2;
	s6 =	simm.s32 $0x108;
	_ =	swait.ge @!p0 [sflag:s8], $0x0  }
0x24: {  	s3 =	sadd.s32 $0x88, s3;
	s6 =	simm.s32 @!p1 $0x1082;
	[sflag:s4] =	ssyncset.s32 $0xFFFFF086  }
0x25: {  	[simem:s6], [sflag:s4] =	dma.local [hbm:s3], $0xF7A  }
0x26: {  	[smem:$0x3F88] =	sst s1;
	(tag) =	ssettag s2;
	_ =	strace s9  }
0x27: {  	s1 =	sld [smem:$0x3F98]  }
0x28: {  	s2 =	sld [smem:$0x3F99]  }
0x29: {  	s4 =	sld [smem:$0x3F9B]  }
0x2a: {  	p0 =	seq.s32 s5, $0x0;
	s5 =	sld [smem:$0x3F9C]  }
0x2b: {  	s6 =	sld [smem:$0x3F9D]  }
0x2c: {  	s7 =	sld [smem:$0x3F9E]  }
0x2d: {  	s3 =	simm.s32 $0x108;
	s8 =	sld [smem:$0x3F9F]  }
0x2e: {  	s3 =	simm.s32 @!p0 $0x1082;
	s9 =	sld [smem:$0x3FA0]  }
0x2f: {  	lr =	sadd.s32 s0, s3;
	s0 =	sld [smem:$0x3F97]  }
0x30: {  	s3 =	sld [smem:$0x3F9A]  }
0x31: {  	[smem:$0x3FA3] =	sst s10  }
0x32: {  	s10 =	sld [smem:$0x3FA1];
	_ =	sdelay $0x3  }
0x33: {  	p0 =	seq.s32 s10, $0x1;
	s10 =	sld [smem:$0x3FA3];
	_ =	sdelay $0x3  }
0x34: {  	[smem:$0x3FA3] =	sst s10  }
0x35: {  	s10 =	sld [smem:$0x3FA2];
	_ =	sdelay $0x3  }
0x36: {  	p1 =	seq.s32 s10, $0x1;
	s10 =	sld [smem:$0x3FA3];
	_ =	sdelay $0x3  }
0x37: {  	[smem:$0x3FA3] =	sst s10  }
0x38: {  	s10 =	sld [smem:$0x3FA4]  }
0x39: {  	_ = 	snop;
	(pc) =	sbr.ind lr, $3  }
0x3a: {  	_ = 	snop  }
0x3b: {  	_ = 	snop  }
0x3c: {  	p2 =	seq.s32 s10, $0x1;
	s10 =	sld [smem:$0x3FA3]  }
0x3d: {  	_ =	shalt  }
0x3e: {  	_ =	shalt  }
0x3f: {  	_ =	shalt  }
0x40: {  	_ =	shalt  }
0x41: {  	_ =	shalt  }
0x42: {  	_ =	shalt  }
0x43: {  	_ =	shalt  }
0x44: {  	_ =	shalt  }
0x45: {  	_ =	shalt  }
0x46: {  	_ =	shalt  }
0x47: {  	_ =	shalt  }
0x48: {  	_ =	shalt  }
0x49: {  	_ =	shalt  }
0x4a: {  	_ =	shalt  }
0x4b: {  	_ =	shalt  }
0x4c: {  	_ =	shalt  }
0x4d: {  	_ =	shalt  }
0x4e: {  	_ =	shalt  }
0x4f: {  	_ =	shalt  }
0x50: {  	_ =	shalt  }
0x51: {  	_ =	shalt  }
0x52: {  	_ =	shalt  }
0x53: {  	_ =	shalt  }
0x54: {  	_ =	shalt  }
0x55: {  	_ =	shalt  }
0x56: {  	_ =	shalt  }
0x57: {  	_ =	shalt  }
0x58: {  	_ =	shalt  }
0x59: {  	_ =	shalt  }
0x5a: {  	_ =	shalt  }
0x5b: {  	_ =	shalt  }
0x5c: {  	_ =	shalt  }
0x5d: {  	_ =	shalt  }
0x5e: {  	_ =	shalt  }
0x5f: {  	_ =	shalt  }
0x60: {  	_ =	shalt  }
0x61: {  	_ =	shalt  }
0x62: {  	_ =	shalt  }
0x63: {  	_ =	shalt  }
0x64: {  	_ =	shalt  }
0x65: {  	_ =	shalt  }
0x66: {  	_ =	shalt  }
0x67: {  	_ =	shalt  }
0x68: {  	_ =	shalt  }
0x69: {  	_ =	shalt  }
0x6a: {  	_ =	shalt  }
0x6b: {  	_ =	shalt  }
0x6c: {  	_ =	shalt  }
0x6d: {  	_ =	shalt  }
0x6e: {  	_ =	shalt  }
0x6f: {  	_ =	shalt  }
0x70: {  	_ =	shalt  }
0x71: {  	_ =	shalt  }
0x72: {  	_ =	shalt  }
0x73: {  	_ =	shalt  }
0x74: {  	_ =	shalt  }
0x75: {  	_ =	shalt  }
0x76: {  	_ =	shalt  }
0x77: {  	_ =	shalt  }
0x78: {  	_ =	shalt  }
0x79: {  	_ =	shalt  }
0x7a: {  	_ =	shalt  }
0x7b: {  	_ =	shalt  }
0x7c: {  	_ =	shalt  }
0x7d: {  	_ =	shalt  }
0x7e: {  	_ =	shalt  }
0x7f: {  	_ =	shalt  }
0x80: {  	_ =	shalt  }
0x81: {  	_ =	shalt  }
0x82: {  	_ =	shalt  }
0x83: {  	_ =	shalt  }
0x84: {  	_ =	shalt  }
0x85: {  	_ =	shalt  }
0x86: {  	_ =	shalt  }
0x87: {  	_ =	shalt  }
.Lfunc_end0:
.L_simem_size_0:
called_computation.3_lowered:
.L_overlay_start_0:
0x88: {  	s2 =	sld [smem:$0x3FD9]  }
0x89: {  	s3 =	sld [smem:$0x3FFE];
	_ =	sdelay $0x1  }
0x8a: {  	s1 =	srdreg.scid  }
0x8b: {  	s0 =	sand.u32 $0x1, s1  }
0x8c: {  	s16 =	sshll.u32 s0, $0xA;
	s2 =	sadd.s32 s3, s2  }
0x8d: {  	s2 =	sadd.s32 s2, s16  }
0x8e: {  	[smem:$0x3FAF] =	sst s2  }
0x8f: {  	_ = 	snop  }
0x90: {  	(tm) =	ssettm $0x1  }
0x91: {  	s17 =	sld [smem:$0x3FFB];
	_ =	sdelay $0x3  }
0x92: {  	_ =	strace s17  }
0x93: {  	s2 =	sld [smem:$0x3FFC];
	_ =	sdelay $0x3  }
0x94: {  	_ =	strace s2  }
0x95: {  	s2 =	sld [smem:$0x3FFD];
	_ =	sdelay $0x3  }
0x96: {  	_ =	strace s2  }
0x97: {  	_ =	strace $0x8FFFFFFF  }
0x98: {  	s18 =	sld [smem:$0x3FDB];
	_ =	sdelay $0x1  }
0x99: {  	s19 =	simm.s32 $_scs_section_size  }
0x9a: {  	s4 =	simm.s32 $_size__tile_overlayer_lowered;
	s5 =	simm.s32 $_tile_overlayer_lowered  }
0x9b: {  	s22 =	simm.s32 $0x1BFF;
	s21 =	sshll.u32 s5, $0x1;
	s2 =	sadd.s32 s19, s18  }
0x9c: {  	s6 =	simm.s32 $0x0;
	s20 =	sshll.u32 s4, $0x1;
	s4 =	sadd.s32 s21, s2  }
0x9d: {  	[timem:s6], [sflag:s22] =	dma.local [hbm:s4], s20  }
0x9e: {  	_ =	swait.ge [sflag:s22], s20  }
0x9f: {  	s3 =	ssub.s32 $0x0, s20;
	[sflag:s22] =	ssyncset.done $0x0  }
0xa0: {  	[sflag:s22] =	ssyncadd.s32 s3;
	_ =	sdelay $0x1  }
0xa1: {  	s23 =	simm.s32 $0x1B8B  }
0xa2: {  	_ =	swait.ge [sflag:s23], $0x1  }
0xa3: {  	[sflag:s23] =	ssyncset.done $0x0  }
0xa4: {  	s25 =	simm.s32 $0x1B8E;
	s24 =	sld [smem:$0x3FFE];
	[sflag:s23] =	ssyncadd.s32 $0xFFFFFFFF  }
0xa5: {  	s26 =	simm.s32 $execute0_lowered;
	[smem:$0x3FD2] =	sst s25  }
0xa6: {  	s4 =	sshll.u32 s26, $0x1;
	_ =	strace $0x8000004F;
	[dreg:$0x1] =	wrdreg $0xFFFFFFFF  }
0xa7: {  	s28 =	simm.s32 $_size_execute0_lowered;
	s2 =	sadd.s32 s2, s4;
	[dreg:$0x0] =	wrdreg $0x0  }
0xa8: {  	s4 =	sshll.u32 s28, $0x1;
	[dreg:$0x2] =	wrdreg s2  }
0xa9: {  	[dreg:$0x3] =	wrdreg s4  }
0xaa: {  	[dreg:$0x4] =	wrdreg $0xC0  }
0xab: {  	_ =	task [dreg:s6], $0x5FFFF  }
0xac: {  	[dreg:$0x1] =	wrdreg $0xFFFFFFFF  }
0xad: {  	[dreg:$0x0] =	wrdreg $0x60  }
0xae: {  	[dreg:$0x2] =	wrdreg s24  }
0xaf: {  	[dreg:$0x3] =	wrdreg $0x70000  }
0xb0: {  	[dreg:$0x4] =	wrdreg $0x9  }
0xb1: {  	_ =	task.clear_ibuf [dreg:s6], $0x5FFFF;
	_ =	strace $0x9000004F  }
0xb2: {  	s29 =	simm.s32 $0x9;
	_ =	strace $0x80000051  }
0xb3: {  	_ =	swait.ge [sflag:s29], $0x1  }
0xb4: {  	[sflag:s29] =	ssyncadd.s32 $0xFFFFFFFF  }
0xb5: {  	_ =	strace $0x90000051  }
0xb6: {  	_ =	sfence  }
0xb7: {  	s30 =	sld [smem:$0x0];
	_ =	sdelay $0x2  }
0xb8: {  	s31 =	sshll.u32 s1, $0xD;
	s1 =	sshrl.u32 s1, $0x2  }
0xb9: {  	s3 =	sand.u32 $0x4000, s31;
	s1 =	sadd.s32 s1, s30  }
0xba: {  	s0 =	sor.u32 s3, s0;
	s1 =	sshll.u32 s1, $0x11  }
0xbb: {  	s0 =	sor.u32 s1, s0  }
0xbc: {  	s0 =	sadd.s32 $0x8F2B, s0  }
0xbd: {  	[sflag:s0] =	ssyncadd.remote.s32 $0x1  }
0xbe: {  	_ =	sfence.sel $0xFFFF  }
0xbf: {  	[dreg:$0x0] =	wrdreg $0xFFFFFFFF;
	(pc) =	sbr.abs _section_cstart, $3  }
0xc0: {  	[dreg:$0x1] =	wrdreg $0xFFFFFFFF  }
0xc1: {  	_ =	task.clear_ibuf [dreg:s6], $0x2FFFF;
	_ =	strace $0x9FFFFFFF  }
0xc2: {  	(tm) =	ssettm $0x7FFFFFFF  }
0xc3: {  	_ =	shalt  }
tec
execute0_lowered:
.L_overlay_start_1:
0x0: {  	(tag) =	ssettag $0x1  }
0x1: {  	s0 =	rddreg [dreg:$0x0]  }
0x2: {  	s1 =	rddreg [dreg:$0x1];
	s2 =	simm.s32 $0x0;
	s15 =	stileid.u32  }
0x3: {  	s3 =	srdreg.scid;
	s28 =	simm.s32 $0x2000;
	s29 =	simm.s32 $0x1  }
0x4: {  	s30 =	simm.s32 $0x80;
	s31 =	simm.s32 $0x4800;
	s16 =	simm.s32 $0x0  }
0x5: {  	[smem:$0x7FF] =	sst s2;
	s4 =	sadd.s32 $0x97A00, s0;
	s5 =	sadd.s32 $0x8DA00, s0  }
0x6: {  	s6 =	sadd.s32 $0x2F400, s0;
	s7 =	sadd.s32 $0x56600, s0;
	s8 =	sadd.s32 $0xA1A00, s0  }
0x7: {  	s9 =	smul.u32 $0x2700, s15;
	s3 =	sand.u32 $0x1, s3;
	s10 =	sadd.s32 $0xC8C00, s0  }
0x8: {  	s12 =	smul.u32 $0x4E000, s15;
	s14 =	sadd.s32 $0x13E200, s0;
	s26 =	sshll.u32 s15, $0x6  }
0x9: {  	_ =	strace $0x80000050;
	s11 =	ssub.s32 $0x2, s3;
	[dreg:$0x3] =	wrdreg s14  }
0xa: {  	s14 =	smul.u32 $0x5000, s15;
	p0 =	sne.s32 s3, $0x0;
	[dreg:$0xb] =	wrdreg s26  }
0xb: {  	s3 =	simm.s32 $0x3;
	s15 =	simm.s32 $0x1C00;
	s13 =	sadd.s32 s9, s0  }
0xc: {  	s17 =	sshrl.u32 s11, $0x1;
	s0 =	sadd.s32 $0x165400, s0;
	s19 =	sshrl.u32 s12, $0x2  }
0xd: {  	s20 =	sadd.s32 s7, s9;
	s22 =	sadd.s32 s6, s9;
	[dreg:$0x4] =	wrdreg s0  }
0xe: {  	s24 =	sadd.s32 s8, s9;
	s25 =	sadd.s32 s10, s9;
	[dreg:$0x5] =	wrdreg s20  }
0xf: {  	s12 =	simm.s32 $0x4;
	s18 =	ssub.s32 s11, s17;
	[dreg:$0x7] =	wrdreg s22  }
0x10: {  	s11 =	sadd.s32 s19, s1;
	s21 =	sadd.s32 $0x117000, s13;
	[dreg:$0x9] =	wrdreg s24  }
.Ltmp0:
0x11: {  	s23 =	sadd.s32 $0xEFE00, s13;
	[dreg:$0xa] =	wrdreg s25;
	(pc) =	sbr.rel .LBB2_1-.Ltmp0, $4  }
0x12: {  	s17 =	sor.u32 $0x1C05, s26;
	s24 =	simm.s32 $0x5;
	s25 =	simm.s32 $0x1000  }
0x13: {  	s26 =	simm.s32 $0x50;
	s13 =	simm.s32 $0x1080;
	[dreg:$0x6] =	wrdreg s21  }
0x14: {  	[dreg:$0x8] =	wrdreg s23;
	s0 =	smax.u32 s18, $0x1;
	s23 =	sshrl.u32 s11, $0x3  }
0x15: {  	s11 =	simm.s32 $0x100;
	[dreg:$0xc] =	wrdreg s0;
	s0 =	simm.s32 $0x2  }
.LBB2_20:
0x16: {  	s18 =	sadd.s32 s18, s9;
	[bflag:$0x0] =	sbarrier.arrive $0xFFFF  }
0x17: {  	[hbm:s18], [sflag:s22] =	dma.local [spmem:s23], $0x2800  }
0x18: {  	_ =	swait.ge [sflag:s24], $0x2800  }
0x19: {  	s16 =	sadd.s32 $0x1, s16;
	s22 =	rddreg [dreg:$0xc]  }
0x1a: {  	p1 =	sne.s32 s16, s22  }
.Ltmp1:
0x1b: {  	_ = 	snop;
	(pc) =	sbr.rel @!p1 .LBB2_21-.Ltmp1, $3  }
0x1c: {  	[sflag:s24] =	ssyncset.done $0x0  }
0x1d: {  	[sflag:s24] =	ssyncadd.s32 $0xFFFFD800  }
0x1e: {  	[bflag:$0x0] =	sbarrier.arrive $0xFFFF;
	_ =	sdelay $0x1  }
.LBB2_1:
.Ltmp2:
0x1f: {  	(pc) =	sbr.rel @p0 .LBB2_11-.Ltmp2, $1  }
0x20: {  	_ =	sdelay $0x3  }
0x21: {  	s18 =	rddreg [dreg:$0x7]  }
0x22: {  	[spmem:s23], [sflag:s17] =	dma.local [hbm:s18], $0x2800  }
0x23: {  	_ =	swait.ge [sflag:s24], $0x2800  }
0x24: {  	[sflag:s24] =	ssyncset.done $0x0  }
0x25: {  	[sflag:s24] =	ssyncadd.s32 $0xFFFFD800  }
0x26: {  	s22 =	simm.s32 $0x0;
	[bflag:$0x0] =	sbarrier.arrive $0xFFFF  }
.LBB2_3:
0x27: {  	s18 =	sshll.u32 s22, $0xC  }
0x28: {  	s18 =	sadd.s32 s14, s18  }
0x29: {  	s18 =	sshrl.u32 s18, $0x3  }
0x2a: {  	s19 =	sadd.s32 s4, s18  }
0x2b: {  	[tilespmem:s2], [sflag:$0x5] =	stream.linear.gather [hbm4b:s19+s2], $0xC80, $0x38;
	[tilespmem:$0x1A880] =	vst v63  }
0x2c: {  	_ =	swait.ge [sflag:s24], $0xC80  }
0x2d: {  	[sflag:s24] =	ssyncset.done $0x0  }
0x2e: {  	s18 =	sadd.s32 s5, s18;
	[sflag:s24] =	ssyncadd.s32 $0xFFFFF380  }
0x2f: {  	[tilespmem:s25], [sflag:$0x5] =	stream.linear.gather [hbm4b:s18+s2], $0xC80, $0x38;
	[tilespmem:$0x1A880] =	vst v63  }
0x30: {  	_ =	swait.ge [sflag:s24], $0xC80  }
0x31: {  	[sflag:s24] =	ssyncset.done $0x0  }
0x32: {  	[sflag:s24] =	ssyncadd.s32 $0xFFFFF380  }
0x33: {  	[tilespmem:s28], [sflag:$0x1] =	stream.indirect.gather [hbm4b:s6+s26], $0x80, s2, s26, $0xb8;
	[tilespmem:$0x1A880] =	vst v63  }
0x34: {  	_ =	swait.ge [sflag:s29], $0x2800  }
0x35: {  	[sflag:s29] =	ssyncset.done $0x0  }
0x36: {  	[sflag:s29] =	ssyncadd.s32 $0xFFFFD800  }
0x37: {  	[tilespmem:s31], [sflag:$0x2] =	stream.indirect.gather [hbm4b:s6+s26], $0x80, s30, s26, $0xb8;
	[tilespmem:$0x1A880] =	vst v63  }
0x38: {  	_ = 	snop  }
0x39: {  	[spmem:s1] =	stream.indirect.scatter.add.f32 [tilespmem:s28], [sflag:$0x3], $0x80, s25, s26, $0xb8;
	[tilespmem:$0x1A880] =	vst v63  }
0x3a: {  	_ =	swait.ge [sflag:s0], $0x2800  }
0x3b: {  	[sflag:s0] =	ssyncset.done $0x0  }
0x3c: {  	[sflag:s0] =	ssyncadd.s32 $0xFFFFD800  }
0x3d: {  	_ =	swait.ge [sflag:s3], $0x2800  }
0x3e: {  	[sflag:s3] =	ssyncset.done $0x0  }
0x3f: {  	[sflag:s3] =	ssyncadd.s32 $0xFFFFD800  }
0x40: {  	[tilespmem:s28], [sflag:$0x1] =	stream.indirect.gather [hbm4b:s6+s26], $0x80, s11, s26, $0xb8;
	[tilespmem:$0x1A880] =	vst v63  }
0x41: {  	_ = 	snop  }
0x42: {  	[spmem:s1] =	stream.indirect.scatter.add.f32 [tilespmem:s31], [sflag:$0x4], $0x80, s13, s26, $0xb8;
	[tilespmem:$0x1A880] =	vst v63  }
0x43: {  	_ =	swait.ge [sflag:s29], $0x2800  }
0x44: {  	[sflag:s29] =	ssyncset.done $0x0  }
0x45: {  	[sflag:s29] =	ssyncadd.s32 $0xFFFFD800  }
0x46: {  	_ =	swait.ge [sflag:s12], $0x2800  }
0x47: {  	[sflag:s12] =	ssyncset.done $0x0  }
0x48: {  	s19 =	simm.s32 $0x180;
	[sflag:s12] =	ssyncadd.s32 $0xFFFFD800  }
0x49: {  	[tilespmem:s31], [sflag:$0x2] =	stream.indirect.gather [hbm4b:s6+s26], $0x80, s19, s26, $0xb8;
	[tilespmem:$0x1A880] =	vst v63  }
0x4a: {  	s20 =	simm.s32 $0x1100  }
0x4b: {  	[spmem:s1] =	stream.indirect.scatter.add.f32 [tilespmem:s28], [sflag:$0x3], $0x80, s20, s26, $0xb8;
	[tilespmem:$0x1A880] =	vst v63  }
0x4c: {  	_ =	swait.ge [sflag:s0], $0x2800  }
0x4d: {  	[sflag:s0] =	ssyncset.done $0x0  }
0x4e: {  	[sflag:s0] =	ssyncadd.s32 $0xFFFFD800  }
0x4f: {  	_ =	swait.ge [sflag:s3], $0x2800  }
0x50: {  	s21 =	simm.s32 $0x200;
	[sflag:s3] =	ssyncset.done $0x0  }
0x51: {  	s18 =	simm.s32 $0xFFFFD800;
	s19 =	simm.s32 $0x1180;
	[sflag:s3] =	ssyncadd.s32 $0xFFFFD800  }
0x52: {  	[tilespmem:s28], [sflag:$0x1] =	stream.indirect.gather [hbm4b:s6+s26], $0x80, s21, s26, $0xb8;
	[tilespmem:$0x1A880] =	vst v63  }
.LBB2_4:
0x53: {  	[spmem:s1] =	stream.indirect.scatter.add.f32 [tilespmem:s31], [sflag:$0x4], $0x80, s19, s26, $0xb8;
	[tilespmem:$0x1A880] =	vst v63  }
0x54: {  	s19 =	smov.u32 s18  }
0x55: {  	p1 =	sne.s32 s18, $0xFFFFFC00;
	s18 =	sadd.s32 $0x400, s18;
	_ =	swait.ge [sflag:s29], $0x2800  }
0x56: {  	[sflag:s29] =	ssyncset.done $0x0  }
0x57: {  	[sflag:s29] =	ssyncadd.s32 $0xFFFFD800  }
0x58: {  	_ =	swait.ge [sflag:s12], $0x2800  }
0x59: {  	s19 =	sshra.s32 s19, $0x2;
	[sflag:s12] =	ssyncset.done $0x0  }
0x5a: {  	s20 =	sadd.s32 $0xC80, s19;
	[sflag:s12] =	ssyncadd.s32 $0xFFFFD800  }
0x5b: {  	[tilespmem:s31], [sflag:$0x2] =	stream.indirect.gather [hbm4b:s6+s26], $0x80, s20, s26, $0xb8;
	[tilespmem:$0x1A880] =	vst v63  }
0x5c: {  	s20 =	sadd.s32 $0x1C00, s19  }
0x5d: {  	[spmem:s1] =	stream.indirect.scatter.add.f32 [tilespmem:s28], [sflag:$0x3], $0x80, s20, s26, $0xb8;
	[tilespmem:$0x1A880] =	vst v63  }
0x5e: {  	_ =	swait.ge [sflag:s0], $0x2800  }
0x5f: {  	[sflag:s0] =	ssyncset.done $0x0  }
0x60: {  	[sflag:s0] =	ssyncadd.s32 $0xFFFFD800  }
.Ltmp3:
0x61: {  	_ =	swait.ge [sflag:s3], $0x2800;
	(pc) =	sbr.rel @p1 .LBB2_4-.Ltmp3, $4  }
0x62: {  	[sflag:s3] =	ssyncset.done $0x0  }
0x63: {  	s20 =	sadd.s32 $0xD00, s19;
	[sflag:s3] =	ssyncadd.s32 $0xFFFFD800  }
0x64: {  	[tilespmem:s28], [sflag:$0x1] =	stream.indirect.gather [hbm4b:s6+s26], $0x80, s20, s26, $0xb8;
	[tilespmem:$0x1A880] =	vst v63  }
0x65: {  	s19 =	sadd.s32 $0x1C80, s19  }
0x66: {  	[spmem:s1] =	stream.indirect.scatter.add.f32 [tilespmem:s31], [sflag:$0x4], $0x80, s19, s26, $0xb8;
	[tilespmem:$0x1A880] =	vst v63  }
0x67: {  	_ =	swait.ge [sflag:s29], $0x2800  }
0x68: {  	[sflag:s29] =	ssyncset.done $0x0  }
0x69: {  	s22 =	sadd.s32 $0x1, s22;
	[sflag:s29] =	ssyncadd.s32 $0xFFFFD800  }
0x6a: {  	[spmem:s1] =	stream.indirect.scatter.add.f32 [tilespmem:s28], [sflag:$0x3], $0x80, s15, s26, $0xb8;
	[tilespmem:$0x1A880] =	vst v63  }
0x6b: {  	p1 =	sne.s32 s22, $0x5;
	_ =	swait.ge [sflag:s12], $0x2800  }
.Ltmp4:
0x6c: {  	[sflag:s12] =	ssyncset.done $0x0;
	(pc) =	sbr.rel @p1 .LBB2_3-.Ltmp4, $4  }
0x6d: {  	[sflag:s12] =	ssyncadd.s32 $0xFFFFD800  }
0x6e: {  	_ =	swait.ge [sflag:s3], $0x2800  }
0x6f: {  	[sflag:s3] =	ssyncset.done $0x0  }
0x70: {  	[sflag:s3] =	ssyncadd.s32 $0xFFFFD800  }
0x71: {  	[bflag:$0x0] =	sbarrier.arrive $0xFFFF  }
0x72: {  	s18 =	rddreg [dreg:$0x8]  }
0x73: {  	[hbm:s18], [sflag:s17] =	dma.local [spmem:s23], $0x2800  }
0x74: {  	_ =	swait.ge [sflag:s24], $0x2800  }
0x75: {  	[sflag:s24] =	ssyncset.done $0x0  }
0x76: {  	[sflag:s24] =	ssyncadd.s32 $0xFFFFD800  }
0x77: {  	[bflag:$0x0] =	sbarrier.arrive $0xFFFF  }
0x78: {  	s22 =	rddreg [dreg:$0x9]  }
0x79: {  	[spmem:s23], [sflag:s17] =	dma.local [hbm:s22], $0x2800  }
0x7a: {  	_ =	swait.ge [sflag:s24], $0x2800  }
0x7b: {  	[sflag:s24] =	ssyncset.done $0x0  }
0x7c: {  	[sflag:s24] =	ssyncadd.s32 $0xFFFFD800  }
0x7d: {  	s18 =	simm.s32 $0x0;
	[bflag:$0x0] =	sbarrier.arrive $0xFFFF  }
.LBB2_7:
0x7e: {  	s19 =	sshll.u32 s18, $0xC  }
0x7f: {  	s19 =	sadd.s32 s14, s19  }
0x80: {  	s19 =	sshrl.u32 s19, $0x3  }
0x81: {  	s20 =	sadd.s32 s4, s19  }
0x82: {  	[tilespmem:s2], [sflag:$0x5] =	stream.linear.gather [hbm4b:s20+s2], $0xC80, $0x38;
	[tilespmem:$0x1A880] =	vst v63  }
0x83: {  	_ =	swait.ge [sflag:s24], $0xC80  }
0x84: {  	[sflag:s24] =	ssyncset.done $0x0  }
0x85: {  	s19 =	sadd.s32 s5, s19;
	[sflag:s24] =	ssyncadd.s32 $0xFFFFF380  }
0x86: {  	[tilespmem:s25], [sflag:$0x5] =	stream.linear.gather [hbm4b:s19+s2], $0xC80, $0x38;
	[tilespmem:$0x1A880] =	vst v63  }
0x87: {  	_ =	swait.ge [sflag:s24], $0xC80  }
0x88: {  	[sflag:s24] =	ssyncset.done $0x0  }
0x89: {  	[sflag:s24] =	ssyncadd.s32 $0xFFFFF380  }
0x8a: {  	[tilespmem:s28], [sflag:$0x1] =	stream.indirect.gather [hbm4b:s8+s26], $0x80, s2, s26, $0xb8;
	[tilespmem:$0x1A880] =	vst v63  }
0x8b: {  	_ =	swait.ge [sflag:s29], $0x2800  }
0x8c: {  	[sflag:s29] =	ssyncset.done $0x0  }
0x8d: {  	[sflag:s29] =	ssyncadd.s32 $0xFFFFD800  }
0x8e: {  	[tilespmem:s31], [sflag:$0x2] =	stream.indirect.gather [hbm4b:s8+s26], $0x80, s30, s26, $0xb8;
	[tilespmem:$0x1A880] =	vst v63  }
0x8f: {  	_ = 	snop  }
0x90: {  	[spmem:s1] =	stream.indirect.scatter.add.f32 [tilespmem:s28], [sflag:$0x3], $0x80, s25, s26, $0xb8;
	[tilespmem:$0x1A880] =	vst v63  }
0x91: {  	_ =	swait.ge [sflag:s0], $0x2800  }
0x92: {  	[sflag:s0] =	ssyncset.done $0x0  }
0x93: {  	[sflag:s0] =	ssyncadd.s32 $0xFFFFD800  }
0x94: {  	_ =	swait.ge [sflag:s3], $0x2800  }
0x95: {  	[sflag:s3] =	ssyncset.done $0x0  }
0x96: {  	[sflag:s3] =	ssyncadd.s32 $0xFFFFD800  }
0x97: {  	[tilespmem:s28], [sflag:$0x1] =	stream.indirect.gather [hbm4b:s8+s26], $0x80, s11, s26, $0xb8;
	[tilespmem:$0x1A880] =	vst v63  }
0x98: {  	_ = 	snop  }
0x99: {  	[spmem:s1] =	stream.indirect.scatter.add.f32 [tilespmem:s31], [sflag:$0x4], $0x80, s13, s26, $0xb8;
	[tilespmem:$0x1A880] =	vst v63  }
0x9a: {  	_ =	swait.ge [sflag:s29], $0x2800  }
0x9b: {  	[sflag:s29] =	ssyncset.done $0x0  }
0x9c: {  	[sflag:s29] =	ssyncadd.s32 $0xFFFFD800  }
0x9d: {  	_ =	swait.ge [sflag:s12], $0x2800  }
0x9e: {  	[sflag:s12] =	ssyncset.done $0x0  }
0x9f: {  	s20 =	simm.s32 $0x180;
	[sflag:s12] =	ssyncadd.s32 $0xFFFFD800  }
0xa0: {  	[tilespmem:s31], [sflag:$0x2] =	stream.indirect.gather [hbm4b:s8+s26], $0x80, s20, s26, $0xb8;
	[tilespmem:$0x1A880] =	vst v63  }
0xa1: {  	s21 =	simm.s32 $0x1100  }
0xa2: {  	[spmem:s1] =	stream.indirect.scatter.add.f32 [tilespmem:s28], [sflag:$0x3], $0x80, s21, s26, $0xb8;
	[tilespmem:$0x1A880] =	vst v63  }
0xa3: {  	_ =	swait.ge [sflag:s0], $0x2800  }
0xa4: {  	[sflag:s0] =	ssyncset.done $0x0  }
0xa5: {  	[sflag:s0] =	ssyncadd.s32 $0xFFFFD800  }
0xa6: {  	_ =	swait.ge [sflag:s3], $0x2800  }
0xa7: {  	s22 =	simm.s32 $0x200;
	[sflag:s3] =	ssyncset.done $0x0  }
0xa8: {  	s19 =	simm.s32 $0xFFFFD800;
	s20 =	simm.s32 $0x1180;
	[sflag:s3] =	ssyncadd.s32 $0xFFFFD800  }
0xa9: {  	[tilespmem:s28], [sflag:$0x1] =	stream.indirect.gather [hbm4b:s8+s26], $0x80, s22, s26, $0xb8;
	[tilespmem:$0x1A880] =	vst v63  }
.LBB2_8:
0xaa: {  	[spmem:s1] =	stream.indirect.scatter.add.f32 [tilespmem:s31], [sflag:$0x4], $0x80, s20, s26, $0xb8;
	[tilespmem:$0x1A880] =	vst v63  }
0xab: {  	s20 =	smov.u32 s19  }
0xac: {  	p1 =	sne.s32 s19, $0xFFFFFC00;
	s19 =	sadd.s32 $0x400, s19;
	_ =	swait.ge [sflag:s29], $0x2800  }
0xad: {  	[sflag:s29] =	ssyncset.done $0x0  }
0xae: {  	[sflag:s29] =	ssyncadd.s32 $0xFFFFD800  }
0xaf: {  	_ =	swait.ge [sflag:s12], $0x2800  }
0xb0: {  	s20 =	sshra.s32 s20, $0x2;
	[sflag:s12] =	ssyncset.done $0x0  }
0xb1: {  	s21 =	sadd.s32 $0xC80, s20;
	[sflag:s12] =	ssyncadd.s32 $0xFFFFD800  }
0xb2: {  	[tilespmem:s31], [sflag:$0x2] =	stream.indirect.gather [hbm4b:s8+s26], $0x80, s21, s26, $0xb8;
	[tilespmem:$0x1A880] =	vst v63  }
0xb3: {  	s21 =	sadd.s32 $0x1C00, s20  }
0xb4: {  	[spmem:s1] =	stream.indirect.scatter.add.f32 [tilespmem:s28], [sflag:$0x3], $0x80, s21, s26, $0xb8;
	[tilespmem:$0x1A880] =	vst v63  }
0xb5: {  	_ =	swait.ge [sflag:s0], $0x2800  }
0xb6: {  	[sflag:s0] =	ssyncset.done $0x0  }
0xb7: {  	[sflag:s0] =	ssyncadd.s32 $0xFFFFD800  }
.Ltmp5:
0xb8: {  	_ =	swait.ge [sflag:s3], $0x2800;
	(pc) =	sbr.rel @p1 .LBB2_8-.Ltmp5, $4  }
0xb9: {  	[sflag:s3] =	ssyncset.done $0x0  }
0xba: {  	s21 =	sadd.s32 $0xD00, s20;
	[sflag:s3] =	ssyncadd.s32 $0xFFFFD800  }
0xbb: {  	[tilespmem:s28], [sflag:$0x1] =	stream.indirect.gather [hbm4b:s8+s26], $0x80, s21, s26, $0xb8;
	[tilespmem:$0x1A880] =	vst v63  }
0xbc: {  	s20 =	sadd.s32 $0x1C80, s20  }
0xbd: {  	[spmem:s1] =	stream.indirect.scatter.add.f32 [tilespmem:s31], [sflag:$0x4], $0x80, s20, s26, $0xb8;
	[tilespmem:$0x1A880] =	vst v63  }
0xbe: {  	_ =	swait.ge [sflag:s29], $0x2800  }
0xbf: {  	[sflag:s29] =	ssyncset.done $0x0  }
0xc0: {  	s18 =	sadd.s32 $0x1, s18;
	[sflag:s29] =	ssyncadd.s32 $0xFFFFD800  }
0xc1: {  	[spmem:s1] =	stream.indirect.scatter.add.f32 [tilespmem:s28], [sflag:$0x3], $0x80, s15, s26, $0xb8;
	[tilespmem:$0x1A880] =	vst v63  }
0xc2: {  	p1 =	seq.s32 s18, $0x5;
	_ =	swait.ge [sflag:s12], $0x2800  }
.Ltmp6:
0xc3: {  	[sflag:s12] =	ssyncset.done $0x0;
	(pc) =	sbr.rel @!p1 .LBB2_7-.Ltmp6, $4  }
0xc4: {  	[sflag:s12] =	ssyncadd.s32 $0xFFFFD800  }
0xc5: {  	_ =	swait.ge [sflag:s3], $0x2800  }
0xc6: {  	[sflag:s3] =	ssyncset.done $0x0  }
0xc7: {  	[sflag:s3] =	ssyncadd.s32 $0xFFFFD800  }
.Ltmp7:
0xc8: {  	(pc) =	sbr.rel .LBB2_20-.Ltmp7, $2  }
0xc9: {  	_ =	sdelay $0x2  }
0xca: {  	s18 =	rddreg [dreg:$0x3];
	s22 =	smov.u32 s17  }
.LBB2_11:
0xcb: {  	s18 =	rddreg [dreg:$0xb]  }
0xcc: {  	s21 =	rddreg [dreg:$0x5];
	s22 =	sor.u32 $0x1C05, s18  }
0xcd: {  	[spmem:s23], [sflag:s22] =	dma.local [hbm:s21], $0x2800  }
0xce: {  	_ =	swait.ge [sflag:s24], $0x2800  }
0xcf: {  	[sflag:s24] =	ssyncset.done $0x0  }
0xd0: {  	[sflag:s24] =	ssyncadd.s32 $0xFFFFD800  }
0xd1: {  	s18 =	simm.s32 $0x0;
	[bflag:$0x0] =	sbarrier.arrive $0xFFFF  }
.LBB2_12:
0xd2: {  	s19 =	sshll.u32 s18, $0xC  }
0xd3: {  	s19 =	sadd.s32 s14, s19  }
0xd4: {  	s19 =	sshrl.u32 s19, $0x3  }
0xd5: {  	s20 =	sadd.s32 s4, s19  }
0xd6: {  	[tilespmem:s2], [sflag:$0x5] =	stream.linear.gather [hbm4b:s20+s2], $0xC80, $0x38;
	[tilespmem:$0x1A880] =	vst v63  }
0xd7: {  	_ =	swait.ge [sflag:s24], $0xC80  }
0xd8: {  	[sflag:s24] =	ssyncset.done $0x0  }
0xd9: {  	s19 =	sadd.s32 s5, s19;
	[sflag:s24] =	ssyncadd.s32 $0xFFFFF380  }
0xda: {  	[tilespmem:s25], [sflag:$0x5] =	stream.linear.gather [hbm4b:s19+s2], $0xC80, $0x38;
	[tilespmem:$0x1A880] =	vst v63  }
0xdb: {  	_ =	swait.ge [sflag:s24], $0xC80  }
0xdc: {  	[sflag:s24] =	ssyncset.done $0x0  }
0xdd: {  	[sflag:s24] =	ssyncadd.s32 $0xFFFFF380  }
0xde: {  	[tilespmem:s28], [sflag:$0x1] =	stream.indirect.gather [hbm4b:s7+s26], $0x80, s2, s26, $0xb8;
	[tilespmem:$0x1A880] =	vst v63  }
0xdf: {  	_ =	swait.ge [sflag:s29], $0x2800  }
0xe0: {  	[sflag:s29] =	ssyncset.done $0x0  }
0xe1: {  	[sflag:s29] =	ssyncadd.s32 $0xFFFFD800  }
0xe2: {  	[tilespmem:s31], [sflag:$0x2] =	stream.indirect.gather [hbm4b:s7+s26], $0x80, s30, s26, $0xb8;
	[tilespmem:$0x1A880] =	vst v63  }
0xe3: {  	_ = 	snop  }
0xe4: {  	[spmem:s1] =	stream.indirect.scatter.add.f32 [tilespmem:s28], [sflag:$0x3], $0x80, s25, s26, $0xb8;
	[tilespmem:$0x1A880] =	vst v63  }
0xe5: {  	_ =	swait.ge [sflag:s0], $0x2800  }
0xe6: {  	[sflag:s0] =	ssyncset.done $0x0  }
0xe7: {  	[sflag:s0] =	ssyncadd.s32 $0xFFFFD800  }
0xe8: {  	_ =	swait.ge [sflag:s3], $0x2800  }
0xe9: {  	[sflag:s3] =	ssyncset.done $0x0  }
0xea: {  	[sflag:s3] =	ssyncadd.s32 $0xFFFFD800  }
0xeb: {  	[tilespmem:s28], [sflag:$0x1] =	stream.indirect.gather [hbm4b:s7+s26], $0x80, s11, s26, $0xb8;
	[tilespmem:$0x1A880] =	vst v63  }
0xec: {  	_ = 	snop  }
0xed: {  	[spmem:s1] =	stream.indirect.scatter.add.f32 [tilespmem:s31], [sflag:$0x4], $0x80, s13, s26, $0xb8;
	[tilespmem:$0x1A880] =	vst v63  }
0xee: {  	_ =	swait.ge [sflag:s29], $0x2800  }
0xef: {  	[sflag:s29] =	ssyncset.done $0x0  }
0xf0: {  	[sflag:s29] =	ssyncadd.s32 $0xFFFFD800  }
0xf1: {  	_ =	swait.ge [sflag:s12], $0x2800  }
0xf2: {  	[sflag:s12] =	ssyncset.done $0x0  }
0xf3: {  	s21 =	simm.s32 $0x180;
	[sflag:s12] =	ssyncadd.s32 $0xFFFFD800  }
0xf4: {  	[tilespmem:s31], [sflag:$0x2] =	stream.indirect.gather [hbm4b:s7+s26], $0x80, s21, s26, $0xb8;
	[tilespmem:$0x1A880] =	vst v63  }
0xf5: {  	s20 =	simm.s32 $0x1100  }
0xf6: {  	[spmem:s1] =	stream.indirect.scatter.add.f32 [tilespmem:s28], [sflag:$0x3], $0x80, s20, s26, $0xb8;
	[tilespmem:$0x1A880] =	vst v63  }
0xf7: {  	_ =	swait.ge [sflag:s0], $0x2800  }
0xf8: {  	[sflag:s0] =	ssyncset.done $0x0  }
0xf9: {  	[sflag:s0] =	ssyncadd.s32 $0xFFFFD800  }
0xfa: {  	_ =	swait.ge [sflag:s3], $0x2800  }
0xfb: {  	s19 =	simm.s32 $0xFFFFD800;
	[sflag:s3] =	ssyncset.done $0x0  }
0xfc: {  	s21 =	simm.s32 $0x200;
	s20 =	simm.s32 $0x1180;
	[sflag:s3] =	ssyncadd.s32 $0xFFFFD800  }
0xfd: {  	[tilespmem:s28], [sflag:$0x1] =	stream.indirect.gather [hbm4b:s7+s26], $0x80, s21, s26, $0xb8;
	[tilespmem:$0x1A880] =	vst v63  }
.LBB2_13:
0xfe: {  	[spmem:s1] =	stream.indirect.scatter.add.f32 [tilespmem:s31], [sflag:$0x4], $0x80, s20, s26, $0xb8;
	[tilespmem:$0x1A880] =	vst v63  }
0xff: {  	s20 =	smov.u32 s19  }
0x100: {  	p1 =	sne.s32 s19, $0xFFFFFC00;
	s19 =	sadd.s32 $0x400, s19;
	_ =	swait.ge [sflag:s29], $0x2800  }
0x101: {  	[sflag:s29] =	ssyncset.done $0x0  }
0x102: {  	[sflag:s29] =	ssyncadd.s32 $0xFFFFD800  }
0x103: {  	_ =	swait.ge [sflag:s12], $0x2800  }
0x104: {  	s20 =	sshra.s32 s20, $0x2;
	[sflag:s12] =	ssyncset.done $0x0  }
0x105: {  	s21 =	sadd.s32 $0xC80, s20;
	[sflag:s12] =	ssyncadd.s32 $0xFFFFD800  }
0x106: {  	[tilespmem:s31], [sflag:$0x2] =	stream.indirect.gather [hbm4b:s7+s26], $0x80, s21, s26, $0xb8;
	[tilespmem:$0x1A880] =	vst v63  }
0x107: {  	s21 =	sadd.s32 $0x1C00, s20  }
0x108: {  	[spmem:s1] =	stream.indirect.scatter.add.f32 [tilespmem:s28], [sflag:$0x3], $0x80, s21, s26, $0xb8;
	[tilespmem:$0x1A880] =	vst v63  }
0x109: {  	_ =	swait.ge [sflag:s0], $0x2800  }
0x10a: {  	[sflag:s0] =	ssyncset.done $0x0  }
0x10b: {  	[sflag:s0] =	ssyncadd.s32 $0xFFFFD800  }
.Ltmp8:
0x10c: {  	_ =	swait.ge [sflag:s3], $0x2800;
	(pc) =	sbr.rel @p1 .LBB2_13-.Ltmp8, $4  }
0x10d: {  	[sflag:s3] =	ssyncset.done $0x0  }
0x10e: {  	s21 =	sadd.s32 $0xD00, s20;
	[sflag:s3] =	ssyncadd.s32 $0xFFFFD800  }
0x10f: {  	[tilespmem:s28], [sflag:$0x1] =	stream.indirect.gather [hbm4b:s7+s26], $0x80, s21, s26, $0xb8;
	[tilespmem:$0x1A880] =	vst v63  }
0x110: {  	s20 =	sadd.s32 $0x1C80, s20  }
0x111: {  	[spmem:s1] =	stream.indirect.scatter.add.f32 [tilespmem:s31], [sflag:$0x4], $0x80, s20, s26, $0xb8;
	[tilespmem:$0x1A880] =	vst v63  }
0x112: {  	_ =	swait.ge [sflag:s29], $0x2800  }
0x113: {  	[sflag:s29] =	ssyncset.done $0x0  }
0x114: {  	s18 =	sadd.s32 $0x1, s18;
	[sflag:s29] =	ssyncadd.s32 $0xFFFFD800  }
0x115: {  	[spmem:s1] =	stream.indirect.scatter.add.f32 [tilespmem:s28], [sflag:$0x3], $0x80, s15, s26, $0xb8;
	[tilespmem:$0x1A880] =	vst v63  }
0x116: {  	p1 =	seq.s32 s18, $0x5;
	_ =	swait.ge [sflag:s12], $0x2800  }
.Ltmp9:
0x117: {  	[sflag:s12] =	ssyncset.done $0x0;
	(pc) =	sbr.rel @!p1 .LBB2_12-.Ltmp9, $4  }
0x118: {  	[sflag:s12] =	ssyncadd.s32 $0xFFFFD800  }
0x119: {  	_ =	swait.ge [sflag:s3], $0x2800  }
0x11a: {  	[sflag:s3] =	ssyncset.done $0x0  }
0x11b: {  	[sflag:s3] =	ssyncadd.s32 $0xFFFFD800  }
0x11c: {  	[bflag:$0x0] =	sbarrier.arrive $0xFFFF  }
0x11d: {  	s18 =	rddreg [dreg:$0x6]  }
0x11e: {  	[hbm:s18], [sflag:s22] =	dma.local [spmem:s23], $0x2800  }
0x11f: {  	_ =	swait.ge [sflag:s24], $0x2800  }
0x120: {  	[sflag:s24] =	ssyncset.done $0x0  }
0x121: {  	[sflag:s24] =	ssyncadd.s32 $0xFFFFD800  }
0x122: {  	[bflag:$0x0] =	sbarrier.arrive $0xFFFF  }
0x123: {  	s21 =	rddreg [dreg:$0xa]  }
0x124: {  	[spmem:s23], [sflag:s22] =	dma.local [hbm:s21], $0x2800  }
0x125: {  	_ =	swait.ge [sflag:s24], $0x2800  }
0x126: {  	[sflag:s24] =	ssyncset.done $0x0  }
0x127: {  	[sflag:s24] =	ssyncadd.s32 $0xFFFFD800  }
0x128: {  	s18 =	simm.s32 $0x0;
	[bflag:$0x0] =	sbarrier.arrive $0xFFFF  }
.LBB2_16:
0x129: {  	s19 =	sshll.u32 s18, $0xC  }
0x12a: {  	s19 =	sadd.s32 s14, s19  }
0x12b: {  	s19 =	sshrl.u32 s19, $0x3  }
0x12c: {  	s20 =	sadd.s32 s4, s19  }
0x12d: {  	[tilespmem:s2], [sflag:$0x5] =	stream.linear.gather [hbm4b:s20+s2], $0xC80, $0x38;
	[tilespmem:$0x1A880] =	vst v63  }
0x12e: {  	_ =	swait.ge [sflag:s24], $0xC80  }
0x12f: {  	[sflag:s24] =	ssyncset.done $0x0  }
0x130: {  	s19 =	sadd.s32 s5, s19;
	[sflag:s24] =	ssyncadd.s32 $0xFFFFF380  }
0x131: {  	[tilespmem:s25], [sflag:$0x5] =	stream.linear.gather [hbm4b:s19+s2], $0xC80, $0x38;
	[tilespmem:$0x1A880] =	vst v63  }
0x132: {  	_ =	swait.ge [sflag:s24], $0xC80  }
0x133: {  	[sflag:s24] =	ssyncset.done $0x0  }
0x134: {  	[sflag:s24] =	ssyncadd.s32 $0xFFFFF380  }
0x135: {  	[tilespmem:s28], [sflag:$0x1] =	stream.indirect.gather [hbm4b:s10+s26], $0x80, s2, s26, $0xb8;
	[tilespmem:$0x1A880] =	vst v63  }
0x136: {  	_ =	swait.ge [sflag:s29], $0x2800  }
0x137: {  	[sflag:s29] =	ssyncset.done $0x0  }
0x138: {  	[sflag:s29] =	ssyncadd.s32 $0xFFFFD800  }
0x139: {  	[tilespmem:s31], [sflag:$0x2] =	stream.indirect.gather [hbm4b:s10+s26], $0x80, s30, s26, $0xb8;
	[tilespmem:$0x1A880] =	vst v63  }
0x13a: {  	_ = 	snop  }
0x13b: {  	[spmem:s1] =	stream.indirect.scatter.add.f32 [tilespmem:s28], [sflag:$0x3], $0x80, s25, s26, $0xb8;
	[tilespmem:$0x1A880] =	vst v63  }
0x13c: {  	_ =	swait.ge [sflag:s0], $0x2800  }
0x13d: {  	[sflag:s0] =	ssyncset.done $0x0  }
0x13e: {  	[sflag:s0] =	ssyncadd.s32 $0xFFFFD800  }
0x13f: {  	_ =	swait.ge [sflag:s3], $0x2800  }
0x140: {  	[sflag:s3] =	ssyncset.done $0x0  }
0x141: {  	[sflag:s3] =	ssyncadd.s32 $0xFFFFD800  }
0x142: {  	[tilespmem:s28], [sflag:$0x1] =	stream.indirect.gather [hbm4b:s10+s26], $0x80, s11, s26, $0xb8;
	[tilespmem:$0x1A880] =	vst v63  }
0x143: {  	_ = 	snop  }
0x144: {  	[spmem:s1] =	stream.indirect.scatter.add.f32 [tilespmem:s31], [sflag:$0x4], $0x80, s13, s26, $0xb8;
	[tilespmem:$0x1A880] =	vst v63  }
0x145: {  	_ =	swait.ge [sflag:s29], $0x2800  }
0x146: {  	[sflag:s29] =	ssyncset.done $0x0  }
0x147: {  	[sflag:s29] =	ssyncadd.s32 $0xFFFFD800  }
0x148: {  	_ =	swait.ge [sflag:s12], $0x2800  }
0x149: {  	[sflag:s12] =	ssyncset.done $0x0  }
0x14a: {  	s21 =	simm.s32 $0x180;
	[sflag:s12] =	ssyncadd.s32 $0xFFFFD800  }
0x14b: {  	[tilespmem:s31], [sflag:$0x2] =	stream.indirect.gather [hbm4b:s10+s26], $0x80, s21, s26, $0xb8;
	[tilespmem:$0x1A880] =	vst v63  }
0x14c: {  	s20 =	simm.s32 $0x1100  }
0x14d: {  	[spmem:s1] =	stream.indirect.scatter.add.f32 [tilespmem:s28], [sflag:$0x3], $0x80, s20, s26, $0xb8;
	[tilespmem:$0x1A880] =	vst v63  }
0x14e: {  	_ =	swait.ge [sflag:s0], $0x2800  }
0x14f: {  	[sflag:s0] =	ssyncset.done $0x0  }
0x150: {  	[sflag:s0] =	ssyncadd.s32 $0xFFFFD800  }
0x151: {  	_ =	swait.ge [sflag:s3], $0x2800  }
0x152: {  	s19 =	simm.s32 $0xFFFFD800;
	[sflag:s3] =	ssyncset.done $0x0  }
0x153: {  	s21 =	simm.s32 $0x200;
	s20 =	simm.s32 $0x1180;
	[sflag:s3] =	ssyncadd.s32 $0xFFFFD800  }
0x154: {  	[tilespmem:s28], [sflag:$0x1] =	stream.indirect.gather [hbm4b:s10+s26], $0x80, s21, s26, $0xb8;
	[tilespmem:$0x1A880] =	vst v63  }
.LBB2_17:
0x155: {  	[spmem:s1] =	stream.indirect.scatter.add.f32 [tilespmem:s31], [sflag:$0x4], $0x80, s20, s26, $0xb8;
	[tilespmem:$0x1A880] =	vst v63  }
0x156: {  	s20 =	smov.u32 s19  }
0x157: {  	p1 =	sne.s32 s19, $0xFFFFFC00;
	s19 =	sadd.s32 $0x400, s19;
	_ =	swait.ge [sflag:s29], $0x2800  }
0x158: {  	[sflag:s29] =	ssyncset.done $0x0  }
0x159: {  	[sflag:s29] =	ssyncadd.s32 $0xFFFFD800  }
0x15a: {  	_ =	swait.ge [sflag:s12], $0x2800  }
0x15b: {  	s20 =	sshra.s32 s20, $0x2;
	[sflag:s12] =	ssyncset.done $0x0  }
0x15c: {  	s21 =	sadd.s32 $0xC80, s20;
	[sflag:s12] =	ssyncadd.s32 $0xFFFFD800  }
0x15d: {  	[tilespmem:s31], [sflag:$0x2] =	stream.indirect.gather [hbm4b:s10+s26], $0x80, s21, s26, $0xb8;
	[tilespmem:$0x1A880] =	vst v63  }
0x15e: {  	s21 =	sadd.s32 $0x1C00, s20  }
0x15f: {  	[spmem:s1] =	stream.indirect.scatter.add.f32 [tilespmem:s28], [sflag:$0x3], $0x80, s21, s26, $0xb8;
	[tilespmem:$0x1A880] =	vst v63  }
0x160: {  	_ =	swait.ge [sflag:s0], $0x2800  }
0x161: {  	[sflag:s0] =	ssyncset.done $0x0  }
0x162: {  	[sflag:s0] =	ssyncadd.s32 $0xFFFFD800  }
.Ltmp10:
0x163: {  	_ =	swait.ge [sflag:s3], $0x2800;
	(pc) =	sbr.rel @p1 .LBB2_17-.Ltmp10, $4  }
0x164: {  	[sflag:s3] =	ssyncset.done $0x0  }
0x165: {  	s21 =	sadd.s32 $0xD00, s20;
	[sflag:s3] =	ssyncadd.s32 $0xFFFFD800  }
0x166: {  	[tilespmem:s28], [sflag:$0x1] =	stream.indirect.gather [hbm4b:s10+s26], $0x80, s21, s26, $0xb8;
	[tilespmem:$0x1A880] =	vst v63  }
0x167: {  	s20 =	sadd.s32 $0x1C80, s20  }
0x168: {  	[spmem:s1] =	stream.indirect.scatter.add.f32 [tilespmem:s31], [sflag:$0x4], $0x80, s20, s26, $0xb8;
	[tilespmem:$0x1A880] =	vst v63  }
0x169: {  	_ =	swait.ge [sflag:s29], $0x2800  }
0x16a: {  	[sflag:s29] =	ssyncset.done $0x0  }
0x16b: {  	s18 =	sadd.s32 $0x1, s18;
	[sflag:s29] =	ssyncadd.s32 $0xFFFFD800  }
0x16c: {  	[spmem:s1] =	stream.indirect.scatter.add.f32 [tilespmem:s28], [sflag:$0x3], $0x80, s15, s26, $0xb8;
	[tilespmem:$0x1A880] =	vst v63  }
0x16d: {  	p1 =	sne.s32 s18, $0x5;
	_ =	swait.ge [sflag:s12], $0x2800  }
.Ltmp11:
0x16e: {  	[sflag:s12] =	ssyncset.done $0x0;
	(pc) =	sbr.rel @p1 .LBB2_16-.Ltmp11, $4  }
0x16f: {  	[sflag:s12] =	ssyncadd.s32 $0xFFFFD800  }
0x170: {  	_ =	swait.ge [sflag:s3], $0x2800  }
0x171: {  	[sflag:s3] =	ssyncset.done $0x0  }
0x172: {  	[sflag:s3] =	ssyncadd.s32 $0xFFFFD800  }
.Ltmp12:
0x173: {  	(pc) =	sbr.rel .LBB2_20-.Ltmp12, $2  }
0x174: {  	_ =	sdelay $0x2  }
0x175: {  	s18 =	rddreg [dreg:$0x4]  }
.LBB2_21:
0x176: {  	_ =	sfence.sel $0x180000  }
0x177: {  	[bflag:$0x0] =	sbarrier.arrive $0xFFFF  }
0x178: {  	_ =	strace $0x90000050  }
0x179: {  	s0 =	stileid.u32;
	[bflag:$0x2] =	sbarrier.arrive $0xFFFF  }
0x17a: {  	p0 =	sne.s32 s0, $0x0;
	s0 =	rddreg [dreg:$0x2]  }
0x17b: {  	s0 =	sadd.s32 @!p0 $0x100000, s0  }
0x17c: {  	[sflag:s0] =	ssyncadd.tile.s32 @!p0 $0x1;
	_ =	shalt  }
.Lfunc_end2:
_tile_overlayer_lowered:
.L_overlay_start_2:
0x17d: {  	(tag) =	ssettag $0x2  }
0x17e: {  	s0 =	rddreg [dreg:$0x0];
	s2 =	stileid.u32  }
0x17f: {  	s1 =	rddreg [dreg:$0x1];
	p0 =	sne.s32 s2, $0x0  }
0x180: {  	s3 =	rddreg [dreg:$0x2];
	[bflag:$0x3] =	sbarrier.arrive $0xFFFF;
	s2 =	simm.s32 @!p0 $0x1C05  }
0x181: {  	[timem:s3], [sflag:s2] =	dma.local @!p0 [hbm:s0], s1  }
0x182: {  	s0 =	simm.s32 @!p0 $0x5  }
0x183: {  	_ =	swait.ge @!p0 [sflag:s0], s1  }
0x184: {  	s1 =	ssub.s32 @!p0 $0x0, s1;
	[sflag:s0] =	ssyncset.done @!p0 $0x0  }
0x185: {  	[sflag:s0] =	ssyncadd.s32 @!p0 s1  }
0x186: {  	[bflag:$0x3] =	sbarrier.arrive $0xFFFF  }
0x187: {  	_ =	shalt  }

</sc_bundles>
